<compile_context>
chip_gen: v7x
topology: tpu7x:2x2x1
jax: 0.10.2.dev20260603
libtpu: 0.0.44.dev20260713+nightly
codegen_flags: <defaults>
</compile_context>

<pallas_src>
import jax
import jax.numpy as jnp
from jax import lax
from jax.experimental import pallas as pl
from jax.experimental.pallas import tpu as pltpu
from jax.experimental.pallas import tpu_sc as plsc

N = 10000
E = 320000
NUM_GRAPHS = 16
LSTM_H = 128

NC = 2
NS = 16
NW = NC * NS

CHUNK = 224
ZCH = 128
C_E = 45
C_F = 90
G = NW * C_E
EP = G * CHUNK
NR = 10240
RPT = NR // NS
TRASH = N

_SC_PARAMS = pltpu.CompilerParams(use_tc_tiling_on_sc=False)


def _sc_mesh():
    return plsc.VectorSubcoreMesh(core_axis_name="c", subcore_axis_name="s")


def _make_propagate(F, feature_split):
    C = C_F if feature_split else C_E

    def body(xs_hbm, src_hbm, dst_hbm, out_hbm, src_v, dst_v,
             rows0, rows1, rows2, acc, g0, g1, g2, s0, s1, s2):
        cid = lax.axis_index("c")
        sid = lax.axis_index("s")
        rows = (rows0, rows1, rows2)
        gsem = (g0, g1, g2)
        ssem = (s0, s1, s2)

        def zfill(i, _):
            for jj in range(F // 16):
                rows0[i, pl.ds(jj * 16, 16)] = jnp.zeros((16,), jnp.float32)
            return 0

        lax.fori_loop(0, ZCH, zfill, 0, unroll=False)
        r0 = sid * RPT
        for z in range(RPT // ZCH):
            pltpu.sync_copy(rows0.at[pl.ds(0, ZCH)],
                            acc.at[pl.ds(r0 + z * ZCH, ZCH)])

        if feature_split:
            base = sid * C
            pltpu.sync_copy(src_hbm.at[cid, pl.ds(base, C + 2)], src_v)
        else:
            base = (cid * NS + sid) * C
            pltpu.sync_copy(src_hbm.at[0, pl.ds(base, C + 2)], src_v)
        pltpu.sync_copy(dst_hbm.at[pl.ds(base, C)], dst_v)

        pltpu.async_copy(xs_hbm.at[src_v.at[0]], rows0, g0)
        pltpu.async_copy(xs_hbm.at[src_v.at[1]], rows1, g1)
        plsc.subcore_barrier()

        def slot(j, b):
            b2 = (b + 2) % 3
            pltpu.make_async_copy(
                xs_hbm.at[src_v.at[j]], rows[b], gsem[b]).wait()
            pltpu.async_copy(rows[b], acc.at[dst_v.at[j]], ssem[b], add=True)
            pltpu.make_async_copy(
                rows[b2], acc.at[dst_v.at[0]], ssem[b2]).wait()
            pltpu.async_copy(xs_hbm.at[src_v.at[j + 2]], rows[b2], gsem[b2])

        pltpu.make_async_copy(xs_hbm.at[src_v.at[0]], rows[0], gsem[0]).wait()
        pltpu.async_copy(rows[0], acc.at[dst_v.at[0]], ssem[0], add=True)
        pltpu.async_copy(xs_hbm.at[src_v.at[2]], rows[2], gsem[2])

        def step(jj, _):
            for b in range(3):
                slot(1 + jj * 3 + b, (1 + b) % 3)
            return 0

        lax.fori_loop(0, (C - 1) // 3, step, 0, unroll=False)
        for r in range((C - 1) % 3):
            j = C - ((C - 1) % 3) + r
            slot(j, j % 3)
        pltpu.make_async_copy(
            rows[(C - 1) % 3], acc.at[dst_v.at[0]], ssem[(C - 1) % 3]).wait()
        pltpu.make_async_copy(
            xs_hbm.at[src_v.at[0]], rows[C % 3], gsem[C % 3]).wait()
        pltpu.make_async_copy(
            xs_hbm.at[src_v.at[0]], rows[(C + 1) % 3], gsem[(C + 1) % 3]).wait()

        plsc.subcore_barrier()
        pltpu.sync_copy(acc.at[pl.ds(sid * RPT, RPT)],
                        out_hbm.at[pl.ds(sid * RPT, RPT), pl.ds(cid * 64, F)])

    return pl.kernel(
        body,
        out_type=jax.ShapeDtypeStruct((NR, 128), jnp.float32),
        mesh=_sc_mesh(),
        compiler_params=_SC_PARAMS,
        scratch_types=[
            pltpu.VMEM((C + 2, CHUNK), jnp.int32),
            pltpu.VMEM((C, CHUNK), jnp.int32),
            pltpu.VMEM((CHUNK, F), jnp.float32),
            pltpu.VMEM((CHUNK, F), jnp.float32),
            pltpu.VMEM((CHUNK, F), jnp.float32),
            pltpu.VMEM_SHARED((NR, F), jnp.float32),
            pltpu.SemaphoreType.DMA,
            pltpu.SemaphoreType.DMA,
            pltpu.SemaphoreType.DMA,
            pltpu.SemaphoreType.DMA,
            pltpu.SemaphoreType.DMA,
            pltpu.SemaphoreType.DMA,
        ],
    )


def _make_degree():

    def body(dst_hbm, out_hbm, dst_v, ones_v, zeros_v, acc):
        cid = lax.axis_index("c")
        sid = lax.axis_index("s")
        base = (cid * NS + sid) * C_E

        def fill(i, _):
            ones_v[pl.ds(i * 16, 16)] = jnp.full((16,), 1.0, jnp.float32)
            zeros_v[pl.ds(i * 16, 16)] = jnp.zeros((16,), jnp.float32)
            return 0

        lax.fori_loop(0, CHUNK // 16, fill, 0, unroll=False)
        r0 = sid * RPT
        for z in range(RPT // ZCH):
            pltpu.sync_copy(zeros_v.at[pl.ds(0, ZCH)],
                            acc.at[pl.ds(r0 + z * ZCH, ZCH)])
        pltpu.sync_copy(dst_hbm.at[pl.ds(base, C_E)], dst_v)
        plsc.subcore_barrier()

        def step(j, _):
            pltpu.sync_copy(ones_v, acc.at[dst_v.at[j]], add=True)
            return 0

        lax.fori_loop(0, C_E, step, 0, unroll=False)
        plsc.subcore_barrier()
        pltpu.sync_copy(acc.at[pl.ds(sid * RPT, RPT)],
                        out_hbm.at[cid, pl.ds(sid * RPT, RPT)])

    return pl.kernel(
        body,
        out_type=jax.ShapeDtypeStruct((NC, NR), jnp.float32),
        mesh=_sc_mesh(),
        compiler_params=_SC_PARAMS,
        scratch_types=[
            pltpu.VMEM((C_E, CHUNK), jnp.int32),
            pltpu.VMEM((CHUNK,), jnp.float32),
            pltpu.VMEM((CHUNK,), jnp.float32),
            pltpu.VMEM_SHARED((NR,), jnp.float32),
        ],
    )



_BLK = 2000
_GRID = N // _BLK

_ROW = lambda i: (i, 0)
_FIX = lambda i: (0, 0)


def _tc1_body(d0_ref, d1_ref, x_ref, dinv_ref, xs1_ref):
    deg = d0_ref[0] + d1_ref[0] + 1.0
    dinv = lax.rsqrt(deg)
    dinv_ref[...] = dinv
    xs1_ref[...] = dinv * x_ref[...]


def _tc1(degs, x):
    return pl.pallas_call(
        _tc1_body,
        grid=(_GRID,),
        in_specs=[
            pl.BlockSpec((1, _BLK, 1), lambda i: (0, i, 0)),
            pl.BlockSpec((1, _BLK, 1), lambda i: (1, i, 0)),
            pl.BlockSpec((_BLK, 128), _ROW),
        ],
        out_specs=[
            pl.BlockSpec((_BLK, 1), _ROW),
            pl.BlockSpec((_BLK, 128), _ROW),
        ],
        out_shape=[
            jax.ShapeDtypeStruct((N, 1), jnp.float32),
            jax.ShapeDtypeStruct((N, 128), jnp.float32),
        ],
    )(degs, degs, x)


def _tc2_body(p_ref, xs1_ref, dinv_ref, W1_ref, b1_ref, W2_ref,
              xs2_ref):
    dinv = dinv_ref[...]
    y1 = dinv * (p_ref[...] + xs1_ref[...])
    h1 = jnp.maximum(
        jnp.dot(y1, W1_ref[...], preferred_element_type=jnp.float32)
        + b1_ref[...], 0.0)
    xs2_ref[...] = dinv * jnp.dot(h1, W2_ref[...],
                                  preferred_element_type=jnp.float32)


def _tc2(p, xs1, dinv, W1, b1, W2):
    return pl.pallas_call(
        _tc2_body,
        grid=(_GRID,),
        in_specs=[
            pl.BlockSpec((_BLK, 128), _ROW),
            pl.BlockSpec((_BLK, 128), _ROW),
            pl.BlockSpec((_BLK, 1), _ROW),
            pl.BlockSpec((128, 256), _FIX),
            pl.BlockSpec((1, 256), _FIX),
            pl.BlockSpec((256, 128), _FIX),
        ],
        out_specs=pl.BlockSpec((_BLK, 128), _ROW),
        out_shape=jax.ShapeDtypeStruct((N, 128), jnp.float32),
    )(p, xs1, dinv, W1, b1, W2)


def _tc3_body(p_ref, xs2_ref, dinv_ref, b2_ref, W3_ref, xs3_ref):
    dinv = dinv_ref[...]
    h2 = jnp.maximum(dinv * (p_ref[...] + xs2_ref[...]) + b2_ref[...], 0.0)
    t3 = dinv * jnp.dot(h2, W3_ref[...], preferred_element_type=jnp.float32)
    xs3_ref[...] = jnp.concatenate([t3, jnp.zeros_like(t3)], axis=1)


def _tc3(p, xs2, dinv, b2, W3):
    return pl.pallas_call(
        _tc3_body,
        grid=(_GRID,),
        in_specs=[
            pl.BlockSpec((_BLK, 128), _ROW),
            pl.BlockSpec((_BLK, 128), _ROW),
            pl.BlockSpec((_BLK, 1), _ROW),
            pl.BlockSpec((1, 128), _FIX),
            pl.BlockSpec((128, 64), _FIX),
        ],
        out_specs=pl.BlockSpec((_BLK, 128), _ROW),
        out_shape=jax.ShapeDtypeStruct((N, 128), jnp.float32),
    )(p, xs2, dinv, b2, W3)


def _tc4_body(p_ref, xs3_ref, dinv_ref, b3_ref, W4_ref, xs4_ref):
    dinv = dinv_ref[...]
    pk = p_ref[...]
    h3 = jnp.maximum(dinv * (pk[:, :64] + pk[:, 64:] + xs3_ref[:, :64])
                     + b3_ref[...], 0.0)
    t4 = dinv * jnp.dot(h3, W4_ref[...], preferred_element_type=jnp.float32)
    xs4_ref[...] = jnp.concatenate(
        [t4, jnp.zeros((t4.shape[0], 96), jnp.float32)], axis=1)


def _tc4(p, xs3, dinv, b3, W4):
    return pl.pallas_call(
        _tc4_body,
        grid=(_GRID,),
        in_specs=[
            pl.BlockSpec((_BLK, 128), _ROW),
            pl.BlockSpec((_BLK, 128), _ROW),
            pl.BlockSpec((_BLK, 1), _ROW),
            pl.BlockSpec((1, 64), _FIX),
            pl.BlockSpec((64, 32), _FIX),
        ],
        out_specs=pl.BlockSpec((_BLK, 128), _ROW),
        out_shape=jax.ShapeDtypeStruct((N, 128), jnp.float32),
    )(p, xs3, dinv, b3, W4)


def _tc5_body(p_ref, xs4_ref, dinv_ref, b4_ref, batch_ref,
              W_ihT_ref, bg_ref, W_fc_ref, b_fc_ref, out_ref, ssum, cnt):
    i = pl.program_id(0)

    @pl.when(i == 0)
    def _():
        ssum[...] = jnp.zeros_like(ssum)
        cnt[...] = jnp.zeros_like(cnt)

    pk = p_ref[...]
    h4 = jnp.maximum(
        dinv_ref[...] * (pk[:, 0:32] + pk[:, 64:96] + xs4_ref[:, :32])
        + b4_ref[...], 0.0)
    gids = batch_ref[...][:, 0]
    onehot = (gids[None, :] ==
              lax.broadcasted_iota(jnp.int32, (NUM_GRAPHS, _BLK), 0)
              ).astype(jnp.float32)
    ssum[...] += jnp.dot(onehot, h4, preferred_element_type=jnp.float32)
    cnt[...] += jnp.sum(onehot, axis=1, keepdims=True)

    @pl.when(i == _GRID - 1)
    def _():
        emb = ssum[...] / jnp.maximum(cnt[...], 1.0)
        gates = jnp.dot(emb, W_ihT_ref[...],
                        preferred_element_type=jnp.float32) + bg_ref[...]
        i_g = gates[:, 0 * LSTM_H:1 * LSTM_H]
        g_g = gates[:, 2 * LSTM_H:3 * LSTM_H]
        o_g = gates[:, 3 * LSTM_H:4 * LSTM_H]
        c1 = jax.nn.sigmoid(i_g) * jnp.tanh(g_g)
        h1 = jax.nn.sigmoid(o_g) * jnp.tanh(c1)
        out_ref[...] = jnp.dot(h1, W_fc_ref[...],
                               preferred_element_type=jnp.float32) + b_fc_ref[...]


def _tc5(p, xs4, dinv, b4, batch2d, W_ihT, bg, W_fc, b_fc):
    return pl.pallas_call(
        _tc5_body,
        grid=(_GRID,),
        in_specs=[
            pl.BlockSpec((_BLK, 128), _ROW),
            pl.BlockSpec((_BLK, 128), _ROW),
            pl.BlockSpec((_BLK, 1), _ROW),
            pl.BlockSpec((1, 32), _FIX),
            pl.BlockSpec((_BLK, 1), _ROW),
            pl.BlockSpec((32, 4 * LSTM_H), _FIX),
            pl.BlockSpec((1, 4 * LSTM_H), _FIX),
            pl.BlockSpec((LSTM_H, 8), _FIX),
            pl.BlockSpec((1, 8), _FIX),
        ],
        out_specs=pl.BlockSpec((NUM_GRAPHS, 8), _FIX),
        out_shape=jax.ShapeDtypeStruct((NUM_GRAPHS, 8), jnp.float32),
        scratch_shapes=[
            pltpu.VMEM((NUM_GRAPHS, 32), jnp.float32),
            pltpu.VMEM((NUM_GRAPHS, 1), jnp.float32),
        ],
    )(p, xs4, dinv, b4, batch2d, W_ihT, bg, W_fc, b_fc)



def kernel(x, edge_index, batch, W1, b1, W2, b2, W3, b3, W4, b4,
           W_ih, W_hh, b_ih, b_hh, W_fc, b_fc):
    src = edge_index[0].astype(jnp.int32)
    dst = edge_index[1].astype(jnp.int32)

    npad = EP - E
    fill = jnp.arange(npad + 2 * CHUNK, dtype=jnp.int32)
    src_e = jnp.concatenate([src, fill % 128]).reshape(G + 2, CHUNK)
    dst_f = jnp.concatenate([dst, TRASH + (fill[:npad] % 16)]
                            ).reshape(G, CHUNK)
    src_f = jnp.stack([2 * src_e, 2 * src_e + 1])
    src_q = 4 * src_e[None]

    degs = _make_degree()(dst_f)
    dinv, xs1 = _tc1(degs[..., None], x)

    propf = _make_propagate(64, True)
    prop3 = _make_propagate(64, False)
    prop4 = _make_propagate(32, False)

    p = propf(xs1.reshape(2 * N, 64), src_f, dst_f)
    xs2 = _tc2(p, xs1, dinv, W1, b1[None, :], W2)

    p = propf(xs2.reshape(2 * N, 64), src_f, dst_f)
    xs3 = _tc3(p, xs2, dinv, b2[None, :], W3)

    p = prop3(xs3.reshape(2 * N, 64), src_f, dst_f)
    xs4 = _tc4(p, xs3, dinv, b3[None, :], W4)

    p = prop4(xs4.reshape(4 * N, 32), src_q, dst_f)

    bg = (b_ih + b_hh)[None, :]
    out = _tc5(p, xs4, dinv, b4[None, :],
               batch.astype(jnp.int32)[:, None], W_ih.T, bg, W_fc,
               b_fc[None, :])
    return out

# --- scband reference (transcript-rebuilt; emitter-appended) ---
"""Pipeline reference for scband-lidar-gcn-lstm-net-51273319579912 (READ-ONLY COPY).

The authoritative reference and input builder live on the scoring server;
editing this copy changes nothing except your own understanding.
"""

import jax, jax.numpy as jnp
import numpy as np

N = 10000
E = 320000
D_IN = 128
HID = 256
NUM_GRAPHS = 16
LSTM_H = 128
OUT = 8


def setup_inputs(seed: int = 0) -> dict:
    key = jax.random.key(seed)
    ks = jax.random.split(key, 24)
    inp = {}
    inp["x"] = jax.random.normal(ks[0], (N, D_IN), dtype=jnp.float32)
    inp["edge_index"] = jax.random.randint(ks[1], (2, E), 0, N)
    inp["batch"] = jnp.sort(jax.random.randint(ks[2], (N,), 0, NUM_GRAPHS))
    dims = [D_IN, HID, HID // 2, HID // 4, HID // 8]
    for i in range(4):
        fan_in = dims[i]
        inp[f"W{i+1}"] = jax.random.normal(ks[3 + i], (dims[i], dims[i + 1]), dtype=jnp.float32) * (1.0 / np.sqrt(fan_in))
        inp[f"b{i+1}"] = jnp.zeros((dims[i + 1],), dtype=jnp.float32)
    G = HID // 8
    s = 1.0 / np.sqrt(LSTM_H)
    inp["W_ih"] = jax.random.uniform(ks[10], (4 * LSTM_H, G), minval=-s, maxval=s, dtype=jnp.float32)
    inp["W_hh"] = jax.random.uniform(ks[11], (4 * LSTM_H, LSTM_H), minval=-s, maxval=s, dtype=jnp.float32)
    inp["b_ih"] = jax.random.uniform(ks[12], (4 * LSTM_H,), minval=-s, maxval=s, dtype=jnp.float32)
    inp["b_hh"] = jax.random.uniform(ks[13], (4 * LSTM_H,), minval=-s, maxval=s, dtype=jnp.float32)
    sf = 1.0 / np.sqrt(LSTM_H)
    inp["W_fc"] = jax.random.uniform(ks[14], (LSTM_H, OUT), minval=-sf, maxval=sf, dtype=jnp.float32)
    inp["b_fc"] = jax.random.uniform(ks[15], (OUT,), minval=-sf, maxval=sf, dtype=jnp.float32)
    return inp


def _gcn_conv(x, edge_index, W, b):
    # GCNConv: add self-loops, symmetric normalization D^-1/2 (A+I) D^-1/2 X W + b
    src = edge_index[0]
    dst = edge_index[1]
    loop = jnp.arange(N, dtype=src.dtype)
    s = jnp.concatenate([src, loop])
    d = jnp.concatenate([dst, loop])
    deg = jax.ops.segment_sum(jnp.ones_like(s, dtype=x.dtype), d, num_segments=N)
    dinv = jnp.where(deg > 0, 1.0 / jnp.sqrt(deg), 0.0)
    norm = dinv[s] * dinv[d]
    xw = x @ W
    msg = xw[s] * norm[:, None]
    out = jax.ops.segment_sum(msg, d, num_segments=N)
    return out + b


def reference(x, edge_index, batch, W1, b1, W2, b2, W3, b3, W4, b4, W_ih, W_hh, b_ih, b_hh, W_fc, b_fc):
    h = jax.nn.relu(_gcn_conv(x, edge_index, W1, b1))
    h = jax.nn.relu(_gcn_conv(h, edge_index, W2, b2))
    h = jax.nn.relu(_gcn_conv(h, edge_index, W3, b3))
    h = jax.nn.relu(_gcn_conv(h, edge_index, W4, b4))
    # global_mean_pool over graphs in the batch
    ssum = jax.ops.segment_sum(h, batch, num_segments=NUM_GRAPHS)
    cnt = jax.ops.segment_sum(jnp.ones((N,), dtype=h.dtype), batch, num_segments=NUM_GRAPHS)
    emb = ssum / jnp.maximum(cnt, 1.0)[:, None]
    # sequence of length 1 -> single LSTM step from zero state
    h0 = jnp.zeros((NUM_GRAPHS, LSTM_H), dtype=emb.dtype)
    c0 = jnp.zeros((NUM_GRAPHS, LSTM_H), dtype=emb.dtype)
    gates = emb @ W_ih.T + b_ih + h0 @ W_hh.T + b_hh
    i_g, f_g, g_g, o_g = jnp.split(gates, 4, axis=1)
    c1 = jax.nn.sigmoid(f_g) * c0 + jax.nn.sigmoid(i_g) * jnp.tanh(g_g)
    h1 = jax.nn.sigmoid(o_g) * jnp.tanh(c1)
    action = h1 @ W_fc + b_fc
    return action

if __name__ == "__main__":
    import jax
    _d = setup_inputs()
    print(jax.jit(kernel)(*tuple(_d.values())))

</pallas_src>

<mosaic_0001>
#map = affine_map<(d0, d1) -> (0, 0)>
module attributes {stable_mosaic.version = 14 : i64} {
  func.func @body(%arg0: i32, %arg1: i32, %arg2: memref<1440x224xi32, #tpu.memory_space<hbm>>, %arg3: memref<2x10240xf32, #tpu.memory_space<hbm>>, %arg4: memref<45x224xi32, #tpu.memory_space<vmem>>, %arg5: memref<224xf32, #tpu.memory_space<vmem>>, %arg6: memref<224xf32, #tpu.memory_space<vmem>>, %arg7: memref<10240xf32, #tpu.memory_space<vmem_shared>>) attributes {dimension_semantics = [#tpu.dimension_semantics<core_parallel>, #tpu.dimension_semantics<subcore_parallel>], iteration_bounds = array<i64: 2, 16>, scalar_prefetch = 0 : i64, scratch_operands = 4 : i64, tpu.core_type = #tpu.core_type<sc_vector_subcore>, window_params = [{transform_indices = #map}, {transform_indices = #map}]} {
    %mul3A = arith.constant 16 : i32
    %mul3A_0 = arith.muli %arg0, %mul3A : i32
    %add3A = arith.addi %mul3A_0, %arg1 : i32
    %mul3A_1 = arith.constant 45 : i32
    %mul3A_2 = arith.muli %add3A, %mul3A_1 : i32
    %scan3A = arith.constant 0 : i32
    %scan3A_3 = arith.constant 0 : i32
    %scan3A_4 = arith.constant 14 : i32
    %scan3A_5 = arith.addi %scan3A_3, %scan3A_4 : i32
    %scan3A_6 = arith.constant 1 : i32
    %scan3A_7 = scf.for %scan3A_33 = %scan3A_3 to %scan3A_5 step %scan3A_6 iter_args(%scan3A_34 = %scan3A) -> (i32)  : i32 {
      %broadcast_in_dim3A = arith.constant 1.000000e+00 : f32
      %broadcast_in_dim3A_35 = vector.broadcast %broadcast_in_dim3A : f32 to vector<16xf32>
      %mul3A_36 = arith.constant 16 : i32
      %mul3A_37 = arith.muli %scan3A_33, %mul3A_36 : i32
      %swap3A = arith.index_cast %mul3A_37 : i32 to index
      %swap3A_38 = tpu.vector_load %arg5[%swap3A] {strides = array<i32>} : memref<224xf32, #tpu.memory_space<vmem>>, vector<16xf32>,
      %swap3A_39 = vector.shape_cast %swap3A_38 : vector<16xf32> to vector<16xf32>
      %swap3A_40 = vector.shape_cast %broadcast_in_dim3A_35 : vector<16xf32> to vector<16xf32>
      tpu.vector_store %arg5[%swap3A], %swap3A_40 {strides = array<i32>} : memref<224xf32, #tpu.memory_space<vmem>>, vector<16xf32>,
      %broadcast_in_dim3A_41 = arith.constant 0.000000e+00 : f32
      %broadcast_in_dim3A_42 = vector.broadcast %broadcast_in_dim3A_41 : f32 to vector<16xf32>
      %mul3A_43 = arith.constant 16 : i32
      %mul3A_44 = arith.muli %scan3A_33, %mul3A_43 : i32
      %swap3A_45 = arith.index_cast %mul3A_44 : i32 to index
      %swap3A_46 = tpu.vector_load %arg6[%swap3A_45] {strides = array<i32>} : memref<224xf32, #tpu.memory_space<vmem>>, vector<16xf32>,
      %swap3A_47 = vector.shape_cast %swap3A_46 : vector<16xf32> to vector<16xf32>
      %swap3A_48 = vector.shape_cast %broadcast_in_dim3A_42 : vector<16xf32> to vector<16xf32>
      tpu.vector_store %arg6[%swap3A_45], %swap3A_48 {strides = array<i32>} : memref<224xf32, #tpu.memory_space<vmem>>, vector<16xf32>,
      %scan3A_49 = arith.constant 0 : i32
      scf.yield %scan3A_49 : i32
    }
    %scan3A_8 = arith.constant 14 : i32
    %mul3A_9 = arith.constant 640 : i32
    %mul3A_10 = arith.muli %arg1, %mul3A_9 : i32
    %add3A_11 = arith.constant 0 : i32
    %add3A_12 = arith.addi %mul3A_10, %add3A_11 : i32
    "tpu.region"() ({
      %run_scoped3A = tpu.sem_alloc : memref<!tpu.dma_semaphore, #tpu.memory_space<semaphore_mem>>
      %dma_start3A = arith.constant 0 : i32
      %dma_start3A_33 = tpu.memref_slice %arg6[%dma_start3A] : memref<224xf32, #tpu.memory_space<vmem>> -> memref<128xf32, #tpu.memory_space<vmem>>
      %dma_start3A_34 = tpu.memref_slice %arg7[%add3A_12] : memref<10240xf32, #tpu.memory_space<vmem_shared>> -> memref<128xf32, #tpu.memory_space<vmem_shared>>
      %dma_start3A_35 = tpu.memref_slice %arg7[%add3A_12] : memref<10240xf32, #tpu.memory_space<vmem_shared>> -> memref<128xf32, #tpu.memory_space<vmem_shared>>
      %dma_start3A_36 = arith.constant 0 : i32
      %dma_start3A_37 = tpu.memref_slice %arg6[%dma_start3A_36] : memref<224xf32, #tpu.memory_space<vmem>> -> memref<128xf32, #tpu.memory_space<vmem>>
      tpu.enqueue_dma source(%dma_start3A_37 : memref<128xf32, #tpu.memory_space<vmem>>) target(%dma_start3A_35 : memref<128xf32, #tpu.memory_space<vmem_shared>>) target_semaphore(%run_scoped3A : memref<!tpu.dma_semaphore, #tpu.memory_space<semaphore_mem>>)
      %dma_wait3A = arith.constant 0 : i32
      %dma_wait3A_38 = tpu.memref_slice %arg6[%dma_wait3A] : memref<224xf32, #tpu.memory_space<vmem>> -> memref<128xf32, #tpu.memory_space<vmem>>
      %dma_wait3A_39 = tpu.memref_slice %arg7[%add3A_12] : memref<10240xf32, #tpu.memory_space<vmem_shared>> -> memref<128xf32, #tpu.memory_space<vmem_shared>>
      %dma_wait3A_40 = tpu.memref_slice %arg7[%add3A_12] : memref<10240xf32, #tpu.memory_space<vmem_shared>> -> memref<128xf32, #tpu.memory_space<vmem_shared>>
      %dma_wait3A_41 = arith.constant 0 : i32
      %dma_wait3A_42 = tpu.memref_slice %arg6[%dma_wait3A_41] : memref<224xf32, #tpu.memory_space<vmem>> -> memref<128xf32, #tpu.memory_space<vmem>>
      tpu.wait_dma2 semaphore(%run_scoped3A : memref<!tpu.dma_semaphore, #tpu.memory_space<semaphore_mem>>) src(%dma_wait3A_42 : memref<128xf32, #tpu.memory_space<vmem>>) dst(%dma_wait3A_40 : memref<128xf32, #tpu.memory_space<vmem_shared>>)
      tpu.yield
    }) : () -> ()
    %add3A_13 = arith.constant 128 : i32
    %add3A_14 = arith.addi %mul3A_10, %add3A_13 : i32
    "tpu.region"() ({
      %run_scoped3A = tpu.sem_alloc : memref<!tpu.dma_semaphore, #tpu.memory_space<semaphore_mem>>
      %dma_start3A = arith.constant 0 : i32
      %dma_start3A_33 = tpu.memref_slice %arg6[%dma_start3A] : memref<224xf32, #tpu.memory_space<vmem>> -> memref<128xf32, #tpu.memory_space<vmem>>
      %dma_start3A_34 = tpu.memref_slice %arg7[%add3A_14] : memref<10240xf32, #tpu.memory_space<vmem_shared>> -> memref<128xf32, #tpu.memory_space<vmem_shared>>
      %dma_start3A_35 = tpu.memref_slice %arg7[%add3A_14] : memref<10240xf32, #tpu.memory_space<vmem_shared>> -> memref<128xf32, #tpu.memory_space<vmem_shared>>
      %dma_start3A_36 = arith.constant 0 : i32
      %dma_start3A_37 = tpu.memref_slice %arg6[%dma_start3A_36] : memref<224xf32, #tpu.memory_space<vmem>> -> memref<128xf32, #tpu.memory_space<vmem>>
      tpu.enqueue_dma source(%dma_start3A_37 : memref<128xf32, #tpu.memory_space<vmem>>) target(%dma_start3A_35 : memref<128xf32, #tpu.memory_space<vmem_shared>>) target_semaphore(%run_scoped3A : memref<!tpu.dma_semaphore, #tpu.memory_space<semaphore_mem>>)
      %dma_wait3A = arith.constant 0 : i32
      %dma_wait3A_38 = tpu.memref_slice %arg6[%dma_wait3A] : memref<224xf32, #tpu.memory_space<vmem>> -> memref<128xf32, #tpu.memory_space<vmem>>
      %dma_wait3A_39 = tpu.memref_slice %arg7[%add3A_14] : memref<10240xf32, #tpu.memory_space<vmem_shared>> -> memref<128xf32, #tpu.memory_space<vmem_shared>>
      %dma_wait3A_40 = tpu.memref_slice %arg7[%add3A_14] : memref<10240xf32, #tpu.memory_space<vmem_shared>> -> memref<128xf32, #tpu.memory_space<vmem_shared>>
      %dma_wait3A_41 = arith.constant 0 : i32
      %dma_wait3A_42 = tpu.memref_slice %arg6[%dma_wait3A_41] : memref<224xf32, #tpu.memory_space<vmem>> -> memref<128xf32, #tpu.memory_space<vmem>>
      tpu.wait_dma2 semaphore(%run_scoped3A : memref<!tpu.dma_semaphore, #tpu.memory_space<semaphore_mem>>) src(%dma_wait3A_42 : memref<128xf32, #tpu.memory_space<vmem>>) dst(%dma_wait3A_40 : memref<128xf32, #tpu.memory_space<vmem_shared>>)
      tpu.yield
    }) : () -> ()
    %add3A_15 = arith.constant 256 : i32
    %add3A_16 = arith.addi %mul3A_10, %add3A_15 : i32
    "tpu.region"() ({
      %run_scoped3A = tpu.sem_alloc : memref<!tpu.dma_semaphore, #tpu.memory_space<semaphore_mem>>
      %dma_start3A = arith.constant 0 : i32
      %dma_start3A_33 = tpu.memref_slice %arg6[%dma_start3A] : memref<224xf32, #tpu.memory_space<vmem>> -> memref<128xf32, #tpu.memory_space<vmem>>
      %dma_start3A_34 = tpu.memref_slice %arg7[%add3A_16] : memref<10240xf32, #tpu.memory_space<vmem_shared>> -> memref<128xf32, #tpu.memory_space<vmem_shared>>
      %dma_start3A_35 = tpu.memref_slice %arg7[%add3A_16] : memref<10240xf32, #tpu.memory_space<vmem_shared>> -> memref<128xf32, #tpu.memory_space<vmem_shared>>
      %dma_start3A_36 = arith.constant 0 : i32
      %dma_start3A_37 = tpu.memref_slice %arg6[%dma_start3A_36] : memref<224xf32, #tpu.memory_space<vmem>> -> memref<128xf32, #tpu.memory_space<vmem>>
      tpu.enqueue_dma source(%dma_start3A_37 : memref<128xf32, #tpu.memory_space<vmem>>) target(%dma_start3A_35 : memref<128xf32, #tpu.memory_space<vmem_shared>>) target_semaphore(%run_scoped3A : memref<!tpu.dma_semaphore, #tpu.memory_space<semaphore_mem>>)
      %dma_wait3A = arith.constant 0 : i32
      %dma_wait3A_38 = tpu.memref_slice %arg6[%dma_wait3A] : memref<224xf32, #tpu.memory_space<vmem>> -> memref<128xf32, #tpu.memory_space<vmem>>
      %dma_wait3A_39 = tpu.memref_slice %arg7[%add3A_16] : memref<10240xf32, #tpu.memory_space<vmem_shared>> -> memref<128xf32, #tpu.memory_space<vmem_shared>>
      %dma_wait3A_40 = tpu.memref_slice %arg7[%add3A_16] : memref<10240xf32, #tpu.memory_space<vmem_shared>> -> memref<128xf32, #tpu.memory_space<vmem_shared>>
      %dma_wait3A_41 = arith.constant 0 : i32
      %dma_wait3A_42 = tpu.memref_slice %arg6[%dma_wait3A_41] : memref<224xf32, #tpu.memory_space<vmem>> -> memref<128xf32, #tpu.memory_space<vmem>>
      tpu.wait_dma2 semaphore(%run_scoped3A : memref<!tpu.dma_semaphore, #tpu.memory_space<semaphore_mem>>) src(%dma_wait3A_42 : memref<128xf32, #tpu.memory_space<vmem>>) dst(%dma_wait3A_40 : memref<128xf32, #tpu.memory_space<vmem_shared>>)
      tpu.yield
    }) : () -> ()
    %add3A_17 = arith.constant 384 : i32
    %add3A_18 = arith.addi %mul3A_10, %add3A_17 : i32
    "tpu.region"() ({
      %run_scoped3A = tpu.sem_alloc : memref<!tpu.dma_semaphore, #tpu.memory_space<semaphore_mem>>
      %dma_start3A = arith.constant 0 : i32
      %dma_start3A_33 = tpu.memref_slice %arg6[%dma_start3A] : memref<224xf32, #tpu.memory_space<vmem>> -> memref<128xf32, #tpu.memory_space<vmem>>
      %dma_start3A_34 = tpu.memref_slice %arg7[%add3A_18] : memref<10240xf32, #tpu.memory_space<vmem_shared>> -> memref<128xf32, #tpu.memory_space<vmem_shared>>
      %dma_start3A_35 = tpu.memref_slice %arg7[%add3A_18] : memref<10240xf32, #tpu.memory_space<vmem_shared>> -> memref<128xf32, #tpu.memory_space<vmem_shared>>
      %dma_start3A_36 = arith.constant 0 : i32
      %dma_start3A_37 = tpu.memref_slice %arg6[%dma_start3A_36] : memref<224xf32, #tpu.memory_space<vmem>> -> memref<128xf32, #tpu.memory_space<vmem>>
      tpu.enqueue_dma source(%dma_start3A_37 : memref<128xf32, #tpu.memory_space<vmem>>) target(%dma_start3A_35 : memref<128xf32, #tpu.memory_space<vmem_shared>>) target_semaphore(%run_scoped3A : memref<!tpu.dma_semaphore, #tpu.memory_space<semaphore_mem>>)
      %dma_wait3A = arith.constant 0 : i32
      %dma_wait3A_38 = tpu.memref_slice %arg6[%dma_wait3A] : memref<224xf32, #tpu.memory_space<vmem>> -> memref<128xf32, #tpu.memory_space<vmem>>
      %dma_wait3A_39 = tpu.memref_slice %arg7[%add3A_18] : memref<10240xf32, #tpu.memory_space<vmem_shared>> -> memref<128xf32, #tpu.memory_space<vmem_shared>>
      %dma_wait3A_40 = tpu.memref_slice %arg7[%add3A_18] : memref<10240xf32, #tpu.memory_space<vmem_shared>> -> memref<128xf32, #tpu.memory_space<vmem_shared>>
      %dma_wait3A_41 = arith.constant 0 : i32
      %dma_wait3A_42 = tpu.memref_slice %arg6[%dma_wait3A_41] : memref<224xf32, #tpu.memory_space<vmem>> -> memref<128xf32, #tpu.memory_space<vmem>>
      tpu.wait_dma2 semaphore(%run_scoped3A : memref<!tpu.dma_semaphore, #tpu.memory_space<semaphore_mem>>) src(%dma_wait3A_42 : memref<128xf32, #tpu.memory_space<vmem>>) dst(%dma_wait3A_40 : memref<128xf32, #tpu.memory_space<vmem_shared>>)
      tpu.yield
    }) : () -> ()
    %add3A_19 = arith.constant 512 : i32
    %add3A_20 = arith.addi %mul3A_10, %add3A_19 : i32
    "tpu.region"() ({
      %run_scoped3A = tpu.sem_alloc : memref<!tpu.dma_semaphore, #tpu.memory_space<semaphore_mem>>
      %dma_start3A = arith.constant 0 : i32
      %dma_start3A_33 = tpu.memref_slice %arg6[%dma_start3A] : memref<224xf32, #tpu.memory_space<vmem>> -> memref<128xf32, #tpu.memory_space<vmem>>
      %dma_start3A_34 = tpu.memref_slice %arg7[%add3A_20] : memref<10240xf32, #tpu.memory_space<vmem_shared>> -> memref<128xf32, #tpu.memory_space<vmem_shared>>
      %dma_start3A_35 = tpu.memref_slice %arg7[%add3A_20] : memref<10240xf32, #tpu.memory_space<vmem_shared>> -> memref<128xf32, #tpu.memory_space<vmem_shared>>
      %dma_start3A_36 = arith.constant 0 : i32
      %dma_start3A_37 = tpu.memref_slice %arg6[%dma_start3A_36] : memref<224xf32, #tpu.memory_space<vmem>> -> memref<128xf32, #tpu.memory_space<vmem>>
      tpu.enqueue_dma source(%dma_start3A_37 : memref<128xf32, #tpu.memory_space<vmem>>) target(%dma_start3A_35 : memref<128xf32, #tpu.memory_space<vmem_shared>>) target_semaphore(%run_scoped3A : memref<!tpu.dma_semaphore, #tpu.memory_space<semaphore_mem>>)
      %dma_wait3A = arith.constant 0 : i32
      %dma_wait3A_38 = tpu.memref_slice %arg6[%dma_wait3A] : memref<224xf32, #tpu.memory_space<vmem>> -> memref<128xf32, #tpu.memory_space<vmem>>
      %dma_wait3A_39 = tpu.memref_slice %arg7[%add3A_20] : memref<10240xf32, #tpu.memory_space<vmem_shared>> -> memref<128xf32, #tpu.memory_space<vmem_shared>>
      %dma_wait3A_40 = tpu.memref_slice %arg7[%add3A_20] : memref<10240xf32, #tpu.memory_space<vmem_shared>> -> memref<128xf32, #tpu.memory_space<vmem_shared>>
      %dma_wait3A_41 = arith.constant 0 : i32
      %dma_wait3A_42 = tpu.memref_slice %arg6[%dma_wait3A_41] : memref<224xf32, #tpu.memory_space<vmem>> -> memref<128xf32, #tpu.memory_space<vmem>>
      tpu.wait_dma2 semaphore(%run_scoped3A : memref<!tpu.dma_semaphore, #tpu.memory_space<semaphore_mem>>) src(%dma_wait3A_42 : memref<128xf32, #tpu.memory_space<vmem>>) dst(%dma_wait3A_40 : memref<128xf32, #tpu.memory_space<vmem_shared>>)
      tpu.yield
    }) : () -> ()
    "tpu.region"() ({
      %run_scoped3A = tpu.sem_alloc : memref<!tpu.dma_semaphore, #tpu.memory_space<semaphore_mem>>
      %dma_start3A = arith.constant 0 : i32
      %dma_start3A_33 = tpu.memref_slice %arg2[%mul3A_2, %dma_start3A] : memref<1440x224xi32, #tpu.memory_space<hbm>> -> memref<45x224xi32, #tpu.memory_space<hbm>>
      %dma_start3A_34 = arith.constant 0 : i32
      %dma_start3A_35 = tpu.memref_slice %arg2[%mul3A_2, %dma_start3A_34] : memref<1440x224xi32, #tpu.memory_space<hbm>> -> memref<45x224xi32, #tpu.memory_space<hbm>>
      tpu.enqueue_dma source(%dma_start3A_35 : memref<45x224xi32, #tpu.memory_space<hbm>>) target(%arg4 : memref<45x224xi32, #tpu.memory_space<vmem>>) target_semaphore(%run_scoped3A : memref<!tpu.dma_semaphore, #tpu.memory_space<semaphore_mem>>)
      %dma_wait3A = arith.constant 0 : i32
      %dma_wait3A_36 = tpu.memref_slice %arg2[%mul3A_2, %dma_wait3A] : memref<1440x224xi32, #tpu.memory_space<hbm>> -> memref<45x224xi32, #tpu.memory_space<hbm>>
      %dma_wait3A_37 = arith.constant 0 : i32
      %dma_wait3A_38 = tpu.memref_slice %arg2[%mul3A_2, %dma_wait3A_37] : memref<1440x224xi32, #tpu.memory_space<hbm>> -> memref<45x224xi32, #tpu.memory_space<hbm>>
      tpu.wait_dma2 semaphore(%run_scoped3A : memref<!tpu.dma_semaphore, #tpu.memory_space<semaphore_mem>>) src(%dma_wait3A_38 : memref<45x224xi32, #tpu.memory_space<hbm>>) dst(%arg4 : memref<45x224xi32, #tpu.memory_space<vmem>>)
      tpu.yield
    }) : () -> ()
    %barrier3A = arith.constant 0 : index
    tpu.barrier barrier_id(%barrier3A)
    %scan3A_21 = arith.constant 0 : i32
    %scan3A_22 = arith.constant 0 : i32
    %scan3A_23 = arith.constant 45 : i32
    %scan3A_24 = arith.addi %scan3A_22, %scan3A_23 : i32
    %scan3A_25 = arith.constant 1 : i32
    %scan3A_26 = scf.for %scan3A_33 = %scan3A_22 to %scan3A_24 step %scan3A_25 iter_args(%scan3A_34 = %scan3A_21) -> (i32)  : i32 {
      "tpu.region"() ({
        %run_scoped3A = tpu.sem_alloc : memref<!tpu.dma_semaphore, #tpu.memory_space<semaphore_mem>>
        %dma_start3A = arith.constant 0 : i32
        %dma_start3A_36 = tpu.memref_slice %arg4[%scan3A_33, %dma_start3A] : memref<45x224xi32, #tpu.memory_space<vmem>> -> memref<1x224xi32, #tpu.memory_space<vmem>>
        %dma_start3A_37 = tpu.memref_squeeze %dma_start3A_36 : memref<1x224xi32, #tpu.memory_space<vmem>> -> memref<224xi32, #tpu.memory_space<vmem>>
        %dma_start3A_38 = arith.constant 0 : i32
        %dma_start3A_39 = tpu.memref_slice %arg7[%dma_start3A_38] : memref<10240xf32, #tpu.memory_space<vmem_shared>> -> memref<10240xf32, #tpu.memory_space<vmem_shared>>
        tpu.enqueue_indirect_dma source(%arg5 : memref<224xf32, #tpu.memory_space<vmem>>) target(%dma_start3A_39 : memref<10240xf32, #tpu.memory_space<vmem_shared>>) offsets(%dma_start3A_37 : memref<224xi32, #tpu.memory_space<vmem>>) semaphore(%run_scoped3A : memref<!tpu.dma_semaphore, #tpu.memory_space<semaphore_mem>>) {add = true}
        %dma_wait3A = arith.constant 0 : i32
        %dma_wait3A_40 = tpu.memref_slice %arg4[%scan3A_33, %dma_wait3A] : memref<45x224xi32, #tpu.memory_space<vmem>> -> memref<1x224xi32, #tpu.memory_space<vmem>>
        %dma_wait3A_41 = tpu.memref_squeeze %dma_wait3A_40 : memref<1x224xi32, #tpu.memory_space<vmem>> -> memref<224xi32, #tpu.memory_space<vmem>>
        %dma_wait3A_42 = arith.constant 0 : i32
        %dma_wait3A_43 = tpu.memref_slice %arg7[%dma_wait3A_42] : memref<10240xf32, #tpu.memory_space<vmem_shared>> -> memref<10240xf32, #tpu.memory_space<vmem_shared>>
        tpu.wait_indirect_dma semaphore(%run_scoped3A : memref<!tpu.dma_semaphore, #tpu.memory_space<semaphore_mem>>) src(%arg5 : memref<224xf32, #tpu.memory_space<vmem>>) dst(%dma_wait3A_43 : memref<10240xf32, #tpu.memory_space<vmem_shared>>)
        tpu.yield
      }) : () -> ()
      %scan3A_35 = arith.constant 0 : i32
      scf.yield %scan3A_35 : i32
    }
    %scan3A_27 = arith.constant 45 : i32
    %barrier3A_28 = arith.constant 0 : index
    tpu.barrier barrier_id(%barrier3A_28)
    %mul3A_29 = arith.constant 640 : i32
    %mul3A_30 = arith.muli %arg1, %mul3A_29 : i32
    %mul3A_31 = arith.constant 640 : i32
    %mul3A_32 = arith.muli %arg1, %mul3A_31 : i32
    "tpu.region"() ({
      %run_scoped3A = tpu.sem_alloc : memref<!tpu.dma_semaphore, #tpu.memory_space<semaphore_mem>>
      %dma_start3A = tpu.memref_slice %arg3[%arg0, %mul3A_32] : memref<2x10240xf32, #tpu.memory_space<hbm>> -> memref<1x640xf32, #tpu.memory_space<hbm>>
      %dma_start3A_33 = tpu.memref_squeeze %dma_start3A : memref<1x640xf32, #tpu.memory_space<hbm>> -> memref<640xf32, #tpu.memory_space<hbm>>
      %dma_start3A_34 = tpu.memref_slice %arg7[%mul3A_30] : memref<10240xf32, #tpu.memory_space<vmem_shared>> -> memref<640xf32, #tpu.memory_space<vmem_shared>>
      tpu.enqueue_dma source(%dma_start3A_34 : memref<640xf32, #tpu.memory_space<vmem_shared>>) target(%dma_start3A_33 : memref<640xf32, #tpu.memory_space<hbm>>) target_semaphore(%run_scoped3A : memref<!tpu.dma_semaphore, #tpu.memory_space<semaphore_mem>>)
      %dma_wait3A = tpu.memref_slice %arg3[%arg0, %mul3A_32] : memref<2x10240xf32, #tpu.memory_space<hbm>> -> memref<1x640xf32, #tpu.memory_space<hbm>>
      %dma_wait3A_35 = tpu.memref_squeeze %dma_wait3A : memref<1x640xf32, #tpu.memory_space<hbm>> -> memref<640xf32, #tpu.memory_space<hbm>>
      %dma_wait3A_36 = tpu.memref_slice %arg7[%mul3A_30] : memref<10240xf32, #tpu.memory_space<vmem_shared>> -> memref<640xf32, #tpu.memory_space<vmem_shared>>
      tpu.wait_dma2 semaphore(%run_scoped3A : memref<!tpu.dma_semaphore, #tpu.memory_space<semaphore_mem>>) src(%dma_wait3A_36 : memref<640xf32, #tpu.memory_space<vmem_shared>>) dst(%dma_wait3A_35 : memref<640xf32, #tpu.memory_space<hbm>>)
      tpu.yield
    }) : () -> ()
    return
  }
}

#map = affine_map<(d0, d1) -> (0, 0)>
#map1 = affine_map<(d0, d1) -> (0, 0, 0)>
module attributes {stable_mosaic.version = 14 : i64} {
  func.func @body(%arg0: i32, %arg1: i32, %arg2: memref<20000x64xf32, #tpu.memory_space<hbm>>, %arg3: memref<2x1442x224xi32, #tpu.memory_space<hbm>>, %arg4: memref<1440x224xi32, #tpu.memory_space<hbm>>, %arg5: memref<10240x128xf32, #tpu.memory_space<hbm>>, %arg6: memref<92x224xi32, #tpu.memory_space<vmem>>, %arg7: memref<90x224xi32, #tpu.memory_space<vmem>>, %arg8: memref<224x64xf32, #tpu.memory_space<vmem>>, %arg9: memref<224x64xf32, #tpu.memory_space<vmem>>, %arg10: memref<224x64xf32, #tpu.memory_space<vmem>>, %arg11: memref<10240x64xf32, #tpu.memory_space<vmem_shared>>, %arg12: memref<!tpu.dma_semaphore, #tpu.memory_space<semaphore_mem>>, %arg13: memref<!tpu.dma_semaphore, #tpu.memory_space<semaphore_mem>>, %arg14: memref<!tpu.dma_semaphore, #tpu.memory_space<semaphore_mem>>, %arg15: memref<!tpu.dma_semaphore, #tpu.memory_space<semaphore_mem>>, %arg16: memref<!tpu.dma_semaphore, #tpu.memory_space<semaphore_mem>>, %arg17: memref<!tpu.dma_semaphore, #tpu.memory_space<semaphore_mem>>) attributes {dimension_semantics = [#tpu.dimension_semantics<core_parallel>, #tpu.dimension_semantics<subcore_parallel>], iteration_bounds = array<i64: 2, 16>, scalar_prefetch = 0 : i64, scratch_operands = 12 : i64, tpu.core_type = #tpu.core_type<sc_vector_subcore>, window_params = [{transform_indices = #map}, {transform_indices = #map1}, {transform_indices = #map}, {transform_indices = #map}]} {
    %scan3A = arith.constant 0 : i32
    %scan3A_0 = arith.constant 0 : i32
    %scan3A_1 = arith.constant 128 : i32
    %scan3A_2 = arith.addi %scan3A_0, %scan3A_1 : i32
    %scan3A_3 = arith.constant 1 : i32
    %scan3A_4 = scf.for %scan3A_142 = %scan3A_0 to %scan3A_2 step %scan3A_3 iter_args(%scan3A_143 = %scan3A) -> (i32)  : i32 {
      %broadcast_in_dim3A = arith.constant 0.000000e+00 : f32
      %broadcast_in_dim3A_144 = vector.broadcast %broadcast_in_dim3A : f32 to vector<16xf32>
      %swap3A = arith.index_cast %scan3A_142 : i32 to index
      %swap3A_145 = arith.constant 0 : index
      %swap3A_146 = tpu.vector_load %arg8[%swap3A, %swap3A_145] {strides = array<i32>} : memref<224x64xf32, #tpu.memory_space<vmem>>, vector<1x16xf32>,
      %swap3A_147 = vector.shape_cast %swap3A_146 : vector<1x16xf32> to vector<16xf32>
      %swap3A_148 = vector.shape_cast %broadcast_in_dim3A_144 : vector<16xf32> to vector<1x16xf32>
      tpu.vector_store %arg8[%swap3A, %swap3A_145], %swap3A_148 {strides = array<i32>} : memref<224x64xf32, #tpu.memory_space<vmem>>, vector<1x16xf32>,
      %broadcast_in_dim3A_149 = arith.constant 0.000000e+00 : f32
      %broadcast_in_dim3A_150 = vector.broadcast %broadcast_in_dim3A_149 : f32 to vector<16xf32>
      %swap3A_151 = arith.index_cast %scan3A_142 : i32 to index
      %swap3A_152 = arith.constant 16 : index
      %swap3A_153 = tpu.vector_load %arg8[%swap3A_151, %swap3A_152] {strides = array<i32>} : memref<224x64xf32, #tpu.memory_space<vmem>>, vector<1x16xf32>,
      %swap3A_154 = vector.shape_cast %swap3A_153 : vector<1x16xf32> to vector<16xf32>
      %swap3A_155 = vector.shape_cast %broadcast_in_dim3A_150 : vector<16xf32> to vector<1x16xf32>
      tpu.vector_store %arg8[%swap3A_151, %swap3A_152], %swap3A_155 {strides = array<i32>} : memref<224x64xf32, #tpu.memory_space<vmem>>, vector<1x16xf32>,
      %broadcast_in_dim3A_156 = arith.constant 0.000000e+00 : f32
      %broadcast_in_dim3A_157 = vector.broadcast %broadcast_in_dim3A_156 : f32 to vector<16xf32>
      %swap3A_158 = arith.index_cast %scan3A_142 : i32 to index
      %swap3A_159 = arith.constant 32 : index
      %swap3A_160 = tpu.vector_load %arg8[%swap3A_158, %swap3A_159] {strides = array<i32>} : memref<224x64xf32, #tpu.memory_space<vmem>>, vector<1x16xf32>,
      %swap3A_161 = vector.shape_cast %swap3A_160 : vector<1x16xf32> to vector<16xf32>
      %swap3A_162 = vector.shape_cast %broadcast_in_dim3A_157 : vector<16xf32> to vector<1x16xf32>
      tpu.vector_store %arg8[%swap3A_158, %swap3A_159], %swap3A_162 {strides = array<i32>} : memref<224x64xf32, #tpu.memory_space<vmem>>, vector<1x16xf32>,
      %broadcast_in_dim3A_163 = arith.constant 0.000000e+00 : f32
      %broadcast_in_dim3A_164 = vector.broadcast %broadcast_in_dim3A_163 : f32 to vector<16xf32>
      %swap3A_165 = arith.index_cast %scan3A_142 : i32 to index
      %swap3A_166 = arith.constant 48 : index
      %swap3A_167 = tpu.vector_load %arg8[%swap3A_165, %swap3A_166] {strides = array<i32>} : memref<224x64xf32, #tpu.memory_space<vmem>>, vector<1x16xf32>,
      %swap3A_168 = vector.shape_cast %swap3A_167 : vector<1x16xf32> to vector<16xf32>
      %swap3A_169 = vector.shape_cast %broadcast_in_dim3A_164 : vector<16xf32> to vector<1x16xf32>
      tpu.vector_store %arg8[%swap3A_165, %swap3A_166], %swap3A_169 {strides = array<i32>} : memref<224x64xf32, #tpu.memory_space<vmem>>, vector<1x16xf32>,
      %scan3A_170 = arith.constant 0 : i32
      scf.yield %scan3A_170 : i32
    }
    %scan3A_5 = arith.constant 128 : i32
    %mul3A = arith.constant 640 : i32
    %mul3A_6 = arith.muli %arg1, %mul3A : i32
    %add3A = arith.constant 0 : i32
    %add3A_7 = arith.addi %mul3A_6, %add3A : i32
    "tpu.region"() ({
      %run_scoped3A = tpu.sem_alloc : memref<!tpu.dma_semaphore, #tpu.memory_space<semaphore_mem>>
      %dma_start3A_142 = arith.constant 0 : i32
      %dma_start3A_143 = arith.constant 0 : i32
      %dma_start3A_144 = tpu.memref_slice %arg8[%dma_start3A_142, %dma_start3A_143] : memref<224x64xf32, #tpu.memory_space<vmem>> -> memref<128x64xf32, #tpu.memory_space<vmem>>
      %dma_start3A_145 = arith.constant 0 : i32
      %dma_start3A_146 = tpu.memref_slice %arg11[%add3A_7, %dma_start3A_145] : memref<10240x64xf32, #tpu.memory_space<vmem_shared>> -> memref<128x64xf32, #tpu.memory_space<vmem_shared>>
      %dma_start3A_147 = arith.constant 0 : i32
      %dma_start3A_148 = tpu.memref_slice %arg11[%add3A_7, %dma_start3A_147] : memref<10240x64xf32, #tpu.memory_space<vmem_shared>> -> memref<128x64xf32, #tpu.memory_space<vmem_shared>>
      %dma_start3A_149 = arith.constant 0 : i32
      %dma_start3A_150 = arith.constant 0 : i32
      %dma_start3A_151 = tpu.memref_slice %arg8[%dma_start3A_149, %dma_start3A_150] : memref<224x64xf32, #tpu.memory_space<vmem>> -> memref<128x64xf32, #tpu.memory_space<vmem>>
      tpu.enqueue_dma source(%dma_start3A_151 : memref<128x64xf32, #tpu.memory_space<vmem>>) target(%dma_start3A_148 : memref<128x64xf32, #tpu.memory_space<vmem_shared>>) target_semaphore(%run_scoped3A : memref<!tpu.dma_semaphore, #tpu.memory_space<semaphore_mem>>)
      %dma_wait3A_152 = arith.constant 0 : i32
      %dma_wait3A_153 = arith.constant 0 : i32
      %dma_wait3A_154 = tpu.memref_slice %arg8[%dma_wait3A_152, %dma_wait3A_153] : memref<224x64xf32, #tpu.memory_space<vmem>> -> memref<128x64xf32, #tpu.memory_space<vmem>>
      %dma_wait3A_155 = arith.constant 0 : i32
      %dma_wait3A_156 = tpu.memref_slice %arg11[%add3A_7, %dma_wait3A_155] : memref<10240x64xf32, #tpu.memory_space<vmem_shared>> -> memref<128x64xf32, #tpu.memory_space<vmem_shared>>
      %dma_wait3A_157 = arith.constant 0 : i32
      %dma_wait3A_158 = tpu.memref_slice %arg11[%add3A_7, %dma_wait3A_157] : memref<10240x64xf32, #tpu.memory_space<vmem_shared>> -> memref<128x64xf32, #tpu.memory_space<vmem_shared>>
      %dma_wait3A_159 = arith.constant 0 : i32
      %dma_wait3A_160 = arith.constant 0 : i32
      %dma_wait3A_161 = tpu.memref_slice %arg8[%dma_wait3A_159, %dma_wait3A_160] : memref<224x64xf32, #tpu.memory_space<vmem>> -> memref<128x64xf32, #tpu.memory_space<vmem>>
      tpu.wait_dma2 semaphore(%run_scoped3A : memref<!tpu.dma_semaphore, #tpu.memory_space<semaphore_mem>>) src(%dma_wait3A_161 : memref<128x64xf32, #tpu.memory_space<vmem>>) dst(%dma_wait3A_158 : memref<128x64xf32, #tpu.memory_space<vmem_shared>>)
      tpu.yield
    }) : () -> ()
    %add3A_8 = arith.constant 128 : i32
    %add3A_9 = arith.addi %mul3A_6, %add3A_8 : i32
    "tpu.region"() ({
      %run_scoped3A = tpu.sem_alloc : memref<!tpu.dma_semaphore, #tpu.memory_space<semaphore_mem>>
      %dma_start3A_142 = arith.constant 0 : i32
      %dma_start3A_143 = arith.constant 0 : i32
      %dma_start3A_144 = tpu.memref_slice %arg8[%dma_start3A_142, %dma_start3A_143] : memref<224x64xf32, #tpu.memory_space<vmem>> -> memref<128x64xf32, #tpu.memory_space<vmem>>
      %dma_start3A_145 = arith.constant 0 : i32
      %dma_start3A_146 = tpu.memref_slice %arg11[%add3A_9, %dma_start3A_145] : memref<10240x64xf32, #tpu.memory_space<vmem_shared>> -> memref<128x64xf32, #tpu.memory_space<vmem_shared>>
      %dma_start3A_147 = arith.constant 0 : i32
      %dma_start3A_148 = tpu.memref_slice %arg11[%add3A_9, %dma_start3A_147] : memref<10240x64xf32, #tpu.memory_space<vmem_shared>> -> memref<128x64xf32, #tpu.memory_space<vmem_shared>>
      %dma_start3A_149 = arith.constant 0 : i32
      %dma_start3A_150 = arith.constant 0 : i32
      %dma_start3A_151 = tpu.memref_slice %arg8[%dma_start3A_149, %dma_start3A_150] : memref<224x64xf32, #tpu.memory_space<vmem>> -> memref<128x64xf32, #tpu.memory_space<vmem>>
      tpu.enqueue_dma source(%dma_start3A_151 : memref<128x64xf32, #tpu.memory_space<vmem>>) target(%dma_start3A_148 : memref<128x64xf32, #tpu.memory_space<vmem_shared>>) target_semaphore(%run_scoped3A : memref<!tpu.dma_semaphore, #tpu.memory_space<semaphore_mem>>)
      %dma_wait3A_152 = arith.constant 0 : i32
      %dma_wait3A_153 = arith.constant 0 : i32
      %dma_wait3A_154 = tpu.memref_slice %arg8[%dma_wait3A_152, %dma_wait3A_153] : memref<224x64xf32, #tpu.memory_space<vmem>> -> memref<128x64xf32, #tpu.memory_space<vmem>>
      %dma_wait3A_155 = arith.constant 0 : i32
      %dma_wait3A_156 = tpu.memref_slice %arg11[%add3A_9, %dma_wait3A_155] : memref<10240x64xf32, #tpu.memory_space<vmem_shared>> -> memref<128x64xf32, #tpu.memory_space<vmem_shared>>
      %dma_wait3A_157 = arith.constant 0 : i32
      %dma_wait3A_158 = tpu.memref_slice %arg11[%add3A_9, %dma_wait3A_157] : memref<10240x64xf32, #tpu.memory_space<vmem_shared>> -> memref<128x64xf32, #tpu.memory_space<vmem_shared>>
      %dma_wait3A_159 = arith.constant 0 : i32
      %dma_wait3A_160 = arith.constant 0 : i32
      %dma_wait3A_161 = tpu.memref_slice %arg8[%dma_wait3A_159, %dma_wait3A_160] : memref<224x64xf32, #tpu.memory_space<vmem>> -> memref<128x64xf32, #tpu.memory_space<vmem>>
      tpu.wait_dma2 semaphore(%run_scoped3A : memref<!tpu.dma_semaphore, #tpu.memory_space<semaphore_mem>>) src(%dma_wait3A_161 : memref<128x64xf32, #tpu.memory_space<vmem>>) dst(%dma_wait3A_158 : memref<128x64xf32, #tpu.memory_space<vmem_shared>>)
      tpu.yield
    }) : () -> ()
    %add3A_10 = arith.constant 256 : i32
    %add3A_11 = arith.addi %mul3A_6, %add3A_10 : i32
    "tpu.region"() ({
      %run_scoped3A = tpu.sem_alloc : memref<!tpu.dma_semaphore, #tpu.memory_space<semaphore_mem>>
      %dma_start3A_142 = arith.constant 0 : i32
      %dma_start3A_143 = arith.constant 0 : i32
      %dma_start3A_144 = tpu.memref_slice %arg8[%dma_start3A_142, %dma_start3A_143] : memref<224x64xf32, #tpu.memory_space<vmem>> -> memref<128x64xf32, #tpu.memory_space<vmem>>
      %dma_start3A_145 = arith.constant 0 : i32
      %dma_start3A_146 = tpu.memref_slice %arg11[%add3A_11, %dma_start3A_145] : memref<10240x64xf32, #tpu.memory_space<vmem_shared>> -> memref<128x64xf32, #tpu.memory_space<vmem_shared>>
      %dma_start3A_147 = arith.constant 0 : i32
      %dma_start3A_148 = tpu.memref_slice %arg11[%add3A_11, %dma_start3A_147] : memref<10240x64xf32, #tpu.memory_space<vmem_shared>> -> memref<128x64xf32, #tpu.memory_space<vmem_shared>>
      %dma_start3A_149 = arith.constant 0 : i32
      %dma_start3A_150 = arith.constant 0 : i32
      %dma_start3A_151 = tpu.memref_slice %arg8[%dma_start3A_149, %dma_start3A_150] : memref<224x64xf32, #tpu.memory_space<vmem>> -> memref<128x64xf32, #tpu.memory_space<vmem>>
      tpu.enqueue_dma source(%dma_start3A_151 : memref<128x64xf32, #tpu.memory_space<vmem>>) target(%dma_start3A_148 : memref<128x64xf32, #tpu.memory_space<vmem_shared>>) target_semaphore(%run_scoped3A : memref<!tpu.dma_semaphore, #tpu.memory_space<semaphore_mem>>)
      %dma_wait3A_152 = arith.constant 0 : i32
      %dma_wait3A_153 = arith.constant 0 : i32
      %dma_wait3A_154 = tpu.memref_slice %arg8[%dma_wait3A_152, %dma_wait3A_153] : memref<224x64xf32, #tpu.memory_space<vmem>> -> memref<128x64xf32, #tpu.memory_space<vmem>>
      %dma_wait3A_155 = arith.constant 0 : i32
      %dma_wait3A_156 = tpu.memref_slice %arg11[%add3A_11, %dma_wait3A_155] : memref<10240x64xf32, #tpu.memory_space<vmem_shared>> -> memref<128x64xf32, #tpu.memory_space<vmem_shared>>
      %dma_wait3A_157 = arith.constant 0 : i32
      %dma_wait3A_158 = tpu.memref_slice %arg11[%add3A_11, %dma_wait3A_157] : memref<10240x64xf32, #tpu.memory_space<vmem_shared>> -> memref<128x64xf32, #tpu.memory_space<vmem_shared>>
      %dma_wait3A_159 = arith.constant 0 : i32
      %dma_wait3A_160 = arith.constant 0 : i32
      %dma_wait3A_161 = tpu.memref_slice %arg8[%dma_wait3A_159, %dma_wait3A_160] : memref<224x64xf32, #tpu.memory_space<vmem>> -> memref<128x64xf32, #tpu.memory_space<vmem>>
      tpu.wait_dma2 semaphore(%run_scoped3A : memref<!tpu.dma_semaphore, #tpu.memory_space<semaphore_mem>>) src(%dma_wait3A_161 : memref<128x64xf32, #tpu.memory_space<vmem>>) dst(%dma_wait3A_158 : memref<128x64xf32, #tpu.memory_space<vmem_shared>>)
      tpu.yield
    }) : () -> ()
    %add3A_12 = arith.constant 384 : i32
    %add3A_13 = arith.addi %mul3A_6, %add3A_12 : i32
    "tpu.region"() ({
      %run_scoped3A = tpu.sem_alloc : memref<!tpu.dma_semaphore, #tpu.memory_space<semaphore_mem>>
      %dma_start3A_142 = arith.constant 0 : i32
      %dma_start3A_143 = arith.constant 0 : i32
      %dma_start3A_144 = tpu.memref_slice %arg8[%dma_start3A_142, %dma_start3A_143] : memref<224x64xf32, #tpu.memory_space<vmem>> -> memref<128x64xf32, #tpu.memory_space<vmem>>
      %dma_start3A_145 = arith.constant 0 : i32
      %dma_start3A_146 = tpu.memref_slice %arg11[%add3A_13, %dma_start3A_145] : memref<10240x64xf32, #tpu.memory_space<vmem_shared>> -> memref<128x64xf32, #tpu.memory_space<vmem_shared>>
      %dma_start3A_147 = arith.constant 0 : i32
      %dma_start3A_148 = tpu.memref_slice %arg11[%add3A_13, %dma_start3A_147] : memref<10240x64xf32, #tpu.memory_space<vmem_shared>> -> memref<128x64xf32, #tpu.memory_space<vmem_shared>>
      %dma_start3A_149 = arith.constant 0 : i32
      %dma_start3A_150 = arith.constant 0 : i32
      %dma_start3A_151 = tpu.memref_slice %arg8[%dma_start3A_149, %dma_start3A_150] : memref<224x64xf32, #tpu.memory_space<vmem>> -> memref<128x64xf32, #tpu.memory_space<vmem>>
      tpu.enqueue_dma source(%dma_start3A_151 : memref<128x64xf32, #tpu.memory_space<vmem>>) target(%dma_start3A_148 : memref<128x64xf32, #tpu.memory_space<vmem_shared>>) target_semaphore(%run_scoped3A : memref<!tpu.dma_semaphore, #tpu.memory_space<semaphore_mem>>)
      %dma_wait3A_152 = arith.constant 0 : i32
      %dma_wait3A_153 = arith.constant 0 : i32
      %dma_wait3A_154 = tpu.memref_slice %arg8[%dma_wait3A_152, %dma_wait3A_153] : memref<224x64xf32, #tpu.memory_space<vmem>> -> memref<128x64xf32, #tpu.memory_space<vmem>>
      %dma_wait3A_155 = arith.constant 0 : i32
      %dma_wait3A_156 = tpu.memref_slice %arg11[%add3A_13, %dma_wait3A_155] : memref<10240x64xf32, #tpu.memory_space<vmem_shared>> -> memref<128x64xf32, #tpu.memory_space<vmem_shared>>
      %dma_wait3A_157 = arith.constant 0 : i32
      %dma_wait3A_158 = tpu.memref_slice %arg11[%add3A_13, %dma_wait3A_157] : memref<10240x64xf32, #tpu.memory_space<vmem_shared>> -> memref<128x64xf32, #tpu.memory_space<vmem_shared>>
      %dma_wait3A_159 = arith.constant 0 : i32
      %dma_wait3A_160 = arith.constant 0 : i32
      %dma_wait3A_161 = tpu.memref_slice %arg8[%dma_wait3A_159, %dma_wait3A_160] : memref<224x64xf32, #tpu.memory_space<vmem>> -> memref<128x64xf32, #tpu.memory_space<vmem>>
      tpu.wait_dma2 semaphore(%run_scoped3A : memref<!tpu.dma_semaphore, #tpu.memory_space<semaphore_mem>>) src(%dma_wait3A_161 : memref<128x64xf32, #tpu.memory_space<vmem>>) dst(%dma_wait3A_158 : memref<128x64xf32, #tpu.memory_space<vmem_shared>>)
      tpu.yield
    }) : () -> ()
    %add3A_14 = arith.constant 512 : i32
    %add3A_15 = arith.addi %mul3A_6, %add3A_14 : i32
    "tpu.region"() ({
      %run_scoped3A = tpu.sem_alloc : memref<!tpu.dma_semaphore, #tpu.memory_space<semaphore_mem>>
      %dma_start3A_142 = arith.constant 0 : i32
      %dma_start3A_143 = arith.constant 0 : i32
      %dma_start3A_144 = tpu.memref_slice %arg8[%dma_start3A_142, %dma_start3A_143] : memref<224x64xf32, #tpu.memory_space<vmem>> -> memref<128x64xf32, #tpu.memory_space<vmem>>
      %dma_start3A_145 = arith.constant 0 : i32
      %dma_start3A_146 = tpu.memref_slice %arg11[%add3A_15, %dma_start3A_145] : memref<10240x64xf32, #tpu.memory_space<vmem_shared>> -> memref<128x64xf32, #tpu.memory_space<vmem_shared>>
      %dma_start3A_147 = arith.constant 0 : i32
      %dma_start3A_148 = tpu.memref_slice %arg11[%add3A_15, %dma_start3A_147] : memref<10240x64xf32, #tpu.memory_space<vmem_shared>> -> memref<128x64xf32, #tpu.memory_space<vmem_shared>>
      %dma_start3A_149 = arith.constant 0 : i32
      %dma_start3A_150 = arith.constant 0 : i32
      %dma_start3A_151 = tpu.memref_slice %arg8[%dma_start3A_149, %dma_start3A_150] : memref<224x64xf32, #tpu.memory_space<vmem>> -> memref<128x64xf32, #tpu.memory_space<vmem>>
      tpu.enqueue_dma source(%dma_start3A_151 : memref<128x64xf32, #tpu.memory_space<vmem>>) target(%dma_start3A_148 : memref<128x64xf32, #tpu.memory_space<vmem_shared>>) target_semaphore(%run_scoped3A : memref<!tpu.dma_semaphore, #tpu.memory_space<semaphore_mem>>)
      %dma_wait3A_152 = arith.constant 0 : i32
      %dma_wait3A_153 = arith.constant 0 : i32
      %dma_wait3A_154 = tpu.memref_slice %arg8[%dma_wait3A_152, %dma_wait3A_153] : memref<224x64xf32, #tpu.memory_space<vmem>> -> memref<128x64xf32, #tpu.memory_space<vmem>>
      %dma_wait3A_155 = arith.constant 0 : i32
      %dma_wait3A_156 = tpu.memref_slice %arg11[%add3A_15, %dma_wait3A_155] : memref<10240x64xf32, #tpu.memory_space<vmem_shared>> -> memref<128x64xf32, #tpu.memory_space<vmem_shared>>
      %dma_wait3A_157 = arith.constant 0 : i32
      %dma_wait3A_158 = tpu.memref_slice %arg11[%add3A_15, %dma_wait3A_157] : memref<10240x64xf32, #tpu.memory_space<vmem_shared>> -> memref<128x64xf32, #tpu.memory_space<vmem_shared>>
      %dma_wait3A_159 = arith.constant 0 : i32
      %dma_wait3A_160 = arith.constant 0 : i32
      %dma_wait3A_161 = tpu.memref_slice %arg8[%dma_wait3A_159, %dma_wait3A_160] : memref<224x64xf32, #tpu.memory_space<vmem>> -> memref<128x64xf32, #tpu.memory_space<vmem>>
      tpu.wait_dma2 semaphore(%run_scoped3A : memref<!tpu.dma_semaphore, #tpu.memory_space<semaphore_mem>>) src(%dma_wait3A_161 : memref<128x64xf32, #tpu.memory_space<vmem>>) dst(%dma_wait3A_158 : memref<128x64xf32, #tpu.memory_space<vmem_shared>>)
      tpu.yield
    }) : () -> ()
    %mul3A_16 = arith.constant 90 : i32
    %mul3A_17 = arith.muli %arg1, %mul3A_16 : i32
    "tpu.region"() ({
      %run_scoped3A = tpu.sem_alloc : memref<!tpu.dma_semaphore, #tpu.memory_space<semaphore_mem>>
      %dma_start3A_142 = arith.constant 0 : i32
      %dma_start3A_143 = tpu.memref_slice %arg3[%arg0, %mul3A_17, %dma_start3A_142] : memref<2x1442x224xi32, #tpu.memory_space<hbm>> -> memref<1x92x224xi32, #tpu.memory_space<hbm>>
      %dma_start3A_144 = tpu.memref_squeeze %dma_start3A_143 : memref<1x92x224xi32, #tpu.memory_space<hbm>> -> memref<92x224xi32, #tpu.memory_space<hbm>>
      %dma_start3A_145 = arith.constant 0 : i32
      %dma_start3A_146 = tpu.memref_slice %arg3[%arg0, %mul3A_17, %dma_start3A_145] : memref<2x1442x224xi32, #tpu.memory_space<hbm>> -> memref<1x92x224xi32, #tpu.memory_space<hbm>>
      %dma_start3A_147 = tpu.memref_squeeze %dma_start3A_146 : memref<1x92x224xi32, #tpu.memory_space<hbm>> -> memref<92x224xi32, #tpu.memory_space<hbm>>
      tpu.enqueue_dma source(%dma_start3A_147 : memref<92x224xi32, #tpu.memory_space<hbm>>) target(%arg6 : memref<92x224xi32, #tpu.memory_space<vmem>>) target_semaphore(%run_scoped3A : memref<!tpu.dma_semaphore, #tpu.memory_space<semaphore_mem>>)
      %dma_wait3A_148 = arith.constant 0 : i32
      %dma_wait3A_149 = tpu.memref_slice %arg3[%arg0, %mul3A_17, %dma_wait3A_148] : memref<2x1442x224xi32, #tpu.memory_space<hbm>> -> memref<1x92x224xi32, #tpu.memory_space<hbm>>
      %dma_wait3A_150 = tpu.memref_squeeze %dma_wait3A_149 : memref<1x92x224xi32, #tpu.memory_space<hbm>> -> memref<92x224xi32, #tpu.memory_space<hbm>>
      %dma_wait3A_151 = arith.constant 0 : i32
      %dma_wait3A_152 = tpu.memref_slice %arg3[%arg0, %mul3A_17, %dma_wait3A_151] : memref<2x1442x224xi32, #tpu.memory_space<hbm>> -> memref<1x92x224xi32, #tpu.memory_space<hbm>>
      %dma_wait3A_153 = tpu.memref_squeeze %dma_wait3A_152 : memref<1x92x224xi32, #tpu.memory_space<hbm>> -> memref<92x224xi32, #tpu.memory_space<hbm>>
      tpu.wait_dma2 semaphore(%run_scoped3A : memref<!tpu.dma_semaphore, #tpu.memory_space<semaphore_mem>>) src(%dma_wait3A_153 : memref<92x224xi32, #tpu.memory_space<hbm>>) dst(%arg6 : memref<92x224xi32, #tpu.memory_space<vmem>>)
      tpu.yield
    }) : () -> ()
    "tpu.region"() ({
      %run_scoped3A = tpu.sem_alloc : memref<!tpu.dma_semaphore, #tpu.memory_space<semaphore_mem>>
      %dma_start3A_142 = arith.constant 0 : i32
      %dma_start3A_143 = tpu.memref_slice %arg4[%mul3A_17, %dma_start3A_142] : memref<1440x224xi32, #tpu.memory_space<hbm>> -> memref<90x224xi32, #tpu.memory_space<hbm>>
      %dma_start3A_144 = arith.constant 0 : i32
      %dma_start3A_145 = tpu.memref_slice %arg4[%mul3A_17, %dma_start3A_144] : memref<1440x224xi32, #tpu.memory_space<hbm>> -> memref<90x224xi32, #tpu.memory_space<hbm>>
      tpu.enqueue_dma source(%dma_start3A_145 : memref<90x224xi32, #tpu.memory_space<hbm>>) target(%arg7 : memref<90x224xi32, #tpu.memory_space<vmem>>) target_semaphore(%run_scoped3A : memref<!tpu.dma_semaphore, #tpu.memory_space<semaphore_mem>>)
      %dma_wait3A_146 = arith.constant 0 : i32
      %dma_wait3A_147 = tpu.memref_slice %arg4[%mul3A_17, %dma_wait3A_146] : memref<1440x224xi32, #tpu.memory_space<hbm>> -> memref<90x224xi32, #tpu.memory_space<hbm>>
      %dma_wait3A_148 = arith.constant 0 : i32
      %dma_wait3A_149 = tpu.memref_slice %arg4[%mul3A_17, %dma_wait3A_148] : memref<1440x224xi32, #tpu.memory_space<hbm>> -> memref<90x224xi32, #tpu.memory_space<hbm>>
      tpu.wait_dma2 semaphore(%run_scoped3A : memref<!tpu.dma_semaphore, #tpu.memory_space<semaphore_mem>>) src(%dma_wait3A_149 : memref<90x224xi32, #tpu.memory_space<hbm>>) dst(%arg7 : memref<90x224xi32, #tpu.memory_space<vmem>>)
      tpu.yield
    }) : () -> ()
    %dma_start3A = arith.constant 0 : i32
    %dma_start3A_18 = arith.constant 0 : i32
    %dma_start3A_19 = tpu.memref_slice %arg6[%dma_start3A, %dma_start3A_18] : memref<92x224xi32, #tpu.memory_space<vmem>> -> memref<1x224xi32, #tpu.memory_space<vmem>>
    %dma_start3A_20 = tpu.memref_squeeze %dma_start3A_19 : memref<1x224xi32, #tpu.memory_space<vmem>> -> memref<224xi32, #tpu.memory_space<vmem>>
    %dma_start3A_21 = arith.constant 0 : i32
    %dma_start3A_22 = arith.constant 0 : i32
    %dma_start3A_23 = tpu.memref_slice %arg2[%dma_start3A_21, %dma_start3A_22] : memref<20000x64xf32, #tpu.memory_space<hbm>> -> memref<20000x64xf32, #tpu.memory_space<hbm>>
    tpu.enqueue_indirect_dma source(%dma_start3A_23 : memref<20000x64xf32, #tpu.memory_space<hbm>>) target(%arg8 : memref<224x64xf32, #tpu.memory_space<vmem>>) offsets(%dma_start3A_20 : memref<224xi32, #tpu.memory_space<vmem>>) semaphore(%arg12 : memref<!tpu.dma_semaphore, #tpu.memory_space<semaphore_mem>>)
    %dma_start3A_24 = arith.constant 1 : i32
    %dma_start3A_25 = arith.constant 0 : i32
    %dma_start3A_26 = tpu.memref_slice %arg6[%dma_start3A_24, %dma_start3A_25] : memref<92x224xi32, #tpu.memory_space<vmem>> -> memref<1x224xi32, #tpu.memory_space<vmem>>
    %dma_start3A_27 = tpu.memref_squeeze %dma_start3A_26 : memref<1x224xi32, #tpu.memory_space<vmem>> -> memref<224xi32, #tpu.memory_space<vmem>>
    %dma_start3A_28 = arith.constant 0 : i32
    %dma_start3A_29 = arith.constant 0 : i32
    %dma_start3A_30 = tpu.memref_slice %arg2[%dma_start3A_28, %dma_start3A_29] : memref<20000x64xf32, #tpu.memory_space<hbm>> -> memref<20000x64xf32, #tpu.memory_space<hbm>>
    tpu.enqueue_indirect_dma source(%dma_start3A_30 : memref<20000x64xf32, #tpu.memory_space<hbm>>) target(%arg9 : memref<224x64xf32, #tpu.memory_space<vmem>>) offsets(%dma_start3A_27 : memref<224xi32, #tpu.memory_space<vmem>>) semaphore(%arg13 : memref<!tpu.dma_semaphore, #tpu.memory_space<semaphore_mem>>)
    %barrier3A = arith.constant 0 : index
    tpu.barrier barrier_id(%barrier3A)
    %dma_wait3A = arith.constant 0 : i32
    %dma_wait3A_31 = arith.constant 0 : i32
    %dma_wait3A_32 = tpu.memref_slice %arg6[%dma_wait3A, %dma_wait3A_31] : memref<92x224xi32, #tpu.memory_space<vmem>> -> memref<1x224xi32, #tpu.memory_space<vmem>>
    %dma_wait3A_33 = tpu.memref_squeeze %dma_wait3A_32 : memref<1x224xi32, #tpu.memory_space<vmem>> -> memref<224xi32, #tpu.memory_space<vmem>>
    %dma_wait3A_34 = arith.constant 0 : i32
    %dma_wait3A_35 = arith.constant 0 : i32
    %dma_wait3A_36 = tpu.memref_slice %arg2[%dma_wait3A_34, %dma_wait3A_35] : memref<20000x64xf32, #tpu.memory_space<hbm>> -> memref<20000x64xf32, #tpu.memory_space<hbm>>
    tpu.wait_indirect_dma semaphore(%arg12 : memref<!tpu.dma_semaphore, #tpu.memory_space<semaphore_mem>>) src(%dma_wait3A_36 : memref<20000x64xf32, #tpu.memory_space<hbm>>) dst(%arg8 : memref<224x64xf32, #tpu.memory_space<vmem>>)
    %dma_start3A_37 = arith.constant 0 : i32
    %dma_start3A_38 = arith.constant 0 : i32
    %dma_start3A_39 = tpu.memref_slice %arg7[%dma_start3A_37, %dma_start3A_38] : memref<90x224xi32, #tpu.memory_space<vmem>> -> memref<1x224xi32, #tpu.memory_space<vmem>>
    %dma_start3A_40 = tpu.memref_squeeze %dma_start3A_39 : memref<1x224xi32, #tpu.memory_space<vmem>> -> memref<224xi32, #tpu.memory_space<vmem>>
    %dma_start3A_41 = arith.constant 0 : i32
    %dma_start3A_42 = arith.constant 0 : i32
    %dma_start3A_43 = tpu.memref_slice %arg11[%dma_start3A_41, %dma_start3A_42] : memref<10240x64xf32, #tpu.memory_space<vmem_shared>> -> memref<10240x64xf32, #tpu.memory_space<vmem_shared>>
    tpu.enqueue_indirect_dma source(%arg8 : memref<224x64xf32, #tpu.memory_space<vmem>>) target(%dma_start3A_43 : memref<10240x64xf32, #tpu.memory_space<vmem_shared>>) offsets(%dma_start3A_40 : memref<224xi32, #tpu.memory_space<vmem>>) semaphore(%arg15 : memref<!tpu.dma_semaphore, #tpu.memory_space<semaphore_mem>>) {add = true}
    %dma_start3A_44 = arith.constant 2 : i32
    %dma_start3A_45 = arith.constant 0 : i32
    %dma_start3A_46 = tpu.memref_slice %arg6[%dma_start3A_44, %dma_start3A_45] : memref<92x224xi32, #tpu.memory_space<vmem>> -> memref<1x224xi32, #tpu.memory_space<vmem>>
    %dma_start3A_47 = tpu.memref_squeeze %dma_start3A_46 : memref<1x224xi32, #tpu.memory_space<vmem>> -> memref<224xi32, #tpu.memory_space<vmem>>
    %dma_start3A_48 = arith.constant 0 : i32
    %dma_start3A_49 = arith.constant 0 : i32
    %dma_start3A_50 = tpu.memref_slice %arg2[%dma_start3A_48, %dma_start3A_49] : memref<20000x64xf32, #tpu.memory_space<hbm>> -> memref<20000x64xf32, #tpu.memory_space<hbm>>
    tpu.enqueue_indirect_dma source(%dma_start3A_50 : memref<20000x64xf32, #tpu.memory_space<hbm>>) target(%arg10 : memref<224x64xf32, #tpu.memory_space<vmem>>) offsets(%dma_start3A_47 : memref<224xi32, #tpu.memory_space<vmem>>) semaphore(%arg14 : memref<!tpu.dma_semaphore, #tpu.memory_space<semaphore_mem>>)
    %scan3A_51 = arith.constant 0 : i32
    %scan3A_52 = arith.constant 0 : i32
    %scan3A_53 = arith.constant 29 : i32
    %scan3A_54 = arith.addi %scan3A_52, %scan3A_53 : i32
    %scan3A_55 = arith.constant 1 : i32
    %scan3A_56 = scf.for %scan3A_142 = %scan3A_52 to %scan3A_54 step %scan3A_55 iter_args(%scan3A_143 = %scan3A_51) -> (i32)  : i32 {
      %mul3A_144 = arith.constant 3 : i32
      %mul3A_145 = arith.muli %scan3A_142, %mul3A_144 : i32
      %add3A_146 = arith.constant 1 : i32
      %add3A_147 = arith.addi %add3A_146, %mul3A_145 : i32
      %add3A_148 = arith.constant 0 : i32
      %add3A_149 = arith.addi %add3A_147, %add3A_148 : i32
      %dma_wait3A_150 = arith.constant 0 : i32
      %dma_wait3A_151 = tpu.memref_slice %arg6[%add3A_149, %dma_wait3A_150] : memref<92x224xi32, #tpu.memory_space<vmem>> -> memref<1x224xi32, #tpu.memory_space<vmem>>
      %dma_wait3A_152 = tpu.memref_squeeze %dma_wait3A_151 : memref<1x224xi32, #tpu.memory_space<vmem>> -> memref<224xi32, #tpu.memory_space<vmem>>
      %dma_wait3A_153 = arith.constant 0 : i32
      %dma_wait3A_154 = arith.constant 0 : i32
      %dma_wait3A_155 = tpu.memref_slice %arg2[%dma_wait3A_153, %dma_wait3A_154] : memref<20000x64xf32, #tpu.memory_space<hbm>> -> memref<20000x64xf32, #tpu.memory_space<hbm>>
      tpu.wait_indirect_dma semaphore(%arg13 : memref<!tpu.dma_semaphore, #tpu.memory_space<semaphore_mem>>) src(%dma_wait3A_155 : memref<20000x64xf32, #tpu.memory_space<hbm>>) dst(%arg9 : memref<224x64xf32, #tpu.memory_space<vmem>>)
      %dma_start3A_156 = arith.constant 0 : i32
      %dma_start3A_157 = tpu.memref_slice %arg7[%add3A_149, %dma_start3A_156] : memref<90x224xi32, #tpu.memory_space<vmem>> -> memref<1x224xi32, #tpu.memory_space<vmem>>
      %dma_start3A_158 = tpu.memref_squeeze %dma_start3A_157 : memref<1x224xi32, #tpu.memory_space<vmem>> -> memref<224xi32, #tpu.memory_space<vmem>>
      %dma_start3A_159 = arith.constant 0 : i32
      %dma_start3A_160 = arith.constant 0 : i32
      %dma_start3A_161 = tpu.memref_slice %arg11[%dma_start3A_159, %dma_start3A_160] : memref<10240x64xf32, #tpu.memory_space<vmem_shared>> -> memref<10240x64xf32, #tpu.memory_space<vmem_shared>>
      tpu.enqueue_indirect_dma source(%arg9 : memref<224x64xf32, #tpu.memory_space<vmem>>) target(%dma_start3A_161 : memref<10240x64xf32, #tpu.memory_space<vmem_shared>>) offsets(%dma_start3A_158 : memref<224xi32, #tpu.memory_space<vmem>>) semaphore(%arg16 : memref<!tpu.dma_semaphore, #tpu.memory_space<semaphore_mem>>) {add = true}
      %dma_wait3A_162 = arith.constant 0 : i32
      %dma_wait3A_163 = arith.constant 0 : i32
      %dma_wait3A_164 = tpu.memref_slice %arg7[%dma_wait3A_162, %dma_wait3A_163] : memref<90x224xi32, #tpu.memory_space<vmem>> -> memref<1x224xi32, #tpu.memory_space<vmem>>
      %dma_wait3A_165 = tpu.memref_squeeze %dma_wait3A_164 : memref<1x224xi32, #tpu.memory_space<vmem>> -> memref<224xi32, #tpu.memory_space<vmem>>
      %dma_wait3A_166 = arith.constant 0 : i32
      %dma_wait3A_167 = arith.constant 0 : i32
      %dma_wait3A_168 = tpu.memref_slice %arg11[%dma_wait3A_166, %dma_wait3A_167] : memref<10240x64xf32, #tpu.memory_space<vmem_shared>> -> memref<10240x64xf32, #tpu.memory_space<vmem_shared>>
      tpu.wait_indirect_dma semaphore(%arg15 : memref<!tpu.dma_semaphore, #tpu.memory_space<semaphore_mem>>) src(%arg8 : memref<224x64xf32, #tpu.memory_space<vmem>>) dst(%dma_wait3A_168 : memref<10240x64xf32, #tpu.memory_space<vmem_shared>>)
      %add3A_169 = arith.constant 2 : i32
      %add3A_170 = arith.addi %add3A_149, %add3A_169 : i32
      %dma_start3A_171 = arith.constant 0 : i32
      %dma_start3A_172 = tpu.memref_slice %arg6[%add3A_170, %dma_start3A_171] : memref<92x224xi32, #tpu.memory_space<vmem>> -> memref<1x224xi32, #tpu.memory_space<vmem>>
      %dma_start3A_173 = tpu.memref_squeeze %dma_start3A_172 : memref<1x224xi32, #tpu.memory_space<vmem>> -> memref<224xi32, #tpu.memory_space<vmem>>
      %dma_start3A_174 = arith.constant 0 : i32
      %dma_start3A_175 = arith.constant 0 : i32
      %dma_start3A_176 = tpu.memref_slice %arg2[%dma_start3A_174, %dma_start3A_175] : memref<20000x64xf32, #tpu.memory_space<hbm>> -> memref<20000x64xf32, #tpu.memory_space<hbm>>
      tpu.enqueue_indirect_dma source(%dma_start3A_176 : memref<20000x64xf32, #tpu.memory_space<hbm>>) target(%arg8 : memref<224x64xf32, #tpu.memory_space<vmem>>) offsets(%dma_start3A_173 : memref<224xi32, #tpu.memory_space<vmem>>) semaphore(%arg12 : memref<!tpu.dma_semaphore, #tpu.memory_space<semaphore_mem>>)
      %mul3A_177 = arith.constant 3 : i32
      %mul3A_178 = arith.muli %scan3A_142, %mul3A_177 : i32
      %add3A_179 = arith.constant 1 : i32
      %add3A_180 = arith.addi %add3A_179, %mul3A_178 : i32
      %add3A_181 = arith.constant 1 : i32
      %add3A_182 = arith.addi %add3A_180, %add3A_181 : i32
      %dma_wait3A_183 = arith.constant 0 : i32
      %dma_wait3A_184 = tpu.memref_slice %arg6[%add3A_182, %dma_wait3A_183] : memref<92x224xi32, #tpu.memory_space<vmem>> -> memref<1x224xi32, #tpu.memory_space<vmem>>
      %dma_wait3A_185 = tpu.memref_squeeze %dma_wait3A_184 : memref<1x224xi32, #tpu.memory_space<vmem>> -> memref<224xi32, #tpu.memory_space<vmem>>
      %dma_wait3A_186 = arith.constant 0 : i32
      %dma_wait3A_187 = arith.constant 0 : i32
      %dma_wait3A_188 = tpu.memref_slice %arg2[%dma_wait3A_186, %dma_wait3A_187] : memref<20000x64xf32, #tpu.memory_space<hbm>> -> memref<20000x64xf32, #tpu.memory_space<hbm>>
      tpu.wait_indirect_dma semaphore(%arg14 : memref<!tpu.dma_semaphore, #tpu.memory_space<semaphore_mem>>) src(%dma_wait3A_188 : memref<20000x64xf32, #tpu.memory_space<hbm>>) dst(%arg10 : memref<224x64xf32, #tpu.memory_space<vmem>>)
      %dma_start3A_189 = arith.constant 0 : i32
      %dma_start3A_190 = tpu.memref_slice %arg7[%add3A_182, %dma_start3A_189] : memref<90x224xi32, #tpu.memory_space<vmem>> -> memref<1x224xi32, #tpu.memory_space<vmem>>
      %dma_start3A_191 = tpu.memref_squeeze %dma_start3A_190 : memref<1x224xi32, #tpu.memory_space<vmem>> -> memref<224xi32, #tpu.memory_space<vmem>>
      %dma_start3A_192 = arith.constant 0 : i32
      %dma_start3A_193 = arith.constant 0 : i32
      %dma_start3A_194 = tpu.memref_slice %arg11[%dma_start3A_192, %dma_start3A_193] : memref<10240x64xf32, #tpu.memory_space<vmem_shared>> -> memref<10240x64xf32, #tpu.memory_space<vmem_shared>>
      tpu.enqueue_indirect_dma source(%arg10 : memref<224x64xf32, #tpu.memory_space<vmem>>) target(%dma_start3A_194 : memref<10240x64xf32, #tpu.memory_space<vmem_shared>>) offsets(%dma_start3A_191 : memref<224xi32, #tpu.memory_space<vmem>>) semaphore(%arg17 : memref<!tpu.dma_semaphore, #tpu.memory_space<semaphore_mem>>) {add = true}
      %dma_wait3A_195 = arith.constant 0 : i32
      %dma_wait3A_196 = arith.constant 0 : i32
      %dma_wait3A_197 = tpu.memref_slice %arg7[%dma_wait3A_195, %dma_wait3A_196] : memref<90x224xi32, #tpu.memory_space<vmem>> -> memref<1x224xi32, #tpu.memory_space<vmem>>
      %dma_wait3A_198 = tpu.memref_squeeze %dma_wait3A_197 : memref<1x224xi32, #tpu.memory_space<vmem>> -> memref<224xi32, #tpu.memory_space<vmem>>
      %dma_wait3A_199 = arith.constant 0 : i32
      %dma_wait3A_200 = arith.constant 0 : i32
      %dma_wait3A_201 = tpu.memref_slice %arg11[%dma_wait3A_199, %dma_wait3A_200] : memref<10240x64xf32, #tpu.memory_space<vmem_shared>> -> memref<10240x64xf32, #tpu.memory_space<vmem_shared>>
      tpu.wait_indirect_dma semaphore(%arg16 : memref<!tpu.dma_semaphore, #tpu.memory_space<semaphore_mem>>) src(%arg9 : memref<224x64xf32, #tpu.memory_space<vmem>>) dst(%dma_wait3A_201 : memref<10240x64xf32, #tpu.memory_space<vmem_shared>>)
      %add3A_202 = arith.constant 2 : i32
      %add3A_203 = arith.addi %add3A_182, %add3A_202 : i32
      %dma_start3A_204 = arith.constant 0 : i32
      %dma_start3A_205 = tpu.memref_slice %arg6[%add3A_203, %dma_start3A_204] : memref<92x224xi32, #tpu.memory_space<vmem>> -> memref<1x224xi32, #tpu.memory_space<vmem>>
      %dma_start3A_206 = tpu.memref_squeeze %dma_start3A_205 : memref<1x224xi32, #tpu.memory_space<vmem>> -> memref<224xi32, #tpu.memory_space<vmem>>
      %dma_start3A_207 = arith.constant 0 : i32
      %dma_start3A_208 = arith.constant 0 : i32
      %dma_start3A_209 = tpu.memref_slice %arg2[%dma_start3A_207, %dma_start3A_208] : memref<20000x64xf32, #tpu.memory_space<hbm>> -> memref<20000x64xf32, #tpu.memory_space<hbm>>
      tpu.enqueue_indirect_dma source(%dma_start3A_209 : memref<20000x64xf32, #tpu.memory_space<hbm>>) target(%arg9 : memref<224x64xf32, #tpu.memory_space<vmem>>) offsets(%dma_start3A_206 : memref<224xi32, #tpu.memory_space<vmem>>) semaphore(%arg13 : memref<!tpu.dma_semaphore, #tpu.memory_space<semaphore_mem>>)
      %mul3A_210 = arith.constant 3 : i32
      %mul3A_211 = arith.muli %scan3A_142, %mul3A_210 : i32
      %add3A_212 = arith.constant 1 : i32
      %add3A_213 = arith.addi %add3A_212, %mul3A_211 : i32
      %add3A_214 = arith.constant 2 : i32
      %add3A_215 = arith.addi %add3A_213, %add3A_214 : i32
      %dma_wait3A_216 = arith.constant 0 : i32
      %dma_wait3A_217 = tpu.memref_slice %arg6[%add3A_215, %dma_wait3A_216] : memref<92x224xi32, #tpu.memory_space<vmem>> -> memref<1x224xi32, #tpu.memory_space<vmem>>
      %dma_wait3A_218 = tpu.memref_squeeze %dma_wait3A_217 : memref<1x224xi32, #tpu.memory_space<vmem>> -> memref<224xi32, #tpu.memory_space<vmem>>
      %dma_wait3A_219 = arith.constant 0 : i32
      %dma_wait3A_220 = arith.constant 0 : i32
      %dma_wait3A_221 = tpu.memref_slice %arg2[%dma_wait3A_219, %dma_wait3A_220] : memref<20000x64xf32, #tpu.memory_space<hbm>> -> memref<20000x64xf32, #tpu.memory_space<hbm>>
      tpu.wait_indirect_dma semaphore(%arg12 : memref<!tpu.dma_semaphore, #tpu.memory_space<semaphore_mem>>) src(%dma_wait3A_221 : memref<20000x64xf32, #tpu.memory_space<hbm>>) dst(%arg8 : memref<224x64xf32, #tpu.memory_space<vmem>>)
      %dma_start3A_222 = arith.constant 0 : i32
      %dma_start3A_223 = tpu.memref_slice %arg7[%add3A_215, %dma_start3A_222] : memref<90x224xi32, #tpu.memory_space<vmem>> -> memref<1x224xi32, #tpu.memory_space<vmem>>
      %dma_start3A_224 = tpu.memref_squeeze %dma_start3A_223 : memref<1x224xi32, #tpu.memory_space<vmem>> -> memref<224xi32, #tpu.memory_space<vmem>>
      %dma_start3A_225 = arith.constant 0 : i32
      %dma_start3A_226 = arith.constant 0 : i32
      %dma_start3A_227 = tpu.memref_slice %arg11[%dma_start3A_225, %dma_start3A_226] : memref<10240x64xf32, #tpu.memory_space<vmem_shared>> -> memref<10240x64xf32, #tpu.memory_space<vmem_shared>>
      tpu.enqueue_indirect_dma source(%arg8 : memref<224x64xf32, #tpu.memory_space<vmem>>) target(%dma_start3A_227 : memref<10240x64xf32, #tpu.memory_space<vmem_shared>>) offsets(%dma_start3A_224 : memref<224xi32, #tpu.memory_space<vmem>>) semaphore(%arg15 : memref<!tpu.dma_semaphore, #tpu.memory_space<semaphore_mem>>) {add = true}
      %dma_wait3A_228 = arith.constant 0 : i32
      %dma_wait3A_229 = arith.constant 0 : i32
      %dma_wait3A_230 = tpu.memref_slice %arg7[%dma_wait3A_228, %dma_wait3A_229] : memref<90x224xi32, #tpu.memory_space<vmem>> -> memref<1x224xi32, #tpu.memory_space<vmem>>
      %dma_wait3A_231 = tpu.memref_squeeze %dma_wait3A_230 : memref<1x224xi32, #tpu.memory_space<vmem>> -> memref<224xi32, #tpu.memory_space<vmem>>
      %dma_wait3A_232 = arith.constant 0 : i32
      %dma_wait3A_233 = arith.constant 0 : i32
      %dma_wait3A_234 = tpu.memref_slice %arg11[%dma_wait3A_232, %dma_wait3A_233] : memref<10240x64xf32, #tpu.memory_space<vmem_shared>> -> memref<10240x64xf32, #tpu.memory_space<vmem_shared>>
      tpu.wait_indirect_dma semaphore(%arg17 : memref<!tpu.dma_semaphore, #tpu.memory_space<semaphore_mem>>) src(%arg10 : memref<224x64xf32, #tpu.memory_space<vmem>>) dst(%dma_wait3A_234 : memref<10240x64xf32, #tpu.memory_space<vmem_shared>>)
      %add3A_235 = arith.constant 2 : i32
      %add3A_236 = arith.addi %add3A_215, %add3A_235 : i32
      %dma_start3A_237 = arith.constant 0 : i32
      %dma_start3A_238 = tpu.memref_slice %arg6[%add3A_236, %dma_start3A_237] : memref<92x224xi32, #tpu.memory_space<vmem>> -> memref<1x224xi32, #tpu.memory_space<vmem>>
      %dma_start3A_239 = tpu.memref_squeeze %dma_start3A_238 : memref<1x224xi32, #tpu.memory_space<vmem>> -> memref<224xi32, #tpu.memory_space<vmem>>
      %dma_start3A_240 = arith.constant 0 : i32
      %dma_start3A_241 = arith.constant 0 : i32
      %dma_start3A_242 = tpu.memref_slice %arg2[%dma_start3A_240, %dma_start3A_241] : memref<20000x64xf32, #tpu.memory_space<hbm>> -> memref<20000x64xf32, #tpu.memory_space<hbm>>
      tpu.enqueue_indirect_dma source(%dma_start3A_242 : memref<20000x64xf32, #tpu.memory_space<hbm>>) target(%arg10 : memref<224x64xf32, #tpu.memory_space<vmem>>) offsets(%dma_start3A_239 : memref<224xi32, #tpu.memory_space<vmem>>) semaphore(%arg14 : memref<!tpu.dma_semaphore, #tpu.memory_space<semaphore_mem>>)
      %scan3A_243 = arith.constant 0 : i32
      scf.yield %scan3A_243 : i32
    }
    %scan3A_57 = arith.constant 29 : i32
    %dma_wait3A_58 = arith.constant 88 : i32
    %dma_wait3A_59 = arith.constant 0 : i32
    %dma_wait3A_60 = tpu.memref_slice %arg6[%dma_wait3A_58, %dma_wait3A_59] : memref<92x224xi32, #tpu.memory_space<vmem>> -> memref<1x224xi32, #tpu.memory_space<vmem>>
    %dma_wait3A_61 = tpu.memref_squeeze %dma_wait3A_60 : memref<1x224xi32, #tpu.memory_space<vmem>> -> memref<224xi32, #tpu.memory_space<vmem>>
    %dma_wait3A_62 = arith.constant 0 : i32
    %dma_wait3A_63 = arith.constant 0 : i32
    %dma_wait3A_64 = tpu.memref_slice %arg2[%dma_wait3A_62, %dma_wait3A_63] : memref<20000x64xf32, #tpu.memory_space<hbm>> -> memref<20000x64xf32, #tpu.memory_space<hbm>>
    tpu.wait_indirect_dma semaphore(%arg13 : memref<!tpu.dma_semaphore, #tpu.memory_space<semaphore_mem>>) src(%dma_wait3A_64 : memref<20000x64xf32, #tpu.memory_space<hbm>>) dst(%arg9 : memref<224x64xf32, #tpu.memory_space<vmem>>)
    %dma_start3A_65 = arith.constant 88 : i32
    %dma_start3A_66 = arith.constant 0 : i32
    %dma_start3A_67 = tpu.memref_slice %arg7[%dma_start3A_65, %dma_start3A_66] : memref<90x224xi32, #tpu.memory_space<vmem>> -> memref<1x224xi32, #tpu.memory_space<vmem>>
    %dma_start3A_68 = tpu.memref_squeeze %dma_start3A_67 : memref<1x224xi32, #tpu.memory_space<vmem>> -> memref<224xi32, #tpu.memory_space<vmem>>
    %dma_start3A_69 = arith.constant 0 : i32
    %dma_start3A_70 = arith.constant 0 : i32
    %dma_start3A_71 = tpu.memref_slice %arg11[%dma_start3A_69, %dma_start3A_70] : memref<10240x64xf32, #tpu.memory_space<vmem_shared>> -> memref<10240x64xf32, #tpu.memory_space<vmem_shared>>
    tpu.enqueue_indirect_dma source(%arg9 : memref<224x64xf32, #tpu.memory_space<vmem>>) target(%dma_start3A_71 : memref<10240x64xf32, #tpu.memory_space<vmem_shared>>) offsets(%dma_start3A_68 : memref<224xi32, #tpu.memory_space<vmem>>) semaphore(%arg16 : memref<!tpu.dma_semaphore, #tpu.memory_space<semaphore_mem>>) {add = true}
    %dma_wait3A_72 = arith.constant 0 : i32
    %dma_wait3A_73 = arith.constant 0 : i32
    %dma_wait3A_74 = tpu.memref_slice %arg7[%dma_wait3A_72, %dma_wait3A_73] : memref<90x224xi32, #tpu.memory_space<vmem>> -> memref<1x224xi32, #tpu.memory_space<vmem>>
    %dma_wait3A_75 = tpu.memref_squeeze %dma_wait3A_74 : memref<1x224xi32, #tpu.memory_space<vmem>> -> memref<224xi32, #tpu.memory_space<vmem>>
    %dma_wait3A_76 = arith.constant 0 : i32
    %dma_wait3A_77 = arith.constant 0 : i32
    %dma_wait3A_78 = tpu.memref_slice %arg11[%dma_wait3A_76, %dma_wait3A_77] : memref<10240x64xf32, #tpu.memory_space<vmem_shared>> -> memref<10240x64xf32, #tpu.memory_space<vmem_shared>>
    tpu.wait_indirect_dma semaphore(%arg15 : memref<!tpu.dma_semaphore, #tpu.memory_space<semaphore_mem>>) src(%arg8 : memref<224x64xf32, #tpu.memory_space<vmem>>) dst(%dma_wait3A_78 : memref<10240x64xf32, #tpu.memory_space<vmem_shared>>)
    %dma_start3A_79 = arith.constant 90 : i32
    %dma_start3A_80 = arith.constant 0 : i32
    %dma_start3A_81 = tpu.memref_slice %arg6[%dma_start3A_79, %dma_start3A_80] : memref<92x224xi32, #tpu.memory_space<vmem>> -> memref<1x224xi32, #tpu.memory_space<vmem>>
    %dma_start3A_82 = tpu.memref_squeeze %dma_start3A_81 : memref<1x224xi32, #tpu.memory_space<vmem>> -> memref<224xi32, #tpu.memory_space<vmem>>
    %dma_start3A_83 = arith.constant 0 : i32
    %dma_start3A_84 = arith.constant 0 : i32
    %dma_start3A_85 = tpu.memref_slice %arg2[%dma_start3A_83, %dma_start3A_84] : memref<20000x64xf32, #tpu.memory_space<hbm>> -> memref<20000x64xf32, #tpu.memory_space<hbm>>
    tpu.enqueue_indirect_dma source(%dma_start3A_85 : memref<20000x64xf32, #tpu.memory_space<hbm>>) target(%arg8 : memref<224x64xf32, #tpu.memory_space<vmem>>) offsets(%dma_start3A_82 : memref<224xi32, #tpu.memory_space<vmem>>) semaphore(%arg12 : memref<!tpu.dma_semaphore, #tpu.memory_space<semaphore_mem>>)
    %dma_wait3A_86 = arith.constant 89 : i32
    %dma_wait3A_87 = arith.constant 0 : i32
    %dma_wait3A_88 = tpu.memref_slice %arg6[%dma_wait3A_86, %dma_wait3A_87] : memref<92x224xi32, #tpu.memory_space<vmem>> -> memref<1x224xi32, #tpu.memory_space<vmem>>
    %dma_wait3A_89 = tpu.memref_squeeze %dma_wait3A_88 : memref<1x224xi32, #tpu.memory_space<vmem>> -> memref<224xi32, #tpu.memory_space<vmem>>
    %dma_wait3A_90 = arith.constant 0 : i32
    %dma_wait3A_91 = arith.constant 0 : i32
    %dma_wait3A_92 = tpu.memref_slice %arg2[%dma_wait3A_90, %dma_wait3A_91] : memref<20000x64xf32, #tpu.memory_space<hbm>> -> memref<20000x64xf32, #tpu.memory_space<hbm>>
    tpu.wait_indirect_dma semaphore(%arg14 : memref<!tpu.dma_semaphore, #tpu.memory_space<semaphore_mem>>) src(%dma_wait3A_92 : memref<20000x64xf32, #tpu.memory_space<hbm>>) dst(%arg10 : memref<224x64xf32, #tpu.memory_space<vmem>>)
    %dma_start3A_93 = arith.constant 89 : i32
    %dma_start3A_94 = arith.constant 0 : i32
    %dma_start3A_95 = tpu.memref_slice %arg7[%dma_start3A_93, %dma_start3A_94] : memref<90x224xi32, #tpu.memory_space<vmem>> -> memref<1x224xi32, #tpu.memory_space<vmem>>
    %dma_start3A_96 = tpu.memref_squeeze %dma_start3A_95 : memref<1x224xi32, #tpu.memory_space<vmem>> -> memref<224xi32, #tpu.memory_space<vmem>>
    %dma_start3A_97 = arith.constant 0 : i32
    %dma_start3A_98 = arith.constant 0 : i32
    %dma_start3A_99 = tpu.memref_slice %arg11[%dma_start3A_97, %dma_start3A_98] : memref<10240x64xf32, #tpu.memory_space<vmem_shared>> -> memref<10240x64xf32, #tpu.memory_space<vmem_shared>>
    tpu.enqueue_indirect_dma source(%arg10 : memref<224x64xf32, #tpu.memory_space<vmem>>) target(%dma_start3A_99 : memref<10240x64xf32, #tpu.memory_space<vmem_shared>>) offsets(%dma_start3A_96 : memref<224xi32, #tpu.memory_space<vmem>>) semaphore(%arg17 : memref<!tpu.dma_semaphore, #tpu.memory_space<semaphore_mem>>) {add = true}
    %dma_wait3A_100 = arith.constant 0 : i32
    %dma_wait3A_101 = arith.constant 0 : i32
    %dma_wait3A_102 = tpu.memref_slice %arg7[%dma_wait3A_100, %dma_wait3A_101] : memref<90x224xi32, #tpu.memory_space<vmem>> -> memref<1x224xi32, #tpu.memory_space<vmem>>
    %dma_wait3A_103 = tpu.memref_squeeze %dma_wait3A_102 : memref<1x224xi32, #tpu.memory_space<vmem>> -> memref<224xi32, #tpu.memory_space<vmem>>
    %dma_wait3A_104 = arith.constant 0 : i32
    %dma_wait3A_105 = arith.constant 0 : i32
    %dma_wait3A_106 = tpu.memref_slice %arg11[%dma_wait3A_104, %dma_wait3A_105] : memref<10240x64xf32, #tpu.memory_space<vmem_shared>> -> memref<10240x64xf32, #tpu.memory_space<vmem_shared>>
    tpu.wait_indirect_dma semaphore(%arg16 : memref<!tpu.dma_semaphore, #tpu.memory_space<semaphore_mem>>) src(%arg9 : memref<224x64xf32, #tpu.memory_space<vmem>>) dst(%dma_wait3A_106 : memref<10240x64xf32, #tpu.memory_space<vmem_shared>>)
    %dma_start3A_107 = arith.constant 91 : i32
    %dma_start3A_108 = arith.constant 0 : i32
    %dma_start3A_109 = tpu.memref_slice %arg6[%dma_start3A_107, %dma_start3A_108] : memref<92x224xi32, #tpu.memory_space<vmem>> -> memref<1x224xi32, #tpu.memory_space<vmem>>
    %dma_start3A_110 = tpu.memref_squeeze %dma_start3A_109 : memref<1x224xi32, #tpu.memory_space<vmem>> -> memref<224xi32, #tpu.memory_space<vmem>>
    %dma_start3A_111 = arith.constant 0 : i32
    %dma_start3A_112 = arith.constant 0 : i32
    %dma_start3A_113 = tpu.memref_slice %arg2[%dma_start3A_111, %dma_start3A_112] : memref<20000x64xf32, #tpu.memory_space<hbm>> -> memref<20000x64xf32, #tpu.memory_space<hbm>>
    tpu.enqueue_indirect_dma source(%dma_start3A_113 : memref<20000x64xf32, #tpu.memory_space<hbm>>) target(%arg9 : memref<224x64xf32, #tpu.memory_space<vmem>>) offsets(%dma_start3A_110 : memref<224xi32, #tpu.memory_space<vmem>>) semaphore(%arg13 : memref<!tpu.dma_semaphore, #tpu.memory_space<semaphore_mem>>)
    %dma_wait3A_114 = arith.constant 0 : i32
    %dma_wait3A_115 = arith.constant 0 : i32
    %dma_wait3A_116 = tpu.memref_slice %arg7[%dma_wait3A_114, %dma_wait3A_115] : memref<90x224xi32, #tpu.memory_space<vmem>> -> memref<1x224xi32, #tpu.memory_space<vmem>>
    %dma_wait3A_117 = tpu.memref_squeeze %dma_wait3A_116 : memref<1x224xi32, #tpu.memory_space<vmem>> -> memref<224xi32, #tpu.memory_space<vmem>>
    %dma_wait3A_118 = arith.constant 0 : i32
    %dma_wait3A_119 = arith.constant 0 : i32
    %dma_wait3A_120 = tpu.memref_slice %arg11[%dma_wait3A_118, %dma_wait3A_119] : memref<10240x64xf32, #tpu.memory_space<vmem_shared>> -> memref<10240x64xf32, #tpu.memory_space<vmem_shared>>
    tpu.wait_indirect_dma semaphore(%arg17 : memref<!tpu.dma_semaphore, #tpu.memory_space<semaphore_mem>>) src(%arg10 : memref<224x64xf32, #tpu.memory_space<vmem>>) dst(%dma_wait3A_120 : memref<10240x64xf32, #tpu.memory_space<vmem_shared>>)
    %dma_wait3A_121 = arith.constant 0 : i32
    %dma_wait3A_122 = arith.constant 0 : i32
    %dma_wait3A_123 = tpu.memref_slice %arg6[%dma_wait3A_121, %dma_wait3A_122] : memref<92x224xi32, #tpu.memory_space<vmem>> -> memref<1x224xi32, #tpu.memory_space<vmem>>
    %dma_wait3A_124 = tpu.memref_squeeze %dma_wait3A_123 : memref<1x224xi32, #tpu.memory_space<vmem>> -> memref<224xi32, #tpu.memory_space<vmem>>
    %dma_wait3A_125 = arith.constant 0 : i32
    %dma_wait3A_126 = arith.constant 0 : i32
    %dma_wait3A_127 = tpu.memref_slice %arg2[%dma_wait3A_125, %dma_wait3A_126] : memref<20000x64xf32, #tpu.memory_space<hbm>> -> memref<20000x64xf32, #tpu.memory_space<hbm>>
    tpu.wait_indirect_dma semaphore(%arg12 : memref<!tpu.dma_semaphore, #tpu.memory_space<semaphore_mem>>) src(%dma_wait3A_127 : memref<20000x64xf32, #tpu.memory_space<hbm>>) dst(%arg8 : memref<224x64xf32, #tpu.memory_space<vmem>>)
    %dma_wait3A_128 = arith.constant 0 : i32
    %dma_wait3A_129 = arith.constant 0 : i32
    %dma_wait3A_130 = tpu.memref_slice %arg6[%dma_wait3A_128, %dma_wait3A_129] : memref<92x224xi32, #tpu.memory_space<vmem>> -> memref<1x224xi32, #tpu.memory_space<vmem>>
    %dma_wait3A_131 = tpu.memref_squeeze %dma_wait3A_130 : memref<1x224xi32, #tpu.memory_space<vmem>> -> memref<224xi32, #tpu.memory_space<vmem>>
    %dma_wait3A_132 = arith.constant 0 : i32
    %dma_wait3A_133 = arith.constant 0 : i32
    %dma_wait3A_134 = tpu.memref_slice %arg2[%dma_wait3A_132, %dma_wait3A_133] : memref<20000x64xf32, #tpu.memory_space<hbm>> -> memref<20000x64xf32, #tpu.memory_space<hbm>>
    tpu.wait_indirect_dma semaphore(%arg13 : memref<!tpu.dma_semaphore, #tpu.memory_space<semaphore_mem>>) src(%dma_wait3A_134 : memref<20000x64xf32, #tpu.memory_space<hbm>>) dst(%arg9 : memref<224x64xf32, #tpu.memory_space<vmem>>)
    %barrier3A_135 = arith.constant 0 : index
    tpu.barrier barrier_id(%barrier3A_135)
    %mul3A_136 = arith.constant 640 : i32
    %mul3A_137 = arith.muli %arg1, %mul3A_136 : i32
    %mul3A_138 = arith.constant 640 : i32
    %mul3A_139 = arith.muli %arg1, %mul3A_138 : i32
    %mul3A_140 = arith.constant 64 : i32
    %mul3A_141 = arith.muli %arg0, %mul3A_140 : i32
    "tpu.region"() ({
      %run_scoped3A = tpu.sem_alloc : memref<!tpu.dma_semaphore, #tpu.memory_space<semaphore_mem>>
      %dma_start3A_142 = tpu.memref_slice %arg5[%mul3A_139, %mul3A_141] : memref<10240x128xf32, #tpu.memory_space<hbm>> -> memref<640x64xf32, #tpu.memory_space<hbm>>
      %dma_start3A_143 = arith.constant 0 : i32
      %dma_start3A_144 = tpu.memref_slice %arg11[%mul3A_137, %dma_start3A_143] : memref<10240x64xf32, #tpu.memory_space<vmem_shared>> -> memref<640x64xf32, #tpu.memory_space<vmem_shared>>
      tpu.enqueue_dma source(%dma_start3A_144 : memref<640x64xf32, #tpu.memory_space<vmem_shared>>) target(%dma_start3A_142 : memref<640x64xf32, #tpu.memory_space<hbm>>) target_semaphore(%run_scoped3A : memref<!tpu.dma_semaphore, #tpu.memory_space<semaphore_mem>>)
      %dma_wait3A_145 = tpu.memref_slice %arg5[%mul3A_139, %mul3A_141] : memref<10240x128xf32, #tpu.memory_space<hbm>> -> memref<640x64xf32, #tpu.memory_space<hbm>>
      %dma_wait3A_146 = arith.constant 0 : i32
      %dma_wait3A_147 = tpu.memref_slice %arg11[%mul3A_137, %dma_wait3A_146] : memref<10240x64xf32, #tpu.memory_space<vmem_shared>> -> memref<640x64xf32, #tpu.memory_space<vmem_shared>>
      tpu.wait_dma2 semaphore(%run_scoped3A : memref<!tpu.dma_semaphore, #tpu.memory_space<semaphore_mem>>) src(%dma_wait3A_147 : memref<640x64xf32, #tpu.memory_space<vmem_shared>>) dst(%dma_wait3A_145 : memref<640x64xf32, #tpu.memory_space<hbm>>)
      tpu.yield
    }) : () -> ()
    return
  }
}

#map = affine_map<(d0, d1) -> (0, 0)>
#map1 = affine_map<(d0, d1) -> (0, 0, 0)>
module attributes {stable_mosaic.version = 14 : i64} {
  func.func @body(%arg0: i32, %arg1: i32, %arg2: memref<20000x64xf32, #tpu.memory_space<hbm>>, %arg3: memref<2x1442x224xi32, #tpu.memory_space<hbm>>, %arg4: memref<1440x224xi32, #tpu.memory_space<hbm>>, %arg5: memref<10240x128xf32, #tpu.memory_space<hbm>>, %arg6: memref<47x224xi32, #tpu.memory_space<vmem>>, %arg7: memref<45x224xi32, #tpu.memory_space<vmem>>, %arg8: memref<224x64xf32, #tpu.memory_space<vmem>>, %arg9: memref<224x64xf32, #tpu.memory_space<vmem>>, %arg10: memref<224x64xf32, #tpu.memory_space<vmem>>, %arg11: memref<10240x64xf32, #tpu.memory_space<vmem_shared>>, %arg12: memref<!tpu.dma_semaphore, #tpu.memory_space<semaphore_mem>>, %arg13: memref<!tpu.dma_semaphore, #tpu.memory_space<semaphore_mem>>, %arg14: memref<!tpu.dma_semaphore, #tpu.memory_space<semaphore_mem>>, %arg15: memref<!tpu.dma_semaphore, #tpu.memory_space<semaphore_mem>>, %arg16: memref<!tpu.dma_semaphore, #tpu.memory_space<semaphore_mem>>, %arg17: memref<!tpu.dma_semaphore, #tpu.memory_space<semaphore_mem>>) attributes {dimension_semantics = [#tpu.dimension_semantics<core_parallel>, #tpu.dimension_semantics<subcore_parallel>], iteration_bounds = array<i64: 2, 16>, scalar_prefetch = 0 : i64, scratch_operands = 12 : i64, tpu.core_type = #tpu.core_type<sc_vector_subcore>, window_params = [{transform_indices = #map}, {transform_indices = #map1}, {transform_indices = #map}, {transform_indices = #map}]} {
    %scan3A = arith.constant 0 : i32
    %scan3A_0 = arith.constant 0 : i32
    %scan3A_1 = arith.constant 128 : i32
    %scan3A_2 = arith.addi %scan3A_0, %scan3A_1 : i32
    %scan3A_3 = arith.constant 1 : i32
    %scan3A_4 = scf.for %scan3A_145 = %scan3A_0 to %scan3A_2 step %scan3A_3 iter_args(%scan3A_146 = %scan3A) -> (i32)  : i32 {
      %broadcast_in_dim3A = arith.constant 0.000000e+00 : f32
      %broadcast_in_dim3A_147 = vector.broadcast %broadcast_in_dim3A : f32 to vector<16xf32>
      %swap3A = arith.index_cast %scan3A_145 : i32 to index
      %swap3A_148 = arith.constant 0 : index
      %swap3A_149 = tpu.vector_load %arg8[%swap3A, %swap3A_148] {strides = array<i32>} : memref<224x64xf32, #tpu.memory_space<vmem>>, vector<1x16xf32>,
      %swap3A_150 = vector.shape_cast %swap3A_149 : vector<1x16xf32> to vector<16xf32>
      %swap3A_151 = vector.shape_cast %broadcast_in_dim3A_147 : vector<16xf32> to vector<1x16xf32>
      tpu.vector_store %arg8[%swap3A, %swap3A_148], %swap3A_151 {strides = array<i32>} : memref<224x64xf32, #tpu.memory_space<vmem>>, vector<1x16xf32>,
      %broadcast_in_dim3A_152 = arith.constant 0.000000e+00 : f32
      %broadcast_in_dim3A_153 = vector.broadcast %broadcast_in_dim3A_152 : f32 to vector<16xf32>
      %swap3A_154 = arith.index_cast %scan3A_145 : i32 to index
      %swap3A_155 = arith.constant 16 : index
      %swap3A_156 = tpu.vector_load %arg8[%swap3A_154, %swap3A_155] {strides = array<i32>} : memref<224x64xf32, #tpu.memory_space<vmem>>, vector<1x16xf32>,
      %swap3A_157 = vector.shape_cast %swap3A_156 : vector<1x16xf32> to vector<16xf32>
      %swap3A_158 = vector.shape_cast %broadcast_in_dim3A_153 : vector<16xf32> to vector<1x16xf32>
      tpu.vector_store %arg8[%swap3A_154, %swap3A_155], %swap3A_158 {strides = array<i32>} : memref<224x64xf32, #tpu.memory_space<vmem>>, vector<1x16xf32>,
      %broadcast_in_dim3A_159 = arith.constant 0.000000e+00 : f32
      %broadcast_in_dim3A_160 = vector.broadcast %broadcast_in_dim3A_159 : f32 to vector<16xf32>
      %swap3A_161 = arith.index_cast %scan3A_145 : i32 to index
      %swap3A_162 = arith.constant 32 : index
      %swap3A_163 = tpu.vector_load %arg8[%swap3A_161, %swap3A_162] {strides = array<i32>} : memref<224x64xf32, #tpu.memory_space<vmem>>, vector<1x16xf32>,
      %swap3A_164 = vector.shape_cast %swap3A_163 : vector<1x16xf32> to vector<16xf32>
      %swap3A_165 = vector.shape_cast %broadcast_in_dim3A_160 : vector<16xf32> to vector<1x16xf32>
      tpu.vector_store %arg8[%swap3A_161, %swap3A_162], %swap3A_165 {strides = array<i32>} : memref<224x64xf32, #tpu.memory_space<vmem>>, vector<1x16xf32>,
      %broadcast_in_dim3A_166 = arith.constant 0.000000e+00 : f32
      %broadcast_in_dim3A_167 = vector.broadcast %broadcast_in_dim3A_166 : f32 to vector<16xf32>
      %swap3A_168 = arith.index_cast %scan3A_145 : i32 to index
      %swap3A_169 = arith.constant 48 : index
      %swap3A_170 = tpu.vector_load %arg8[%swap3A_168, %swap3A_169] {strides = array<i32>} : memref<224x64xf32, #tpu.memory_space<vmem>>, vector<1x16xf32>,
      %swap3A_171 = vector.shape_cast %swap3A_170 : vector<1x16xf32> to vector<16xf32>
      %swap3A_172 = vector.shape_cast %broadcast_in_dim3A_167 : vector<16xf32> to vector<1x16xf32>
      tpu.vector_store %arg8[%swap3A_168, %swap3A_169], %swap3A_172 {strides = array<i32>} : memref<224x64xf32, #tpu.memory_space<vmem>>, vector<1x16xf32>,
      %scan3A_173 = arith.constant 0 : i32
      scf.yield %scan3A_173 : i32
    }
    %scan3A_5 = arith.constant 128 : i32
    %mul3A = arith.constant 640 : i32
    %mul3A_6 = arith.muli %arg1, %mul3A : i32
    %add3A = arith.constant 0 : i32
    %add3A_7 = arith.addi %mul3A_6, %add3A : i32
    "tpu.region"() ({
      %run_scoped3A_145 = tpu.sem_alloc : memref<!tpu.dma_semaphore, #tpu.memory_space<semaphore_mem>>
      %dma_start3A_146 = arith.constant 0 : i32
      %dma_start3A_147 = arith.constant 0 : i32
      %dma_start3A_148 = tpu.memref_slice %arg8[%dma_start3A_146, %dma_start3A_147] : memref<224x64xf32, #tpu.memory_space<vmem>> -> memref<128x64xf32, #tpu.memory_space<vmem>>
      %dma_start3A_149 = arith.constant 0 : i32
      %dma_start3A_150 = tpu.memref_slice %arg11[%add3A_7, %dma_start3A_149] : memref<10240x64xf32, #tpu.memory_space<vmem_shared>> -> memref<128x64xf32, #tpu.memory_space<vmem_shared>>
      %dma_start3A_151 = arith.constant 0 : i32
      %dma_start3A_152 = tpu.memref_slice %arg11[%add3A_7, %dma_start3A_151] : memref<10240x64xf32, #tpu.memory_space<vmem_shared>> -> memref<128x64xf32, #tpu.memory_space<vmem_shared>>
      %dma_start3A_153 = arith.constant 0 : i32
      %dma_start3A_154 = arith.constant 0 : i32
      %dma_start3A_155 = tpu.memref_slice %arg8[%dma_start3A_153, %dma_start3A_154] : memref<224x64xf32, #tpu.memory_space<vmem>> -> memref<128x64xf32, #tpu.memory_space<vmem>>
      tpu.enqueue_dma source(%dma_start3A_155 : memref<128x64xf32, #tpu.memory_space<vmem>>) target(%dma_start3A_152 : memref<128x64xf32, #tpu.memory_space<vmem_shared>>) target_semaphore(%run_scoped3A_145 : memref<!tpu.dma_semaphore, #tpu.memory_space<semaphore_mem>>)
      %dma_wait3A_156 = arith.constant 0 : i32
      %dma_wait3A_157 = arith.constant 0 : i32
      %dma_wait3A_158 = tpu.memref_slice %arg8[%dma_wait3A_156, %dma_wait3A_157] : memref<224x64xf32, #tpu.memory_space<vmem>> -> memref<128x64xf32, #tpu.memory_space<vmem>>
      %dma_wait3A_159 = arith.constant 0 : i32
      %dma_wait3A_160 = tpu.memref_slice %arg11[%add3A_7, %dma_wait3A_159] : memref<10240x64xf32, #tpu.memory_space<vmem_shared>> -> memref<128x64xf32, #tpu.memory_space<vmem_shared>>
      %dma_wait3A_161 = arith.constant 0 : i32
      %dma_wait3A_162 = tpu.memref_slice %arg11[%add3A_7, %dma_wait3A_161] : memref<10240x64xf32, #tpu.memory_space<vmem_shared>> -> memref<128x64xf32, #tpu.memory_space<vmem_shared>>
      %dma_wait3A_163 = arith.constant 0 : i32
      %dma_wait3A_164 = arith.constant 0 : i32
      %dma_wait3A_165 = tpu.memref_slice %arg8[%dma_wait3A_163, %dma_wait3A_164] : memref<224x64xf32, #tpu.memory_space<vmem>> -> memref<128x64xf32, #tpu.memory_space<vmem>>
      tpu.wait_dma2 semaphore(%run_scoped3A_145 : memref<!tpu.dma_semaphore, #tpu.memory_space<semaphore_mem>>) src(%dma_wait3A_165 : memref<128x64xf32, #tpu.memory_space<vmem>>) dst(%dma_wait3A_162 : memref<128x64xf32, #tpu.memory_space<vmem_shared>>)
      tpu.yield
    }) : () -> ()
    %add3A_8 = arith.constant 128 : i32
    %add3A_9 = arith.addi %mul3A_6, %add3A_8 : i32
    "tpu.region"() ({
      %run_scoped3A_145 = tpu.sem_alloc : memref<!tpu.dma_semaphore, #tpu.memory_space<semaphore_mem>>
      %dma_start3A_146 = arith.constant 0 : i32
      %dma_start3A_147 = arith.constant 0 : i32
      %dma_start3A_148 = tpu.memref_slice %arg8[%dma_start3A_146, %dma_start3A_147] : memref<224x64xf32, #tpu.memory_space<vmem>> -> memref<128x64xf32, #tpu.memory_space<vmem>>
      %dma_start3A_149 = arith.constant 0 : i32
      %dma_start3A_150 = tpu.memref_slice %arg11[%add3A_9, %dma_start3A_149] : memref<10240x64xf32, #tpu.memory_space<vmem_shared>> -> memref<128x64xf32, #tpu.memory_space<vmem_shared>>
      %dma_start3A_151 = arith.constant 0 : i32
      %dma_start3A_152 = tpu.memref_slice %arg11[%add3A_9, %dma_start3A_151] : memref<10240x64xf32, #tpu.memory_space<vmem_shared>> -> memref<128x64xf32, #tpu.memory_space<vmem_shared>>
      %dma_start3A_153 = arith.constant 0 : i32
      %dma_start3A_154 = arith.constant 0 : i32
      %dma_start3A_155 = tpu.memref_slice %arg8[%dma_start3A_153, %dma_start3A_154] : memref<224x64xf32, #tpu.memory_space<vmem>> -> memref<128x64xf32, #tpu.memory_space<vmem>>
      tpu.enqueue_dma source(%dma_start3A_155 : memref<128x64xf32, #tpu.memory_space<vmem>>) target(%dma_start3A_152 : memref<128x64xf32, #tpu.memory_space<vmem_shared>>) target_semaphore(%run_scoped3A_145 : memref<!tpu.dma_semaphore, #tpu.memory_space<semaphore_mem>>)
      %dma_wait3A_156 = arith.constant 0 : i32
      %dma_wait3A_157 = arith.constant 0 : i32
      %dma_wait3A_158 = tpu.memref_slice %arg8[%dma_wait3A_156, %dma_wait3A_157] : memref<224x64xf32, #tpu.memory_space<vmem>> -> memref<128x64xf32, #tpu.memory_space<vmem>>
      %dma_wait3A_159 = arith.constant 0 : i32
      %dma_wait3A_160 = tpu.memref_slice %arg11[%add3A_9, %dma_wait3A_159] : memref<10240x64xf32, #tpu.memory_space<vmem_shared>> -> memref<128x64xf32, #tpu.memory_space<vmem_shared>>
      %dma_wait3A_161 = arith.constant 0 : i32
      %dma_wait3A_162 = tpu.memref_slice %arg11[%add3A_9, %dma_wait3A_161] : memref<10240x64xf32, #tpu.memory_space<vmem_shared>> -> memref<128x64xf32, #tpu.memory_space<vmem_shared>>
      %dma_wait3A_163 = arith.constant 0 : i32
      %dma_wait3A_164 = arith.constant 0 : i32
      %dma_wait3A_165 = tpu.memref_slice %arg8[%dma_wait3A_163, %dma_wait3A_164] : memref<224x64xf32, #tpu.memory_space<vmem>> -> memref<128x64xf32, #tpu.memory_space<vmem>>
      tpu.wait_dma2 semaphore(%run_scoped3A_145 : memref<!tpu.dma_semaphore, #tpu.memory_space<semaphore_mem>>) src(%dma_wait3A_165 : memref<128x64xf32, #tpu.memory_space<vmem>>) dst(%dma_wait3A_162 : memref<128x64xf32, #tpu.memory_space<vmem_shared>>)
      tpu.yield
    }) : () -> ()
    %add3A_10 = arith.constant 256 : i32
    %add3A_11 = arith.addi %mul3A_6, %add3A_10 : i32
    "tpu.region"() ({
      %run_scoped3A_145 = tpu.sem_alloc : memref<!tpu.dma_semaphore, #tpu.memory_space<semaphore_mem>>
      %dma_start3A_146 = arith.constant 0 : i32
      %dma_start3A_147 = arith.constant 0 : i32
      %dma_start3A_148 = tpu.memref_slice %arg8[%dma_start3A_146, %dma_start3A_147] : memref<224x64xf32, #tpu.memory_space<vmem>> -> memref<128x64xf32, #tpu.memory_space<vmem>>
      %dma_start3A_149 = arith.constant 0 : i32
      %dma_start3A_150 = tpu.memref_slice %arg11[%add3A_11, %dma_start3A_149] : memref<10240x64xf32, #tpu.memory_space<vmem_shared>> -> memref<128x64xf32, #tpu.memory_space<vmem_shared>>
      %dma_start3A_151 = arith.constant 0 : i32
      %dma_start3A_152 = tpu.memref_slice %arg11[%add3A_11, %dma_start3A_151] : memref<10240x64xf32, #tpu.memory_space<vmem_shared>> -> memref<128x64xf32, #tpu.memory_space<vmem_shared>>
      %dma_start3A_153 = arith.constant 0 : i32
      %dma_start3A_154 = arith.constant 0 : i32
      %dma_start3A_155 = tpu.memref_slice %arg8[%dma_start3A_153, %dma_start3A_154] : memref<224x64xf32, #tpu.memory_space<vmem>> -> memref<128x64xf32, #tpu.memory_space<vmem>>
      tpu.enqueue_dma source(%dma_start3A_155 : memref<128x64xf32, #tpu.memory_space<vmem>>) target(%dma_start3A_152 : memref<128x64xf32, #tpu.memory_space<vmem_shared>>) target_semaphore(%run_scoped3A_145 : memref<!tpu.dma_semaphore, #tpu.memory_space<semaphore_mem>>)
      %dma_wait3A_156 = arith.constant 0 : i32
      %dma_wait3A_157 = arith.constant 0 : i32
      %dma_wait3A_158 = tpu.memref_slice %arg8[%dma_wait3A_156, %dma_wait3A_157] : memref<224x64xf32, #tpu.memory_space<vmem>> -> memref<128x64xf32, #tpu.memory_space<vmem>>
      %dma_wait3A_159 = arith.constant 0 : i32
      %dma_wait3A_160 = tpu.memref_slice %arg11[%add3A_11, %dma_wait3A_159] : memref<10240x64xf32, #tpu.memory_space<vmem_shared>> -> memref<128x64xf32, #tpu.memory_space<vmem_shared>>
      %dma_wait3A_161 = arith.constant 0 : i32
      %dma_wait3A_162 = tpu.memref_slice %arg11[%add3A_11, %dma_wait3A_161] : memref<10240x64xf32, #tpu.memory_space<vmem_shared>> -> memref<128x64xf32, #tpu.memory_space<vmem_shared>>
      %dma_wait3A_163 = arith.constant 0 : i32
      %dma_wait3A_164 = arith.constant 0 : i32
      %dma_wait3A_165 = tpu.memref_slice %arg8[%dma_wait3A_163, %dma_wait3A_164] : memref<224x64xf32, #tpu.memory_space<vmem>> -> memref<128x64xf32, #tpu.memory_space<vmem>>
      tpu.wait_dma2 semaphore(%run_scoped3A_145 : memref<!tpu.dma_semaphore, #tpu.memory_space<semaphore_mem>>) src(%dma_wait3A_165 : memref<128x64xf32, #tpu.memory_space<vmem>>) dst(%dma_wait3A_162 : memref<128x64xf32, #tpu.memory_space<vmem_shared>>)
      tpu.yield
    }) : () -> ()
    %add3A_12 = arith.constant 384 : i32
    %add3A_13 = arith.addi %mul3A_6, %add3A_12 : i32
    "tpu.region"() ({
      %run_scoped3A_145 = tpu.sem_alloc : memref<!tpu.dma_semaphore, #tpu.memory_space<semaphore_mem>>
      %dma_start3A_146 = arith.constant 0 : i32
      %dma_start3A_147 = arith.constant 0 : i32
      %dma_start3A_148 = tpu.memref_slice %arg8[%dma_start3A_146, %dma_start3A_147] : memref<224x64xf32, #tpu.memory_space<vmem>> -> memref<128x64xf32, #tpu.memory_space<vmem>>
      %dma_start3A_149 = arith.constant 0 : i32
      %dma_start3A_150 = tpu.memref_slice %arg11[%add3A_13, %dma_start3A_149] : memref<10240x64xf32, #tpu.memory_space<vmem_shared>> -> memref<128x64xf32, #tpu.memory_space<vmem_shared>>
      %dma_start3A_151 = arith.constant 0 : i32
      %dma_start3A_152 = tpu.memref_slice %arg11[%add3A_13, %dma_start3A_151] : memref<10240x64xf32, #tpu.memory_space<vmem_shared>> -> memref<128x64xf32, #tpu.memory_space<vmem_shared>>
      %dma_start3A_153 = arith.constant 0 : i32
      %dma_start3A_154 = arith.constant 0 : i32
      %dma_start3A_155 = tpu.memref_slice %arg8[%dma_start3A_153, %dma_start3A_154] : memref<224x64xf32, #tpu.memory_space<vmem>> -> memref<128x64xf32, #tpu.memory_space<vmem>>
      tpu.enqueue_dma source(%dma_start3A_155 : memref<128x64xf32, #tpu.memory_space<vmem>>) target(%dma_start3A_152 : memref<128x64xf32, #tpu.memory_space<vmem_shared>>) target_semaphore(%run_scoped3A_145 : memref<!tpu.dma_semaphore, #tpu.memory_space<semaphore_mem>>)
      %dma_wait3A_156 = arith.constant 0 : i32
      %dma_wait3A_157 = arith.constant 0 : i32
      %dma_wait3A_158 = tpu.memref_slice %arg8[%dma_wait3A_156, %dma_wait3A_157] : memref<224x64xf32, #tpu.memory_space<vmem>> -> memref<128x64xf32, #tpu.memory_space<vmem>>
      %dma_wait3A_159 = arith.constant 0 : i32
      %dma_wait3A_160 = tpu.memref_slice %arg11[%add3A_13, %dma_wait3A_159] : memref<10240x64xf32, #tpu.memory_space<vmem_shared>> -> memref<128x64xf32, #tpu.memory_space<vmem_shared>>
      %dma_wait3A_161 = arith.constant 0 : i32
      %dma_wait3A_162 = tpu.memref_slice %arg11[%add3A_13, %dma_wait3A_161] : memref<10240x64xf32, #tpu.memory_space<vmem_shared>> -> memref<128x64xf32, #tpu.memory_space<vmem_shared>>
      %dma_wait3A_163 = arith.constant 0 : i32
      %dma_wait3A_164 = arith.constant 0 : i32
      %dma_wait3A_165 = tpu.memref_slice %arg8[%dma_wait3A_163, %dma_wait3A_164] : memref<224x64xf32, #tpu.memory_space<vmem>> -> memref<128x64xf32, #tpu.memory_space<vmem>>
      tpu.wait_dma2 semaphore(%run_scoped3A_145 : memref<!tpu.dma_semaphore, #tpu.memory_space<semaphore_mem>>) src(%dma_wait3A_165 : memref<128x64xf32, #tpu.memory_space<vmem>>) dst(%dma_wait3A_162 : memref<128x64xf32, #tpu.memory_space<vmem_shared>>)
      tpu.yield
    }) : () -> ()
    %add3A_14 = arith.constant 512 : i32
    %add3A_15 = arith.addi %mul3A_6, %add3A_14 : i32
    "tpu.region"() ({
      %run_scoped3A_145 = tpu.sem_alloc : memref<!tpu.dma_semaphore, #tpu.memory_space<semaphore_mem>>
      %dma_start3A_146 = arith.constant 0 : i32
      %dma_start3A_147 = arith.constant 0 : i32
      %dma_start3A_148 = tpu.memref_slice %arg8[%dma_start3A_146, %dma_start3A_147] : memref<224x64xf32, #tpu.memory_space<vmem>> -> memref<128x64xf32, #tpu.memory_space<vmem>>
      %dma_start3A_149 = arith.constant 0 : i32
      %dma_start3A_150 = tpu.memref_slice %arg11[%add3A_15, %dma_start3A_149] : memref<10240x64xf32, #tpu.memory_space<vmem_shared>> -> memref<128x64xf32, #tpu.memory_space<vmem_shared>>
      %dma_start3A_151 = arith.constant 0 : i32
      %dma_start3A_152 = tpu.memref_slice %arg11[%add3A_15, %dma_start3A_151] : memref<10240x64xf32, #tpu.memory_space<vmem_shared>> -> memref<128x64xf32, #tpu.memory_space<vmem_shared>>
      %dma_start3A_153 = arith.constant 0 : i32
      %dma_start3A_154 = arith.constant 0 : i32
      %dma_start3A_155 = tpu.memref_slice %arg8[%dma_start3A_153, %dma_start3A_154] : memref<224x64xf32, #tpu.memory_space<vmem>> -> memref<128x64xf32, #tpu.memory_space<vmem>>
      tpu.enqueue_dma source(%dma_start3A_155 : memref<128x64xf32, #tpu.memory_space<vmem>>) target(%dma_start3A_152 : memref<128x64xf32, #tpu.memory_space<vmem_shared>>) target_semaphore(%run_scoped3A_145 : memref<!tpu.dma_semaphore, #tpu.memory_space<semaphore_mem>>)
      %dma_wait3A_156 = arith.constant 0 : i32
      %dma_wait3A_157 = arith.constant 0 : i32
      %dma_wait3A_158 = tpu.memref_slice %arg8[%dma_wait3A_156, %dma_wait3A_157] : memref<224x64xf32, #tpu.memory_space<vmem>> -> memref<128x64xf32, #tpu.memory_space<vmem>>
      %dma_wait3A_159 = arith.constant 0 : i32
      %dma_wait3A_160 = tpu.memref_slice %arg11[%add3A_15, %dma_wait3A_159] : memref<10240x64xf32, #tpu.memory_space<vmem_shared>> -> memref<128x64xf32, #tpu.memory_space<vmem_shared>>
      %dma_wait3A_161 = arith.constant 0 : i32
      %dma_wait3A_162 = tpu.memref_slice %arg11[%add3A_15, %dma_wait3A_161] : memref<10240x64xf32, #tpu.memory_space<vmem_shared>> -> memref<128x64xf32, #tpu.memory_space<vmem_shared>>
      %dma_wait3A_163 = arith.constant 0 : i32
      %dma_wait3A_164 = arith.constant 0 : i32
      %dma_wait3A_165 = tpu.memref_slice %arg8[%dma_wait3A_163, %dma_wait3A_164] : memref<224x64xf32, #tpu.memory_space<vmem>> -> memref<128x64xf32, #tpu.memory_space<vmem>>
      tpu.wait_dma2 semaphore(%run_scoped3A_145 : memref<!tpu.dma_semaphore, #tpu.memory_space<semaphore_mem>>) src(%dma_wait3A_165 : memref<128x64xf32, #tpu.memory_space<vmem>>) dst(%dma_wait3A_162 : memref<128x64xf32, #tpu.memory_space<vmem_shared>>)
      tpu.yield
    }) : () -> ()
    %mul3A_16 = arith.constant 16 : i32
    %mul3A_17 = arith.muli %arg0, %mul3A_16 : i32
    %add3A_18 = arith.addi %mul3A_17, %arg1 : i32
    %mul3A_19 = arith.constant 45 : i32
    %mul3A_20 = arith.muli %add3A_18, %mul3A_19 : i32
    %run_scoped3A = arith.constant 0 : i32
    "tpu.region"() ({
      %run_scoped3A_145 = tpu.sem_alloc : memref<!tpu.dma_semaphore, #tpu.memory_space<semaphore_mem>>
      %dma_start3A_146 = arith.constant 0 : i32
      %dma_start3A_147 = tpu.memref_slice %arg3[%run_scoped3A, %mul3A_20, %dma_start3A_146] : memref<2x1442x224xi32, #tpu.memory_space<hbm>> -> memref<1x47x224xi32, #tpu.memory_space<hbm>>
      %dma_start3A_148 = tpu.memref_squeeze %dma_start3A_147 : memref<1x47x224xi32, #tpu.memory_space<hbm>> -> memref<47x224xi32, #tpu.memory_space<hbm>>
      %dma_start3A_149 = arith.constant 0 : i32
      %dma_start3A_150 = tpu.memref_slice %arg3[%run_scoped3A, %mul3A_20, %dma_start3A_149] : memref<2x1442x224xi32, #tpu.memory_space<hbm>> -> memref<1x47x224xi32, #tpu.memory_space<hbm>>
      %dma_start3A_151 = tpu.memref_squeeze %dma_start3A_150 : memref<1x47x224xi32, #tpu.memory_space<hbm>> -> memref<47x224xi32, #tpu.memory_space<hbm>>
      tpu.enqueue_dma source(%dma_start3A_151 : memref<47x224xi32, #tpu.memory_space<hbm>>) target(%arg6 : memref<47x224xi32, #tpu.memory_space<vmem>>) target_semaphore(%run_scoped3A_145 : memref<!tpu.dma_semaphore, #tpu.memory_space<semaphore_mem>>)
      %dma_wait3A_152 = arith.constant 0 : i32
      %dma_wait3A_153 = tpu.memref_slice %arg3[%run_scoped3A, %mul3A_20, %dma_wait3A_152] : memref<2x1442x224xi32, #tpu.memory_space<hbm>> -> memref<1x47x224xi32, #tpu.memory_space<hbm>>
      %dma_wait3A_154 = tpu.memref_squeeze %dma_wait3A_153 : memref<1x47x224xi32, #tpu.memory_space<hbm>> -> memref<47x224xi32, #tpu.memory_space<hbm>>
      %dma_wait3A_155 = arith.constant 0 : i32
      %dma_wait3A_156 = tpu.memref_slice %arg3[%run_scoped3A, %mul3A_20, %dma_wait3A_155] : memref<2x1442x224xi32, #tpu.memory_space<hbm>> -> memref<1x47x224xi32, #tpu.memory_space<hbm>>
      %dma_wait3A_157 = tpu.memref_squeeze %dma_wait3A_156 : memref<1x47x224xi32, #tpu.memory_space<hbm>> -> memref<47x224xi32, #tpu.memory_space<hbm>>
      tpu.wait_dma2 semaphore(%run_scoped3A_145 : memref<!tpu.dma_semaphore, #tpu.memory_space<semaphore_mem>>) src(%dma_wait3A_157 : memref<47x224xi32, #tpu.memory_space<hbm>>) dst(%arg6 : memref<47x224xi32, #tpu.memory_space<vmem>>)
      tpu.yield
    }) : () -> ()
    "tpu.region"() ({
      %run_scoped3A_145 = tpu.sem_alloc : memref<!tpu.dma_semaphore, #tpu.memory_space<semaphore_mem>>
      %dma_start3A_146 = arith.constant 0 : i32
      %dma_start3A_147 = tpu.memref_slice %arg4[%mul3A_20, %dma_start3A_146] : memref<1440x224xi32, #tpu.memory_space<hbm>> -> memref<45x224xi32, #tpu.memory_space<hbm>>
      %dma_start3A_148 = arith.constant 0 : i32
      %dma_start3A_149 = tpu.memref_slice %arg4[%mul3A_20, %dma_start3A_148] : memref<1440x224xi32, #tpu.memory_space<hbm>> -> memref<45x224xi32, #tpu.memory_space<hbm>>
      tpu.enqueue_dma source(%dma_start3A_149 : memref<45x224xi32, #tpu.memory_space<hbm>>) target(%arg7 : memref<45x224xi32, #tpu.memory_space<vmem>>) target_semaphore(%run_scoped3A_145 : memref<!tpu.dma_semaphore, #tpu.memory_space<semaphore_mem>>)
      %dma_wait3A_150 = arith.constant 0 : i32
      %dma_wait3A_151 = tpu.memref_slice %arg4[%mul3A_20, %dma_wait3A_150] : memref<1440x224xi32, #tpu.memory_space<hbm>> -> memref<45x224xi32, #tpu.memory_space<hbm>>
      %dma_wait3A_152 = arith.constant 0 : i32
      %dma_wait3A_153 = tpu.memref_slice %arg4[%mul3A_20, %dma_wait3A_152] : memref<1440x224xi32, #tpu.memory_space<hbm>> -> memref<45x224xi32, #tpu.memory_space<hbm>>
      tpu.wait_dma2 semaphore(%run_scoped3A_145 : memref<!tpu.dma_semaphore, #tpu.memory_space<semaphore_mem>>) src(%dma_wait3A_153 : memref<45x224xi32, #tpu.memory_space<hbm>>) dst(%arg7 : memref<45x224xi32, #tpu.memory_space<vmem>>)
      tpu.yield
    }) : () -> ()
    %dma_start3A = arith.constant 0 : i32
    %dma_start3A_21 = arith.constant 0 : i32
    %dma_start3A_22 = tpu.memref_slice %arg6[%dma_start3A, %dma_start3A_21] : memref<47x224xi32, #tpu.memory_space<vmem>> -> memref<1x224xi32, #tpu.memory_space<vmem>>
    %dma_start3A_23 = tpu.memref_squeeze %dma_start3A_22 : memref<1x224xi32, #tpu.memory_space<vmem>> -> memref<224xi32, #tpu.memory_space<vmem>>
    %dma_start3A_24 = arith.constant 0 : i32
    %dma_start3A_25 = arith.constant 0 : i32
    %dma_start3A_26 = tpu.memref_slice %arg2[%dma_start3A_24, %dma_start3A_25] : memref<20000x64xf32, #tpu.memory_space<hbm>> -> memref<20000x64xf32, #tpu.memory_space<hbm>>
    tpu.enqueue_indirect_dma source(%dma_start3A_26 : memref<20000x64xf32, #tpu.memory_space<hbm>>) target(%arg8 : memref<224x64xf32, #tpu.memory_space<vmem>>) offsets(%dma_start3A_23 : memref<224xi32, #tpu.memory_space<vmem>>) semaphore(%arg12 : memref<!tpu.dma_semaphore, #tpu.memory_space<semaphore_mem>>)
    %dma_start3A_27 = arith.constant 1 : i32
    %dma_start3A_28 = arith.constant 0 : i32
    %dma_start3A_29 = tpu.memref_slice %arg6[%dma_start3A_27, %dma_start3A_28] : memref<47x224xi32, #tpu.memory_space<vmem>> -> memref<1x224xi32, #tpu.memory_space<vmem>>
    %dma_start3A_30 = tpu.memref_squeeze %dma_start3A_29 : memref<1x224xi32, #tpu.memory_space<vmem>> -> memref<224xi32, #tpu.memory_space<vmem>>
    %dma_start3A_31 = arith.constant 0 : i32
    %dma_start3A_32 = arith.constant 0 : i32
    %dma_start3A_33 = tpu.memref_slice %arg2[%dma_start3A_31, %dma_start3A_32] : memref<20000x64xf32, #tpu.memory_space<hbm>> -> memref<20000x64xf32, #tpu.memory_space<hbm>>
    tpu.enqueue_indirect_dma source(%dma_start3A_33 : memref<20000x64xf32, #tpu.memory_space<hbm>>) target(%arg9 : memref<224x64xf32, #tpu.memory_space<vmem>>) offsets(%dma_start3A_30 : memref<224xi32, #tpu.memory_space<vmem>>) semaphore(%arg13 : memref<!tpu.dma_semaphore, #tpu.memory_space<semaphore_mem>>)
    %barrier3A = arith.constant 0 : index
    tpu.barrier barrier_id(%barrier3A)
    %dma_wait3A = arith.constant 0 : i32
    %dma_wait3A_34 = arith.constant 0 : i32
    %dma_wait3A_35 = tpu.memref_slice %arg6[%dma_wait3A, %dma_wait3A_34] : memref<47x224xi32, #tpu.memory_space<vmem>> -> memref<1x224xi32, #tpu.memory_space<vmem>>
    %dma_wait3A_36 = tpu.memref_squeeze %dma_wait3A_35 : memref<1x224xi32, #tpu.memory_space<vmem>> -> memref<224xi32, #tpu.memory_space<vmem>>
    %dma_wait3A_37 = arith.constant 0 : i32
    %dma_wait3A_38 = arith.constant 0 : i32
    %dma_wait3A_39 = tpu.memref_slice %arg2[%dma_wait3A_37, %dma_wait3A_38] : memref<20000x64xf32, #tpu.memory_space<hbm>> -> memref<20000x64xf32, #tpu.memory_space<hbm>>
    tpu.wait_indirect_dma semaphore(%arg12 : memref<!tpu.dma_semaphore, #tpu.memory_space<semaphore_mem>>) src(%dma_wait3A_39 : memref<20000x64xf32, #tpu.memory_space<hbm>>) dst(%arg8 : memref<224x64xf32, #tpu.memory_space<vmem>>)
    %dma_start3A_40 = arith.constant 0 : i32
    %dma_start3A_41 = arith.constant 0 : i32
    %dma_start3A_42 = tpu.memref_slice %arg7[%dma_start3A_40, %dma_start3A_41] : memref<45x224xi32, #tpu.memory_space<vmem>> -> memref<1x224xi32, #tpu.memory_space<vmem>>
    %dma_start3A_43 = tpu.memref_squeeze %dma_start3A_42 : memref<1x224xi32, #tpu.memory_space<vmem>> -> memref<224xi32, #tpu.memory_space<vmem>>
    %dma_start3A_44 = arith.constant 0 : i32
    %dma_start3A_45 = arith.constant 0 : i32
    %dma_start3A_46 = tpu.memref_slice %arg11[%dma_start3A_44, %dma_start3A_45] : memref<10240x64xf32, #tpu.memory_space<vmem_shared>> -> memref<10240x64xf32, #tpu.memory_space<vmem_shared>>
    tpu.enqueue_indirect_dma source(%arg8 : memref<224x64xf32, #tpu.memory_space<vmem>>) target(%dma_start3A_46 : memref<10240x64xf32, #tpu.memory_space<vmem_shared>>) offsets(%dma_start3A_43 : memref<224xi32, #tpu.memory_space<vmem>>) semaphore(%arg15 : memref<!tpu.dma_semaphore, #tpu.memory_space<semaphore_mem>>) {add = true}
    %dma_start3A_47 = arith.constant 2 : i32
    %dma_start3A_48 = arith.constant 0 : i32
    %dma_start3A_49 = tpu.memref_slice %arg6[%dma_start3A_47, %dma_start3A_48] : memref<47x224xi32, #tpu.memory_space<vmem>> -> memref<1x224xi32, #tpu.memory_space<vmem>>
    %dma_start3A_50 = tpu.memref_squeeze %dma_start3A_49 : memref<1x224xi32, #tpu.memory_space<vmem>> -> memref<224xi32, #tpu.memory_space<vmem>>
    %dma_start3A_51 = arith.constant 0 : i32
    %dma_start3A_52 = arith.constant 0 : i32
    %dma_start3A_53 = tpu.memref_slice %arg2[%dma_start3A_51, %dma_start3A_52] : memref<20000x64xf32, #tpu.memory_space<hbm>> -> memref<20000x64xf32, #tpu.memory_space<hbm>>
    tpu.enqueue_indirect_dma source(%dma_start3A_53 : memref<20000x64xf32, #tpu.memory_space<hbm>>) target(%arg10 : memref<224x64xf32, #tpu.memory_space<vmem>>) offsets(%dma_start3A_50 : memref<224xi32, #tpu.memory_space<vmem>>) semaphore(%arg14 : memref<!tpu.dma_semaphore, #tpu.memory_space<semaphore_mem>>)
    %scan3A_54 = arith.constant 0 : i32
    %scan3A_55 = arith.constant 0 : i32
    %scan3A_56 = arith.constant 14 : i32
    %scan3A_57 = arith.addi %scan3A_55, %scan3A_56 : i32
    %scan3A_58 = arith.constant 1 : i32
    %scan3A_59 = scf.for %scan3A_145 = %scan3A_55 to %scan3A_57 step %scan3A_58 iter_args(%scan3A_146 = %scan3A_54) -> (i32)  : i32 {
      %mul3A_147 = arith.constant 3 : i32
      %mul3A_148 = arith.muli %scan3A_145, %mul3A_147 : i32
      %add3A_149 = arith.constant 1 : i32
      %add3A_150 = arith.addi %add3A_149, %mul3A_148 : i32
      %add3A_151 = arith.constant 0 : i32
      %add3A_152 = arith.addi %add3A_150, %add3A_151 : i32
      %dma_wait3A_153 = arith.constant 0 : i32
      %dma_wait3A_154 = tpu.memref_slice %arg6[%add3A_152, %dma_wait3A_153] : memref<47x224xi32, #tpu.memory_space<vmem>> -> memref<1x224xi32, #tpu.memory_space<vmem>>
      %dma_wait3A_155 = tpu.memref_squeeze %dma_wait3A_154 : memref<1x224xi32, #tpu.memory_space<vmem>> -> memref<224xi32, #tpu.memory_space<vmem>>
      %dma_wait3A_156 = arith.constant 0 : i32
      %dma_wait3A_157 = arith.constant 0 : i32
      %dma_wait3A_158 = tpu.memref_slice %arg2[%dma_wait3A_156, %dma_wait3A_157] : memref<20000x64xf32, #tpu.memory_space<hbm>> -> memref<20000x64xf32, #tpu.memory_space<hbm>>
      tpu.wait_indirect_dma semaphore(%arg13 : memref<!tpu.dma_semaphore, #tpu.memory_space<semaphore_mem>>) src(%dma_wait3A_158 : memref<20000x64xf32, #tpu.memory_space<hbm>>) dst(%arg9 : memref<224x64xf32, #tpu.memory_space<vmem>>)
      %dma_start3A_159 = arith.constant 0 : i32
      %dma_start3A_160 = tpu.memref_slice %arg7[%add3A_152, %dma_start3A_159] : memref<45x224xi32, #tpu.memory_space<vmem>> -> memref<1x224xi32, #tpu.memory_space<vmem>>
      %dma_start3A_161 = tpu.memref_squeeze %dma_start3A_160 : memref<1x224xi32, #tpu.memory_space<vmem>> -> memref<224xi32, #tpu.memory_space<vmem>>
      %dma_start3A_162 = arith.constant 0 : i32
      %dma_start3A_163 = arith.constant 0 : i32
      %dma_start3A_164 = tpu.memref_slice %arg11[%dma_start3A_162, %dma_start3A_163] : memref<10240x64xf32, #tpu.memory_space<vmem_shared>> -> memref<10240x64xf32, #tpu.memory_space<vmem_shared>>
      tpu.enqueue_indirect_dma source(%arg9 : memref<224x64xf32, #tpu.memory_space<vmem>>) target(%dma_start3A_164 : memref<10240x64xf32, #tpu.memory_space<vmem_shared>>) offsets(%dma_start3A_161 : memref<224xi32, #tpu.memory_space<vmem>>) semaphore(%arg16 : memref<!tpu.dma_semaphore, #tpu.memory_space<semaphore_mem>>) {add = true}
      %dma_wait3A_165 = arith.constant 0 : i32
      %dma_wait3A_166 = arith.constant 0 : i32
      %dma_wait3A_167 = tpu.memref_slice %arg7[%dma_wait3A_165, %dma_wait3A_166] : memref<45x224xi32, #tpu.memory_space<vmem>> -> memref<1x224xi32, #tpu.memory_space<vmem>>
      %dma_wait3A_168 = tpu.memref_squeeze %dma_wait3A_167 : memref<1x224xi32, #tpu.memory_space<vmem>> -> memref<224xi32, #tpu.memory_space<vmem>>
      %dma_wait3A_169 = arith.constant 0 : i32
      %dma_wait3A_170 = arith.constant 0 : i32
      %dma_wait3A_171 = tpu.memref_slice %arg11[%dma_wait3A_169, %dma_wait3A_170] : memref<10240x64xf32, #tpu.memory_space<vmem_shared>> -> memref<10240x64xf32, #tpu.memory_space<vmem_shared>>
      tpu.wait_indirect_dma semaphore(%arg15 : memref<!tpu.dma_semaphore, #tpu.memory_space<semaphore_mem>>) src(%arg8 : memref<224x64xf32, #tpu.memory_space<vmem>>) dst(%dma_wait3A_171 : memref<10240x64xf32, #tpu.memory_space<vmem_shared>>)
      %add3A_172 = arith.constant 2 : i32
      %add3A_173 = arith.addi %add3A_152, %add3A_172 : i32
      %dma_start3A_174 = arith.constant 0 : i32
      %dma_start3A_175 = tpu.memref_slice %arg6[%add3A_173, %dma_start3A_174] : memref<47x224xi32, #tpu.memory_space<vmem>> -> memref<1x224xi32, #tpu.memory_space<vmem>>
      %dma_start3A_176 = tpu.memref_squeeze %dma_start3A_175 : memref<1x224xi32, #tpu.memory_space<vmem>> -> memref<224xi32, #tpu.memory_space<vmem>>
      %dma_start3A_177 = arith.constant 0 : i32
      %dma_start3A_178 = arith.constant 0 : i32
      %dma_start3A_179 = tpu.memref_slice %arg2[%dma_start3A_177, %dma_start3A_178] : memref<20000x64xf32, #tpu.memory_space<hbm>> -> memref<20000x64xf32, #tpu.memory_space<hbm>>
      tpu.enqueue_indirect_dma source(%dma_start3A_179 : memref<20000x64xf32, #tpu.memory_space<hbm>>) target(%arg8 : memref<224x64xf32, #tpu.memory_space<vmem>>) offsets(%dma_start3A_176 : memref<224xi32, #tpu.memory_space<vmem>>) semaphore(%arg12 : memref<!tpu.dma_semaphore, #tpu.memory_space<semaphore_mem>>)
      %mul3A_180 = arith.constant 3 : i32
      %mul3A_181 = arith.muli %scan3A_145, %mul3A_180 : i32
      %add3A_182 = arith.constant 1 : i32
      %add3A_183 = arith.addi %add3A_182, %mul3A_181 : i32
      %add3A_184 = arith.constant 1 : i32
      %add3A_185 = arith.addi %add3A_183, %add3A_184 : i32
      %dma_wait3A_186 = arith.constant 0 : i32
      %dma_wait3A_187 = tpu.memref_slice %arg6[%add3A_185, %dma_wait3A_186] : memref<47x224xi32, #tpu.memory_space<vmem>> -> memref<1x224xi32, #tpu.memory_space<vmem>>
      %dma_wait3A_188 = tpu.memref_squeeze %dma_wait3A_187 : memref<1x224xi32, #tpu.memory_space<vmem>> -> memref<224xi32, #tpu.memory_space<vmem>>
      %dma_wait3A_189 = arith.constant 0 : i32
      %dma_wait3A_190 = arith.constant 0 : i32
      %dma_wait3A_191 = tpu.memref_slice %arg2[%dma_wait3A_189, %dma_wait3A_190] : memref<20000x64xf32, #tpu.memory_space<hbm>> -> memref<20000x64xf32, #tpu.memory_space<hbm>>
      tpu.wait_indirect_dma semaphore(%arg14 : memref<!tpu.dma_semaphore, #tpu.memory_space<semaphore_mem>>) src(%dma_wait3A_191 : memref<20000x64xf32, #tpu.memory_space<hbm>>) dst(%arg10 : memref<224x64xf32, #tpu.memory_space<vmem>>)
      %dma_start3A_192 = arith.constant 0 : i32
      %dma_start3A_193 = tpu.memref_slice %arg7[%add3A_185, %dma_start3A_192] : memref<45x224xi32, #tpu.memory_space<vmem>> -> memref<1x224xi32, #tpu.memory_space<vmem>>
      %dma_start3A_194 = tpu.memref_squeeze %dma_start3A_193 : memref<1x224xi32, #tpu.memory_space<vmem>> -> memref<224xi32, #tpu.memory_space<vmem>>
      %dma_start3A_195 = arith.constant 0 : i32
      %dma_start3A_196 = arith.constant 0 : i32
      %dma_start3A_197 = tpu.memref_slice %arg11[%dma_start3A_195, %dma_start3A_196] : memref<10240x64xf32, #tpu.memory_space<vmem_shared>> -> memref<10240x64xf32, #tpu.memory_space<vmem_shared>>
      tpu.enqueue_indirect_dma source(%arg10 : memref<224x64xf32, #tpu.memory_space<vmem>>) target(%dma_start3A_197 : memref<10240x64xf32, #tpu.memory_space<vmem_shared>>) offsets(%dma_start3A_194 : memref<224xi32, #tpu.memory_space<vmem>>) semaphore(%arg17 : memref<!tpu.dma_semaphore, #tpu.memory_space<semaphore_mem>>) {add = true}
      %dma_wait3A_198 = arith.constant 0 : i32
      %dma_wait3A_199 = arith.constant 0 : i32
      %dma_wait3A_200 = tpu.memref_slice %arg7[%dma_wait3A_198, %dma_wait3A_199] : memref<45x224xi32, #tpu.memory_space<vmem>> -> memref<1x224xi32, #tpu.memory_space<vmem>>
      %dma_wait3A_201 = tpu.memref_squeeze %dma_wait3A_200 : memref<1x224xi32, #tpu.memory_space<vmem>> -> memref<224xi32, #tpu.memory_space<vmem>>
      %dma_wait3A_202 = arith.constant 0 : i32
      %dma_wait3A_203 = arith.constant 0 : i32
      %dma_wait3A_204 = tpu.memref_slice %arg11[%dma_wait3A_202, %dma_wait3A_203] : memref<10240x64xf32, #tpu.memory_space<vmem_shared>> -> memref<10240x64xf32, #tpu.memory_space<vmem_shared>>
      tpu.wait_indirect_dma semaphore(%arg16 : memref<!tpu.dma_semaphore, #tpu.memory_space<semaphore_mem>>) src(%arg9 : memref<224x64xf32, #tpu.memory_space<vmem>>) dst(%dma_wait3A_204 : memref<10240x64xf32, #tpu.memory_space<vmem_shared>>)
      %add3A_205 = arith.constant 2 : i32
      %add3A_206 = arith.addi %add3A_185, %add3A_205 : i32
      %dma_start3A_207 = arith.constant 0 : i32
      %dma_start3A_208 = tpu.memref_slice %arg6[%add3A_206, %dma_start3A_207] : memref<47x224xi32, #tpu.memory_space<vmem>> -> memref<1x224xi32, #tpu.memory_space<vmem>>
      %dma_start3A_209 = tpu.memref_squeeze %dma_start3A_208 : memref<1x224xi32, #tpu.memory_space<vmem>> -> memref<224xi32, #tpu.memory_space<vmem>>
      %dma_start3A_210 = arith.constant 0 : i32
      %dma_start3A_211 = arith.constant 0 : i32
      %dma_start3A_212 = tpu.memref_slice %arg2[%dma_start3A_210, %dma_start3A_211] : memref<20000x64xf32, #tpu.memory_space<hbm>> -> memref<20000x64xf32, #tpu.memory_space<hbm>>
      tpu.enqueue_indirect_dma source(%dma_start3A_212 : memref<20000x64xf32, #tpu.memory_space<hbm>>) target(%arg9 : memref<224x64xf32, #tpu.memory_space<vmem>>) offsets(%dma_start3A_209 : memref<224xi32, #tpu.memory_space<vmem>>) semaphore(%arg13 : memref<!tpu.dma_semaphore, #tpu.memory_space<semaphore_mem>>)
      %mul3A_213 = arith.constant 3 : i32
      %mul3A_214 = arith.muli %scan3A_145, %mul3A_213 : i32
      %add3A_215 = arith.constant 1 : i32
      %add3A_216 = arith.addi %add3A_215, %mul3A_214 : i32
      %add3A_217 = arith.constant 2 : i32
      %add3A_218 = arith.addi %add3A_216, %add3A_217 : i32
      %dma_wait3A_219 = arith.constant 0 : i32
      %dma_wait3A_220 = tpu.memref_slice %arg6[%add3A_218, %dma_wait3A_219] : memref<47x224xi32, #tpu.memory_space<vmem>> -> memref<1x224xi32, #tpu.memory_space<vmem>>
      %dma_wait3A_221 = tpu.memref_squeeze %dma_wait3A_220 : memref<1x224xi32, #tpu.memory_space<vmem>> -> memref<224xi32, #tpu.memory_space<vmem>>
      %dma_wait3A_222 = arith.constant 0 : i32
      %dma_wait3A_223 = arith.constant 0 : i32
      %dma_wait3A_224 = tpu.memref_slice %arg2[%dma_wait3A_222, %dma_wait3A_223] : memref<20000x64xf32, #tpu.memory_space<hbm>> -> memref<20000x64xf32, #tpu.memory_space<hbm>>
      tpu.wait_indirect_dma semaphore(%arg12 : memref<!tpu.dma_semaphore, #tpu.memory_space<semaphore_mem>>) src(%dma_wait3A_224 : memref<20000x64xf32, #tpu.memory_space<hbm>>) dst(%arg8 : memref<224x64xf32, #tpu.memory_space<vmem>>)
      %dma_start3A_225 = arith.constant 0 : i32
      %dma_start3A_226 = tpu.memref_slice %arg7[%add3A_218, %dma_start3A_225] : memref<45x224xi32, #tpu.memory_space<vmem>> -> memref<1x224xi32, #tpu.memory_space<vmem>>
      %dma_start3A_227 = tpu.memref_squeeze %dma_start3A_226 : memref<1x224xi32, #tpu.memory_space<vmem>> -> memref<224xi32, #tpu.memory_space<vmem>>
      %dma_start3A_228 = arith.constant 0 : i32
      %dma_start3A_229 = arith.constant 0 : i32
      %dma_start3A_230 = tpu.memref_slice %arg11[%dma_start3A_228, %dma_start3A_229] : memref<10240x64xf32, #tpu.memory_space<vmem_shared>> -> memref<10240x64xf32, #tpu.memory_space<vmem_shared>>
      tpu.enqueue_indirect_dma source(%arg8 : memref<224x64xf32, #tpu.memory_space<vmem>>) target(%dma_start3A_230 : memref<10240x64xf32, #tpu.memory_space<vmem_shared>>) offsets(%dma_start3A_227 : memref<224xi32, #tpu.memory_space<vmem>>) semaphore(%arg15 : memref<!tpu.dma_semaphore, #tpu.memory_space<semaphore_mem>>) {add = true}
      %dma_wait3A_231 = arith.constant 0 : i32
      %dma_wait3A_232 = arith.constant 0 : i32
      %dma_wait3A_233 = tpu.memref_slice %arg7[%dma_wait3A_231, %dma_wait3A_232] : memref<45x224xi32, #tpu.memory_space<vmem>> -> memref<1x224xi32, #tpu.memory_space<vmem>>
      %dma_wait3A_234 = tpu.memref_squeeze %dma_wait3A_233 : memref<1x224xi32, #tpu.memory_space<vmem>> -> memref<224xi32, #tpu.memory_space<vmem>>
      %dma_wait3A_235 = arith.constant 0 : i32
      %dma_wait3A_236 = arith.constant 0 : i32
      %dma_wait3A_237 = tpu.memref_slice %arg11[%dma_wait3A_235, %dma_wait3A_236] : memref<10240x64xf32, #tpu.memory_space<vmem_shared>> -> memref<10240x64xf32, #tpu.memory_space<vmem_shared>>
      tpu.wait_indirect_dma semaphore(%arg17 : memref<!tpu.dma_semaphore, #tpu.memory_space<semaphore_mem>>) src(%arg10 : memref<224x64xf32, #tpu.memory_space<vmem>>) dst(%dma_wait3A_237 : memref<10240x64xf32, #tpu.memory_space<vmem_shared>>)
      %add3A_238 = arith.constant 2 : i32
      %add3A_239 = arith.addi %add3A_218, %add3A_238 : i32
      %dma_start3A_240 = arith.constant 0 : i32
      %dma_start3A_241 = tpu.memref_slice %arg6[%add3A_239, %dma_start3A_240] : memref<47x224xi32, #tpu.memory_space<vmem>> -> memref<1x224xi32, #tpu.memory_space<vmem>>
      %dma_start3A_242 = tpu.memref_squeeze %dma_start3A_241 : memref<1x224xi32, #tpu.memory_space<vmem>> -> memref<224xi32, #tpu.memory_space<vmem>>
      %dma_start3A_243 = arith.constant 0 : i32
      %dma_start3A_244 = arith.constant 0 : i32
      %dma_start3A_245 = tpu.memref_slice %arg2[%dma_start3A_243, %dma_start3A_244] : memref<20000x64xf32, #tpu.memory_space<hbm>> -> memref<20000x64xf32, #tpu.memory_space<hbm>>
      tpu.enqueue_indirect_dma source(%dma_start3A_245 : memref<20000x64xf32, #tpu.memory_space<hbm>>) target(%arg10 : memref<224x64xf32, #tpu.memory_space<vmem>>) offsets(%dma_start3A_242 : memref<224xi32, #tpu.memory_space<vmem>>) semaphore(%arg14 : memref<!tpu.dma_semaphore, #tpu.memory_space<semaphore_mem>>)
      %scan3A_246 = arith.constant 0 : i32
      scf.yield %scan3A_246 : i32
    }
    %scan3A_60 = arith.constant 14 : i32
    %dma_wait3A_61 = arith.constant 43 : i32
    %dma_wait3A_62 = arith.constant 0 : i32
    %dma_wait3A_63 = tpu.memref_slice %arg6[%dma_wait3A_61, %dma_wait3A_62] : memref<47x224xi32, #tpu.memory_space<vmem>> -> memref<1x224xi32, #tpu.memory_space<vmem>>
    %dma_wait3A_64 = tpu.memref_squeeze %dma_wait3A_63 : memref<1x224xi32, #tpu.memory_space<vmem>> -> memref<224xi32, #tpu.memory_space<vmem>>
    %dma_wait3A_65 = arith.constant 0 : i32
    %dma_wait3A_66 = arith.constant 0 : i32
    %dma_wait3A_67 = tpu.memref_slice %arg2[%dma_wait3A_65, %dma_wait3A_66] : memref<20000x64xf32, #tpu.memory_space<hbm>> -> memref<20000x64xf32, #tpu.memory_space<hbm>>
    tpu.wait_indirect_dma semaphore(%arg13 : memref<!tpu.dma_semaphore, #tpu.memory_space<semaphore_mem>>) src(%dma_wait3A_67 : memref<20000x64xf32, #tpu.memory_space<hbm>>) dst(%arg9 : memref<224x64xf32, #tpu.memory_space<vmem>>)
    %dma_start3A_68 = arith.constant 43 : i32
    %dma_start3A_69 = arith.constant 0 : i32
    %dma_start3A_70 = tpu.memref_slice %arg7[%dma_start3A_68, %dma_start3A_69] : memref<45x224xi32, #tpu.memory_space<vmem>> -> memref<1x224xi32, #tpu.memory_space<vmem>>
    %dma_start3A_71 = tpu.memref_squeeze %dma_start3A_70 : memref<1x224xi32, #tpu.memory_space<vmem>> -> memref<224xi32, #tpu.memory_space<vmem>>
    %dma_start3A_72 = arith.constant 0 : i32
    %dma_start3A_73 = arith.constant 0 : i32
    %dma_start3A_74 = tpu.memref_slice %arg11[%dma_start3A_72, %dma_start3A_73] : memref<10240x64xf32, #tpu.memory_space<vmem_shared>> -> memref<10240x64xf32, #tpu.memory_space<vmem_shared>>
    tpu.enqueue_indirect_dma source(%arg9 : memref<224x64xf32, #tpu.memory_space<vmem>>) target(%dma_start3A_74 : memref<10240x64xf32, #tpu.memory_space<vmem_shared>>) offsets(%dma_start3A_71 : memref<224xi32, #tpu.memory_space<vmem>>) semaphore(%arg16 : memref<!tpu.dma_semaphore, #tpu.memory_space<semaphore_mem>>) {add = true}
    %dma_wait3A_75 = arith.constant 0 : i32
    %dma_wait3A_76 = arith.constant 0 : i32
    %dma_wait3A_77 = tpu.memref_slice %arg7[%dma_wait3A_75, %dma_wait3A_76] : memref<45x224xi32, #tpu.memory_space<vmem>> -> memref<1x224xi32, #tpu.memory_space<vmem>>
    %dma_wait3A_78 = tpu.memref_squeeze %dma_wait3A_77 : memref<1x224xi32, #tpu.memory_space<vmem>> -> memref<224xi32, #tpu.memory_space<vmem>>
    %dma_wait3A_79 = arith.constant 0 : i32
    %dma_wait3A_80 = arith.constant 0 : i32
    %dma_wait3A_81 = tpu.memref_slice %arg11[%dma_wait3A_79, %dma_wait3A_80] : memref<10240x64xf32, #tpu.memory_space<vmem_shared>> -> memref<10240x64xf32, #tpu.memory_space<vmem_shared>>
    tpu.wait_indirect_dma semaphore(%arg15 : memref<!tpu.dma_semaphore, #tpu.memory_space<semaphore_mem>>) src(%arg8 : memref<224x64xf32, #tpu.memory_space<vmem>>) dst(%dma_wait3A_81 : memref<10240x64xf32, #tpu.memory_space<vmem_shared>>)
    %dma_start3A_82 = arith.constant 45 : i32
    %dma_start3A_83 = arith.constant 0 : i32
    %dma_start3A_84 = tpu.memref_slice %arg6[%dma_start3A_82, %dma_start3A_83] : memref<47x224xi32, #tpu.memory_space<vmem>> -> memref<1x224xi32, #tpu.memory_space<vmem>>
    %dma_start3A_85 = tpu.memref_squeeze %dma_start3A_84 : memref<1x224xi32, #tpu.memory_space<vmem>> -> memref<224xi32, #tpu.memory_space<vmem>>
    %dma_start3A_86 = arith.constant 0 : i32
    %dma_start3A_87 = arith.constant 0 : i32
    %dma_start3A_88 = tpu.memref_slice %arg2[%dma_start3A_86, %dma_start3A_87] : memref<20000x64xf32, #tpu.memory_space<hbm>> -> memref<20000x64xf32, #tpu.memory_space<hbm>>
    tpu.enqueue_indirect_dma source(%dma_start3A_88 : memref<20000x64xf32, #tpu.memory_space<hbm>>) target(%arg8 : memref<224x64xf32, #tpu.memory_space<vmem>>) offsets(%dma_start3A_85 : memref<224xi32, #tpu.memory_space<vmem>>) semaphore(%arg12 : memref<!tpu.dma_semaphore, #tpu.memory_space<semaphore_mem>>)
    %dma_wait3A_89 = arith.constant 44 : i32
    %dma_wait3A_90 = arith.constant 0 : i32
    %dma_wait3A_91 = tpu.memref_slice %arg6[%dma_wait3A_89, %dma_wait3A_90] : memref<47x224xi32, #tpu.memory_space<vmem>> -> memref<1x224xi32, #tpu.memory_space<vmem>>
    %dma_wait3A_92 = tpu.memref_squeeze %dma_wait3A_91 : memref<1x224xi32, #tpu.memory_space<vmem>> -> memref<224xi32, #tpu.memory_space<vmem>>
    %dma_wait3A_93 = arith.constant 0 : i32
    %dma_wait3A_94 = arith.constant 0 : i32
    %dma_wait3A_95 = tpu.memref_slice %arg2[%dma_wait3A_93, %dma_wait3A_94] : memref<20000x64xf32, #tpu.memory_space<hbm>> -> memref<20000x64xf32, #tpu.memory_space<hbm>>
    tpu.wait_indirect_dma semaphore(%arg14 : memref<!tpu.dma_semaphore, #tpu.memory_space<semaphore_mem>>) src(%dma_wait3A_95 : memref<20000x64xf32, #tpu.memory_space<hbm>>) dst(%arg10 : memref<224x64xf32, #tpu.memory_space<vmem>>)
    %dma_start3A_96 = arith.constant 44 : i32
    %dma_start3A_97 = arith.constant 0 : i32
    %dma_start3A_98 = tpu.memref_slice %arg7[%dma_start3A_96, %dma_start3A_97] : memref<45x224xi32, #tpu.memory_space<vmem>> -> memref<1x224xi32, #tpu.memory_space<vmem>>
    %dma_start3A_99 = tpu.memref_squeeze %dma_start3A_98 : memref<1x224xi32, #tpu.memory_space<vmem>> -> memref<224xi32, #tpu.memory_space<vmem>>
    %dma_start3A_100 = arith.constant 0 : i32
    %dma_start3A_101 = arith.constant 0 : i32
    %dma_start3A_102 = tpu.memref_slice %arg11[%dma_start3A_100, %dma_start3A_101] : memref<10240x64xf32, #tpu.memory_space<vmem_shared>> -> memref<10240x64xf32, #tpu.memory_space<vmem_shared>>
    tpu.enqueue_indirect_dma source(%arg10 : memref<224x64xf32, #tpu.memory_space<vmem>>) target(%dma_start3A_102 : memref<10240x64xf32, #tpu.memory_space<vmem_shared>>) offsets(%dma_start3A_99 : memref<224xi32, #tpu.memory_space<vmem>>) semaphore(%arg17 : memref<!tpu.dma_semaphore, #tpu.memory_space<semaphore_mem>>) {add = true}
    %dma_wait3A_103 = arith.constant 0 : i32
    %dma_wait3A_104 = arith.constant 0 : i32
    %dma_wait3A_105 = tpu.memref_slice %arg7[%dma_wait3A_103, %dma_wait3A_104] : memref<45x224xi32, #tpu.memory_space<vmem>> -> memref<1x224xi32, #tpu.memory_space<vmem>>
    %dma_wait3A_106 = tpu.memref_squeeze %dma_wait3A_105 : memref<1x224xi32, #tpu.memory_space<vmem>> -> memref<224xi32, #tpu.memory_space<vmem>>
    %dma_wait3A_107 = arith.constant 0 : i32
    %dma_wait3A_108 = arith.constant 0 : i32
    %dma_wait3A_109 = tpu.memref_slice %arg11[%dma_wait3A_107, %dma_wait3A_108] : memref<10240x64xf32, #tpu.memory_space<vmem_shared>> -> memref<10240x64xf32, #tpu.memory_space<vmem_shared>>
    tpu.wait_indirect_dma semaphore(%arg16 : memref<!tpu.dma_semaphore, #tpu.memory_space<semaphore_mem>>) src(%arg9 : memref<224x64xf32, #tpu.memory_space<vmem>>) dst(%dma_wait3A_109 : memref<10240x64xf32, #tpu.memory_space<vmem_shared>>)
    %dma_start3A_110 = arith.constant 46 : i32
    %dma_start3A_111 = arith.constant 0 : i32
    %dma_start3A_112 = tpu.memref_slice %arg6[%dma_start3A_110, %dma_start3A_111] : memref<47x224xi32, #tpu.memory_space<vmem>> -> memref<1x224xi32, #tpu.memory_space<vmem>>
    %dma_start3A_113 = tpu.memref_squeeze %dma_start3A_112 : memref<1x224xi32, #tpu.memory_space<vmem>> -> memref<224xi32, #tpu.memory_space<vmem>>
    %dma_start3A_114 = arith.constant 0 : i32
    %dma_start3A_115 = arith.constant 0 : i32
    %dma_start3A_116 = tpu.memref_slice %arg2[%dma_start3A_114, %dma_start3A_115] : memref<20000x64xf32, #tpu.memory_space<hbm>> -> memref<20000x64xf32, #tpu.memory_space<hbm>>
    tpu.enqueue_indirect_dma source(%dma_start3A_116 : memref<20000x64xf32, #tpu.memory_space<hbm>>) target(%arg9 : memref<224x64xf32, #tpu.memory_space<vmem>>) offsets(%dma_start3A_113 : memref<224xi32, #tpu.memory_space<vmem>>) semaphore(%arg13 : memref<!tpu.dma_semaphore, #tpu.memory_space<semaphore_mem>>)
    %dma_wait3A_117 = arith.constant 0 : i32
    %dma_wait3A_118 = arith.constant 0 : i32
    %dma_wait3A_119 = tpu.memref_slice %arg7[%dma_wait3A_117, %dma_wait3A_118] : memref<45x224xi32, #tpu.memory_space<vmem>> -> memref<1x224xi32, #tpu.memory_space<vmem>>
    %dma_wait3A_120 = tpu.memref_squeeze %dma_wait3A_119 : memref<1x224xi32, #tpu.memory_space<vmem>> -> memref<224xi32, #tpu.memory_space<vmem>>
    %dma_wait3A_121 = arith.constant 0 : i32
    %dma_wait3A_122 = arith.constant 0 : i32
    %dma_wait3A_123 = tpu.memref_slice %arg11[%dma_wait3A_121, %dma_wait3A_122] : memref<10240x64xf32, #tpu.memory_space<vmem_shared>> -> memref<10240x64xf32, #tpu.memory_space<vmem_shared>>
    tpu.wait_indirect_dma semaphore(%arg17 : memref<!tpu.dma_semaphore, #tpu.memory_space<semaphore_mem>>) src(%arg10 : memref<224x64xf32, #tpu.memory_space<vmem>>) dst(%dma_wait3A_123 : memref<10240x64xf32, #tpu.memory_space<vmem_shared>>)
    %dma_wait3A_124 = arith.constant 0 : i32
    %dma_wait3A_125 = arith.constant 0 : i32
    %dma_wait3A_126 = tpu.memref_slice %arg6[%dma_wait3A_124, %dma_wait3A_125] : memref<47x224xi32, #tpu.memory_space<vmem>> -> memref<1x224xi32, #tpu.memory_space<vmem>>
    %dma_wait3A_127 = tpu.memref_squeeze %dma_wait3A_126 : memref<1x224xi32, #tpu.memory_space<vmem>> -> memref<224xi32, #tpu.memory_space<vmem>>
    %dma_wait3A_128 = arith.constant 0 : i32
    %dma_wait3A_129 = arith.constant 0 : i32
    %dma_wait3A_130 = tpu.memref_slice %arg2[%dma_wait3A_128, %dma_wait3A_129] : memref<20000x64xf32, #tpu.memory_space<hbm>> -> memref<20000x64xf32, #tpu.memory_space<hbm>>
    tpu.wait_indirect_dma semaphore(%arg12 : memref<!tpu.dma_semaphore, #tpu.memory_space<semaphore_mem>>) src(%dma_wait3A_130 : memref<20000x64xf32, #tpu.memory_space<hbm>>) dst(%arg8 : memref<224x64xf32, #tpu.memory_space<vmem>>)
    %dma_wait3A_131 = arith.constant 0 : i32
    %dma_wait3A_132 = arith.constant 0 : i32
    %dma_wait3A_133 = tpu.memref_slice %arg6[%dma_wait3A_131, %dma_wait3A_132] : memref<47x224xi32, #tpu.memory_space<vmem>> -> memref<1x224xi32, #tpu.memory_space<vmem>>
    %dma_wait3A_134 = tpu.memref_squeeze %dma_wait3A_133 : memref<1x224xi32, #tpu.memory_space<vmem>> -> memref<224xi32, #tpu.memory_space<vmem>>
    %dma_wait3A_135 = arith.constant 0 : i32
    %dma_wait3A_136 = arith.constant 0 : i32
    %dma_wait3A_137 = tpu.memref_slice %arg2[%dma_wait3A_135, %dma_wait3A_136] : memref<20000x64xf32, #tpu.memory_space<hbm>> -> memref<20000x64xf32, #tpu.memory_space<hbm>>
    tpu.wait_indirect_dma semaphore(%arg13 : memref<!tpu.dma_semaphore, #tpu.memory_space<semaphore_mem>>) src(%dma_wait3A_137 : memref<20000x64xf32, #tpu.memory_space<hbm>>) dst(%arg9 : memref<224x64xf32, #tpu.memory_space<vmem>>)
    %barrier3A_138 = arith.constant 0 : index
    tpu.barrier barrier_id(%barrier3A_138)
    %mul3A_139 = arith.constant 640 : i32
    %mul3A_140 = arith.muli %arg1, %mul3A_139 : i32
    %mul3A_141 = arith.constant 640 : i32
    %mul3A_142 = arith.muli %arg1, %mul3A_141 : i32
    %mul3A_143 = arith.constant 64 : i32
    %mul3A_144 = arith.muli %arg0, %mul3A_143 : i32
    "tpu.region"() ({
      %run_scoped3A_145 = tpu.sem_alloc : memref<!tpu.dma_semaphore, #tpu.memory_space<semaphore_mem>>
      %dma_start3A_146 = tpu.memref_slice %arg5[%mul3A_142, %mul3A_144] : memref<10240x128xf32, #tpu.memory_space<hbm>> -> memref<640x64xf32, #tpu.memory_space<hbm>>
      %dma_start3A_147 = arith.constant 0 : i32
      %dma_start3A_148 = tpu.memref_slice %arg11[%mul3A_140, %dma_start3A_147] : memref<10240x64xf32, #tpu.memory_space<vmem_shared>> -> memref<640x64xf32, #tpu.memory_space<vmem_shared>>
      tpu.enqueue_dma source(%dma_start3A_148 : memref<640x64xf32, #tpu.memory_space<vmem_shared>>) target(%dma_start3A_146 : memref<640x64xf32, #tpu.memory_space<hbm>>) target_semaphore(%run_scoped3A_145 : memref<!tpu.dma_semaphore, #tpu.memory_space<semaphore_mem>>)
      %dma_wait3A_149 = tpu.memref_slice %arg5[%mul3A_142, %mul3A_144] : memref<10240x128xf32, #tpu.memory_space<hbm>> -> memref<640x64xf32, #tpu.memory_space<hbm>>
      %dma_wait3A_150 = arith.constant 0 : i32
      %dma_wait3A_151 = tpu.memref_slice %arg11[%mul3A_140, %dma_wait3A_150] : memref<10240x64xf32, #tpu.memory_space<vmem_shared>> -> memref<640x64xf32, #tpu.memory_space<vmem_shared>>
      tpu.wait_dma2 semaphore(%run_scoped3A_145 : memref<!tpu.dma_semaphore, #tpu.memory_space<semaphore_mem>>) src(%dma_wait3A_151 : memref<640x64xf32, #tpu.memory_space<vmem_shared>>) dst(%dma_wait3A_149 : memref<640x64xf32, #tpu.memory_space<hbm>>)
      tpu.yield
    }) : () -> ()
    return
  }
}

#map = affine_map<(d0, d1) -> (0, 0)>
#map1 = affine_map<(d0, d1) -> (0, 0, 0)>
module attributes {stable_mosaic.version = 14 : i64} {
  func.func @body(%arg0: i32, %arg1: i32, %arg2: memref<20000x64xf32, #tpu.memory_space<hbm>>, %arg3: memref<2x1442x224xi32, #tpu.memory_space<hbm>>, %arg4: memref<1440x224xi32, #tpu.memory_space<hbm>>, %arg5: memref<10240x128xf32, #tpu.memory_space<hbm>>, %arg6: memref<92x224xi32, #tpu.memory_space<vmem>>, %arg7: memref<90x224xi32, #tpu.memory_space<vmem>>, %arg8: memref<224x64xf32, #tpu.memory_space<vmem>>, %arg9: memref<224x64xf32, #tpu.memory_space<vmem>>, %arg10: memref<224x64xf32, #tpu.memory_space<vmem>>, %arg11: memref<10240x64xf32, #tpu.memory_space<vmem_shared>>, %arg12: memref<!tpu.dma_semaphore, #tpu.memory_space<semaphore_mem>>, %arg13: memref<!tpu.dma_semaphore, #tpu.memory_space<semaphore_mem>>, %arg14: memref<!tpu.dma_semaphore, #tpu.memory_space<semaphore_mem>>, %arg15: memref<!tpu.dma_semaphore, #tpu.memory_space<semaphore_mem>>, %arg16: memref<!tpu.dma_semaphore, #tpu.memory_space<semaphore_mem>>, %arg17: memref<!tpu.dma_semaphore, #tpu.memory_space<semaphore_mem>>) attributes {dimension_semantics = [#tpu.dimension_semantics<core_parallel>, #tpu.dimension_semantics<subcore_parallel>], iteration_bounds = array<i64: 2, 16>, scalar_prefetch = 0 : i64, scratch_operands = 12 : i64, tpu.core_type = #tpu.core_type<sc_vector_subcore>, window_params = [{transform_indices = #map}, {transform_indices = #map1}, {transform_indices = #map}, {transform_indices = #map}]} {
    %scan3A = arith.constant 0 : i32
    %scan3A_0 = arith.constant 0 : i32
    %scan3A_1 = arith.constant 128 : i32
    %scan3A_2 = arith.addi %scan3A_0, %scan3A_1 : i32
    %scan3A_3 = arith.constant 1 : i32
    %scan3A_4 = scf.for %scan3A_142 = %scan3A_0 to %scan3A_2 step %scan3A_3 iter_args(%scan3A_143 = %scan3A) -> (i32)  : i32 {
      %broadcast_in_dim3A = arith.constant 0.000000e+00 : f32
      %broadcast_in_dim3A_144 = vector.broadcast %broadcast_in_dim3A : f32 to vector<16xf32>
      %swap3A = arith.index_cast %scan3A_142 : i32 to index
      %swap3A_145 = arith.constant 0 : index
      %swap3A_146 = tpu.vector_load %arg8[%swap3A, %swap3A_145] {strides = array<i32>} : memref<224x64xf32, #tpu.memory_space<vmem>>, vector<1x16xf32>,
      %swap3A_147 = vector.shape_cast %swap3A_146 : vector<1x16xf32> to vector<16xf32>
      %swap3A_148 = vector.shape_cast %broadcast_in_dim3A_144 : vector<16xf32> to vector<1x16xf32>
      tpu.vector_store %arg8[%swap3A, %swap3A_145], %swap3A_148 {strides = array<i32>} : memref<224x64xf32, #tpu.memory_space<vmem>>, vector<1x16xf32>,
      %broadcast_in_dim3A_149 = arith.constant 0.000000e+00 : f32
      %broadcast_in_dim3A_150 = vector.broadcast %broadcast_in_dim3A_149 : f32 to vector<16xf32>
      %swap3A_151 = arith.index_cast %scan3A_142 : i32 to index
      %swap3A_152 = arith.constant 16 : index
      %swap3A_153 = tpu.vector_load %arg8[%swap3A_151, %swap3A_152] {strides = array<i32>} : memref<224x64xf32, #tpu.memory_space<vmem>>, vector<1x16xf32>,
      %swap3A_154 = vector.shape_cast %swap3A_153 : vector<1x16xf32> to vector<16xf32>
      %swap3A_155 = vector.shape_cast %broadcast_in_dim3A_150 : vector<16xf32> to vector<1x16xf32>
      tpu.vector_store %arg8[%swap3A_151, %swap3A_152], %swap3A_155 {strides = array<i32>} : memref<224x64xf32, #tpu.memory_space<vmem>>, vector<1x16xf32>,
      %broadcast_in_dim3A_156 = arith.constant 0.000000e+00 : f32
      %broadcast_in_dim3A_157 = vector.broadcast %broadcast_in_dim3A_156 : f32 to vector<16xf32>
      %swap3A_158 = arith.index_cast %scan3A_142 : i32 to index
      %swap3A_159 = arith.constant 32 : index
      %swap3A_160 = tpu.vector_load %arg8[%swap3A_158, %swap3A_159] {strides = array<i32>} : memref<224x64xf32, #tpu.memory_space<vmem>>, vector<1x16xf32>,
      %swap3A_161 = vector.shape_cast %swap3A_160 : vector<1x16xf32> to vector<16xf32>
      %swap3A_162 = vector.shape_cast %broadcast_in_dim3A_157 : vector<16xf32> to vector<1x16xf32>
      tpu.vector_store %arg8[%swap3A_158, %swap3A_159], %swap3A_162 {strides = array<i32>} : memref<224x64xf32, #tpu.memory_space<vmem>>, vector<1x16xf32>,
      %broadcast_in_dim3A_163 = arith.constant 0.000000e+00 : f32
      %broadcast_in_dim3A_164 = vector.broadcast %broadcast_in_dim3A_163 : f32 to vector<16xf32>
      %swap3A_165 = arith.index_cast %scan3A_142 : i32 to index
      %swap3A_166 = arith.constant 48 : index
      %swap3A_167 = tpu.vector_load %arg8[%swap3A_165, %swap3A_166] {strides = array<i32>} : memref<224x64xf32, #tpu.memory_space<vmem>>, vector<1x16xf32>,
      %swap3A_168 = vector.shape_cast %swap3A_167 : vector<1x16xf32> to vector<16xf32>
      %swap3A_169 = vector.shape_cast %broadcast_in_dim3A_164 : vector<16xf32> to vector<1x16xf32>
      tpu.vector_store %arg8[%swap3A_165, %swap3A_166], %swap3A_169 {strides = array<i32>} : memref<224x64xf32, #tpu.memory_space<vmem>>, vector<1x16xf32>,
      %scan3A_170 = arith.constant 0 : i32
      scf.yield %scan3A_170 : i32
    }
    %scan3A_5 = arith.constant 128 : i32
    %mul3A = arith.constant 640 : i32
    %mul3A_6 = arith.muli %arg1, %mul3A : i32
    %add3A = arith.constant 0 : i32
    %add3A_7 = arith.addi %mul3A_6, %add3A : i32
    "tpu.region"() ({
      %run_scoped3A = tpu.sem_alloc : memref<!tpu.dma_semaphore, #tpu.memory_space<semaphore_mem>>
      %dma_start3A_142 = arith.constant 0 : i32
      %dma_start3A_143 = arith.constant 0 : i32
      %dma_start3A_144 = tpu.memref_slice %arg8[%dma_start3A_142, %dma_start3A_143] : memref<224x64xf32, #tpu.memory_space<vmem>> -> memref<128x64xf32, #tpu.memory_space<vmem>>
      %dma_start3A_145 = arith.constant 0 : i32
      %dma_start3A_146 = tpu.memref_slice %arg11[%add3A_7, %dma_start3A_145] : memref<10240x64xf32, #tpu.memory_space<vmem_shared>> -> memref<128x64xf32, #tpu.memory_space<vmem_shared>>
      %dma_start3A_147 = arith.constant 0 : i32
      %dma_start3A_148 = tpu.memref_slice %arg11[%add3A_7, %dma_start3A_147] : memref<10240x64xf32, #tpu.memory_space<vmem_shared>> -> memref<128x64xf32, #tpu.memory_space<vmem_shared>>
      %dma_start3A_149 = arith.constant 0 : i32
      %dma_start3A_150 = arith.constant 0 : i32
      %dma_start3A_151 = tpu.memref_slice %arg8[%dma_start3A_149, %dma_start3A_150] : memref<224x64xf32, #tpu.memory_space<vmem>> -> memref<128x64xf32, #tpu.memory_space<vmem>>
      tpu.enqueue_dma source(%dma_start3A_151 : memref<128x64xf32, #tpu.memory_space<vmem>>) target(%dma_start3A_148 : memref<128x64xf32, #tpu.memory_space<vmem_shared>>) target_semaphore(%run_scoped3A : memref<!tpu.dma_semaphore, #tpu.memory_space<semaphore_mem>>)
      %dma_wait3A_152 = arith.constant 0 : i32
      %dma_wait3A_153 = arith.constant 0 : i32
      %dma_wait3A_154 = tpu.memref_slice %arg8[%dma_wait3A_152, %dma_wait3A_153] : memref<224x64xf32, #tpu.memory_space<vmem>> -> memref<128x64xf32, #tpu.memory_space<vmem>>
      %dma_wait3A_155 = arith.constant 0 : i32
      %dma_wait3A_156 = tpu.memref_slice %arg11[%add3A_7, %dma_wait3A_155] : memref<10240x64xf32, #tpu.memory_space<vmem_shared>> -> memref<128x64xf32, #tpu.memory_space<vmem_shared>>
      %dma_wait3A_157 = arith.constant 0 : i32
      %dma_wait3A_158 = tpu.memref_slice %arg11[%add3A_7, %dma_wait3A_157] : memref<10240x64xf32, #tpu.memory_space<vmem_shared>> -> memref<128x64xf32, #tpu.memory_space<vmem_shared>>
      %dma_wait3A_159 = arith.constant 0 : i32
      %dma_wait3A_160 = arith.constant 0 : i32
      %dma_wait3A_161 = tpu.memref_slice %arg8[%dma_wait3A_159, %dma_wait3A_160] : memref<224x64xf32, #tpu.memory_space<vmem>> -> memref<128x64xf32, #tpu.memory_space<vmem>>
      tpu.wait_dma2 semaphore(%run_scoped3A : memref<!tpu.dma_semaphore, #tpu.memory_space<semaphore_mem>>) src(%dma_wait3A_161 : memref<128x64xf32, #tpu.memory_space<vmem>>) dst(%dma_wait3A_158 : memref<128x64xf32, #tpu.memory_space<vmem_shared>>)
      tpu.yield
    }) : () -> ()
    %add3A_8 = arith.constant 128 : i32
    %add3A_9 = arith.addi %mul3A_6, %add3A_8 : i32
    "tpu.region"() ({
      %run_scoped3A = tpu.sem_alloc : memref<!tpu.dma_semaphore, #tpu.memory_space<semaphore_mem>>
      %dma_start3A_142 = arith.constant 0 : i32
      %dma_start3A_143 = arith.constant 0 : i32
      %dma_start3A_144 = tpu.memref_slice %arg8[%dma_start3A_142, %dma_start3A_143] : memref<224x64xf32, #tpu.memory_space<vmem>> -> memref<128x64xf32, #tpu.memory_space<vmem>>
      %dma_start3A_145 = arith.constant 0 : i32
      %dma_start3A_146 = tpu.memref_slice %arg11[%add3A_9, %dma_start3A_145] : memref<10240x64xf32, #tpu.memory_space<vmem_shared>> -> memref<128x64xf32, #tpu.memory_space<vmem_shared>>
      %dma_start3A_147 = arith.constant 0 : i32
      %dma_start3A_148 = tpu.memref_slice %arg11[%add3A_9, %dma_start3A_147] : memref<10240x64xf32, #tpu.memory_space<vmem_shared>> -> memref<128x64xf32, #tpu.memory_space<vmem_shared>>
      %dma_start3A_149 = arith.constant 0 : i32
      %dma_start3A_150 = arith.constant 0 : i32
      %dma_start3A_151 = tpu.memref_slice %arg8[%dma_start3A_149, %dma_start3A_150] : memref<224x64xf32, #tpu.memory_space<vmem>> -> memref<128x64xf32, #tpu.memory_space<vmem>>
      tpu.enqueue_dma source(%dma_start3A_151 : memref<128x64xf32, #tpu.memory_space<vmem>>) target(%dma_start3A_148 : memref<128x64xf32, #tpu.memory_space<vmem_shared>>) target_semaphore(%run_scoped3A : memref<!tpu.dma_semaphore, #tpu.memory_space<semaphore_mem>>)
      %dma_wait3A_152 = arith.constant 0 : i32
      %dma_wait3A_153 = arith.constant 0 : i32
      %dma_wait3A_154 = tpu.memref_slice %arg8[%dma_wait3A_152, %dma_wait3A_153] : memref<224x64xf32, #tpu.memory_space<vmem>> -> memref<128x64xf32, #tpu.memory_space<vmem>>
      %dma_wait3A_155 = arith.constant 0 : i32
      %dma_wait3A_156 = tpu.memref_slice %arg11[%add3A_9, %dma_wait3A_155] : memref<10240x64xf32, #tpu.memory_space<vmem_shared>> -> memref<128x64xf32, #tpu.memory_space<vmem_shared>>
      %dma_wait3A_157 = arith.constant 0 : i32
      %dma_wait3A_158 = tpu.memref_slice %arg11[%add3A_9, %dma_wait3A_157] : memref<10240x64xf32, #tpu.memory_space<vmem_shared>> -> memref<128x64xf32, #tpu.memory_space<vmem_shared>>
      %dma_wait3A_159 = arith.constant 0 : i32
      %dma_wait3A_160 = arith.constant 0 : i32
      %dma_wait3A_161 = tpu.memref_slice %arg8[%dma_wait3A_159, %dma_wait3A_160] : memref<224x64xf32, #tpu.memory_space<vmem>> -> memref<128x64xf32, #tpu.memory_space<vmem>>
      tpu.wait_dma2 semaphore(%run_scoped3A : memref<!tpu.dma_semaphore, #tpu.memory_space<semaphore_mem>>) src(%dma_wait3A_161 : memref<128x64xf32, #tpu.memory_space<vmem>>) dst(%dma_wait3A_158 : memref<128x64xf32, #tpu.memory_space<vmem_shared>>)
      tpu.yield
    }) : () -> ()
    %add3A_10 = arith.constant 256 : i32
    %add3A_11 = arith.addi %mul3A_6, %add3A_10 : i32
    "tpu.region"() ({
      %run_scoped3A = tpu.sem_alloc : memref<!tpu.dma_semaphore, #tpu.memory_space<semaphore_mem>>
      %dma_start3A_142 = arith.constant 0 : i32
      %dma_start3A_143 = arith.constant 0 : i32
      %dma_start3A_144 = tpu.memref_slice %arg8[%dma_start3A_142, %dma_start3A_143] : memref<224x64xf32, #tpu.memory_space<vmem>> -> memref<128x64xf32, #tpu.memory_space<vmem>>
      %dma_start3A_145 = arith.constant 0 : i32
      %dma_start3A_146 = tpu.memref_slice %arg11[%add3A_11, %dma_start3A_145] : memref<10240x64xf32, #tpu.memory_space<vmem_shared>> -> memref<128x64xf32, #tpu.memory_space<vmem_shared>>
      %dma_start3A_147 = arith.constant 0 : i32
      %dma_start3A_148 = tpu.memref_slice %arg11[%add3A_11, %dma_start3A_147] : memref<10240x64xf32, #tpu.memory_space<vmem_shared>> -> memref<128x64xf32, #tpu.memory_space<vmem_shared>>
      %dma_start3A_149 = arith.constant 0 : i32
      %dma_start3A_150 = arith.constant 0 : i32
      %dma_start3A_151 = tpu.memref_slice %arg8[%dma_start3A_149, %dma_start3A_150] : memref<224x64xf32, #tpu.memory_space<vmem>> -> memref<128x64xf32, #tpu.memory_space<vmem>>
      tpu.enqueue_dma source(%dma_start3A_151 : memref<128x64xf32, #tpu.memory_space<vmem>>) target(%dma_start3A_148 : memref<128x64xf32, #tpu.memory_space<vmem_shared>>) target_semaphore(%run_scoped3A : memref<!tpu.dma_semaphore, #tpu.memory_space<semaphore_mem>>)
      %dma_wait3A_152 = arith.constant 0 : i32
      %dma_wait3A_153 = arith.constant 0 : i32
      %dma_wait3A_154 = tpu.memref_slice %arg8[%dma_wait3A_152, %dma_wait3A_153] : memref<224x64xf32, #tpu.memory_space<vmem>> -> memref<128x64xf32, #tpu.memory_space<vmem>>
      %dma_wait3A_155 = arith.constant 0 : i32
      %dma_wait3A_156 = tpu.memref_slice %arg11[%add3A_11, %dma_wait3A_155] : memref<10240x64xf32, #tpu.memory_space<vmem_shared>> -> memref<128x64xf32, #tpu.memory_space<vmem_shared>>
      %dma_wait3A_157 = arith.constant 0 : i32
      %dma_wait3A_158 = tpu.memref_slice %arg11[%add3A_11, %dma_wait3A_157] : memref<10240x64xf32, #tpu.memory_space<vmem_shared>> -> memref<128x64xf32, #tpu.memory_space<vmem_shared>>
      %dma_wait3A_159 = arith.constant 0 : i32
      %dma_wait3A_160 = arith.constant 0 : i32
      %dma_wait3A_161 = tpu.memref_slice %arg8[%dma_wait3A_159, %dma_wait3A_160] : memref<224x64xf32, #tpu.memory_space<vmem>> -> memref<128x64xf32, #tpu.memory_space<vmem>>
      tpu.wait_dma2 semaphore(%run_scoped3A : memref<!tpu.dma_semaphore, #tpu.memory_space<semaphore_mem>>) src(%dma_wait3A_161 : memref<128x64xf32, #tpu.memory_space<vmem>>) dst(%dma_wait3A_158 : memref<128x64xf32, #tpu.memory_space<vmem_shared>>)
      tpu.yield
    }) : () -> ()
    %add3A_12 = arith.constant 384 : i32
    %add3A_13 = arith.addi %mul3A_6, %add3A_12 : i32
    "tpu.region"() ({
      %run_scoped3A = tpu.sem_alloc : memref<!tpu.dma_semaphore, #tpu.memory_space<semaphore_mem>>
      %dma_start3A_142 = arith.constant 0 : i32
      %dma_start3A_143 = arith.constant 0 : i32
      %dma_start3A_144 = tpu.memref_slice %arg8[%dma_start3A_142, %dma_start3A_143] : memref<224x64xf32, #tpu.memory_space<vmem>> -> memref<128x64xf32, #tpu.memory_space<vmem>>
      %dma_start3A_145 = arith.constant 0 : i32
      %dma_start3A_146 = tpu.memref_slice %arg11[%add3A_13, %dma_start3A_145] : memref<10240x64xf32, #tpu.memory_space<vmem_shared>> -> memref<128x64xf32, #tpu.memory_space<vmem_shared>>
      %dma_start3A_147 = arith.constant 0 : i32
      %dma_start3A_148 = tpu.memref_slice %arg11[%add3A_13, %dma_start3A_147] : memref<10240x64xf32, #tpu.memory_space<vmem_shared>> -> memref<128x64xf32, #tpu.memory_space<vmem_shared>>
      %dma_start3A_149 = arith.constant 0 : i32
      %dma_start3A_150 = arith.constant 0 : i32
      %dma_start3A_151 = tpu.memref_slice %arg8[%dma_start3A_149, %dma_start3A_150] : memref<224x64xf32, #tpu.memory_space<vmem>> -> memref<128x64xf32, #tpu.memory_space<vmem>>
      tpu.enqueue_dma source(%dma_start3A_151 : memref<128x64xf32, #tpu.memory_space<vmem>>) target(%dma_start3A_148 : memref<128x64xf32, #tpu.memory_space<vmem_shared>>) target_semaphore(%run_scoped3A : memref<!tpu.dma_semaphore, #tpu.memory_space<semaphore_mem>>)
      %dma_wait3A_152 = arith.constant 0 : i32
      %dma_wait3A_153 = arith.constant 0 : i32
      %dma_wait3A_154 = tpu.memref_slice %arg8[%dma_wait3A_152, %dma_wait3A_153] : memref<224x64xf32, #tpu.memory_space<vmem>> -> memref<128x64xf32, #tpu.memory_space<vmem>>
      %dma_wait3A_155 = arith.constant 0 : i32
      %dma_wait3A_156 = tpu.memref_slice %arg11[%add3A_13, %dma_wait3A_155] : memref<10240x64xf32, #tpu.memory_space<vmem_shared>> -> memref<128x64xf32, #tpu.memory_space<vmem_shared>>
      %dma_wait3A_157 = arith.constant 0 : i32
      %dma_wait3A_158 = tpu.memref_slice %arg11[%add3A_13, %dma_wait3A_157] : memref<10240x64xf32, #tpu.memory_space<vmem_shared>> -> memref<128x64xf32, #tpu.memory_space<vmem_shared>>
      %dma_wait3A_159 = arith.constant 0 : i32
      %dma_wait3A_160 = arith.constant 0 : i32
      %dma_wait3A_161 = tpu.memref_slice %arg8[%dma_wait3A_159, %dma_wait3A_160] : memref<224x64xf32, #tpu.memory_space<vmem>> -> memref<128x64xf32, #tpu.memory_space<vmem>>
      tpu.wait_dma2 semaphore(%run_scoped3A : memref<!tpu.dma_semaphore, #tpu.memory_space<semaphore_mem>>) src(%dma_wait3A_161 : memref<128x64xf32, #tpu.memory_space<vmem>>) dst(%dma_wait3A_158 : memref<128x64xf32, #tpu.memory_space<vmem_shared>>)
      tpu.yield
    }) : () -> ()
    %add3A_14 = arith.constant 512 : i32
    %add3A_15 = arith.addi %mul3A_6, %add3A_14 : i32
    "tpu.region"() ({
      %run_scoped3A = tpu.sem_alloc : memref<!tpu.dma_semaphore, #tpu.memory_space<semaphore_mem>>
      %dma_start3A_142 = arith.constant 0 : i32
      %dma_start3A_143 = arith.constant 0 : i32
      %dma_start3A_144 = tpu.memref_slice %arg8[%dma_start3A_142, %dma_start3A_143] : memref<224x64xf32, #tpu.memory_space<vmem>> -> memref<128x64xf32, #tpu.memory_space<vmem>>
      %dma_start3A_145 = arith.constant 0 : i32
      %dma_start3A_146 = tpu.memref_slice %arg11[%add3A_15, %dma_start3A_145] : memref<10240x64xf32, #tpu.memory_space<vmem_shared>> -> memref<128x64xf32, #tpu.memory_space<vmem_shared>>
      %dma_start3A_147 = arith.constant 0 : i32
      %dma_start3A_148 = tpu.memref_slice %arg11[%add3A_15, %dma_start3A_147] : memref<10240x64xf32, #tpu.memory_space<vmem_shared>> -> memref<128x64xf32, #tpu.memory_space<vmem_shared>>
      %dma_start3A_149 = arith.constant 0 : i32
      %dma_start3A_150 = arith.constant 0 : i32
      %dma_start3A_151 = tpu.memref_slice %arg8[%dma_start3A_149, %dma_start3A_150] : memref<224x64xf32, #tpu.memory_space<vmem>> -> memref<128x64xf32, #tpu.memory_space<vmem>>
      tpu.enqueue_dma source(%dma_start3A_151 : memref<128x64xf32, #tpu.memory_space<vmem>>) target(%dma_start3A_148 : memref<128x64xf32, #tpu.memory_space<vmem_shared>>) target_semaphore(%run_scoped3A : memref<!tpu.dma_semaphore, #tpu.memory_space<semaphore_mem>>)
      %dma_wait3A_152 = arith.constant 0 : i32
      %dma_wait3A_153 = arith.constant 0 : i32
      %dma_wait3A_154 = tpu.memref_slice %arg8[%dma_wait3A_152, %dma_wait3A_153] : memref<224x64xf32, #tpu.memory_space<vmem>> -> memref<128x64xf32, #tpu.memory_space<vmem>>
      %dma_wait3A_155 = arith.constant 0 : i32
      %dma_wait3A_156 = tpu.memref_slice %arg11[%add3A_15, %dma_wait3A_155] : memref<10240x64xf32, #tpu.memory_space<vmem_shared>> -> memref<128x64xf32, #tpu.memory_space<vmem_shared>>
      %dma_wait3A_157 = arith.constant 0 : i32
      %dma_wait3A_158 = tpu.memref_slice %arg11[%add3A_15, %dma_wait3A_157] : memref<10240x64xf32, #tpu.memory_space<vmem_shared>> -> memref<128x64xf32, #tpu.memory_space<vmem_shared>>
      %dma_wait3A_159 = arith.constant 0 : i32
      %dma_wait3A_160 = arith.constant 0 : i32
      %dma_wait3A_161 = tpu.memref_slice %arg8[%dma_wait3A_159, %dma_wait3A_160] : memref<224x64xf32, #tpu.memory_space<vmem>> -> memref<128x64xf32, #tpu.memory_space<vmem>>
      tpu.wait_dma2 semaphore(%run_scoped3A : memref<!tpu.dma_semaphore, #tpu.memory_space<semaphore_mem>>) src(%dma_wait3A_161 : memref<128x64xf32, #tpu.memory_space<vmem>>) dst(%dma_wait3A_158 : memref<128x64xf32, #tpu.memory_space<vmem_shared>>)
      tpu.yield
    }) : () -> ()
    %mul3A_16 = arith.constant 90 : i32
    %mul3A_17 = arith.muli %arg1, %mul3A_16 : i32
    "tpu.region"() ({
      %run_scoped3A = tpu.sem_alloc : memref<!tpu.dma_semaphore, #tpu.memory_space<semaphore_mem>>
      %dma_start3A_142 = arith.constant 0 : i32
      %dma_start3A_143 = tpu.memref_slice %arg3[%arg0, %mul3A_17, %dma_start3A_142] : memref<2x1442x224xi32, #tpu.memory_space<hbm>> -> memref<1x92x224xi32, #tpu.memory_space<hbm>>
      %dma_start3A_144 = tpu.memref_squeeze %dma_start3A_143 : memref<1x92x224xi32, #tpu.memory_space<hbm>> -> memref<92x224xi32, #tpu.memory_space<hbm>>
      %dma_start3A_145 = arith.constant 0 : i32
      %dma_start3A_146 = tpu.memref_slice %arg3[%arg0, %mul3A_17, %dma_start3A_145] : memref<2x1442x224xi32, #tpu.memory_space<hbm>> -> memref<1x92x224xi32, #tpu.memory_space<hbm>>
      %dma_start3A_147 = tpu.memref_squeeze %dma_start3A_146 : memref<1x92x224xi32, #tpu.memory_space<hbm>> -> memref<92x224xi32, #tpu.memory_space<hbm>>
      tpu.enqueue_dma source(%dma_start3A_147 : memref<92x224xi32, #tpu.memory_space<hbm>>) target(%arg6 : memref<92x224xi32, #tpu.memory_space<vmem>>) target_semaphore(%run_scoped3A : memref<!tpu.dma_semaphore, #tpu.memory_space<semaphore_mem>>)
      %dma_wait3A_148 = arith.constant 0 : i32
      %dma_wait3A_149 = tpu.memref_slice %arg3[%arg0, %mul3A_17, %dma_wait3A_148] : memref<2x1442x224xi32, #tpu.memory_space<hbm>> -> memref<1x92x224xi32, #tpu.memory_space<hbm>>
      %dma_wait3A_150 = tpu.memref_squeeze %dma_wait3A_149 : memref<1x92x224xi32, #tpu.memory_space<hbm>> -> memref<92x224xi32, #tpu.memory_space<hbm>>
      %dma_wait3A_151 = arith.constant 0 : i32
      %dma_wait3A_152 = tpu.memref_slice %arg3[%arg0, %mul3A_17, %dma_wait3A_151] : memref<2x1442x224xi32, #tpu.memory_space<hbm>> -> memref<1x92x224xi32, #tpu.memory_space<hbm>>
      %dma_wait3A_153 = tpu.memref_squeeze %dma_wait3A_152 : memref<1x92x224xi32, #tpu.memory_space<hbm>> -> memref<92x224xi32, #tpu.memory_space<hbm>>
      tpu.wait_dma2 semaphore(%run_scoped3A : memref<!tpu.dma_semaphore, #tpu.memory_space<semaphore_mem>>) src(%dma_wait3A_153 : memref<92x224xi32, #tpu.memory_space<hbm>>) dst(%arg6 : memref<92x224xi32, #tpu.memory_space<vmem>>)
      tpu.yield
    }) : () -> ()
    "tpu.region"() ({
      %run_scoped3A = tpu.sem_alloc : memref<!tpu.dma_semaphore, #tpu.memory_space<semaphore_mem>>
      %dma_start3A_142 = arith.constant 0 : i32
      %dma_start3A_143 = tpu.memref_slice %arg4[%mul3A_17, %dma_start3A_142] : memref<1440x224xi32, #tpu.memory_space<hbm>> -> memref<90x224xi32, #tpu.memory_space<hbm>>
      %dma_start3A_144 = arith.constant 0 : i32
      %dma_start3A_145 = tpu.memref_slice %arg4[%mul3A_17, %dma_start3A_144] : memref<1440x224xi32, #tpu.memory_space<hbm>> -> memref<90x224xi32, #tpu.memory_space<hbm>>
      tpu.enqueue_dma source(%dma_start3A_145 : memref<90x224xi32, #tpu.memory_space<hbm>>) target(%arg7 : memref<90x224xi32, #tpu.memory_space<vmem>>) target_semaphore(%run_scoped3A : memref<!tpu.dma_semaphore, #tpu.memory_space<semaphore_mem>>)
      %dma_wait3A_146 = arith.constant 0 : i32
      %dma_wait3A_147 = tpu.memref_slice %arg4[%mul3A_17, %dma_wait3A_146] : memref<1440x224xi32, #tpu.memory_space<hbm>> -> memref<90x224xi32, #tpu.memory_space<hbm>>
      %dma_wait3A_148 = arith.constant 0 : i32
      %dma_wait3A_149 = tpu.memref_slice %arg4[%mul3A_17, %dma_wait3A_148] : memref<1440x224xi32, #tpu.memory_space<hbm>> -> memref<90x224xi32, #tpu.memory_space<hbm>>
      tpu.wait_dma2 semaphore(%run_scoped3A : memref<!tpu.dma_semaphore, #tpu.memory_space<semaphore_mem>>) src(%dma_wait3A_149 : memref<90x224xi32, #tpu.memory_space<hbm>>) dst(%arg7 : memref<90x224xi32, #tpu.memory_space<vmem>>)
      tpu.yield
    }) : () -> ()
    %dma_start3A = arith.constant 0 : i32
    %dma_start3A_18 = arith.constant 0 : i32
    %dma_start3A_19 = tpu.memref_slice %arg6[%dma_start3A, %dma_start3A_18] : memref<92x224xi32, #tpu.memory_space<vmem>> -> memref<1x224xi32, #tpu.memory_space<vmem>>
    %dma_start3A_20 = tpu.memref_squeeze %dma_start3A_19 : memref<1x224xi32, #tpu.memory_space<vmem>> -> memref<224xi32, #tpu.memory_space<vmem>>
    %dma_start3A_21 = arith.constant 0 : i32
    %dma_start3A_22 = arith.constant 0 : i32
    %dma_start3A_23 = tpu.memref_slice %arg2[%dma_start3A_21, %dma_start3A_22] : memref<20000x64xf32, #tpu.memory_space<hbm>> -> memref<20000x64xf32, #tpu.memory_space<hbm>>
    tpu.enqueue_indirect_dma source(%dma_start3A_23 : memref<20000x64xf32, #tpu.memory_space<hbm>>) target(%arg8 : memref<224x64xf32, #tpu.memory_space<vmem>>) offsets(%dma_start3A_20 : memref<224xi32, #tpu.memory_space<vmem>>) semaphore(%arg12 : memref<!tpu.dma_semaphore, #tpu.memory_space<semaphore_mem>>)
    %dma_start3A_24 = arith.constant 1 : i32
    %dma_start3A_25 = arith.constant 0 : i32
    %dma_start3A_26 = tpu.memref_slice %arg6[%dma_start3A_24, %dma_start3A_25] : memref<92x224xi32, #tpu.memory_space<vmem>> -> memref<1x224xi32, #tpu.memory_space<vmem>>
    %dma_start3A_27 = tpu.memref_squeeze %dma_start3A_26 : memref<1x224xi32, #tpu.memory_space<vmem>> -> memref<224xi32, #tpu.memory_space<vmem>>
    %dma_start3A_28 = arith.constant 0 : i32
    %dma_start3A_29 = arith.constant 0 : i32
    %dma_start3A_30 = tpu.memref_slice %arg2[%dma_start3A_28, %dma_start3A_29] : memref<20000x64xf32, #tpu.memory_space<hbm>> -> memref<20000x64xf32, #tpu.memory_space<hbm>>
    tpu.enqueue_indirect_dma source(%dma_start3A_30 : memref<20000x64xf32, #tpu.memory_space<hbm>>) target(%arg9 : memref<224x64xf32, #tpu.memory_space<vmem>>) offsets(%dma_start3A_27 : memref<224xi32, #tpu.memory_space<vmem>>) semaphore(%arg13 : memref<!tpu.dma_semaphore, #tpu.memory_space<semaphore_mem>>)
    %barrier3A = arith.constant 0 : index
    tpu.barrier barrier_id(%barrier3A)
    %dma_wait3A = arith.constant 0 : i32
    %dma_wait3A_31 = arith.constant 0 : i32
    %dma_wait3A_32 = tpu.memref_slice %arg6[%dma_wait3A, %dma_wait3A_31] : memref<92x224xi32, #tpu.memory_space<vmem>> -> memref<1x224xi32, #tpu.memory_space<vmem>>
    %dma_wait3A_33 = tpu.memref_squeeze %dma_wait3A_32 : memref<1x224xi32, #tpu.memory_space<vmem>> -> memref<224xi32, #tpu.memory_space<vmem>>
    %dma_wait3A_34 = arith.constant 0 : i32
    %dma_wait3A_35 = arith.constant 0 : i32
    %dma_wait3A_36 = tpu.memref_slice %arg2[%dma_wait3A_34, %dma_wait3A_35] : memref<20000x64xf32, #tpu.memory_space<hbm>> -> memref<20000x64xf32, #tpu.memory_space<hbm>>
    tpu.wait_indirect_dma semaphore(%arg12 : memref<!tpu.dma_semaphore, #tpu.memory_space<semaphore_mem>>) src(%dma_wait3A_36 : memref<20000x64xf32, #tpu.memory_space<hbm>>) dst(%arg8 : memref<224x64xf32, #tpu.memory_space<vmem>>)
    %dma_start3A_37 = arith.constant 0 : i32
    %dma_start3A_38 = arith.constant 0 : i32
    %dma_start3A_39 = tpu.memref_slice %arg7[%dma_start3A_37, %dma_start3A_38] : memref<90x224xi32, #tpu.memory_space<vmem>> -> memref<1x224xi32, #tpu.memory_space<vmem>>
    %dma_start3A_40 = tpu.memref_squeeze %dma_start3A_39 : memref<1x224xi32, #tpu.memory_space<vmem>> -> memref<224xi32, #tpu.memory_space<vmem>>
    %dma_start3A_41 = arith.constant 0 : i32
    %dma_start3A_42 = arith.constant 0 : i32
    %dma_start3A_43 = tpu.memref_slice %arg11[%dma_start3A_41, %dma_start3A_42] : memref<10240x64xf32, #tpu.memory_space<vmem_shared>> -> memref<10240x64xf32, #tpu.memory_space<vmem_shared>>
    tpu.enqueue_indirect_dma source(%arg8 : memref<224x64xf32, #tpu.memory_space<vmem>>) target(%dma_start3A_43 : memref<10240x64xf32, #tpu.memory_space<vmem_shared>>) offsets(%dma_start3A_40 : memref<224xi32, #tpu.memory_space<vmem>>) semaphore(%arg15 : memref<!tpu.dma_semaphore, #tpu.memory_space<semaphore_mem>>) {add = true}
    %dma_start3A_44 = arith.constant 2 : i32
    %dma_start3A_45 = arith.constant 0 : i32
    %dma_start3A_46 = tpu.memref_slice %arg6[%dma_start3A_44, %dma_start3A_45] : memref<92x224xi32, #tpu.memory_space<vmem>> -> memref<1x224xi32, #tpu.memory_space<vmem>>
    %dma_start3A_47 = tpu.memref_squeeze %dma_start3A_46 : memref<1x224xi32, #tpu.memory_space<vmem>> -> memref<224xi32, #tpu.memory_space<vmem>>
    %dma_start3A_48 = arith.constant 0 : i32
    %dma_start3A_49 = arith.constant 0 : i32
    %dma_start3A_50 = tpu.memref_slice %arg2[%dma_start3A_48, %dma_start3A_49] : memref<20000x64xf32, #tpu.memory_space<hbm>> -> memref<20000x64xf32, #tpu.memory_space<hbm>>
    tpu.enqueue_indirect_dma source(%dma_start3A_50 : memref<20000x64xf32, #tpu.memory_space<hbm>>) target(%arg10 : memref<224x64xf32, #tpu.memory_space<vmem>>) offsets(%dma_start3A_47 : memref<224xi32, #tpu.memory_space<vmem>>) semaphore(%arg14 : memref<!tpu.dma_semaphore, #tpu.memory_space<semaphore_mem>>)
    %scan3A_51 = arith.constant 0 : i32
    %scan3A_52 = arith.constant 0 : i32
    %scan3A_53 = arith.constant 29 : i32
    %scan3A_54 = arith.addi %scan3A_52, %scan3A_53 : i32
    %scan3A_55 = arith.constant 1 : i32
    %scan3A_56 = scf.for %scan3A_142 = %scan3A_52 to %scan3A_54 step %scan3A_55 iter_args(%scan3A_143 = %scan3A_51) -> (i32)  : i32 {
      %mul3A_144 = arith.constant 3 : i32
      %mul3A_145 = arith.muli %scan3A_142, %mul3A_144 : i32
      %add3A_146 = arith.constant 1 : i32
      %add3A_147 = arith.addi %add3A_146, %mul3A_145 : i32
      %add3A_148 = arith.constant 0 : i32
      %add3A_149 = arith.addi %add3A_147, %add3A_148 : i32
      %dma_wait3A_150 = arith.constant 0 : i32
      %dma_wait3A_151 = tpu.memref_slice %arg6[%add3A_149, %dma_wait3A_150] : memref<92x224xi32, #tpu.memory_space<vmem>> -> memref<1x224xi32, #tpu.memory_space<vmem>>
      %dma_wait3A_152 = tpu.memref_squeeze %dma_wait3A_151 : memref<1x224xi32, #tpu.memory_space<vmem>> -> memref<224xi32, #tpu.memory_space<vmem>>
      %dma_wait3A_153 = arith.constant 0 : i32
      %dma_wait3A_154 = arith.constant 0 : i32
      %dma_wait3A_155 = tpu.memref_slice %arg2[%dma_wait3A_153, %dma_wait3A_154] : memref<20000x64xf32, #tpu.memory_space<hbm>> -> memref<20000x64xf32, #tpu.memory_space<hbm>>
      tpu.wait_indirect_dma semaphore(%arg13 : memref<!tpu.dma_semaphore, #tpu.memory_space<semaphore_mem>>) src(%dma_wait3A_155 : memref<20000x64xf32, #tpu.memory_space<hbm>>) dst(%arg9 : memref<224x64xf32, #tpu.memory_space<vmem>>)
      %dma_start3A_156 = arith.constant 0 : i32
      %dma_start3A_157 = tpu.memref_slice %arg7[%add3A_149, %dma_start3A_156] : memref<90x224xi32, #tpu.memory_space<vmem>> -> memref<1x224xi32, #tpu.memory_space<vmem>>
      %dma_start3A_158 = tpu.memref_squeeze %dma_start3A_157 : memref<1x224xi32, #tpu.memory_space<vmem>> -> memref<224xi32, #tpu.memory_space<vmem>>
      %dma_start3A_159 = arith.constant 0 : i32
      %dma_start3A_160 = arith.constant 0 : i32
      %dma_start3A_161 = tpu.memref_slice %arg11[%dma_start3A_159, %dma_start3A_160] : memref<10240x64xf32, #tpu.memory_space<vmem_shared>> -> memref<10240x64xf32, #tpu.memory_space<vmem_shared>>
      tpu.enqueue_indirect_dma source(%arg9 : memref<224x64xf32, #tpu.memory_space<vmem>>) target(%dma_start3A_161 : memref<10240x64xf32, #tpu.memory_space<vmem_shared>>) offsets(%dma_start3A_158 : memref<224xi32, #tpu.memory_space<vmem>>) semaphore(%arg16 : memref<!tpu.dma_semaphore, #tpu.memory_space<semaphore_mem>>) {add = true}
      %dma_wait3A_162 = arith.constant 0 : i32
      %dma_wait3A_163 = arith.constant 0 : i32
      %dma_wait3A_164 = tpu.memref_slice %arg7[%dma_wait3A_162, %dma_wait3A_163] : memref<90x224xi32, #tpu.memory_space<vmem>> -> memref<1x224xi32, #tpu.memory_space<vmem>>
      %dma_wait3A_165 = tpu.memref_squeeze %dma_wait3A_164 : memref<1x224xi32, #tpu.memory_space<vmem>> -> memref<224xi32, #tpu.memory_space<vmem>>
      %dma_wait3A_166 = arith.constant 0 : i32
      %dma_wait3A_167 = arith.constant 0 : i32
      %dma_wait3A_168 = tpu.memref_slice %arg11[%dma_wait3A_166, %dma_wait3A_167] : memref<10240x64xf32, #tpu.memory_space<vmem_shared>> -> memref<10240x64xf32, #tpu.memory_space<vmem_shared>>
      tpu.wait_indirect_dma semaphore(%arg15 : memref<!tpu.dma_semaphore, #tpu.memory_space<semaphore_mem>>) src(%arg8 : memref<224x64xf32, #tpu.memory_space<vmem>>) dst(%dma_wait3A_168 : memref<10240x64xf32, #tpu.memory_space<vmem_shared>>)
      %add3A_169 = arith.constant 2 : i32
      %add3A_170 = arith.addi %add3A_149, %add3A_169 : i32
      %dma_start3A_171 = arith.constant 0 : i32
      %dma_start3A_172 = tpu.memref_slice %arg6[%add3A_170, %dma_start3A_171] : memref<92x224xi32, #tpu.memory_space<vmem>> -> memref<1x224xi32, #tpu.memory_space<vmem>>
      %dma_start3A_173 = tpu.memref_squeeze %dma_start3A_172 : memref<1x224xi32, #tpu.memory_space<vmem>> -> memref<224xi32, #tpu.memory_space<vmem>>
      %dma_start3A_174 = arith.constant 0 : i32
      %dma_start3A_175 = arith.constant 0 : i32
      %dma_start3A_176 = tpu.memref_slice %arg2[%dma_start3A_174, %dma_start3A_175] : memref<20000x64xf32, #tpu.memory_space<hbm>> -> memref<20000x64xf32, #tpu.memory_space<hbm>>
      tpu.enqueue_indirect_dma source(%dma_start3A_176 : memref<20000x64xf32, #tpu.memory_space<hbm>>) target(%arg8 : memref<224x64xf32, #tpu.memory_space<vmem>>) offsets(%dma_start3A_173 : memref<224xi32, #tpu.memory_space<vmem>>) semaphore(%arg12 : memref<!tpu.dma_semaphore, #tpu.memory_space<semaphore_mem>>)
      %mul3A_177 = arith.constant 3 : i32
      %mul3A_178 = arith.muli %scan3A_142, %mul3A_177 : i32
      %add3A_179 = arith.constant 1 : i32
      %add3A_180 = arith.addi %add3A_179, %mul3A_178 : i32
      %add3A_181 = arith.constant 1 : i32
      %add3A_182 = arith.addi %add3A_180, %add3A_181 : i32
      %dma_wait3A_183 = arith.constant 0 : i32
      %dma_wait3A_184 = tpu.memref_slice %arg6[%add3A_182, %dma_wait3A_183] : memref<92x224xi32, #tpu.memory_space<vmem>> -> memref<1x224xi32, #tpu.memory_space<vmem>>
      %dma_wait3A_185 = tpu.memref_squeeze %dma_wait3A_184 : memref<1x224xi32, #tpu.memory_space<vmem>> -> memref<224xi32, #tpu.memory_space<vmem>>
      %dma_wait3A_186 = arith.constant 0 : i32
      %dma_wait3A_187 = arith.constant 0 : i32
      %dma_wait3A_188 = tpu.memref_slice %arg2[%dma_wait3A_186, %dma_wait3A_187] : memref<20000x64xf32, #tpu.memory_space<hbm>> -> memref<20000x64xf32, #tpu.memory_space<hbm>>
      tpu.wait_indirect_dma semaphore(%arg14 : memref<!tpu.dma_semaphore, #tpu.memory_space<semaphore_mem>>) src(%dma_wait3A_188 : memref<20000x64xf32, #tpu.memory_space<hbm>>) dst(%arg10 : memref<224x64xf32, #tpu.memory_space<vmem>>)
      %dma_start3A_189 = arith.constant 0 : i32
      %dma_start3A_190 = tpu.memref_slice %arg7[%add3A_182, %dma_start3A_189] : memref<90x224xi32, #tpu.memory_space<vmem>> -> memref<1x224xi32, #tpu.memory_space<vmem>>
      %dma_start3A_191 = tpu.memref_squeeze %dma_start3A_190 : memref<1x224xi32, #tpu.memory_space<vmem>> -> memref<224xi32, #tpu.memory_space<vmem>>
      %dma_start3A_192 = arith.constant 0 : i32
      %dma_start3A_193 = arith.constant 0 : i32
      %dma_start3A_194 = tpu.memref_slice %arg11[%dma_start3A_192, %dma_start3A_193] : memref<10240x64xf32, #tpu.memory_space<vmem_shared>> -> memref<10240x64xf32, #tpu.memory_space<vmem_shared>>
      tpu.enqueue_indirect_dma source(%arg10 : memref<224x64xf32, #tpu.memory_space<vmem>>) target(%dma_start3A_194 : memref<10240x64xf32, #tpu.memory_space<vmem_shared>>) offsets(%dma_start3A_191 : memref<224xi32, #tpu.memory_space<vmem>>) semaphore(%arg17 : memref<!tpu.dma_semaphore, #tpu.memory_space<semaphore_mem>>) {add = true}
      %dma_wait3A_195 = arith.constant 0 : i32
      %dma_wait3A_196 = arith.constant 0 : i32
      %dma_wait3A_197 = tpu.memref_slice %arg7[%dma_wait3A_195, %dma_wait3A_196] : memref<90x224xi32, #tpu.memory_space<vmem>> -> memref<1x224xi32, #tpu.memory_space<vmem>>
      %dma_wait3A_198 = tpu.memref_squeeze %dma_wait3A_197 : memref<1x224xi32, #tpu.memory_space<vmem>> -> memref<224xi32, #tpu.memory_space<vmem>>
      %dma_wait3A_199 = arith.constant 0 : i32
      %dma_wait3A_200 = arith.constant 0 : i32
      %dma_wait3A_201 = tpu.memref_slice %arg11[%dma_wait3A_199, %dma_wait3A_200] : memref<10240x64xf32, #tpu.memory_space<vmem_shared>> -> memref<10240x64xf32, #tpu.memory_space<vmem_shared>>
      tpu.wait_indirect_dma semaphore(%arg16 : memref<!tpu.dma_semaphore, #tpu.memory_space<semaphore_mem>>) src(%arg9 : memref<224x64xf32, #tpu.memory_space<vmem>>) dst(%dma_wait3A_201 : memref<10240x64xf32, #tpu.memory_space<vmem_shared>>)
      %add3A_202 = arith.constant 2 : i32
      %add3A_203 = arith.addi %add3A_182, %add3A_202 : i32
      %dma_start3A_204 = arith.constant 0 : i32
      %dma_start3A_205 = tpu.memref_slice %arg6[%add3A_203, %dma_start3A_204] : memref<92x224xi32, #tpu.memory_space<vmem>> -> memref<1x224xi32, #tpu.memory_space<vmem>>
      %dma_start3A_206 = tpu.memref_squeeze %dma_start3A_205 : memref<1x224xi32, #tpu.memory_space<vmem>> -> memref<224xi32, #tpu.memory_space<vmem>>
      %dma_start3A_207 = arith.constant 0 : i32
      %dma_start3A_208 = arith.constant 0 : i32
      %dma_start3A_209 = tpu.memref_slice %arg2[%dma_start3A_207, %dma_start3A_208] : memref<20000x64xf32, #tpu.memory_space<hbm>> -> memref<20000x64xf32, #tpu.memory_space<hbm>>
      tpu.enqueue_indirect_dma source(%dma_start3A_209 : memref<20000x64xf32, #tpu.memory_space<hbm>>) target(%arg9 : memref<224x64xf32, #tpu.memory_space<vmem>>) offsets(%dma_start3A_206 : memref<224xi32, #tpu.memory_space<vmem>>) semaphore(%arg13 : memref<!tpu.dma_semaphore, #tpu.memory_space<semaphore_mem>>)
      %mul3A_210 = arith.constant 3 : i32
      %mul3A_211 = arith.muli %scan3A_142, %mul3A_210 : i32
      %add3A_212 = arith.constant 1 : i32
      %add3A_213 = arith.addi %add3A_212, %mul3A_211 : i32
      %add3A_214 = arith.constant 2 : i32
      %add3A_215 = arith.addi %add3A_213, %add3A_214 : i32
      %dma_wait3A_216 = arith.constant 0 : i32
      %dma_wait3A_217 = tpu.memref_slice %arg6[%add3A_215, %dma_wait3A_216] : memref<92x224xi32, #tpu.memory_space<vmem>> -> memref<1x224xi32, #tpu.memory_space<vmem>>
      %dma_wait3A_218 = tpu.memref_squeeze %dma_wait3A_217 : memref<1x224xi32, #tpu.memory_space<vmem>> -> memref<224xi32, #tpu.memory_space<vmem>>
      %dma_wait3A_219 = arith.constant 0 : i32
      %dma_wait3A_220 = arith.constant 0 : i32
      %dma_wait3A_221 = tpu.memref_slice %arg2[%dma_wait3A_219, %dma_wait3A_220] : memref<20000x64xf32, #tpu.memory_space<hbm>> -> memref<20000x64xf32, #tpu.memory_space<hbm>>
      tpu.wait_indirect_dma semaphore(%arg12 : memref<!tpu.dma_semaphore, #tpu.memory_space<semaphore_mem>>) src(%dma_wait3A_221 : memref<20000x64xf32, #tpu.memory_space<hbm>>) dst(%arg8 : memref<224x64xf32, #tpu.memory_space<vmem>>)
      %dma_start3A_222 = arith.constant 0 : i32
      %dma_start3A_223 = tpu.memref_slice %arg7[%add3A_215, %dma_start3A_222] : memref<90x224xi32, #tpu.memory_space<vmem>> -> memref<1x224xi32, #tpu.memory_space<vmem>>
      %dma_start3A_224 = tpu.memref_squeeze %dma_start3A_223 : memref<1x224xi32, #tpu.memory_space<vmem>> -> memref<224xi32, #tpu.memory_space<vmem>>
      %dma_start3A_225 = arith.constant 0 : i32
      %dma_start3A_226 = arith.constant 0 : i32
      %dma_start3A_227 = tpu.memref_slice %arg11[%dma_start3A_225, %dma_start3A_226] : memref<10240x64xf32, #tpu.memory_space<vmem_shared>> -> memref<10240x64xf32, #tpu.memory_space<vmem_shared>>
      tpu.enqueue_indirect_dma source(%arg8 : memref<224x64xf32, #tpu.memory_space<vmem>>) target(%dma_start3A_227 : memref<10240x64xf32, #tpu.memory_space<vmem_shared>>) offsets(%dma_start3A_224 : memref<224xi32, #tpu.memory_space<vmem>>) semaphore(%arg15 : memref<!tpu.dma_semaphore, #tpu.memory_space<semaphore_mem>>) {add = true}
      %dma_wait3A_228 = arith.constant 0 : i32
      %dma_wait3A_229 = arith.constant 0 : i32
      %dma_wait3A_230 = tpu.memref_slice %arg7[%dma_wait3A_228, %dma_wait3A_229] : memref<90x224xi32, #tpu.memory_space<vmem>> -> memref<1x224xi32, #tpu.memory_space<vmem>>
      %dma_wait3A_231 = tpu.memref_squeeze %dma_wait3A_230 : memref<1x224xi32, #tpu.memory_space<vmem>> -> memref<224xi32, #tpu.memory_space<vmem>>
      %dma_wait3A_232 = arith.constant 0 : i32
      %dma_wait3A_233 = arith.constant 0 : i32
      %dma_wait3A_234 = tpu.memref_slice %arg11[%dma_wait3A_232, %dma_wait3A_233] : memref<10240x64xf32, #tpu.memory_space<vmem_shared>> -> memref<10240x64xf32, #tpu.memory_space<vmem_shared>>
      tpu.wait_indirect_dma semaphore(%arg17 : memref<!tpu.dma_semaphore, #tpu.memory_space<semaphore_mem>>) src(%arg10 : memref<224x64xf32, #tpu.memory_space<vmem>>) dst(%dma_wait3A_234 : memref<10240x64xf32, #tpu.memory_space<vmem_shared>>)
      %add3A_235 = arith.constant 2 : i32
      %add3A_236 = arith.addi %add3A_215, %add3A_235 : i32
      %dma_start3A_237 = arith.constant 0 : i32
      %dma_start3A_238 = tpu.memref_slice %arg6[%add3A_236, %dma_start3A_237] : memref<92x224xi32, #tpu.memory_space<vmem>> -> memref<1x224xi32, #tpu.memory_space<vmem>>
      %dma_start3A_239 = tpu.memref_squeeze %dma_start3A_238 : memref<1x224xi32, #tpu.memory_space<vmem>> -> memref<224xi32, #tpu.memory_space<vmem>>
      %dma_start3A_240 = arith.constant 0 : i32
      %dma_start3A_241 = arith.constant 0 : i32
      %dma_start3A_242 = tpu.memref_slice %arg2[%dma_start3A_240, %dma_start3A_241] : memref<20000x64xf32, #tpu.memory_space<hbm>> -> memref<20000x64xf32, #tpu.memory_space<hbm>>
      tpu.enqueue_indirect_dma source(%dma_start3A_242 : memref<20000x64xf32, #tpu.memory_space<hbm>>) target(%arg10 : memref<224x64xf32, #tpu.memory_space<vmem>>) offsets(%dma_start3A_239 : memref<224xi32, #tpu.memory_space<vmem>>) semaphore(%arg14 : memref<!tpu.dma_semaphore, #tpu.memory_space<semaphore_mem>>)
      %scan3A_243 = arith.constant 0 : i32
      scf.yield %scan3A_243 : i32
    }
    %scan3A_57 = arith.constant 29 : i32
    %dma_wait3A_58 = arith.constant 88 : i32
    %dma_wait3A_59 = arith.constant 0 : i32
    %dma_wait3A_60 = tpu.memref_slice %arg6[%dma_wait3A_58, %dma_wait3A_59] : memref<92x224xi32, #tpu.memory_space<vmem>> -> memref<1x224xi32, #tpu.memory_space<vmem>>
    %dma_wait3A_61 = tpu.memref_squeeze %dma_wait3A_60 : memref<1x224xi32, #tpu.memory_space<vmem>> -> memref<224xi32, #tpu.memory_space<vmem>>
    %dma_wait3A_62 = arith.constant 0 : i32
    %dma_wait3A_63 = arith.constant 0 : i32
    %dma_wait3A_64 = tpu.memref_slice %arg2[%dma_wait3A_62, %dma_wait3A_63] : memref<20000x64xf32, #tpu.memory_space<hbm>> -> memref<20000x64xf32, #tpu.memory_space<hbm>>
    tpu.wait_indirect_dma semaphore(%arg13 : memref<!tpu.dma_semaphore, #tpu.memory_space<semaphore_mem>>) src(%dma_wait3A_64 : memref<20000x64xf32, #tpu.memory_space<hbm>>) dst(%arg9 : memref<224x64xf32, #tpu.memory_space<vmem>>)
    %dma_start3A_65 = arith.constant 88 : i32
    %dma_start3A_66 = arith.constant 0 : i32
    %dma_start3A_67 = tpu.memref_slice %arg7[%dma_start3A_65, %dma_start3A_66] : memref<90x224xi32, #tpu.memory_space<vmem>> -> memref<1x224xi32, #tpu.memory_space<vmem>>
    %dma_start3A_68 = tpu.memref_squeeze %dma_start3A_67 : memref<1x224xi32, #tpu.memory_space<vmem>> -> memref<224xi32, #tpu.memory_space<vmem>>
    %dma_start3A_69 = arith.constant 0 : i32
    %dma_start3A_70 = arith.constant 0 : i32
    %dma_start3A_71 = tpu.memref_slice %arg11[%dma_start3A_69, %dma_start3A_70] : memref<10240x64xf32, #tpu.memory_space<vmem_shared>> -> memref<10240x64xf32, #tpu.memory_space<vmem_shared>>
    tpu.enqueue_indirect_dma source(%arg9 : memref<224x64xf32, #tpu.memory_space<vmem>>) target(%dma_start3A_71 : memref<10240x64xf32, #tpu.memory_space<vmem_shared>>) offsets(%dma_start3A_68 : memref<224xi32, #tpu.memory_space<vmem>>) semaphore(%arg16 : memref<!tpu.dma_semaphore, #tpu.memory_space<semaphore_mem>>) {add = true}
    %dma_wait3A_72 = arith.constant 0 : i32
    %dma_wait3A_73 = arith.constant 0 : i32
    %dma_wait3A_74 = tpu.memref_slice %arg7[%dma_wait3A_72, %dma_wait3A_73] : memref<90x224xi32, #tpu.memory_space<vmem>> -> memref<1x224xi32, #tpu.memory_space<vmem>>
    %dma_wait3A_75 = tpu.memref_squeeze %dma_wait3A_74 : memref<1x224xi32, #tpu.memory_space<vmem>> -> memref<224xi32, #tpu.memory_space<vmem>>
    %dma_wait3A_76 = arith.constant 0 : i32
    %dma_wait3A_77 = arith.constant 0 : i32
    %dma_wait3A_78 = tpu.memref_slice %arg11[%dma_wait3A_76, %dma_wait3A_77] : memref<10240x64xf32, #tpu.memory_space<vmem_shared>> -> memref<10240x64xf32, #tpu.memory_space<vmem_shared>>
    tpu.wait_indirect_dma semaphore(%arg15 : memref<!tpu.dma_semaphore, #tpu.memory_space<semaphore_mem>>) src(%arg8 : memref<224x64xf32, #tpu.memory_space<vmem>>) dst(%dma_wait3A_78 : memref<10240x64xf32, #tpu.memory_space<vmem_shared>>)
    %dma_start3A_79 = arith.constant 90 : i32
    %dma_start3A_80 = arith.constant 0 : i32
    %dma_start3A_81 = tpu.memref_slice %arg6[%dma_start3A_79, %dma_start3A_80] : memref<92x224xi32, #tpu.memory_space<vmem>> -> memref<1x224xi32, #tpu.memory_space<vmem>>
    %dma_start3A_82 = tpu.memref_squeeze %dma_start3A_81 : memref<1x224xi32, #tpu.memory_space<vmem>> -> memref<224xi32, #tpu.memory_space<vmem>>
    %dma_start3A_83 = arith.constant 0 : i32
    %dma_start3A_84 = arith.constant 0 : i32
    %dma_start3A_85 = tpu.memref_slice %arg2[%dma_start3A_83, %dma_start3A_84] : memref<20000x64xf32, #tpu.memory_space<hbm>> -> memref<20000x64xf32, #tpu.memory_space<hbm>>
    tpu.enqueue_indirect_dma source(%dma_start3A_85 : memref<20000x64xf32, #tpu.memory_space<hbm>>) target(%arg8 : memref<224x64xf32, #tpu.memory_space<vmem>>) offsets(%dma_start3A_82 : memref<224xi32, #tpu.memory_space<vmem>>) semaphore(%arg12 : memref<!tpu.dma_semaphore, #tpu.memory_space<semaphore_mem>>)
    %dma_wait3A_86 = arith.constant 89 : i32
    %dma_wait3A_87 = arith.constant 0 : i32
    %dma_wait3A_88 = tpu.memref_slice %arg6[%dma_wait3A_86, %dma_wait3A_87] : memref<92x224xi32, #tpu.memory_space<vmem>> -> memref<1x224xi32, #tpu.memory_space<vmem>>
    %dma_wait3A_89 = tpu.memref_squeeze %dma_wait3A_88 : memref<1x224xi32, #tpu.memory_space<vmem>> -> memref<224xi32, #tpu.memory_space<vmem>>
    %dma_wait3A_90 = arith.constant 0 : i32
    %dma_wait3A_91 = arith.constant 0 : i32
    %dma_wait3A_92 = tpu.memref_slice %arg2[%dma_wait3A_90, %dma_wait3A_91] : memref<20000x64xf32, #tpu.memory_space<hbm>> -> memref<20000x64xf32, #tpu.memory_space<hbm>>
    tpu.wait_indirect_dma semaphore(%arg14 : memref<!tpu.dma_semaphore, #tpu.memory_space<semaphore_mem>>) src(%dma_wait3A_92 : memref<20000x64xf32, #tpu.memory_space<hbm>>) dst(%arg10 : memref<224x64xf32, #tpu.memory_space<vmem>>)
    %dma_start3A_93 = arith.constant 89 : i32
    %dma_start3A_94 = arith.constant 0 : i32
    %dma_start3A_95 = tpu.memref_slice %arg7[%dma_start3A_93, %dma_start3A_94] : memref<90x224xi32, #tpu.memory_space<vmem>> -> memref<1x224xi32, #tpu.memory_space<vmem>>
    %dma_start3A_96 = tpu.memref_squeeze %dma_start3A_95 : memref<1x224xi32, #tpu.memory_space<vmem>> -> memref<224xi32, #tpu.memory_space<vmem>>
    %dma_start3A_97 = arith.constant 0 : i32
    %dma_start3A_98 = arith.constant 0 : i32
    %dma_start3A_99 = tpu.memref_slice %arg11[%dma_start3A_97, %dma_start3A_98] : memref<10240x64xf32, #tpu.memory_space<vmem_shared>> -> memref<10240x64xf32, #tpu.memory_space<vmem_shared>>
    tpu.enqueue_indirect_dma source(%arg10 : memref<224x64xf32, #tpu.memory_space<vmem>>) target(%dma_start3A_99 : memref<10240x64xf32, #tpu.memory_space<vmem_shared>>) offsets(%dma_start3A_96 : memref<224xi32, #tpu.memory_space<vmem>>) semaphore(%arg17 : memref<!tpu.dma_semaphore, #tpu.memory_space<semaphore_mem>>) {add = true}
    %dma_wait3A_100 = arith.constant 0 : i32
    %dma_wait3A_101 = arith.constant 0 : i32
    %dma_wait3A_102 = tpu.memref_slice %arg7[%dma_wait3A_100, %dma_wait3A_101] : memref<90x224xi32, #tpu.memory_space<vmem>> -> memref<1x224xi32, #tpu.memory_space<vmem>>
    %dma_wait3A_103 = tpu.memref_squeeze %dma_wait3A_102 : memref<1x224xi32, #tpu.memory_space<vmem>> -> memref<224xi32, #tpu.memory_space<vmem>>
    %dma_wait3A_104 = arith.constant 0 : i32
    %dma_wait3A_105 = arith.constant 0 : i32
    %dma_wait3A_106 = tpu.memref_slice %arg11[%dma_wait3A_104, %dma_wait3A_105] : memref<10240x64xf32, #tpu.memory_space<vmem_shared>> -> memref<10240x64xf32, #tpu.memory_space<vmem_shared>>
    tpu.wait_indirect_dma semaphore(%arg16 : memref<!tpu.dma_semaphore, #tpu.memory_space<semaphore_mem>>) src(%arg9 : memref<224x64xf32, #tpu.memory_space<vmem>>) dst(%dma_wait3A_106 : memref<10240x64xf32, #tpu.memory_space<vmem_shared>>)
    %dma_start3A_107 = arith.constant 91 : i32
    %dma_start3A_108 = arith.constant 0 : i32
    %dma_start3A_109 = tpu.memref_slice %arg6[%dma_start3A_107, %dma_start3A_108] : memref<92x224xi32, #tpu.memory_space<vmem>> -> memref<1x224xi32, #tpu.memory_space<vmem>>
    %dma_start3A_110 = tpu.memref_squeeze %dma_start3A_109 : memref<1x224xi32, #tpu.memory_space<vmem>> -> memref<224xi32, #tpu.memory_space<vmem>>
    %dma_start3A_111 = arith.constant 0 : i32
    %dma_start3A_112 = arith.constant 0 : i32
    %dma_start3A_113 = tpu.memref_slice %arg2[%dma_start3A_111, %dma_start3A_112] : memref<20000x64xf32, #tpu.memory_space<hbm>> -> memref<20000x64xf32, #tpu.memory_space<hbm>>
    tpu.enqueue_indirect_dma source(%dma_start3A_113 : memref<20000x64xf32, #tpu.memory_space<hbm>>) target(%arg9 : memref<224x64xf32, #tpu.memory_space<vmem>>) offsets(%dma_start3A_110 : memref<224xi32, #tpu.memory_space<vmem>>) semaphore(%arg13 : memref<!tpu.dma_semaphore, #tpu.memory_space<semaphore_mem>>)
    %dma_wait3A_114 = arith.constant 0 : i32
    %dma_wait3A_115 = arith.constant 0 : i32
    %dma_wait3A_116 = tpu.memref_slice %arg7[%dma_wait3A_114, %dma_wait3A_115] : memref<90x224xi32, #tpu.memory_space<vmem>> -> memref<1x224xi32, #tpu.memory_space<vmem>>
    %dma_wait3A_117 = tpu.memref_squeeze %dma_wait3A_116 : memref<1x224xi32, #tpu.memory_space<vmem>> -> memref<224xi32, #tpu.memory_space<vmem>>
    %dma_wait3A_118 = arith.constant 0 : i32
    %dma_wait3A_119 = arith.constant 0 : i32
    %dma_wait3A_120 = tpu.memref_slice %arg11[%dma_wait3A_118, %dma_wait3A_119] : memref<10240x64xf32, #tpu.memory_space<vmem_shared>> -> memref<10240x64xf32, #tpu.memory_space<vmem_shared>>
    tpu.wait_indirect_dma semaphore(%arg17 : memref<!tpu.dma_semaphore, #tpu.memory_space<semaphore_mem>>) src(%arg10 : memref<224x64xf32, #tpu.memory_space<vmem>>) dst(%dma_wait3A_120 : memref<10240x64xf32, #tpu.memory_space<vmem_shared>>)
    %dma_wait3A_121 = arith.constant 0 : i32
    %dma_wait3A_122 = arith.constant 0 : i32
    %dma_wait3A_123 = tpu.memref_slice %arg6[%dma_wait3A_121, %dma_wait3A_122] : memref<92x224xi32, #tpu.memory_space<vmem>> -> memref<1x224xi32, #tpu.memory_space<vmem>>
    %dma_wait3A_124 = tpu.memref_squeeze %dma_wait3A_123 : memref<1x224xi32, #tpu.memory_space<vmem>> -> memref<224xi32, #tpu.memory_space<vmem>>
    %dma_wait3A_125 = arith.constant 0 : i32
    %dma_wait3A_126 = arith.constant 0 : i32
    %dma_wait3A_127 = tpu.memref_slice %arg2[%dma_wait3A_125, %dma_wait3A_126] : memref<20000x64xf32, #tpu.memory_space<hbm>> -> memref<20000x64xf32, #tpu.memory_space<hbm>>
    tpu.wait_indirect_dma semaphore(%arg12 : memref<!tpu.dma_semaphore, #tpu.memory_space<semaphore_mem>>) src(%dma_wait3A_127 : memref<20000x64xf32, #tpu.memory_space<hbm>>) dst(%arg8 : memref<224x64xf32, #tpu.memory_space<vmem>>)
    %dma_wait3A_128 = arith.constant 0 : i32
    %dma_wait3A_129 = arith.constant 0 : i32
    %dma_wait3A_130 = tpu.memref_slice %arg6[%dma_wait3A_128, %dma_wait3A_129] : memref<92x224xi32, #tpu.memory_space<vmem>> -> memref<1x224xi32, #tpu.memory_space<vmem>>
    %dma_wait3A_131 = tpu.memref_squeeze %dma_wait3A_130 : memref<1x224xi32, #tpu.memory_space<vmem>> -> memref<224xi32, #tpu.memory_space<vmem>>
    %dma_wait3A_132 = arith.constant 0 : i32
    %dma_wait3A_133 = arith.constant 0 : i32
    %dma_wait3A_134 = tpu.memref_slice %arg2[%dma_wait3A_132, %dma_wait3A_133] : memref<20000x64xf32, #tpu.memory_space<hbm>> -> memref<20000x64xf32, #tpu.memory_space<hbm>>
    tpu.wait_indirect_dma semaphore(%arg13 : memref<!tpu.dma_semaphore, #tpu.memory_space<semaphore_mem>>) src(%dma_wait3A_134 : memref<20000x64xf32, #tpu.memory_space<hbm>>) dst(%arg9 : memref<224x64xf32, #tpu.memory_space<vmem>>)
    %barrier3A_135 = arith.constant 0 : index
    tpu.barrier barrier_id(%barrier3A_135)
    %mul3A_136 = arith.constant 640 : i32
    %mul3A_137 = arith.muli %arg1, %mul3A_136 : i32
    %mul3A_138 = arith.constant 640 : i32
    %mul3A_139 = arith.muli %arg1, %mul3A_138 : i32
    %mul3A_140 = arith.constant 64 : i32
    %mul3A_141 = arith.muli %arg0, %mul3A_140 : i32
    "tpu.region"() ({
      %run_scoped3A = tpu.sem_alloc : memref<!tpu.dma_semaphore, #tpu.memory_space<semaphore_mem>>
      %dma_start3A_142 = tpu.memref_slice %arg5[%mul3A_139, %mul3A_141] : memref<10240x128xf32, #tpu.memory_space<hbm>> -> memref<640x64xf32, #tpu.memory_space<hbm>>
      %dma_start3A_143 = arith.constant 0 : i32
      %dma_start3A_144 = tpu.memref_slice %arg11[%mul3A_137, %dma_start3A_143] : memref<10240x64xf32, #tpu.memory_space<vmem_shared>> -> memref<640x64xf32, #tpu.memory_space<vmem_shared>>
      tpu.enqueue_dma source(%dma_start3A_144 : memref<640x64xf32, #tpu.memory_space<vmem_shared>>) target(%dma_start3A_142 : memref<640x64xf32, #tpu.memory_space<hbm>>) target_semaphore(%run_scoped3A : memref<!tpu.dma_semaphore, #tpu.memory_space<semaphore_mem>>)
      %dma_wait3A_145 = tpu.memref_slice %arg5[%mul3A_139, %mul3A_141] : memref<10240x128xf32, #tpu.memory_space<hbm>> -> memref<640x64xf32, #tpu.memory_space<hbm>>
      %dma_wait3A_146 = arith.constant 0 : i32
      %dma_wait3A_147 = tpu.memref_slice %arg11[%mul3A_137, %dma_wait3A_146] : memref<10240x64xf32, #tpu.memory_space<vmem_shared>> -> memref<640x64xf32, #tpu.memory_space<vmem_shared>>
      tpu.wait_dma2 semaphore(%run_scoped3A : memref<!tpu.dma_semaphore, #tpu.memory_space<semaphore_mem>>) src(%dma_wait3A_147 : memref<640x64xf32, #tpu.memory_space<vmem_shared>>) dst(%dma_wait3A_145 : memref<640x64xf32, #tpu.memory_space<hbm>>)
      tpu.yield
    }) : () -> ()
    return
  }
}

#map = affine_map<(d0, d1) -> (0, 0)>
#map1 = affine_map<(d0, d1) -> (0, 0, 0)>
module attributes {stable_mosaic.version = 14 : i64} {
  func.func @body(%arg0: i32, %arg1: i32, %arg2: memref<40000x32xf32, #tpu.memory_space<hbm>>, %arg3: memref<1x1442x224xi32, #tpu.memory_space<hbm>>, %arg4: memref<1440x224xi32, #tpu.memory_space<hbm>>, %arg5: memref<10240x128xf32, #tpu.memory_space<hbm>>, %arg6: memref<47x224xi32, #tpu.memory_space<vmem>>, %arg7: memref<45x224xi32, #tpu.memory_space<vmem>>, %arg8: memref<224x32xf32, #tpu.memory_space<vmem>>, %arg9: memref<224x32xf32, #tpu.memory_space<vmem>>, %arg10: memref<224x32xf32, #tpu.memory_space<vmem>>, %arg11: memref<10240x32xf32, #tpu.memory_space<vmem_shared>>, %arg12: memref<!tpu.dma_semaphore, #tpu.memory_space<semaphore_mem>>, %arg13: memref<!tpu.dma_semaphore, #tpu.memory_space<semaphore_mem>>, %arg14: memref<!tpu.dma_semaphore, #tpu.memory_space<semaphore_mem>>, %arg15: memref<!tpu.dma_semaphore, #tpu.memory_space<semaphore_mem>>, %arg16: memref<!tpu.dma_semaphore, #tpu.memory_space<semaphore_mem>>, %arg17: memref<!tpu.dma_semaphore, #tpu.memory_space<semaphore_mem>>) attributes {dimension_semantics = [#tpu.dimension_semantics<core_parallel>, #tpu.dimension_semantics<subcore_parallel>], iteration_bounds = array<i64: 2, 16>, scalar_prefetch = 0 : i64, scratch_operands = 12 : i64, tpu.core_type = #tpu.core_type<sc_vector_subcore>, window_params = [{transform_indices = #map}, {transform_indices = #map1}, {transform_indices = #map}, {transform_indices = #map}]} {
    %scan3A = arith.constant 0 : i32
    %scan3A_0 = arith.constant 0 : i32
    %scan3A_1 = arith.constant 128 : i32
    %scan3A_2 = arith.addi %scan3A_0, %scan3A_1 : i32
    %scan3A_3 = arith.constant 1 : i32
    %scan3A_4 = scf.for %scan3A_145 = %scan3A_0 to %scan3A_2 step %scan3A_3 iter_args(%scan3A_146 = %scan3A) -> (i32)  : i32 {
      %broadcast_in_dim3A = arith.constant 0.000000e+00 : f32
      %broadcast_in_dim3A_147 = vector.broadcast %broadcast_in_dim3A : f32 to vector<16xf32>
      %swap3A = arith.index_cast %scan3A_145 : i32 to index
      %swap3A_148 = arith.constant 0 : index
      %swap3A_149 = tpu.vector_load %arg8[%swap3A, %swap3A_148] {strides = array<i32>} : memref<224x32xf32, #tpu.memory_space<vmem>>, vector<1x16xf32>,
      %swap3A_150 = vector.shape_cast %swap3A_149 : vector<1x16xf32> to vector<16xf32>
      %swap3A_151 = vector.shape_cast %broadcast_in_dim3A_147 : vector<16xf32> to vector<1x16xf32>
      tpu.vector_store %arg8[%swap3A, %swap3A_148], %swap3A_151 {strides = array<i32>} : memref<224x32xf32, #tpu.memory_space<vmem>>, vector<1x16xf32>,
      %broadcast_in_dim3A_152 = arith.constant 0.000000e+00 : f32
      %broadcast_in_dim3A_153 = vector.broadcast %broadcast_in_dim3A_152 : f32 to vector<16xf32>
      %swap3A_154 = arith.index_cast %scan3A_145 : i32 to index
      %swap3A_155 = arith.constant 16 : index
      %swap3A_156 = tpu.vector_load %arg8[%swap3A_154, %swap3A_155] {strides = array<i32>} : memref<224x32xf32, #tpu.memory_space<vmem>>, vector<1x16xf32>,
      %swap3A_157 = vector.shape_cast %swap3A_156 : vector<1x16xf32> to vector<16xf32>
      %swap3A_158 = vector.shape_cast %broadcast_in_dim3A_153 : vector<16xf32> to vector<1x16xf32>
      tpu.vector_store %arg8[%swap3A_154, %swap3A_155], %swap3A_158 {strides = array<i32>} : memref<224x32xf32, #tpu.memory_space<vmem>>, vector<1x16xf32>,
      %scan3A_159 = arith.constant 0 : i32
      scf.yield %scan3A_159 : i32
    }
    %scan3A_5 = arith.constant 128 : i32
    %mul3A = arith.constant 640 : i32
    %mul3A_6 = arith.muli %arg1, %mul3A : i32
    %add3A = arith.constant 0 : i32
    %add3A_7 = arith.addi %mul3A_6, %add3A : i32
    "tpu.region"() ({
      %run_scoped3A_145 = tpu.sem_alloc : memref<!tpu.dma_semaphore, #tpu.memory_space<semaphore_mem>>
      %dma_start3A_146 = arith.constant 0 : i32
      %dma_start3A_147 = arith.constant 0 : i32
      %dma_start3A_148 = tpu.memref_slice %arg8[%dma_start3A_146, %dma_start3A_147] : memref<224x32xf32, #tpu.memory_space<vmem>> -> memref<128x32xf32, #tpu.memory_space<vmem>>
      %dma_start3A_149 = arith.constant 0 : i32
      %dma_start3A_150 = tpu.memref_slice %arg11[%add3A_7, %dma_start3A_149] : memref<10240x32xf32, #tpu.memory_space<vmem_shared>> -> memref<128x32xf32, #tpu.memory_space<vmem_shared>>
      %dma_start3A_151 = arith.constant 0 : i32
      %dma_start3A_152 = tpu.memref_slice %arg11[%add3A_7, %dma_start3A_151] : memref<10240x32xf32, #tpu.memory_space<vmem_shared>> -> memref<128x32xf32, #tpu.memory_space<vmem_shared>>
      %dma_start3A_153 = arith.constant 0 : i32
      %dma_start3A_154 = arith.constant 0 : i32
      %dma_start3A_155 = tpu.memref_slice %arg8[%dma_start3A_153, %dma_start3A_154] : memref<224x32xf32, #tpu.memory_space<vmem>> -> memref<128x32xf32, #tpu.memory_space<vmem>>
      tpu.enqueue_dma source(%dma_start3A_155 : memref<128x32xf32, #tpu.memory_space<vmem>>) target(%dma_start3A_152 : memref<128x32xf32, #tpu.memory_space<vmem_shared>>) target_semaphore(%run_scoped3A_145 : memref<!tpu.dma_semaphore, #tpu.memory_space<semaphore_mem>>)
      %dma_wait3A_156 = arith.constant 0 : i32
      %dma_wait3A_157 = arith.constant 0 : i32
      %dma_wait3A_158 = tpu.memref_slice %arg8[%dma_wait3A_156, %dma_wait3A_157] : memref<224x32xf32, #tpu.memory_space<vmem>> -> memref<128x32xf32, #tpu.memory_space<vmem>>
      %dma_wait3A_159 = arith.constant 0 : i32
      %dma_wait3A_160 = tpu.memref_slice %arg11[%add3A_7, %dma_wait3A_159] : memref<10240x32xf32, #tpu.memory_space<vmem_shared>> -> memref<128x32xf32, #tpu.memory_space<vmem_shared>>
      %dma_wait3A_161 = arith.constant 0 : i32
      %dma_wait3A_162 = tpu.memref_slice %arg11[%add3A_7, %dma_wait3A_161] : memref<10240x32xf32, #tpu.memory_space<vmem_shared>> -> memref<128x32xf32, #tpu.memory_space<vmem_shared>>
      %dma_wait3A_163 = arith.constant 0 : i32
      %dma_wait3A_164 = arith.constant 0 : i32
      %dma_wait3A_165 = tpu.memref_slice %arg8[%dma_wait3A_163, %dma_wait3A_164] : memref<224x32xf32, #tpu.memory_space<vmem>> -> memref<128x32xf32, #tpu.memory_space<vmem>>
      tpu.wait_dma2 semaphore(%run_scoped3A_145 : memref<!tpu.dma_semaphore, #tpu.memory_space<semaphore_mem>>) src(%dma_wait3A_165 : memref<128x32xf32, #tpu.memory_space<vmem>>) dst(%dma_wait3A_162 : memref<128x32xf32, #tpu.memory_space<vmem_shared>>)
      tpu.yield
    }) : () -> ()
    %add3A_8 = arith.constant 128 : i32
    %add3A_9 = arith.addi %mul3A_6, %add3A_8 : i32
    "tpu.region"() ({
      %run_scoped3A_145 = tpu.sem_alloc : memref<!tpu.dma_semaphore, #tpu.memory_space<semaphore_mem>>
      %dma_start3A_146 = arith.constant 0 : i32
      %dma_start3A_147 = arith.constant 0 : i32
      %dma_start3A_148 = tpu.memref_slice %arg8[%dma_start3A_146, %dma_start3A_147] : memref<224x32xf32, #tpu.memory_space<vmem>> -> memref<128x32xf32, #tpu.memory_space<vmem>>
      %dma_start3A_149 = arith.constant 0 : i32
      %dma_start3A_150 = tpu.memref_slice %arg11[%add3A_9, %dma_start3A_149] : memref<10240x32xf32, #tpu.memory_space<vmem_shared>> -> memref<128x32xf32, #tpu.memory_space<vmem_shared>>
      %dma_start3A_151 = arith.constant 0 : i32
      %dma_start3A_152 = tpu.memref_slice %arg11[%add3A_9, %dma_start3A_151] : memref<10240x32xf32, #tpu.memory_space<vmem_shared>> -> memref<128x32xf32, #tpu.memory_space<vmem_shared>>
      %dma_start3A_153 = arith.constant 0 : i32
      %dma_start3A_154 = arith.constant 0 : i32
      %dma_start3A_155 = tpu.memref_slice %arg8[%dma_start3A_153, %dma_start3A_154] : memref<224x32xf32, #tpu.memory_space<vmem>> -> memref<128x32xf32, #tpu.memory_space<vmem>>
      tpu.enqueue_dma source(%dma_start3A_155 : memref<128x32xf32, #tpu.memory_space<vmem>>) target(%dma_start3A_152 : memref<128x32xf32, #tpu.memory_space<vmem_shared>>) target_semaphore(%run_scoped3A_145 : memref<!tpu.dma_semaphore, #tpu.memory_space<semaphore_mem>>)
      %dma_wait3A_156 = arith.constant 0 : i32
      %dma_wait3A_157 = arith.constant 0 : i32
      %dma_wait3A_158 = tpu.memref_slice %arg8[%dma_wait3A_156, %dma_wait3A_157] : memref<224x32xf32, #tpu.memory_space<vmem>> -> memref<128x32xf32, #tpu.memory_space<vmem>>
      %dma_wait3A_159 = arith.constant 0 : i32
      %dma_wait3A_160 = tpu.memref_slice %arg11[%add3A_9, %dma_wait3A_159] : memref<10240x32xf32, #tpu.memory_space<vmem_shared>> -> memref<128x32xf32, #tpu.memory_space<vmem_shared>>
      %dma_wait3A_161 = arith.constant 0 : i32
      %dma_wait3A_162 = tpu.memref_slice %arg11[%add3A_9, %dma_wait3A_161] : memref<10240x32xf32, #tpu.memory_space<vmem_shared>> -> memref<128x32xf32, #tpu.memory_space<vmem_shared>>
      %dma_wait3A_163 = arith.constant 0 : i32
      %dma_wait3A_164 = arith.constant 0 : i32
      %dma_wait3A_165 = tpu.memref_slice %arg8[%dma_wait3A_163, %dma_wait3A_164] : memref<224x32xf32, #tpu.memory_space<vmem>> -> memref<128x32xf32, #tpu.memory_space<vmem>>
      tpu.wait_dma2 semaphore(%run_scoped3A_145 : memref<!tpu.dma_semaphore, #tpu.memory_space<semaphore_mem>>) src(%dma_wait3A_165 : memref<128x32xf32, #tpu.memory_space<vmem>>) dst(%dma_wait3A_162 : memref<128x32xf32, #tpu.memory_space<vmem_shared>>)
      tpu.yield
    }) : () -> ()
    %add3A_10 = arith.constant 256 : i32
    %add3A_11 = arith.addi %mul3A_6, %add3A_10 : i32
    "tpu.region"() ({
      %run_scoped3A_145 = tpu.sem_alloc : memref<!tpu.dma_semaphore, #tpu.memory_space<semaphore_mem>>
      %dma_start3A_146 = arith.constant 0 : i32
      %dma_start3A_147 = arith.constant 0 : i32
      %dma_start3A_148 = tpu.memref_slice %arg8[%dma_start3A_146, %dma_start3A_147] : memref<224x32xf32, #tpu.memory_space<vmem>> -> memref<128x32xf32, #tpu.memory_space<vmem>>
      %dma_start3A_149 = arith.constant 0 : i32
      %dma_start3A_150 = tpu.memref_slice %arg11[%add3A_11, %dma_start3A_149] : memref<10240x32xf32, #tpu.memory_space<vmem_shared>> -> memref<128x32xf32, #tpu.memory_space<vmem_shared>>
      %dma_start3A_151 = arith.constant 0 : i32
      %dma_start3A_152 = tpu.memref_slice %arg11[%add3A_11, %dma_start3A_151] : memref<10240x32xf32, #tpu.memory_space<vmem_shared>> -> memref<128x32xf32, #tpu.memory_space<vmem_shared>>
      %dma_start3A_153 = arith.constant 0 : i32
      %dma_start3A_154 = arith.constant 0 : i32
      %dma_start3A_155 = tpu.memref_slice %arg8[%dma_start3A_153, %dma_start3A_154] : memref<224x32xf32, #tpu.memory_space<vmem>> -> memref<128x32xf32, #tpu.memory_space<vmem>>
      tpu.enqueue_dma source(%dma_start3A_155 : memref<128x32xf32, #tpu.memory_space<vmem>>) target(%dma_start3A_152 : memref<128x32xf32, #tpu.memory_space<vmem_shared>>) target_semaphore(%run_scoped3A_145 : memref<!tpu.dma_semaphore, #tpu.memory_space<semaphore_mem>>)
      %dma_wait3A_156 = arith.constant 0 : i32
      %dma_wait3A_157 = arith.constant 0 : i32
      %dma_wait3A_158 = tpu.memref_slice %arg8[%dma_wait3A_156, %dma_wait3A_157] : memref<224x32xf32, #tpu.memory_space<vmem>> -> memref<128x32xf32, #tpu.memory_space<vmem>>
      %dma_wait3A_159 = arith.constant 0 : i32
      %dma_wait3A_160 = tpu.memref_slice %arg11[%add3A_11, %dma_wait3A_159] : memref<10240x32xf32, #tpu.memory_space<vmem_shared>> -> memref<128x32xf32, #tpu.memory_space<vmem_shared>>
      %dma_wait3A_161 = arith.constant 0 : i32
      %dma_wait3A_162 = tpu.memref_slice %arg11[%add3A_11, %dma_wait3A_161] : memref<10240x32xf32, #tpu.memory_space<vmem_shared>> -> memref<128x32xf32, #tpu.memory_space<vmem_shared>>
      %dma_wait3A_163 = arith.constant 0 : i32
      %dma_wait3A_164 = arith.constant 0 : i32
      %dma_wait3A_165 = tpu.memref_slice %arg8[%dma_wait3A_163, %dma_wait3A_164] : memref<224x32xf32, #tpu.memory_space<vmem>> -> memref<128x32xf32, #tpu.memory_space<vmem>>
      tpu.wait_dma2 semaphore(%run_scoped3A_145 : memref<!tpu.dma_semaphore, #tpu.memory_space<semaphore_mem>>) src(%dma_wait3A_165 : memref<128x32xf32, #tpu.memory_space<vmem>>) dst(%dma_wait3A_162 : memref<128x32xf32, #tpu.memory_space<vmem_shared>>)
      tpu.yield
    }) : () -> ()
    %add3A_12 = arith.constant 384 : i32
    %add3A_13 = arith.addi %mul3A_6, %add3A_12 : i32
    "tpu.region"() ({
      %run_scoped3A_145 = tpu.sem_alloc : memref<!tpu.dma_semaphore, #tpu.memory_space<semaphore_mem>>
      %dma_start3A_146 = arith.constant 0 : i32
      %dma_start3A_147 = arith.constant 0 : i32
      %dma_start3A_148 = tpu.memref_slice %arg8[%dma_start3A_146, %dma_start3A_147] : memref<224x32xf32, #tpu.memory_space<vmem>> -> memref<128x32xf32, #tpu.memory_space<vmem>>
      %dma_start3A_149 = arith.constant 0 : i32
      %dma_start3A_150 = tpu.memref_slice %arg11[%add3A_13, %dma_start3A_149] : memref<10240x32xf32, #tpu.memory_space<vmem_shared>> -> memref<128x32xf32, #tpu.memory_space<vmem_shared>>
      %dma_start3A_151 = arith.constant 0 : i32
      %dma_start3A_152 = tpu.memref_slice %arg11[%add3A_13, %dma_start3A_151] : memref<10240x32xf32, #tpu.memory_space<vmem_shared>> -> memref<128x32xf32, #tpu.memory_space<vmem_shared>>
      %dma_start3A_153 = arith.constant 0 : i32
      %dma_start3A_154 = arith.constant 0 : i32
      %dma_start3A_155 = tpu.memref_slice %arg8[%dma_start3A_153, %dma_start3A_154] : memref<224x32xf32, #tpu.memory_space<vmem>> -> memref<128x32xf32, #tpu.memory_space<vmem>>
      tpu.enqueue_dma source(%dma_start3A_155 : memref<128x32xf32, #tpu.memory_space<vmem>>) target(%dma_start3A_152 : memref<128x32xf32, #tpu.memory_space<vmem_shared>>) target_semaphore(%run_scoped3A_145 : memref<!tpu.dma_semaphore, #tpu.memory_space<semaphore_mem>>)
      %dma_wait3A_156 = arith.constant 0 : i32
      %dma_wait3A_157 = arith.constant 0 : i32
      %dma_wait3A_158 = tpu.memref_slice %arg8[%dma_wait3A_156, %dma_wait3A_157] : memref<224x32xf32, #tpu.memory_space<vmem>> -> memref<128x32xf32, #tpu.memory_space<vmem>>
      %dma_wait3A_159 = arith.constant 0 : i32
      %dma_wait3A_160 = tpu.memref_slice %arg11[%add3A_13, %dma_wait3A_159] : memref<10240x32xf32, #tpu.memory_space<vmem_shared>> -> memref<128x32xf32, #tpu.memory_space<vmem_shared>>
      %dma_wait3A_161 = arith.constant 0 : i32
      %dma_wait3A_162 = tpu.memref_slice %arg11[%add3A_13, %dma_wait3A_161] : memref<10240x32xf32, #tpu.memory_space<vmem_shared>> -> memref<128x32xf32, #tpu.memory_space<vmem_shared>>
      %dma_wait3A_163 = arith.constant 0 : i32
      %dma_wait3A_164 = arith.constant 0 : i32
      %dma_wait3A_165 = tpu.memref_slice %arg8[%dma_wait3A_163, %dma_wait3A_164] : memref<224x32xf32, #tpu.memory_space<vmem>> -> memref<128x32xf32, #tpu.memory_space<vmem>>
      tpu.wait_dma2 semaphore(%run_scoped3A_145 : memref<!tpu.dma_semaphore, #tpu.memory_space<semaphore_mem>>) src(%dma_wait3A_165 : memref<128x32xf32, #tpu.memory_space<vmem>>) dst(%dma_wait3A_162 : memref<128x32xf32, #tpu.memory_space<vmem_shared>>)
      tpu.yield
    }) : () -> ()
    %add3A_14 = arith.constant 512 : i32
    %add3A_15 = arith.addi %mul3A_6, %add3A_14 : i32
    "tpu.region"() ({
      %run_scoped3A_145 = tpu.sem_alloc : memref<!tpu.dma_semaphore, #tpu.memory_space<semaphore_mem>>
      %dma_start3A_146 = arith.constant 0 : i32
      %dma_start3A_147 = arith.constant 0 : i32
      %dma_start3A_148 = tpu.memref_slice %arg8[%dma_start3A_146, %dma_start3A_147] : memref<224x32xf32, #tpu.memory_space<vmem>> -> memref<128x32xf32, #tpu.memory_space<vmem>>
      %dma_start3A_149 = arith.constant 0 : i32
      %dma_start3A_150 = tpu.memref_slice %arg11[%add3A_15, %dma_start3A_149] : memref<10240x32xf32, #tpu.memory_space<vmem_shared>> -> memref<128x32xf32, #tpu.memory_space<vmem_shared>>
      %dma_start3A_151 = arith.constant 0 : i32
      %dma_start3A_152 = tpu.memref_slice %arg11[%add3A_15, %dma_start3A_151] : memref<10240x32xf32, #tpu.memory_space<vmem_shared>> -> memref<128x32xf32, #tpu.memory_space<vmem_shared>>
      %dma_start3A_153 = arith.constant 0 : i32
      %dma_start3A_154 = arith.constant 0 : i32
      %dma_start3A_155 = tpu.memref_slice %arg8[%dma_start3A_153, %dma_start3A_154] : memref<224x32xf32, #tpu.memory_space<vmem>> -> memref<128x32xf32, #tpu.memory_space<vmem>>
      tpu.enqueue_dma source(%dma_start3A_155 : memref<128x32xf32, #tpu.memory_space<vmem>>) target(%dma_start3A_152 : memref<128x32xf32, #tpu.memory_space<vmem_shared>>) target_semaphore(%run_scoped3A_145 : memref<!tpu.dma_semaphore, #tpu.memory_space<semaphore_mem>>)
      %dma_wait3A_156 = arith.constant 0 : i32
      %dma_wait3A_157 = arith.constant 0 : i32
      %dma_wait3A_158 = tpu.memref_slice %arg8[%dma_wait3A_156, %dma_wait3A_157] : memref<224x32xf32, #tpu.memory_space<vmem>> -> memref<128x32xf32, #tpu.memory_space<vmem>>
      %dma_wait3A_159 = arith.constant 0 : i32
      %dma_wait3A_160 = tpu.memref_slice %arg11[%add3A_15, %dma_wait3A_159] : memref<10240x32xf32, #tpu.memory_space<vmem_shared>> -> memref<128x32xf32, #tpu.memory_space<vmem_shared>>
      %dma_wait3A_161 = arith.constant 0 : i32
      %dma_wait3A_162 = tpu.memref_slice %arg11[%add3A_15, %dma_wait3A_161] : memref<10240x32xf32, #tpu.memory_space<vmem_shared>> -> memref<128x32xf32, #tpu.memory_space<vmem_shared>>
      %dma_wait3A_163 = arith.constant 0 : i32
      %dma_wait3A_164 = arith.constant 0 : i32
      %dma_wait3A_165 = tpu.memref_slice %arg8[%dma_wait3A_163, %dma_wait3A_164] : memref<224x32xf32, #tpu.memory_space<vmem>> -> memref<128x32xf32, #tpu.memory_space<vmem>>
      tpu.wait_dma2 semaphore(%run_scoped3A_145 : memref<!tpu.dma_semaphore, #tpu.memory_space<semaphore_mem>>) src(%dma_wait3A_165 : memref<128x32xf32, #tpu.memory_space<vmem>>) dst(%dma_wait3A_162 : memref<128x32xf32, #tpu.memory_space<vmem_shared>>)
      tpu.yield
    }) : () -> ()
    %mul3A_16 = arith.constant 16 : i32
    %mul3A_17 = arith.muli %arg0, %mul3A_16 : i32
    %add3A_18 = arith.addi %mul3A_17, %arg1 : i32
    %mul3A_19 = arith.constant 45 : i32
    %mul3A_20 = arith.muli %add3A_18, %mul3A_19 : i32
    %run_scoped3A = arith.constant 0 : i32
    "tpu.region"() ({
      %run_scoped3A_145 = tpu.sem_alloc : memref<!tpu.dma_semaphore, #tpu.memory_space<semaphore_mem>>
      %dma_start3A_146 = arith.constant 0 : i32
      %dma_start3A_147 = tpu.memref_slice %arg3[%run_scoped3A, %mul3A_20, %dma_start3A_146] : memref<1x1442x224xi32, #tpu.memory_space<hbm>> -> memref<1x47x224xi32, #tpu.memory_space<hbm>>
      %dma_start3A_148 = tpu.memref_squeeze %dma_start3A_147 : memref<1x47x224xi32, #tpu.memory_space<hbm>> -> memref<47x224xi32, #tpu.memory_space<hbm>>
      %dma_start3A_149 = arith.constant 0 : i32
      %dma_start3A_150 = tpu.memref_slice %arg3[%run_scoped3A, %mul3A_20, %dma_start3A_149] : memref<1x1442x224xi32, #tpu.memory_space<hbm>> -> memref<1x47x224xi32, #tpu.memory_space<hbm>>
      %dma_start3A_151 = tpu.memref_squeeze %dma_start3A_150 : memref<1x47x224xi32, #tpu.memory_space<hbm>> -> memref<47x224xi32, #tpu.memory_space<hbm>>
      tpu.enqueue_dma source(%dma_start3A_151 : memref<47x224xi32, #tpu.memory_space<hbm>>) target(%arg6 : memref<47x224xi32, #tpu.memory_space<vmem>>) target_semaphore(%run_scoped3A_145 : memref<!tpu.dma_semaphore, #tpu.memory_space<semaphore_mem>>)
      %dma_wait3A_152 = arith.constant 0 : i32
      %dma_wait3A_153 = tpu.memref_slice %arg3[%run_scoped3A, %mul3A_20, %dma_wait3A_152] : memref<1x1442x224xi32, #tpu.memory_space<hbm>> -> memref<1x47x224xi32, #tpu.memory_space<hbm>>
      %dma_wait3A_154 = tpu.memref_squeeze %dma_wait3A_153 : memref<1x47x224xi32, #tpu.memory_space<hbm>> -> memref<47x224xi32, #tpu.memory_space<hbm>>
      %dma_wait3A_155 = arith.constant 0 : i32
      %dma_wait3A_156 = tpu.memref_slice %arg3[%run_scoped3A, %mul3A_20, %dma_wait3A_155] : memref<1x1442x224xi32, #tpu.memory_space<hbm>> -> memref<1x47x224xi32, #tpu.memory_space<hbm>>
      %dma_wait3A_157 = tpu.memref_squeeze %dma_wait3A_156 : memref<1x47x224xi32, #tpu.memory_space<hbm>> -> memref<47x224xi32, #tpu.memory_space<hbm>>
      tpu.wait_dma2 semaphore(%run_scoped3A_145 : memref<!tpu.dma_semaphore, #tpu.memory_space<semaphore_mem>>) src(%dma_wait3A_157 : memref<47x224xi32, #tpu.memory_space<hbm>>) dst(%arg6 : memref<47x224xi32, #tpu.memory_space<vmem>>)
      tpu.yield
    }) : () -> ()
    "tpu.region"() ({
      %run_scoped3A_145 = tpu.sem_alloc : memref<!tpu.dma_semaphore, #tpu.memory_space<semaphore_mem>>
      %dma_start3A_146 = arith.constant 0 : i32
      %dma_start3A_147 = tpu.memref_slice %arg4[%mul3A_20, %dma_start3A_146] : memref<1440x224xi32, #tpu.memory_space<hbm>> -> memref<45x224xi32, #tpu.memory_space<hbm>>
      %dma_start3A_148 = arith.constant 0 : i32
      %dma_start3A_149 = tpu.memref_slice %arg4[%mul3A_20, %dma_start3A_148] : memref<1440x224xi32, #tpu.memory_space<hbm>> -> memref<45x224xi32, #tpu.memory_space<hbm>>
      tpu.enqueue_dma source(%dma_start3A_149 : memref<45x224xi32, #tpu.memory_space<hbm>>) target(%arg7 : memref<45x224xi32, #tpu.memory_space<vmem>>) target_semaphore(%run_scoped3A_145 : memref<!tpu.dma_semaphore, #tpu.memory_space<semaphore_mem>>)
      %dma_wait3A_150 = arith.constant 0 : i32
      %dma_wait3A_151 = tpu.memref_slice %arg4[%mul3A_20, %dma_wait3A_150] : memref<1440x224xi32, #tpu.memory_space<hbm>> -> memref<45x224xi32, #tpu.memory_space<hbm>>
      %dma_wait3A_152 = arith.constant 0 : i32
      %dma_wait3A_153 = tpu.memref_slice %arg4[%mul3A_20, %dma_wait3A_152] : memref<1440x224xi32, #tpu.memory_space<hbm>> -> memref<45x224xi32, #tpu.memory_space<hbm>>
      tpu.wait_dma2 semaphore(%run_scoped3A_145 : memref<!tpu.dma_semaphore, #tpu.memory_space<semaphore_mem>>) src(%dma_wait3A_153 : memref<45x224xi32, #tpu.memory_space<hbm>>) dst(%arg7 : memref<45x224xi32, #tpu.memory_space<vmem>>)
      tpu.yield
    }) : () -> ()
    %dma_start3A = arith.constant 0 : i32
    %dma_start3A_21 = arith.constant 0 : i32
    %dma_start3A_22 = tpu.memref_slice %arg6[%dma_start3A, %dma_start3A_21] : memref<47x224xi32, #tpu.memory_space<vmem>> -> memref<1x224xi32, #tpu.memory_space<vmem>>
    %dma_start3A_23 = tpu.memref_squeeze %dma_start3A_22 : memref<1x224xi32, #tpu.memory_space<vmem>> -> memref<224xi32, #tpu.memory_space<vmem>>
    %dma_start3A_24 = arith.constant 0 : i32
    %dma_start3A_25 = arith.constant 0 : i32
    %dma_start3A_26 = tpu.memref_slice %arg2[%dma_start3A_24, %dma_start3A_25] : memref<40000x32xf32, #tpu.memory_space<hbm>> -> memref<40000x32xf32, #tpu.memory_space<hbm>>
    tpu.enqueue_indirect_dma source(%dma_start3A_26 : memref<40000x32xf32, #tpu.memory_space<hbm>>) target(%arg8 : memref<224x32xf32, #tpu.memory_space<vmem>>) offsets(%dma_start3A_23 : memref<224xi32, #tpu.memory_space<vmem>>) semaphore(%arg12 : memref<!tpu.dma_semaphore, #tpu.memory_space<semaphore_mem>>)
    %dma_start3A_27 = arith.constant 1 : i32
    %dma_start3A_28 = arith.constant 0 : i32
    %dma_start3A_29 = tpu.memref_slice %arg6[%dma_start3A_27, %dma_start3A_28] : memref<47x224xi32, #tpu.memory_space<vmem>> -> memref<1x224xi32, #tpu.memory_space<vmem>>
    %dma_start3A_30 = tpu.memref_squeeze %dma_start3A_29 : memref<1x224xi32, #tpu.memory_space<vmem>> -> memref<224xi32, #tpu.memory_space<vmem>>
    %dma_start3A_31 = arith.constant 0 : i32
    %dma_start3A_32 = arith.constant 0 : i32
    %dma_start3A_33 = tpu.memref_slice %arg2[%dma_start3A_31, %dma_start3A_32] : memref<40000x32xf32, #tpu.memory_space<hbm>> -> memref<40000x32xf32, #tpu.memory_space<hbm>>
    tpu.enqueue_indirect_dma source(%dma_start3A_33 : memref<40000x32xf32, #tpu.memory_space<hbm>>) target(%arg9 : memref<224x32xf32, #tpu.memory_space<vmem>>) offsets(%dma_start3A_30 : memref<224xi32, #tpu.memory_space<vmem>>) semaphore(%arg13 : memref<!tpu.dma_semaphore, #tpu.memory_space<semaphore_mem>>)
    %barrier3A = arith.constant 0 : index
    tpu.barrier barrier_id(%barrier3A)
    %dma_wait3A = arith.constant 0 : i32
    %dma_wait3A_34 = arith.constant 0 : i32
    %dma_wait3A_35 = tpu.memref_slice %arg6[%dma_wait3A, %dma_wait3A_34] : memref<47x224xi32, #tpu.memory_space<vmem>> -> memref<1x224xi32, #tpu.memory_space<vmem>>
    %dma_wait3A_36 = tpu.memref_squeeze %dma_wait3A_35 : memref<1x224xi32, #tpu.memory_space<vmem>> -> memref<224xi32, #tpu.memory_space<vmem>>
    %dma_wait3A_37 = arith.constant 0 : i32
    %dma_wait3A_38 = arith.constant 0 : i32
    %dma_wait3A_39 = tpu.memref_slice %arg2[%dma_wait3A_37, %dma_wait3A_38] : memref<40000x32xf32, #tpu.memory_space<hbm>> -> memref<40000x32xf32, #tpu.memory_space<hbm>>
    tpu.wait_indirect_dma semaphore(%arg12 : memref<!tpu.dma_semaphore, #tpu.memory_space<semaphore_mem>>) src(%dma_wait3A_39 : memref<40000x32xf32, #tpu.memory_space<hbm>>) dst(%arg8 : memref<224x32xf32, #tpu.memory_space<vmem>>)
    %dma_start3A_40 = arith.constant 0 : i32
    %dma_start3A_41 = arith.constant 0 : i32
    %dma_start3A_42 = tpu.memref_slice %arg7[%dma_start3A_40, %dma_start3A_41] : memref<45x224xi32, #tpu.memory_space<vmem>> -> memref<1x224xi32, #tpu.memory_space<vmem>>
    %dma_start3A_43 = tpu.memref_squeeze %dma_start3A_42 : memref<1x224xi32, #tpu.memory_space<vmem>> -> memref<224xi32, #tpu.memory_space<vmem>>
    %dma_start3A_44 = arith.constant 0 : i32
    %dma_start3A_45 = arith.constant 0 : i32
    %dma_start3A_46 = tpu.memref_slice %arg11[%dma_start3A_44, %dma_start3A_45] : memref<10240x32xf32, #tpu.memory_space<vmem_shared>> -> memref<10240x32xf32, #tpu.memory_space<vmem_shared>>
    tpu.enqueue_indirect_dma source(%arg8 : memref<224x32xf32, #tpu.memory_space<vmem>>) target(%dma_start3A_46 : memref<10240x32xf32, #tpu.memory_space<vmem_shared>>) offsets(%dma_start3A_43 : memref<224xi32, #tpu.memory_space<vmem>>) semaphore(%arg15 : memref<!tpu.dma_semaphore, #tpu.memory_space<semaphore_mem>>) {add = true}
    %dma_start3A_47 = arith.constant 2 : i32
    %dma_start3A_48 = arith.constant 0 : i32
    %dma_start3A_49 = tpu.memref_slice %arg6[%dma_start3A_47, %dma_start3A_48] : memref<47x224xi32, #tpu.memory_space<vmem>> -> memref<1x224xi32, #tpu.memory_space<vmem>>
    %dma_start3A_50 = tpu.memref_squeeze %dma_start3A_49 : memref<1x224xi32, #tpu.memory_space<vmem>> -> memref<224xi32, #tpu.memory_space<vmem>>
    %dma_start3A_51 = arith.constant 0 : i32
    %dma_start3A_52 = arith.constant 0 : i32
    %dma_start3A_53 = tpu.memref_slice %arg2[%dma_start3A_51, %dma_start3A_52] : memref<40000x32xf32, #tpu.memory_space<hbm>> -> memref<40000x32xf32, #tpu.memory_space<hbm>>
    tpu.enqueue_indirect_dma source(%dma_start3A_53 : memref<40000x32xf32, #tpu.memory_space<hbm>>) target(%arg10 : memref<224x32xf32, #tpu.memory_space<vmem>>) offsets(%dma_start3A_50 : memref<224xi32, #tpu.memory_space<vmem>>) semaphore(%arg14 : memref<!tpu.dma_semaphore, #tpu.memory_space<semaphore_mem>>)
    %scan3A_54 = arith.constant 0 : i32
    %scan3A_55 = arith.constant 0 : i32
    %scan3A_56 = arith.constant 14 : i32
    %scan3A_57 = arith.addi %scan3A_55, %scan3A_56 : i32
    %scan3A_58 = arith.constant 1 : i32
    %scan3A_59 = scf.for %scan3A_145 = %scan3A_55 to %scan3A_57 step %scan3A_58 iter_args(%scan3A_146 = %scan3A_54) -> (i32)  : i32 {
      %mul3A_147 = arith.constant 3 : i32
      %mul3A_148 = arith.muli %scan3A_145, %mul3A_147 : i32
      %add3A_149 = arith.constant 1 : i32
      %add3A_150 = arith.addi %add3A_149, %mul3A_148 : i32
      %add3A_151 = arith.constant 0 : i32
      %add3A_152 = arith.addi %add3A_150, %add3A_151 : i32
      %dma_wait3A_153 = arith.constant 0 : i32
      %dma_wait3A_154 = tpu.memref_slice %arg6[%add3A_152, %dma_wait3A_153] : memref<47x224xi32, #tpu.memory_space<vmem>> -> memref<1x224xi32, #tpu.memory_space<vmem>>
      %dma_wait3A_155 = tpu.memref_squeeze %dma_wait3A_154 : memref<1x224xi32, #tpu.memory_space<vmem>> -> memref<224xi32, #tpu.memory_space<vmem>>
      %dma_wait3A_156 = arith.constant 0 : i32
      %dma_wait3A_157 = arith.constant 0 : i32
      %dma_wait3A_158 = tpu.memref_slice %arg2[%dma_wait3A_156, %dma_wait3A_157] : memref<40000x32xf32, #tpu.memory_space<hbm>> -> memref<40000x32xf32, #tpu.memory_space<hbm>>
      tpu.wait_indirect_dma semaphore(%arg13 : memref<!tpu.dma_semaphore, #tpu.memory_space<semaphore_mem>>) src(%dma_wait3A_158 : memref<40000x32xf32, #tpu.memory_space<hbm>>) dst(%arg9 : memref<224x32xf32, #tpu.memory_space<vmem>>)
      %dma_start3A_159 = arith.constant 0 : i32
      %dma_start3A_160 = tpu.memref_slice %arg7[%add3A_152, %dma_start3A_159] : memref<45x224xi32, #tpu.memory_space<vmem>> -> memref<1x224xi32, #tpu.memory_space<vmem>>
      %dma_start3A_161 = tpu.memref_squeeze %dma_start3A_160 : memref<1x224xi32, #tpu.memory_space<vmem>> -> memref<224xi32, #tpu.memory_space<vmem>>
      %dma_start3A_162 = arith.constant 0 : i32
      %dma_start3A_163 = arith.constant 0 : i32
      %dma_start3A_164 = tpu.memref_slice %arg11[%dma_start3A_162, %dma_start3A_163] : memref<10240x32xf32, #tpu.memory_space<vmem_shared>> -> memref<10240x32xf32, #tpu.memory_space<vmem_shared>>
      tpu.enqueue_indirect_dma source(%arg9 : memref<224x32xf32, #tpu.memory_space<vmem>>) target(%dma_start3A_164 : memref<10240x32xf32, #tpu.memory_space<vmem_shared>>) offsets(%dma_start3A_161 : memref<224xi32, #tpu.memory_space<vmem>>) semaphore(%arg16 : memref<!tpu.dma_semaphore, #tpu.memory_space<semaphore_mem>>) {add = true}
      %dma_wait3A_165 = arith.constant 0 : i32
      %dma_wait3A_166 = arith.constant 0 : i32
      %dma_wait3A_167 = tpu.memref_slice %arg7[%dma_wait3A_165, %dma_wait3A_166] : memref<45x224xi32, #tpu.memory_space<vmem>> -> memref<1x224xi32, #tpu.memory_space<vmem>>
      %dma_wait3A_168 = tpu.memref_squeeze %dma_wait3A_167 : memref<1x224xi32, #tpu.memory_space<vmem>> -> memref<224xi32, #tpu.memory_space<vmem>>
      %dma_wait3A_169 = arith.constant 0 : i32
      %dma_wait3A_170 = arith.constant 0 : i32
      %dma_wait3A_171 = tpu.memref_slice %arg11[%dma_wait3A_169, %dma_wait3A_170] : memref<10240x32xf32, #tpu.memory_space<vmem_shared>> -> memref<10240x32xf32, #tpu.memory_space<vmem_shared>>
      tpu.wait_indirect_dma semaphore(%arg15 : memref<!tpu.dma_semaphore, #tpu.memory_space<semaphore_mem>>) src(%arg8 : memref<224x32xf32, #tpu.memory_space<vmem>>) dst(%dma_wait3A_171 : memref<10240x32xf32, #tpu.memory_space<vmem_shared>>)
      %add3A_172 = arith.constant 2 : i32
      %add3A_173 = arith.addi %add3A_152, %add3A_172 : i32
      %dma_start3A_174 = arith.constant 0 : i32
      %dma_start3A_175 = tpu.memref_slice %arg6[%add3A_173, %dma_start3A_174] : memref<47x224xi32, #tpu.memory_space<vmem>> -> memref<1x224xi32, #tpu.memory_space<vmem>>
      %dma_start3A_176 = tpu.memref_squeeze %dma_start3A_175 : memref<1x224xi32, #tpu.memory_space<vmem>> -> memref<224xi32, #tpu.memory_space<vmem>>
      %dma_start3A_177 = arith.constant 0 : i32
      %dma_start3A_178 = arith.constant 0 : i32
      %dma_start3A_179 = tpu.memref_slice %arg2[%dma_start3A_177, %dma_start3A_178] : memref<40000x32xf32, #tpu.memory_space<hbm>> -> memref<40000x32xf32, #tpu.memory_space<hbm>>
      tpu.enqueue_indirect_dma source(%dma_start3A_179 : memref<40000x32xf32, #tpu.memory_space<hbm>>) target(%arg8 : memref<224x32xf32, #tpu.memory_space<vmem>>) offsets(%dma_start3A_176 : memref<224xi32, #tpu.memory_space<vmem>>) semaphore(%arg12 : memref<!tpu.dma_semaphore, #tpu.memory_space<semaphore_mem>>)
      %mul3A_180 = arith.constant 3 : i32
      %mul3A_181 = arith.muli %scan3A_145, %mul3A_180 : i32
      %add3A_182 = arith.constant 1 : i32
      %add3A_183 = arith.addi %add3A_182, %mul3A_181 : i32
      %add3A_184 = arith.constant 1 : i32
      %add3A_185 = arith.addi %add3A_183, %add3A_184 : i32
      %dma_wait3A_186 = arith.constant 0 : i32
      %dma_wait3A_187 = tpu.memref_slice %arg6[%add3A_185, %dma_wait3A_186] : memref<47x224xi32, #tpu.memory_space<vmem>> -> memref<1x224xi32, #tpu.memory_space<vmem>>
      %dma_wait3A_188 = tpu.memref_squeeze %dma_wait3A_187 : memref<1x224xi32, #tpu.memory_space<vmem>> -> memref<224xi32, #tpu.memory_space<vmem>>
      %dma_wait3A_189 = arith.constant 0 : i32
      %dma_wait3A_190 = arith.constant 0 : i32
      %dma_wait3A_191 = tpu.memref_slice %arg2[%dma_wait3A_189, %dma_wait3A_190] : memref<40000x32xf32, #tpu.memory_space<hbm>> -> memref<40000x32xf32, #tpu.memory_space<hbm>>
      tpu.wait_indirect_dma semaphore(%arg14 : memref<!tpu.dma_semaphore, #tpu.memory_space<semaphore_mem>>) src(%dma_wait3A_191 : memref<40000x32xf32, #tpu.memory_space<hbm>>) dst(%arg10 : memref<224x32xf32, #tpu.memory_space<vmem>>)
      %dma_start3A_192 = arith.constant 0 : i32
      %dma_start3A_193 = tpu.memref_slice %arg7[%add3A_185, %dma_start3A_192] : memref<45x224xi32, #tpu.memory_space<vmem>> -> memref<1x224xi32, #tpu.memory_space<vmem>>
      %dma_start3A_194 = tpu.memref_squeeze %dma_start3A_193 : memref<1x224xi32, #tpu.memory_space<vmem>> -> memref<224xi32, #tpu.memory_space<vmem>>
      %dma_start3A_195 = arith.constant 0 : i32
      %dma_start3A_196 = arith.constant 0 : i32
      %dma_start3A_197 = tpu.memref_slice %arg11[%dma_start3A_195, %dma_start3A_196] : memref<10240x32xf32, #tpu.memory_space<vmem_shared>> -> memref<10240x32xf32, #tpu.memory_space<vmem_shared>>
      tpu.enqueue_indirect_dma source(%arg10 : memref<224x32xf32, #tpu.memory_space<vmem>>) target(%dma_start3A_197 : memref<10240x32xf32, #tpu.memory_space<vmem_shared>>) offsets(%dma_start3A_194 : memref<224xi32, #tpu.memory_space<vmem>>) semaphore(%arg17 : memref<!tpu.dma_semaphore, #tpu.memory_space<semaphore_mem>>) {add = true}
      %dma_wait3A_198 = arith.constant 0 : i32
      %dma_wait3A_199 = arith.constant 0 : i32
      %dma_wait3A_200 = tpu.memref_slice %arg7[%dma_wait3A_198, %dma_wait3A_199] : memref<45x224xi32, #tpu.memory_space<vmem>> -> memref<1x224xi32, #tpu.memory_space<vmem>>
      %dma_wait3A_201 = tpu.memref_squeeze %dma_wait3A_200 : memref<1x224xi32, #tpu.memory_space<vmem>> -> memref<224xi32, #tpu.memory_space<vmem>>
      %dma_wait3A_202 = arith.constant 0 : i32
      %dma_wait3A_203 = arith.constant 0 : i32
      %dma_wait3A_204 = tpu.memref_slice %arg11[%dma_wait3A_202, %dma_wait3A_203] : memref<10240x32xf32, #tpu.memory_space<vmem_shared>> -> memref<10240x32xf32, #tpu.memory_space<vmem_shared>>
      tpu.wait_indirect_dma semaphore(%arg16 : memref<!tpu.dma_semaphore, #tpu.memory_space<semaphore_mem>>) src(%arg9 : memref<224x32xf32, #tpu.memory_space<vmem>>) dst(%dma_wait3A_204 : memref<10240x32xf32, #tpu.memory_space<vmem_shared>>)
      %add3A_205 = arith.constant 2 : i32
      %add3A_206 = arith.addi %add3A_185, %add3A_205 : i32
      %dma_start3A_207 = arith.constant 0 : i32
      %dma_start3A_208 = tpu.memref_slice %arg6[%add3A_206, %dma_start3A_207] : memref<47x224xi32, #tpu.memory_space<vmem>> -> memref<1x224xi32, #tpu.memory_space<vmem>>
      %dma_start3A_209 = tpu.memref_squeeze %dma_start3A_208 : memref<1x224xi32, #tpu.memory_space<vmem>> -> memref<224xi32, #tpu.memory_space<vmem>>
      %dma_start3A_210 = arith.constant 0 : i32
      %dma_start3A_211 = arith.constant 0 : i32
      %dma_start3A_212 = tpu.memref_slice %arg2[%dma_start3A_210, %dma_start3A_211] : memref<40000x32xf32, #tpu.memory_space<hbm>> -> memref<40000x32xf32, #tpu.memory_space<hbm>>
      tpu.enqueue_indirect_dma source(%dma_start3A_212 : memref<40000x32xf32, #tpu.memory_space<hbm>>) target(%arg9 : memref<224x32xf32, #tpu.memory_space<vmem>>) offsets(%dma_start3A_209 : memref<224xi32, #tpu.memory_space<vmem>>) semaphore(%arg13 : memref<!tpu.dma_semaphore, #tpu.memory_space<semaphore_mem>>)
      %mul3A_213 = arith.constant 3 : i32
      %mul3A_214 = arith.muli %scan3A_145, %mul3A_213 : i32
      %add3A_215 = arith.constant 1 : i32
      %add3A_216 = arith.addi %add3A_215, %mul3A_214 : i32
      %add3A_217 = arith.constant 2 : i32
      %add3A_218 = arith.addi %add3A_216, %add3A_217 : i32
      %dma_wait3A_219 = arith.constant 0 : i32
      %dma_wait3A_220 = tpu.memref_slice %arg6[%add3A_218, %dma_wait3A_219] : memref<47x224xi32, #tpu.memory_space<vmem>> -> memref<1x224xi32, #tpu.memory_space<vmem>>
      %dma_wait3A_221 = tpu.memref_squeeze %dma_wait3A_220 : memref<1x224xi32, #tpu.memory_space<vmem>> -> memref<224xi32, #tpu.memory_space<vmem>>
      %dma_wait3A_222 = arith.constant 0 : i32
      %dma_wait3A_223 = arith.constant 0 : i32
      %dma_wait3A_224 = tpu.memref_slice %arg2[%dma_wait3A_222, %dma_wait3A_223] : memref<40000x32xf32, #tpu.memory_space<hbm>> -> memref<40000x32xf32, #tpu.memory_space<hbm>>
      tpu.wait_indirect_dma semaphore(%arg12 : memref<!tpu.dma_semaphore, #tpu.memory_space<semaphore_mem>>) src(%dma_wait3A_224 : memref<40000x32xf32, #tpu.memory_space<hbm>>) dst(%arg8 : memref<224x32xf32, #tpu.memory_space<vmem>>)
      %dma_start3A_225 = arith.constant 0 : i32
      %dma_start3A_226 = tpu.memref_slice %arg7[%add3A_218, %dma_start3A_225] : memref<45x224xi32, #tpu.memory_space<vmem>> -> memref<1x224xi32, #tpu.memory_space<vmem>>
      %dma_start3A_227 = tpu.memref_squeeze %dma_start3A_226 : memref<1x224xi32, #tpu.memory_space<vmem>> -> memref<224xi32, #tpu.memory_space<vmem>>
      %dma_start3A_228 = arith.constant 0 : i32
      %dma_start3A_229 = arith.constant 0 : i32
      %dma_start3A_230 = tpu.memref_slice %arg11[%dma_start3A_228, %dma_start3A_229] : memref<10240x32xf32, #tpu.memory_space<vmem_shared>> -> memref<10240x32xf32, #tpu.memory_space<vmem_shared>>
      tpu.enqueue_indirect_dma source(%arg8 : memref<224x32xf32, #tpu.memory_space<vmem>>) target(%dma_start3A_230 : memref<10240x32xf32, #tpu.memory_space<vmem_shared>>) offsets(%dma_start3A_227 : memref<224xi32, #tpu.memory_space<vmem>>) semaphore(%arg15 : memref<!tpu.dma_semaphore, #tpu.memory_space<semaphore_mem>>) {add = true}
      %dma_wait3A_231 = arith.constant 0 : i32
      %dma_wait3A_232 = arith.constant 0 : i32
      %dma_wait3A_233 = tpu.memref_slice %arg7[%dma_wait3A_231, %dma_wait3A_232] : memref<45x224xi32, #tpu.memory_space<vmem>> -> memref<1x224xi32, #tpu.memory_space<vmem>>
      %dma_wait3A_234 = tpu.memref_squeeze %dma_wait3A_233 : memref<1x224xi32, #tpu.memory_space<vmem>> -> memref<224xi32, #tpu.memory_space<vmem>>
      %dma_wait3A_235 = arith.constant 0 : i32
      %dma_wait3A_236 = arith.constant 0 : i32
      %dma_wait3A_237 = tpu.memref_slice %arg11[%dma_wait3A_235, %dma_wait3A_236] : memref<10240x32xf32, #tpu.memory_space<vmem_shared>> -> memref<10240x32xf32, #tpu.memory_space<vmem_shared>>
      tpu.wait_indirect_dma semaphore(%arg17 : memref<!tpu.dma_semaphore, #tpu.memory_space<semaphore_mem>>) src(%arg10 : memref<224x32xf32, #tpu.memory_space<vmem>>) dst(%dma_wait3A_237 : memref<10240x32xf32, #tpu.memory_space<vmem_shared>>)
      %add3A_238 = arith.constant 2 : i32
      %add3A_239 = arith.addi %add3A_218, %add3A_238 : i32
      %dma_start3A_240 = arith.constant 0 : i32
      %dma_start3A_241 = tpu.memref_slice %arg6[%add3A_239, %dma_start3A_240] : memref<47x224xi32, #tpu.memory_space<vmem>> -> memref<1x224xi32, #tpu.memory_space<vmem>>
      %dma_start3A_242 = tpu.memref_squeeze %dma_start3A_241 : memref<1x224xi32, #tpu.memory_space<vmem>> -> memref<224xi32, #tpu.memory_space<vmem>>
      %dma_start3A_243 = arith.constant 0 : i32
      %dma_start3A_244 = arith.constant 0 : i32
      %dma_start3A_245 = tpu.memref_slice %arg2[%dma_start3A_243, %dma_start3A_244] : memref<40000x32xf32, #tpu.memory_space<hbm>> -> memref<40000x32xf32, #tpu.memory_space<hbm>>
      tpu.enqueue_indirect_dma source(%dma_start3A_245 : memref<40000x32xf32, #tpu.memory_space<hbm>>) target(%arg10 : memref<224x32xf32, #tpu.memory_space<vmem>>) offsets(%dma_start3A_242 : memref<224xi32, #tpu.memory_space<vmem>>) semaphore(%arg14 : memref<!tpu.dma_semaphore, #tpu.memory_space<semaphore_mem>>)
      %scan3A_246 = arith.constant 0 : i32
      scf.yield %scan3A_246 : i32
    }
    %scan3A_60 = arith.constant 14 : i32
    %dma_wait3A_61 = arith.constant 43 : i32
    %dma_wait3A_62 = arith.constant 0 : i32
    %dma_wait3A_63 = tpu.memref_slice %arg6[%dma_wait3A_61, %dma_wait3A_62] : memref<47x224xi32, #tpu.memory_space<vmem>> -> memref<1x224xi32, #tpu.memory_space<vmem>>
    %dma_wait3A_64 = tpu.memref_squeeze %dma_wait3A_63 : memref<1x224xi32, #tpu.memory_space<vmem>> -> memref<224xi32, #tpu.memory_space<vmem>>
    %dma_wait3A_65 = arith.constant 0 : i32
    %dma_wait3A_66 = arith.constant 0 : i32
    %dma_wait3A_67 = tpu.memref_slice %arg2[%dma_wait3A_65, %dma_wait3A_66] : memref<40000x32xf32, #tpu.memory_space<hbm>> -> memref<40000x32xf32, #tpu.memory_space<hbm>>
    tpu.wait_indirect_dma semaphore(%arg13 : memref<!tpu.dma_semaphore, #tpu.memory_space<semaphore_mem>>) src(%dma_wait3A_67 : memref<40000x32xf32, #tpu.memory_space<hbm>>) dst(%arg9 : memref<224x32xf32, #tpu.memory_space<vmem>>)
    %dma_start3A_68 = arith.constant 43 : i32
    %dma_start3A_69 = arith.constant 0 : i32
    %dma_start3A_70 = tpu.memref_slice %arg7[%dma_start3A_68, %dma_start3A_69] : memref<45x224xi32, #tpu.memory_space<vmem>> -> memref<1x224xi32, #tpu.memory_space<vmem>>
    %dma_start3A_71 = tpu.memref_squeeze %dma_start3A_70 : memref<1x224xi32, #tpu.memory_space<vmem>> -> memref<224xi32, #tpu.memory_space<vmem>>
    %dma_start3A_72 = arith.constant 0 : i32
    %dma_start3A_73 = arith.constant 0 : i32
    %dma_start3A_74 = tpu.memref_slice %arg11[%dma_start3A_72, %dma_start3A_73] : memref<10240x32xf32, #tpu.memory_space<vmem_shared>> -> memref<10240x32xf32, #tpu.memory_space<vmem_shared>>
    tpu.enqueue_indirect_dma source(%arg9 : memref<224x32xf32, #tpu.memory_space<vmem>>) target(%dma_start3A_74 : memref<10240x32xf32, #tpu.memory_space<vmem_shared>>) offsets(%dma_start3A_71 : memref<224xi32, #tpu.memory_space<vmem>>) semaphore(%arg16 : memref<!tpu.dma_semaphore, #tpu.memory_space<semaphore_mem>>) {add = true}
    %dma_wait3A_75 = arith.constant 0 : i32
    %dma_wait3A_76 = arith.constant 0 : i32
    %dma_wait3A_77 = tpu.memref_slice %arg7[%dma_wait3A_75, %dma_wait3A_76] : memref<45x224xi32, #tpu.memory_space<vmem>> -> memref<1x224xi32, #tpu.memory_space<vmem>>
    %dma_wait3A_78 = tpu.memref_squeeze %dma_wait3A_77 : memref<1x224xi32, #tpu.memory_space<vmem>> -> memref<224xi32, #tpu.memory_space<vmem>>
    %dma_wait3A_79 = arith.constant 0 : i32
    %dma_wait3A_80 = arith.constant 0 : i32
    %dma_wait3A_81 = tpu.memref_slice %arg11[%dma_wait3A_79, %dma_wait3A_80] : memref<10240x32xf32, #tpu.memory_space<vmem_shared>> -> memref<10240x32xf32, #tpu.memory_space<vmem_shared>>
    tpu.wait_indirect_dma semaphore(%arg15 : memref<!tpu.dma_semaphore, #tpu.memory_space<semaphore_mem>>) src(%arg8 : memref<224x32xf32, #tpu.memory_space<vmem>>) dst(%dma_wait3A_81 : memref<10240x32xf32, #tpu.memory_space<vmem_shared>>)
    %dma_start3A_82 = arith.constant 45 : i32
    %dma_start3A_83 = arith.constant 0 : i32
    %dma_start3A_84 = tpu.memref_slice %arg6[%dma_start3A_82, %dma_start3A_83] : memref<47x224xi32, #tpu.memory_space<vmem>> -> memref<1x224xi32, #tpu.memory_space<vmem>>
    %dma_start3A_85 = tpu.memref_squeeze %dma_start3A_84 : memref<1x224xi32, #tpu.memory_space<vmem>> -> memref<224xi32, #tpu.memory_space<vmem>>
    %dma_start3A_86 = arith.constant 0 : i32
    %dma_start3A_87 = arith.constant 0 : i32
    %dma_start3A_88 = tpu.memref_slice %arg2[%dma_start3A_86, %dma_start3A_87] : memref<40000x32xf32, #tpu.memory_space<hbm>> -> memref<40000x32xf32, #tpu.memory_space<hbm>>
    tpu.enqueue_indirect_dma source(%dma_start3A_88 : memref<40000x32xf32, #tpu.memory_space<hbm>>) target(%arg8 : memref<224x32xf32, #tpu.memory_space<vmem>>) offsets(%dma_start3A_85 : memref<224xi32, #tpu.memory_space<vmem>>) semaphore(%arg12 : memref<!tpu.dma_semaphore, #tpu.memory_space<semaphore_mem>>)
    %dma_wait3A_89 = arith.constant 44 : i32
    %dma_wait3A_90 = arith.constant 0 : i32
    %dma_wait3A_91 = tpu.memref_slice %arg6[%dma_wait3A_89, %dma_wait3A_90] : memref<47x224xi32, #tpu.memory_space<vmem>> -> memref<1x224xi32, #tpu.memory_space<vmem>>
    %dma_wait3A_92 = tpu.memref_squeeze %dma_wait3A_91 : memref<1x224xi32, #tpu.memory_space<vmem>> -> memref<224xi32, #tpu.memory_space<vmem>>
    %dma_wait3A_93 = arith.constant 0 : i32
    %dma_wait3A_94 = arith.constant 0 : i32
    %dma_wait3A_95 = tpu.memref_slice %arg2[%dma_wait3A_93, %dma_wait3A_94] : memref<40000x32xf32, #tpu.memory_space<hbm>> -> memref<40000x32xf32, #tpu.memory_space<hbm>>
    tpu.wait_indirect_dma semaphore(%arg14 : memref<!tpu.dma_semaphore, #tpu.memory_space<semaphore_mem>>) src(%dma_wait3A_95 : memref<40000x32xf32, #tpu.memory_space<hbm>>) dst(%arg10 : memref<224x32xf32, #tpu.memory_space<vmem>>)
    %dma_start3A_96 = arith.constant 44 : i32
    %dma_start3A_97 = arith.constant 0 : i32
    %dma_start3A_98 = tpu.memref_slice %arg7[%dma_start3A_96, %dma_start3A_97] : memref<45x224xi32, #tpu.memory_space<vmem>> -> memref<1x224xi32, #tpu.memory_space<vmem>>
    %dma_start3A_99 = tpu.memref_squeeze %dma_start3A_98 : memref<1x224xi32, #tpu.memory_space<vmem>> -> memref<224xi32, #tpu.memory_space<vmem>>
    %dma_start3A_100 = arith.constant 0 : i32
    %dma_start3A_101 = arith.constant 0 : i32
    %dma_start3A_102 = tpu.memref_slice %arg11[%dma_start3A_100, %dma_start3A_101] : memref<10240x32xf32, #tpu.memory_space<vmem_shared>> -> memref<10240x32xf32, #tpu.memory_space<vmem_shared>>
    tpu.enqueue_indirect_dma source(%arg10 : memref<224x32xf32, #tpu.memory_space<vmem>>) target(%dma_start3A_102 : memref<10240x32xf32, #tpu.memory_space<vmem_shared>>) offsets(%dma_start3A_99 : memref<224xi32, #tpu.memory_space<vmem>>) semaphore(%arg17 : memref<!tpu.dma_semaphore, #tpu.memory_space<semaphore_mem>>) {add = true}
    %dma_wait3A_103 = arith.constant 0 : i32
    %dma_wait3A_104 = arith.constant 0 : i32
    %dma_wait3A_105 = tpu.memref_slice %arg7[%dma_wait3A_103, %dma_wait3A_104] : memref<45x224xi32, #tpu.memory_space<vmem>> -> memref<1x224xi32, #tpu.memory_space<vmem>>
    %dma_wait3A_106 = tpu.memref_squeeze %dma_wait3A_105 : memref<1x224xi32, #tpu.memory_space<vmem>> -> memref<224xi32, #tpu.memory_space<vmem>>
    %dma_wait3A_107 = arith.constant 0 : i32
    %dma_wait3A_108 = arith.constant 0 : i32
    %dma_wait3A_109 = tpu.memref_slice %arg11[%dma_wait3A_107, %dma_wait3A_108] : memref<10240x32xf32, #tpu.memory_space<vmem_shared>> -> memref<10240x32xf32, #tpu.memory_space<vmem_shared>>
    tpu.wait_indirect_dma semaphore(%arg16 : memref<!tpu.dma_semaphore, #tpu.memory_space<semaphore_mem>>) src(%arg9 : memref<224x32xf32, #tpu.memory_space<vmem>>) dst(%dma_wait3A_109 : memref<10240x32xf32, #tpu.memory_space<vmem_shared>>)
    %dma_start3A_110 = arith.constant 46 : i32
    %dma_start3A_111 = arith.constant 0 : i32
    %dma_start3A_112 = tpu.memref_slice %arg6[%dma_start3A_110, %dma_start3A_111] : memref<47x224xi32, #tpu.memory_space<vmem>> -> memref<1x224xi32, #tpu.memory_space<vmem>>
    %dma_start3A_113 = tpu.memref_squeeze %dma_start3A_112 : memref<1x224xi32, #tpu.memory_space<vmem>> -> memref<224xi32, #tpu.memory_space<vmem>>
    %dma_start3A_114 = arith.constant 0 : i32
    %dma_start3A_115 = arith.constant 0 : i32
    %dma_start3A_116 = tpu.memref_slice %arg2[%dma_start3A_114, %dma_start3A_115] : memref<40000x32xf32, #tpu.memory_space<hbm>> -> memref<40000x32xf32, #tpu.memory_space<hbm>>
    tpu.enqueue_indirect_dma source(%dma_start3A_116 : memref<40000x32xf32, #tpu.memory_space<hbm>>) target(%arg9 : memref<224x32xf32, #tpu.memory_space<vmem>>) offsets(%dma_start3A_113 : memref<224xi32, #tpu.memory_space<vmem>>) semaphore(%arg13 : memref<!tpu.dma_semaphore, #tpu.memory_space<semaphore_mem>>)
    %dma_wait3A_117 = arith.constant 0 : i32
    %dma_wait3A_118 = arith.constant 0 : i32
    %dma_wait3A_119 = tpu.memref_slice %arg7[%dma_wait3A_117, %dma_wait3A_118] : memref<45x224xi32, #tpu.memory_space<vmem>> -> memref<1x224xi32, #tpu.memory_space<vmem>>
    %dma_wait3A_120 = tpu.memref_squeeze %dma_wait3A_119 : memref<1x224xi32, #tpu.memory_space<vmem>> -> memref<224xi32, #tpu.memory_space<vmem>>
    %dma_wait3A_121 = arith.constant 0 : i32
    %dma_wait3A_122 = arith.constant 0 : i32
    %dma_wait3A_123 = tpu.memref_slice %arg11[%dma_wait3A_121, %dma_wait3A_122] : memref<10240x32xf32, #tpu.memory_space<vmem_shared>> -> memref<10240x32xf32, #tpu.memory_space<vmem_shared>>
    tpu.wait_indirect_dma semaphore(%arg17 : memref<!tpu.dma_semaphore, #tpu.memory_space<semaphore_mem>>) src(%arg10 : memref<224x32xf32, #tpu.memory_space<vmem>>) dst(%dma_wait3A_123 : memref<10240x32xf32, #tpu.memory_space<vmem_shared>>)
    %dma_wait3A_124 = arith.constant 0 : i32
    %dma_wait3A_125 = arith.constant 0 : i32
    %dma_wait3A_126 = tpu.memref_slice %arg6[%dma_wait3A_124, %dma_wait3A_125] : memref<47x224xi32, #tpu.memory_space<vmem>> -> memref<1x224xi32, #tpu.memory_space<vmem>>
    %dma_wait3A_127 = tpu.memref_squeeze %dma_wait3A_126 : memref<1x224xi32, #tpu.memory_space<vmem>> -> memref<224xi32, #tpu.memory_space<vmem>>
    %dma_wait3A_128 = arith.constant 0 : i32
    %dma_wait3A_129 = arith.constant 0 : i32
    %dma_wait3A_130 = tpu.memref_slice %arg2[%dma_wait3A_128, %dma_wait3A_129] : memref<40000x32xf32, #tpu.memory_space<hbm>> -> memref<40000x32xf32, #tpu.memory_space<hbm>>
    tpu.wait_indirect_dma semaphore(%arg12 : memref<!tpu.dma_semaphore, #tpu.memory_space<semaphore_mem>>) src(%dma_wait3A_130 : memref<40000x32xf32, #tpu.memory_space<hbm>>) dst(%arg8 : memref<224x32xf32, #tpu.memory_space<vmem>>)
    %dma_wait3A_131 = arith.constant 0 : i32
    %dma_wait3A_132 = arith.constant 0 : i32
    %dma_wait3A_133 = tpu.memref_slice %arg6[%dma_wait3A_131, %dma_wait3A_132] : memref<47x224xi32, #tpu.memory_space<vmem>> -> memref<1x224xi32, #tpu.memory_space<vmem>>
    %dma_wait3A_134 = tpu.memref_squeeze %dma_wait3A_133 : memref<1x224xi32, #tpu.memory_space<vmem>> -> memref<224xi32, #tpu.memory_space<vmem>>
    %dma_wait3A_135 = arith.constant 0 : i32
    %dma_wait3A_136 = arith.constant 0 : i32
    %dma_wait3A_137 = tpu.memref_slice %arg2[%dma_wait3A_135, %dma_wait3A_136] : memref<40000x32xf32, #tpu.memory_space<hbm>> -> memref<40000x32xf32, #tpu.memory_space<hbm>>
    tpu.wait_indirect_dma semaphore(%arg13 : memref<!tpu.dma_semaphore, #tpu.memory_space<semaphore_mem>>) src(%dma_wait3A_137 : memref<40000x32xf32, #tpu.memory_space<hbm>>) dst(%arg9 : memref<224x32xf32, #tpu.memory_space<vmem>>)
    %barrier3A_138 = arith.constant 0 : index
    tpu.barrier barrier_id(%barrier3A_138)
    %mul3A_139 = arith.constant 640 : i32
    %mul3A_140 = arith.muli %arg1, %mul3A_139 : i32
    %mul3A_141 = arith.constant 640 : i32
    %mul3A_142 = arith.muli %arg1, %mul3A_141 : i32
    %mul3A_143 = arith.constant 64 : i32
    %mul3A_144 = arith.muli %arg0, %mul3A_143 : i32
    "tpu.region"() ({
      %run_scoped3A_145 = tpu.sem_alloc : memref<!tpu.dma_semaphore, #tpu.memory_space<semaphore_mem>>
      %dma_start3A_146 = tpu.memref_slice %arg5[%mul3A_142, %mul3A_144] : memref<10240x128xf32, #tpu.memory_space<hbm>> -> memref<640x32xf32, #tpu.memory_space<hbm>>
      %dma_start3A_147 = arith.constant 0 : i32
      %dma_start3A_148 = tpu.memref_slice %arg11[%mul3A_140, %dma_start3A_147] : memref<10240x32xf32, #tpu.memory_space<vmem_shared>> -> memref<640x32xf32, #tpu.memory_space<vmem_shared>>
      tpu.enqueue_dma source(%dma_start3A_148 : memref<640x32xf32, #tpu.memory_space<vmem_shared>>) target(%dma_start3A_146 : memref<640x32xf32, #tpu.memory_space<hbm>>) target_semaphore(%run_scoped3A_145 : memref<!tpu.dma_semaphore, #tpu.memory_space<semaphore_mem>>)
      %dma_wait3A_149 = tpu.memref_slice %arg5[%mul3A_142, %mul3A_144] : memref<10240x128xf32, #tpu.memory_space<hbm>> -> memref<640x32xf32, #tpu.memory_space<hbm>>
      %dma_wait3A_150 = arith.constant 0 : i32
      %dma_wait3A_151 = tpu.memref_slice %arg11[%mul3A_140, %dma_wait3A_150] : memref<10240x32xf32, #tpu.memory_space<vmem_shared>> -> memref<640x32xf32, #tpu.memory_space<vmem_shared>>
      tpu.wait_dma2 semaphore(%run_scoped3A_145 : memref<!tpu.dma_semaphore, #tpu.memory_space<semaphore_mem>>) src(%dma_wait3A_151 : memref<640x32xf32, #tpu.memory_space<vmem_shared>>) dst(%dma_wait3A_149 : memref<640x32xf32, #tpu.memory_space<hbm>>)
      tpu.yield
    }) : () -> ()
    return
  }
}

module attributes {stable_mosaic.version = 14 : i64} {
  func.func @_tc1_body(%arg0: i32, %arg1: memref<1x2000x1xf32, #tpu.memory_space<vmem>>, %arg2: memref<1x2000x1xf32, #tpu.memory_space<vmem>>, %arg3: memref<2000x128xf32, #tpu.memory_space<vmem>>, %arg4: memref<2000x1xf32, #tpu.memory_space<vmem>>, %arg5: memref<2000x128xf32, #tpu.memory_space<vmem>>) attributes {dimension_semantics = [#tpu.dimension_semantics<arbitrary>], iteration_bounds = array<i64: 5>, scalar_prefetch = 0 : i64, scratch_operands = 0 : i64, tpu.core_type = #tpu.core_type<tc>, window_params = [{transform_indices = @transform_0, window_bounds = array<i64: 1, 2000, 1>}, {transform_indices = @transform_1, window_bounds = array<i64: 1, 2000, 1>}, {transform_indices = @transform_2, window_bounds = array<i64: 2000, 128>}, {transform_indices = @transform_3, window_bounds = array<i64: 2000, 1>}, {transform_indices = @transform_4, window_bounds = array<i64: 2000, 128>}]} {
    %get3A = arith.constant 0 : index
    %get3A_0 = arith.constant 0 : index
    %get3A_1 = arith.constant 0 : index
    %get3A_2 = vector.load %arg1[%get3A, %get3A_0, %get3A_1] : memref<1x2000x1xf32, #tpu.memory_space<vmem>>, vector<1x2000x1xf32>
    %get3A_3 = vector.shape_cast %get3A_2 : vector<1x2000x1xf32> to vector<2000x1xf32>
    %get3A_4 = arith.constant 0 : index
    %get3A_5 = arith.constant 0 : index
    %get3A_6 = arith.constant 0 : index
    %get3A_7 = vector.load %arg2[%get3A_4, %get3A_5, %get3A_6] : memref<1x2000x1xf32, #tpu.memory_space<vmem>>, vector<1x2000x1xf32>
    %get3A_8 = vector.shape_cast %get3A_7 : vector<1x2000x1xf32> to vector<2000x1xf32>
    %add3A = arith.addf %get3A_3, %get3A_8 : vector<2000x1xf32>
    %add3A_9 = arith.constant 1.000000e+00 : f32
    %add3A_10 = vector.broadcast %add3A_9 : f32 to vector<2000x1xf32>
    %add3A_11 = arith.addf %add3A, %add3A_10 : vector<2000x1xf32>
    %rsqrt3A = math.rsqrt %add3A_11 : vector<2000x1xf32>
    %swap3A = arith.constant 0 : index
    %swap3A_12 = arith.constant 0 : index
    %swap3A_13 = vector.load %arg4[%swap3A, %swap3A_12] : memref<2000x1xf32, #tpu.memory_space<vmem>>, vector<2000x1xf32>
    tpu.vector_store %arg4[%swap3A, %swap3A_12], %rsqrt3A {strides = array<i32>} : memref<2000x1xf32, #tpu.memory_space<vmem>>, vector<2000x1xf32>,
    %get3A_14 = arith.constant 0 : index
    %get3A_15 = arith.constant 0 : index
    %get3A_16 = vector.load %arg3[%get3A_14, %get3A_15] : memref<2000x128xf32, #tpu.memory_space<vmem>>, vector<2000x128xf32>
    %mul3A = vector.broadcast %rsqrt3A : vector<2000x1xf32> to vector<2000x128xf32>
    %mul3A_17 = arith.mulf %mul3A, %get3A_16 : vector<2000x128xf32>
    %swap3A_18 = arith.constant 0 : index
    %swap3A_19 = arith.constant 0 : index
    %swap3A_20 = vector.load %arg5[%swap3A_18, %swap3A_19] : memref<2000x128xf32, #tpu.memory_space<vmem>>, vector<2000x128xf32>
    tpu.vector_store %arg5[%swap3A_18, %swap3A_19], %mul3A_17 {strides = array<i32>} : memref<2000x128xf32, #tpu.memory_space<vmem>>, vector<2000x128xf32>,
    return
  }
  func.func @transform_0(%arg0: i32) -> (i32, i32, i32) {
    %c0_i32 = arith.constant 0 : i32
    %c0_i32_0 = arith.constant 0 : i32
    %c0_i32_1 = arith.constant 0 : i32
    return %c0_i32, %arg0, %c0_i32_0 : i32, i32, i32
  }
  func.func @transform_1(%arg0: i32) -> (i32, i32, i32) {
    %c1_i32 = arith.constant 1 : i32
    %c0_i32 = arith.constant 0 : i32
    %c0_i32_0 = arith.constant 0 : i32
    return %c1_i32, %arg0, %c0_i32 : i32, i32, i32
  }
  func.func @transform_2(%arg0: i32) -> (i32, i32) {
    %c0_i32 = arith.constant 0 : i32
    %c0_i32_0 = arith.constant 0 : i32
    return %arg0, %c0_i32 : i32, i32
  }
  func.func @transform_3(%arg0: i32) -> (i32, i32) {
    %c0_i32 = arith.constant 0 : i32
    %c0_i32_0 = arith.constant 0 : i32
    return %arg0, %c0_i32 : i32, i32
  }
  func.func @transform_4(%arg0: i32) -> (i32, i32) {
    %c0_i32 = arith.constant 0 : i32
    %c0_i32_0 = arith.constant 0 : i32
    return %arg0, %c0_i32 : i32, i32
  }
}

module attributes {stable_mosaic.version = 14 : i64} {
  func.func @_tc2_body(%arg0: i32, %arg1: memref<2000x128xf32, #tpu.memory_space<vmem>>, %arg2: memref<2000x128xf32, #tpu.memory_space<vmem>>, %arg3: memref<2000x1xf32, #tpu.memory_space<vmem>>, %arg4: memref<128x256xf32, #tpu.memory_space<vmem>>, %arg5: memref<1x256xf32, #tpu.memory_space<vmem>>, %arg6: memref<256x128xf32, #tpu.memory_space<vmem>>, %arg7: memref<2000x128xf32, #tpu.memory_space<vmem>>) attributes {dimension_semantics = [#tpu.dimension_semantics<arbitrary>], iteration_bounds = array<i64: 5>, scalar_prefetch = 0 : i64, scratch_operands = 0 : i64, tpu.core_type = #tpu.core_type<tc>, window_params = [{transform_indices = @transform_0, window_bounds = array<i64: 2000, 128>}, {transform_indices = @transform_1, window_bounds = array<i64: 2000, 128>}, {transform_indices = @transform_2, window_bounds = array<i64: 2000, 1>}, {pipeline_mode = #tpu.pipeline_mode<synchronous>, transform_indices = @transform_3, window_bounds = array<i64: 128, 256>}, {pipeline_mode = #tpu.pipeline_mode<synchronous>, transform_indices = @transform_4, window_bounds = array<i64: 1, 256>}, {pipeline_mode = #tpu.pipeline_mode<synchronous>, transform_indices = @transform_5, window_bounds = array<i64: 256, 128>}, {transform_indices = @transform_6, window_bounds = array<i64: 2000, 128>}]} {
    %get3A = arith.constant 0 : index
    %get3A_0 = arith.constant 0 : index
    %get3A_1 = vector.load %arg3[%get3A, %get3A_0] : memref<2000x1xf32, #tpu.memory_space<vmem>>, vector<2000x1xf32>
    %get3A_2 = arith.constant 0 : index
    %get3A_3 = arith.constant 0 : index
    %get3A_4 = vector.load %arg1[%get3A_2, %get3A_3] : memref<2000x128xf32, #tpu.memory_space<vmem>>, vector<2000x128xf32>
    %get3A_5 = arith.constant 0 : index
    %get3A_6 = arith.constant 0 : index
    %get3A_7 = vector.load %arg2[%get3A_5, %get3A_6] : memref<2000x128xf32, #tpu.memory_space<vmem>>, vector<2000x128xf32>
    %add3A = arith.addf %get3A_4, %get3A_7 : vector<2000x128xf32>
    %mul3A = vector.broadcast %get3A_1 : vector<2000x1xf32> to vector<2000x128xf32>
    %mul3A_8 = arith.mulf %mul3A, %add3A : vector<2000x128xf32>
    %get3A_9 = arith.constant 0 : index
    %get3A_10 = arith.constant 0 : index
    %get3A_11 = vector.load %arg4[%get3A_9, %get3A_10] : memref<128x256xf32, #tpu.memory_space<vmem>>, vector<128x256xf32>
    %dot_general3A = arith.constant dense<0.000000e+00> : vector<2000x256xf32>
    %dot_general3A_12 = tpu.matmul %mul3A_8, %get3A_11, %dot_general3A {dimension_numbers = #tpu.dot_dimension_numbers<[1], [0], [0], [1], [0, 0, 1, 1], [], []>, transpose_lhs_hint = false} : vector<2000x128xf32>, vector<128x256xf32>, vector<2000x256xf32> -> vector<2000x256xf32>
    %get3A_13 = arith.constant 0 : index
    %get3A_14 = arith.constant 0 : index
    %get3A_15 = vector.load %arg5[%get3A_13, %get3A_14] : memref<1x256xf32, #tpu.memory_space<vmem>>, vector<1x256xf32>
    %add3A_16 = vector.broadcast %get3A_15 : vector<1x256xf32> to vector<2000x256xf32>
    %add3A_17 = arith.addf %dot_general3A_12, %add3A_16 : vector<2000x256xf32>
    %max3A = arith.constant 0.000000e+00 : f32
    %max3A_18 = vector.broadcast %max3A : f32 to vector<2000x256xf32>
    %max3A_19 = arith.maximumf %add3A_17, %max3A_18 : vector<2000x256xf32>
    %get3A_20 = arith.constant 0 : index
    %get3A_21 = arith.constant 0 : index
    %get3A_22 = vector.load %arg6[%get3A_20, %get3A_21] : memref<256x128xf32, #tpu.memory_space<vmem>>, vector<256x128xf32>
    %dot_general3A_23 = arith.constant dense<0.000000e+00> : vector<2000x128xf32>
    %dot_general3A_24 = tpu.matmul %max3A_19, %get3A_22, %dot_general3A_23 {dimension_numbers = #tpu.dot_dimension_numbers<[1], [0], [0], [1], [0, 0, 1, 1], [], []>, transpose_lhs_hint = false} : vector<2000x256xf32>, vector<256x128xf32>, vector<2000x128xf32> -> vector<2000x128xf32>
    %mul3A_25 = vector.broadcast %get3A_1 : vector<2000x1xf32> to vector<2000x128xf32>
    %mul3A_26 = arith.mulf %mul3A_25, %dot_general3A_24 : vector<2000x128xf32>
    %swap3A = arith.constant 0 : index
    %swap3A_27 = arith.constant 0 : index
    %swap3A_28 = vector.load %arg7[%swap3A, %swap3A_27] : memref<2000x128xf32, #tpu.memory_space<vmem>>, vector<2000x128xf32>
    tpu.vector_store %arg7[%swap3A, %swap3A_27], %mul3A_26 {strides = array<i32>} : memref<2000x128xf32, #tpu.memory_space<vmem>>, vector<2000x128xf32>,
    return
  }
  func.func @transform_0(%arg0: i32) -> (i32, i32) {
    %c0_i32 = arith.constant 0 : i32
    %c0_i32_0 = arith.constant 0 : i32
    return %arg0, %c0_i32 : i32, i32
  }
  func.func @transform_1(%arg0: i32) -> (i32, i32) {
    %c0_i32 = arith.constant 0 : i32
    %c0_i32_0 = arith.constant 0 : i32
    return %arg0, %c0_i32 : i32, i32
  }
  func.func @transform_2(%arg0: i32) -> (i32, i32) {
    %c0_i32 = arith.constant 0 : i32
    %c0_i32_0 = arith.constant 0 : i32
    return %arg0, %c0_i32 : i32, i32
  }
  func.func @transform_3(%arg0: i32) -> (i32, i32) {
    %c0_i32 = arith.constant 0 : i32
    %c0_i32_0 = arith.constant 0 : i32
    %c0_i32_1 = arith.constant 0 : i32
    return %c0_i32, %c0_i32_0 : i32, i32
  }
  func.func @transform_4(%arg0: i32) -> (i32, i32) {
    %c0_i32 = arith.constant 0 : i32
    %c0_i32_0 = arith.constant 0 : i32
    %c0_i32_1 = arith.constant 0 : i32
    return %c0_i32, %c0_i32_0 : i32, i32
  }
  func.func @transform_5(%arg0: i32) -> (i32, i32) {
    %c0_i32 = arith.constant 0 : i32
    %c0_i32_0 = arith.constant 0 : i32
    %c0_i32_1 = arith.constant 0 : i32
    return %c0_i32, %c0_i32_0 : i32, i32
  }
  func.func @transform_6(%arg0: i32) -> (i32, i32) {
    %c0_i32 = arith.constant 0 : i32
    %c0_i32_0 = arith.constant 0 : i32
    return %arg0, %c0_i32 : i32, i32
  }
}

module attributes {stable_mosaic.version = 14 : i64} {
  func.func @_tc3_body(%arg0: i32, %arg1: memref<2000x128xf32, #tpu.memory_space<vmem>>, %arg2: memref<2000x128xf32, #tpu.memory_space<vmem>>, %arg3: memref<2000x1xf32, #tpu.memory_space<vmem>>, %arg4: memref<1x128xf32, #tpu.memory_space<vmem>>, %arg5: memref<128x64xf32, #tpu.memory_space<vmem>>, %arg6: memref<2000x128xf32, #tpu.memory_space<vmem>>) attributes {dimension_semantics = [#tpu.dimension_semantics<arbitrary>], iteration_bounds = array<i64: 5>, scalar_prefetch = 0 : i64, scratch_operands = 0 : i64, tpu.core_type = #tpu.core_type<tc>, window_params = [{transform_indices = @transform_0, window_bounds = array<i64: 2000, 128>}, {transform_indices = @transform_1, window_bounds = array<i64: 2000, 128>}, {transform_indices = @transform_2, window_bounds = array<i64: 2000, 1>}, {pipeline_mode = #tpu.pipeline_mode<synchronous>, transform_indices = @transform_3, window_bounds = array<i64: 1, 128>}, {pipeline_mode = #tpu.pipeline_mode<synchronous>, transform_indices = @transform_4, window_bounds = array<i64: 128, 64>}, {transform_indices = @transform_5, window_bounds = array<i64: 2000, 128>}]} {
    %get3A = arith.constant 0 : index
    %get3A_0 = arith.constant 0 : index
    %get3A_1 = vector.load %arg3[%get3A, %get3A_0] : memref<2000x1xf32, #tpu.memory_space<vmem>>, vector<2000x1xf32>
    %get3A_2 = arith.constant 0 : index
    %get3A_3 = arith.constant 0 : index
    %get3A_4 = vector.load %arg1[%get3A_2, %get3A_3] : memref<2000x128xf32, #tpu.memory_space<vmem>>, vector<2000x128xf32>
    %get3A_5 = arith.constant 0 : index
    %get3A_6 = arith.constant 0 : index
    %get3A_7 = vector.load %arg2[%get3A_5, %get3A_6] : memref<2000x128xf32, #tpu.memory_space<vmem>>, vector<2000x128xf32>
    %add3A = arith.addf %get3A_4, %get3A_7 : vector<2000x128xf32>
    %mul3A = vector.broadcast %get3A_1 : vector<2000x1xf32> to vector<2000x128xf32>
    %mul3A_8 = arith.mulf %mul3A, %add3A : vector<2000x128xf32>
    %get3A_9 = arith.constant 0 : index
    %get3A_10 = arith.constant 0 : index
    %get3A_11 = vector.load %arg4[%get3A_9, %get3A_10] : memref<1x128xf32, #tpu.memory_space<vmem>>, vector<1x128xf32>
    %add3A_12 = vector.broadcast %get3A_11 : vector<1x128xf32> to vector<2000x128xf32>
    %add3A_13 = arith.addf %mul3A_8, %add3A_12 : vector<2000x128xf32>
    %max3A = arith.constant 0.000000e+00 : f32
    %max3A_14 = vector.broadcast %max3A : f32 to vector<2000x128xf32>
    %max3A_15 = arith.maximumf %add3A_13, %max3A_14 : vector<2000x128xf32>
    %get3A_16 = arith.constant 0 : index
    %get3A_17 = arith.constant 0 : index
    %get3A_18 = vector.load %arg5[%get3A_16, %get3A_17] : memref<128x64xf32, #tpu.memory_space<vmem>>, vector<128x64xf32>
    %dot_general3A = arith.constant dense<0.000000e+00> : vector<2000x64xf32>
    %dot_general3A_19 = tpu.matmul %max3A_15, %get3A_18, %dot_general3A {dimension_numbers = #tpu.dot_dimension_numbers<[1], [0], [0], [1], [0, 0, 1, 1], [], []>, transpose_lhs_hint = false} : vector<2000x128xf32>, vector<128x64xf32>, vector<2000x64xf32> -> vector<2000x64xf32>
    %mul3A_20 = vector.broadcast %get3A_1 : vector<2000x1xf32> to vector<2000x64xf32>
    %mul3A_21 = arith.mulf %mul3A_20, %dot_general3A_19 : vector<2000x64xf32>
    %broadcast_in_dim3A = arith.constant 0.000000e+00 : f32
    %broadcast_in_dim3A_22 = vector.broadcast %broadcast_in_dim3A : f32 to vector<2000x64xf32>
    %concatenate3A = tpu.concatenate %mul3A_21, %broadcast_in_dim3A_22 in 1 : vector<2000x64xf32>, vector<2000x64xf32> -> vector<2000x128xf32>
    %swap3A = arith.constant 0 : index
    %swap3A_23 = arith.constant 0 : index
    %swap3A_24 = vector.load %arg6[%swap3A, %swap3A_23] : memref<2000x128xf32, #tpu.memory_space<vmem>>, vector<2000x128xf32>
    tpu.vector_store %arg6[%swap3A, %swap3A_23], %concatenate3A {strides = array<i32>} : memref<2000x128xf32, #tpu.memory_space<vmem>>, vector<2000x128xf32>,
    return
  }
  func.func @transform_0(%arg0: i32) -> (i32, i32) {
    %c0_i32 = arith.constant 0 : i32
    %c0_i32_0 = arith.constant 0 : i32
    return %arg0, %c0_i32 : i32, i32
  }
  func.func @transform_1(%arg0: i32) -> (i32, i32) {
    %c0_i32 = arith.constant 0 : i32
    %c0_i32_0 = arith.constant 0 : i32
    return %arg0, %c0_i32 : i32, i32
  }
  func.func @transform_2(%arg0: i32) -> (i32, i32) {
    %c0_i32 = arith.constant 0 : i32
    %c0_i32_0 = arith.constant 0 : i32
    return %arg0, %c0_i32 : i32, i32
  }
  func.func @transform_3(%arg0: i32) -> (i32, i32) {
    %c0_i32 = arith.constant 0 : i32
    %c0_i32_0 = arith.constant 0 : i32
    %c0_i32_1 = arith.constant 0 : i32
    return %c0_i32, %c0_i32_0 : i32, i32
  }
  func.func @transform_4(%arg0: i32) -> (i32, i32) {
    %c0_i32 = arith.constant 0 : i32
    %c0_i32_0 = arith.constant 0 : i32
    %c0_i32_1 = arith.constant 0 : i32
    return %c0_i32, %c0_i32_0 : i32, i32
  }
  func.func @transform_5(%arg0: i32) -> (i32, i32) {
    %c0_i32 = arith.constant 0 : i32
    %c0_i32_0 = arith.constant 0 : i32
    return %arg0, %c0_i32 : i32, i32
  }
}

module attributes {stable_mosaic.version = 14 : i64} {
  func.func @_tc4_body(%arg0: i32, %arg1: memref<2000x128xf32, #tpu.memory_space<vmem>>, %arg2: memref<2000x128xf32, #tpu.memory_space<vmem>>, %arg3: memref<2000x1xf32, #tpu.memory_space<vmem>>, %arg4: memref<1x64xf32, #tpu.memory_space<vmem>>, %arg5: memref<64x32xf32, #tpu.memory_space<vmem>>, %arg6: memref<2000x128xf32, #tpu.memory_space<vmem>>) attributes {dimension_semantics = [#tpu.dimension_semantics<arbitrary>], iteration_bounds = array<i64: 5>, scalar_prefetch = 0 : i64, scratch_operands = 0 : i64, tpu.core_type = #tpu.core_type<tc>, window_params = [{transform_indices = @transform_0, window_bounds = array<i64: 2000, 128>}, {transform_indices = @transform_1, window_bounds = array<i64: 2000, 128>}, {transform_indices = @transform_2, window_bounds = array<i64: 2000, 1>}, {pipeline_mode = #tpu.pipeline_mode<synchronous>, transform_indices = @transform_3, window_bounds = array<i64: 1, 64>}, {pipeline_mode = #tpu.pipeline_mode<synchronous>, transform_indices = @transform_4, window_bounds = array<i64: 64, 32>}, {transform_indices = @transform_5, window_bounds = array<i64: 2000, 128>}]} {
    %get3A = arith.constant 0 : index
    %get3A_0 = arith.constant 0 : index
    %get3A_1 = vector.load %arg3[%get3A, %get3A_0] : memref<2000x1xf32, #tpu.memory_space<vmem>>, vector<2000x1xf32>
    %get3A_2 = arith.constant 0 : index
    %get3A_3 = arith.constant 0 : index
    %get3A_4 = vector.load %arg1[%get3A_2, %get3A_3] : memref<2000x128xf32, #tpu.memory_space<vmem>>, vector<2000x128xf32>
    %slice3A = vector.extract_strided_slice %get3A_4 {offsets = [0, 0], sizes = [2000, 64], strides = [1, 1]} : vector<2000x128xf32> to vector<2000x64xf32>
    %slice3A_5 = vector.extract_strided_slice %get3A_4 {offsets = [0, 64], sizes = [2000, 64], strides = [1, 1]} : vector<2000x128xf32> to vector<2000x64xf32>
    %add3A = arith.addf %slice3A, %slice3A_5 : vector<2000x64xf32>
    %get3A_6 = arith.constant 0 : index
    %get3A_7 = arith.constant 0 : index
    %get3A_8 = vector.load %arg2[%get3A_6, %get3A_7] : memref<2000x128xf32, #tpu.memory_space<vmem>>, vector<2000x64xf32>
    %add3A_9 = arith.addf %add3A, %get3A_8 : vector<2000x64xf32>
    %mul3A = vector.broadcast %get3A_1 : vector<2000x1xf32> to vector<2000x64xf32>
    %mul3A_10 = arith.mulf %mul3A, %add3A_9 : vector<2000x64xf32>
    %get3A_11 = arith.constant 0 : index
    %get3A_12 = arith.constant 0 : index
    %get3A_13 = vector.load %arg4[%get3A_11, %get3A_12] : memref<1x64xf32, #tpu.memory_space<vmem>>, vector<1x64xf32>
    %add3A_14 = vector.broadcast %get3A_13 : vector<1x64xf32> to vector<2000x64xf32>
    %add3A_15 = arith.addf %mul3A_10, %add3A_14 : vector<2000x64xf32>
    %max3A = arith.constant 0.000000e+00 : f32
    %max3A_16 = vector.broadcast %max3A : f32 to vector<2000x64xf32>
    %max3A_17 = arith.maximumf %add3A_15, %max3A_16 : vector<2000x64xf32>
    %get3A_18 = arith.constant 0 : index
    %get3A_19 = arith.constant 0 : index
    %get3A_20 = vector.load %arg5[%get3A_18, %get3A_19] : memref<64x32xf32, #tpu.memory_space<vmem>>, vector<64x32xf32>
    %dot_general3A = arith.constant dense<0.000000e+00> : vector<2000x32xf32>
    %dot_general3A_21 = tpu.matmul %max3A_17, %get3A_20, %dot_general3A {dimension_numbers = #tpu.dot_dimension_numbers<[1], [0], [0], [1], [0, 0, 1, 1], [], []>, transpose_lhs_hint = false} : vector<2000x64xf32>, vector<64x32xf32>, vector<2000x32xf32> -> vector<2000x32xf32>
    %mul3A_22 = vector.broadcast %get3A_1 : vector<2000x1xf32> to vector<2000x32xf32>
    %mul3A_23 = arith.mulf %mul3A_22, %dot_general3A_21 : vector<2000x32xf32>
    %broadcast_in_dim3A = arith.constant 0.000000e+00 : f32
    %broadcast_in_dim3A_24 = vector.broadcast %broadcast_in_dim3A : f32 to vector<2000x96xf32>
    %concatenate3A = tpu.concatenate %mul3A_23, %broadcast_in_dim3A_24 in 1 : vector<2000x32xf32>, vector<2000x96xf32> -> vector<2000x128xf32>
    %swap3A = arith.constant 0 : index
    %swap3A_25 = arith.constant 0 : index
    %swap3A_26 = vector.load %arg6[%swap3A, %swap3A_25] : memref<2000x128xf32, #tpu.memory_space<vmem>>, vector<2000x128xf32>
    tpu.vector_store %arg6[%swap3A, %swap3A_25], %concatenate3A {strides = array<i32>} : memref<2000x128xf32, #tpu.memory_space<vmem>>, vector<2000x128xf32>,
    return
  }
  func.func @transform_0(%arg0: i32) -> (i32, i32) {
    %c0_i32 = arith.constant 0 : i32
    %c0_i32_0 = arith.constant 0 : i32
    return %arg0, %c0_i32 : i32, i32
  }
  func.func @transform_1(%arg0: i32) -> (i32, i32) {
    %c0_i32 = arith.constant 0 : i32
    %c0_i32_0 = arith.constant 0 : i32
    return %arg0, %c0_i32 : i32, i32
  }
  func.func @transform_2(%arg0: i32) -> (i32, i32) {
    %c0_i32 = arith.constant 0 : i32
    %c0_i32_0 = arith.constant 0 : i32
    return %arg0, %c0_i32 : i32, i32
  }
  func.func @transform_3(%arg0: i32) -> (i32, i32) {
    %c0_i32 = arith.constant 0 : i32
    %c0_i32_0 = arith.constant 0 : i32
    %c0_i32_1 = arith.constant 0 : i32
    return %c0_i32, %c0_i32_0 : i32, i32
  }
  func.func @transform_4(%arg0: i32) -> (i32, i32) {
    %c0_i32 = arith.constant 0 : i32
    %c0_i32_0 = arith.constant 0 : i32
    %c0_i32_1 = arith.constant 0 : i32
    return %c0_i32, %c0_i32_0 : i32, i32
  }
  func.func @transform_5(%arg0: i32) -> (i32, i32) {
    %c0_i32 = arith.constant 0 : i32
    %c0_i32_0 = arith.constant 0 : i32
    return %arg0, %c0_i32 : i32, i32
  }
}

module attributes {stable_mosaic.version = 14 : i64} {
  func.func @_tc5_body(%arg0: i32, %arg1: memref<2000x128xf32, #tpu.memory_space<vmem>>, %arg2: memref<2000x128xf32, #tpu.memory_space<vmem>>, %arg3: memref<2000x1xf32, #tpu.memory_space<vmem>>, %arg4: memref<1x32xf32, #tpu.memory_space<vmem>>, %arg5: memref<2000x1xi32, #tpu.memory_space<vmem>>, %arg6: memref<32x512xf32, #tpu.memory_space<vmem>>, %arg7: memref<1x512xf32, #tpu.memory_space<vmem>>, %arg8: memref<128x8xf32, #tpu.memory_space<vmem>>, %arg9: memref<1x8xf32, #tpu.memory_space<vmem>>, %arg10: memref<16x8xf32, #tpu.memory_space<vmem>>, %arg11: memref<16x32xf32, #tpu.memory_space<vmem>>, %arg12: memref<16x1xf32, #tpu.memory_space<vmem>>) attributes {dimension_semantics = [#tpu.dimension_semantics<arbitrary>], iteration_bounds = array<i64: 5>, scalar_prefetch = 0 : i64, scratch_operands = 2 : i64, tpu.core_type = #tpu.core_type<tc>, window_params = [{transform_indices = @transform_0, window_bounds = array<i64: 2000, 128>}, {transform_indices = @transform_1, window_bounds = array<i64: 2000, 128>}, {transform_indices = @transform_2, window_bounds = array<i64: 2000, 1>}, {pipeline_mode = #tpu.pipeline_mode<synchronous>, transform_indices = @transform_3, window_bounds = array<i64: 1, 32>}, {transform_indices = @transform_4, window_bounds = array<i64: 2000, 1>}, {pipeline_mode = #tpu.pipeline_mode<synchronous>, transform_indices = @transform_5, window_bounds = array<i64: 32, 512>}, {pipeline_mode = #tpu.pipeline_mode<synchronous>, transform_indices = @transform_6, window_bounds = array<i64: 1, 512>}, {pipeline_mode = #tpu.pipeline_mode<synchronous>, transform_indices = @transform_7, window_bounds = array<i64: 128, 8>}, {pipeline_mode = #tpu.pipeline_mode<synchronous>, transform_indices = @transform_8, window_bounds = array<i64: 1, 8>}, {pipeline_mode = #tpu.pipeline_mode<synchronous>, transform_indices = @transform_9, window_bounds = array<i64: 16, 8>}]} {
    %eq3A = arith.constant 0 : i32
    %eq3A_0 = arith.cmpi eq, %arg0, %eq3A : i32
    %convert_element_type3A = arith.extui %eq3A_0 : i1 to i32
    %cond3A = arith.constant 0 : i32
    %cond3A_1 = arith.cmpi ne, %convert_element_type3A, %cond3A : i32
    scf.if %cond3A_1 {
      %broadcast_in_dim3A_48 = arith.constant 0.000000e+00 : f32
      %broadcast_in_dim3A_49 = vector.broadcast %broadcast_in_dim3A_48 : f32 to vector<16x32xf32>
      %swap3A_50 = arith.constant 0 : index
      %swap3A_51 = arith.constant 0 : index
      %swap3A_52 = vector.load %arg11[%swap3A_50, %swap3A_51] : memref<16x32xf32, #tpu.memory_space<vmem>>, vector<16x32xf32>
      tpu.vector_store %arg11[%swap3A_50, %swap3A_51], %broadcast_in_dim3A_49 {strides = array<i32>} : memref<16x32xf32, #tpu.memory_space<vmem>>, vector<16x32xf32>,
      %broadcast_in_dim3A_53 = arith.constant 0.000000e+00 : f32
      %broadcast_in_dim3A_54 = vector.broadcast %broadcast_in_dim3A_53 : f32 to vector<16x1xf32>
      %swap3A_55 = arith.constant 0 : index
      %swap3A_56 = arith.constant 0 : index
      %swap3A_57 = vector.load %arg12[%swap3A_55, %swap3A_56] : memref<16x1xf32, #tpu.memory_space<vmem>>, vector<16x1xf32>
      tpu.vector_store %arg12[%swap3A_55, %swap3A_56], %broadcast_in_dim3A_54 {strides = array<i32>} : memref<16x1xf32, #tpu.memory_space<vmem>>, vector<16x1xf32>,
    } else {
    }
    %get3A = arith.constant 0 : index
    %get3A_2 = arith.constant 0 : index
    %get3A_3 = vector.load %arg1[%get3A, %get3A_2] : memref<2000x128xf32, #tpu.memory_space<vmem>>, vector<2000x128xf32>
    %get3A_4 = arith.constant 0 : index
    %get3A_5 = arith.constant 0 : index
    %get3A_6 = vector.load %arg3[%get3A_4, %get3A_5] : memref<2000x1xf32, #tpu.memory_space<vmem>>, vector<2000x1xf32>
    %slice3A = vector.extract_strided_slice %get3A_3 {offsets = [0, 0], sizes = [2000, 32], strides = [1, 1]} : vector<2000x128xf32> to vector<2000x32xf32>
    %slice3A_7 = vector.extract_strided_slice %get3A_3 {offsets = [0, 64], sizes = [2000, 32], strides = [1, 1]} : vector<2000x128xf32> to vector<2000x32xf32>
    %add3A = arith.addf %slice3A, %slice3A_7 : vector<2000x32xf32>
    %get3A_8 = arith.constant 0 : index
    %get3A_9 = arith.constant 0 : index
    %get3A_10 = vector.load %arg2[%get3A_8, %get3A_9] : memref<2000x128xf32, #tpu.memory_space<vmem>>, vector<2000x32xf32>
    %add3A_11 = arith.addf %add3A, %get3A_10 : vector<2000x32xf32>
    %mul3A = vector.broadcast %get3A_6 : vector<2000x1xf32> to vector<2000x32xf32>
    %mul3A_12 = arith.mulf %mul3A, %add3A_11 : vector<2000x32xf32>
    %get3A_13 = arith.constant 0 : index
    %get3A_14 = arith.constant 0 : index
    %get3A_15 = vector.load %arg4[%get3A_13, %get3A_14] : memref<1x32xf32, #tpu.memory_space<vmem>>, vector<1x32xf32>
    %add3A_16 = vector.broadcast %get3A_15 : vector<1x32xf32> to vector<2000x32xf32>
    %add3A_17 = arith.addf %mul3A_12, %add3A_16 : vector<2000x32xf32>
    %max3A = arith.constant 0.000000e+00 : f32
    %max3A_18 = vector.broadcast %max3A : f32 to vector<2000x32xf32>
    %max3A_19 = arith.maximumf %add3A_17, %max3A_18 : vector<2000x32xf32>
    %get3A_20 = arith.constant 0 : index
    %get3A_21 = arith.constant 0 : index
    %get3A_22 = vector.load %arg5[%get3A_20, %get3A_21] : memref<2000x1xi32, #tpu.memory_space<vmem>>, vector<2000x1xi32>
    %squeeze3A = vector.shape_cast %get3A_22 : vector<2000x1xi32> to vector<2000xi32>
    %broadcast_in_dim3A = vector.shape_cast %squeeze3A : vector<2000xi32> to vector<1x2000xi32>
    %iota3A = tpu.iota {dimensions = array<i32: 0>} : vector<16x2000xi32>
    %eq3A_23 = vector.broadcast %broadcast_in_dim3A : vector<1x2000xi32> to vector<16x2000xi32>
    %eq3A_24 = arith.cmpi eq, %eq3A_23, %iota3A : vector<16x2000xi32>
    %convert_element_type3A_25 = arith.extui %eq3A_24 : vector<16x2000xi1> to vector<16x2000xi32>
    %convert_element_type3A_26 = arith.sitofp %convert_element_type3A_25 : vector<16x2000xi32> to vector<16x2000xf32>
    %get3A_27 = arith.constant 0 : index
    %get3A_28 = arith.constant 0 : index
    %get3A_29 = vector.load %arg11[%get3A_27, %get3A_28] : memref<16x32xf32, #tpu.memory_space<vmem>>, vector<16x32xf32>
    %dot_general3A = arith.constant dense<0.000000e+00> : vector<16x32xf32>
    %dot_general3A_30 = tpu.matmul %convert_element_type3A_26, %max3A_19, %dot_general3A {dimension_numbers = #tpu.dot_dimension_numbers<[1], [0], [0], [1], [0, 0, 1, 1], [], []>, transpose_lhs_hint = false} : vector<16x2000xf32>, vector<2000x32xf32>, vector<16x32xf32> -> vector<16x32xf32>
    %add3A_31 = arith.addf %get3A_29, %dot_general3A_30 : vector<16x32xf32>
    %swap3A = arith.constant 0 : index
    %swap3A_32 = arith.constant 0 : index
    %swap3A_33 = vector.load %arg11[%swap3A, %swap3A_32] : memref<16x32xf32, #tpu.memory_space<vmem>>, vector<16x32xf32>
    tpu.vector_store %arg11[%swap3A, %swap3A_32], %add3A_31 {strides = array<i32>} : memref<16x32xf32, #tpu.memory_space<vmem>>, vector<16x32xf32>,
    %get3A_34 = arith.constant 0 : index
    %get3A_35 = arith.constant 0 : index
    %get3A_36 = vector.load %arg12[%get3A_34, %get3A_35] : memref<16x1xf32, #tpu.memory_space<vmem>>, vector<16x1xf32>
    %reduce_sum3A = arith.constant dense<0.000000e+00> : vector<16xf32>
    %reduce_sum3A_37 = vector.multi_reduction <add>, %convert_element_type3A_26, %reduce_sum3A [1] : vector<16x2000xf32> to vector<16xf32>
    %broadcast_in_dim3A_38 = vector.shape_cast %reduce_sum3A_37 : vector<16xf32> to vector<16x1xf32>
    %add3A_39 = arith.addf %get3A_36, %broadcast_in_dim3A_38 : vector<16x1xf32>
    %swap3A_40 = arith.constant 0 : index
    %swap3A_41 = arith.constant 0 : index
    %swap3A_42 = vector.load %arg12[%swap3A_40, %swap3A_41] : memref<16x1xf32, #tpu.memory_space<vmem>>, vector<16x1xf32>
    tpu.vector_store %arg12[%swap3A_40, %swap3A_41], %add3A_39 {strides = array<i32>} : memref<16x1xf32, #tpu.memory_space<vmem>>, vector<16x1xf32>,
    %eq3A_43 = arith.constant 4 : i32
    %eq3A_44 = arith.cmpi eq, %arg0, %eq3A_43 : i32
    %convert_element_type3A_45 = arith.extui %eq3A_44 : i1 to i32
    %cond3A_46 = arith.constant 0 : i32
    %cond3A_47 = arith.cmpi ne, %convert_element_type3A_45, %cond3A_46 : i32
    scf.if %cond3A_47 {
      %get3A_48 = arith.constant 0 : index
      %get3A_49 = arith.constant 0 : index
      %get3A_50 = vector.load %arg11[%get3A_48, %get3A_49] : memref<16x32xf32, #tpu.memory_space<vmem>>, vector<16x32xf32>
      %get3A_51 = arith.constant 0 : index
      %get3A_52 = arith.constant 0 : index
      %get3A_53 = vector.load %arg12[%get3A_51, %get3A_52] : memref<16x1xf32, #tpu.memory_space<vmem>>, vector<16x1xf32>
      %max3A_54 = arith.constant 1.000000e+00 : f32
      %max3A_55 = vector.broadcast %max3A_54 : f32 to vector<16x1xf32>
      %max3A_56 = arith.maximumf %get3A_53, %max3A_55 : vector<16x1xf32>
      %div3A = vector.broadcast %max3A_56 : vector<16x1xf32> to vector<16x32xf32>
      %div3A_57 = arith.divf %get3A_50, %div3A : vector<16x32xf32>
      %get3A_58 = arith.constant 0 : index
      %get3A_59 = arith.constant 0 : index
      %get3A_60 = vector.load %arg6[%get3A_58, %get3A_59] : memref<32x512xf32, #tpu.memory_space<vmem>>, vector<32x512xf32>
      %dot_general3A_61 = arith.constant dense<0.000000e+00> : vector<16x512xf32>
      %dot_general3A_62 = tpu.matmul %div3A_57, %get3A_60, %dot_general3A_61 {dimension_numbers = #tpu.dot_dimension_numbers<[1], [0], [0], [1], [0, 0, 1, 1], [], []>, transpose_lhs_hint = false} : vector<16x32xf32>, vector<32x512xf32>, vector<16x512xf32> -> vector<16x512xf32>
      %get3A_63 = arith.constant 0 : index
      %get3A_64 = arith.constant 0 : index
      %get3A_65 = vector.load %arg7[%get3A_63, %get3A_64] : memref<1x512xf32, #tpu.memory_space<vmem>>, vector<1x512xf32>
      %add3A_66 = vector.broadcast %get3A_65 : vector<1x512xf32> to vector<16x512xf32>
      %add3A_67 = arith.addf %dot_general3A_62, %add3A_66 : vector<16x512xf32>
      %slice3A_68 = vector.extract_strided_slice %add3A_67 {offsets = [0, 0], sizes = [16, 128], strides = [1, 1]} : vector<16x512xf32> to vector<16x128xf32>
      %slice3A_69 = vector.extract_strided_slice %add3A_67 {offsets = [0, 256], sizes = [16, 128], strides = [1, 1]} : vector<16x512xf32> to vector<16x128xf32>
      %slice3A_70 = vector.extract_strided_slice %add3A_67 {offsets = [0, 384], sizes = [16, 128], strides = [1, 1]} : vector<16x512xf32> to vector<16x128xf32>
      %logistic3A = arith.negf %slice3A_68 : vector<16x128xf32>
      %logistic3A_71 = math.exp %logistic3A : vector<16x128xf32>
      %logistic3A_72 = arith.constant 1.000000e+00 : f32
      %logistic3A_73 = vector.broadcast %logistic3A_72 : f32 to vector<16x128xf32>
      %logistic3A_74 = arith.addf %logistic3A_73, %logistic3A_71 : vector<16x128xf32>
      %logistic3A_75 = arith.divf %logistic3A_73, %logistic3A_74 : vector<16x128xf32>
      %tanh3A = math.tanh %slice3A_69 : vector<16x128xf32>
      %mul3A_76 = arith.mulf %logistic3A_75, %tanh3A : vector<16x128xf32>
      %logistic3A_77 = arith.negf %slice3A_70 : vector<16x128xf32>
      %logistic3A_78 = math.exp %logistic3A_77 : vector<16x128xf32>
      %logistic3A_79 = arith.constant 1.000000e+00 : f32
      %logistic3A_80 = vector.broadcast %logistic3A_79 : f32 to vector<16x128xf32>
      %logistic3A_81 = arith.addf %logistic3A_80, %logistic3A_78 : vector<16x128xf32>
      %logistic3A_82 = arith.divf %logistic3A_80, %logistic3A_81 : vector<16x128xf32>
      %tanh3A_83 = math.tanh %mul3A_76 : vector<16x128xf32>
      %mul3A_84 = arith.mulf %logistic3A_82, %tanh3A_83 : vector<16x128xf32>
      %get3A_85 = arith.constant 0 : index
      %get3A_86 = arith.constant 0 : index
      %get3A_87 = vector.load %arg8[%get3A_85, %get3A_86] : memref<128x8xf32, #tpu.memory_space<vmem>>, vector<128x8xf32>
      %dot_general3A_88 = arith.constant dense<0.000000e+00> : vector<16x8xf32>
      %dot_general3A_89 = tpu.matmul %mul3A_84, %get3A_87, %dot_general3A_88 {dimension_numbers = #tpu.dot_dimension_numbers<[1], [0], [0], [1], [0, 0, 1, 1], [], []>, transpose_lhs_hint = false} : vector<16x128xf32>, vector<128x8xf32>, vector<16x8xf32> -> vector<16x8xf32>
      %get3A_90 = arith.constant 0 : index
      %get3A_91 = arith.constant 0 : index
      %get3A_92 = vector.load %arg9[%get3A_90, %get3A_91] : memref<1x8xf32, #tpu.memory_space<vmem>>, vector<1x8xf32>
      %add3A_93 = vector.broadcast %get3A_92 : vector<1x8xf32> to vector<16x8xf32>
      %add3A_94 = arith.addf %dot_general3A_89, %add3A_93 : vector<16x8xf32>
      %swap3A_95 = arith.constant 0 : index
      %swap3A_96 = arith.constant 0 : index
      %swap3A_97 = vector.load %arg10[%swap3A_95, %swap3A_96] : memref<16x8xf32, #tpu.memory_space<vmem>>, vector<16x8xf32>
      tpu.vector_store %arg10[%swap3A_95, %swap3A_96], %add3A_94 {strides = array<i32>} : memref<16x8xf32, #tpu.memory_space<vmem>>, vector<16x8xf32>,
    } else {
    }
    return
  }
  func.func @transform_0(%arg0: i32) -> (i32, i32) {
    %c0_i32 = arith.constant 0 : i32
    %c0_i32_0 = arith.constant 0 : i32
    return %arg0, %c0_i32 : i32, i32
  }
  func.func @transform_1(%arg0: i32) -> (i32, i32) {
    %c0_i32 = arith.constant 0 : i32
    %c0_i32_0 = arith.constant 0 : i32
    return %arg0, %c0_i32 : i32, i32
  }
  func.func @transform_2(%arg0: i32) -> (i32, i32) {
    %c0_i32 = arith.constant 0 : i32
    %c0_i32_0 = arith.constant 0 : i32
    return %arg0, %c0_i32 : i32, i32
  }
  func.func @transform_3(%arg0: i32) -> (i32, i32) {
    %c0_i32 = arith.constant 0 : i32
    %c0_i32_0 = arith.constant 0 : i32
    %c0_i32_1 = arith.constant 0 : i32
    return %c0_i32, %c0_i32_0 : i32, i32
  }
  func.func @transform_4(%arg0: i32) -> (i32, i32) {
    %c0_i32 = arith.constant 0 : i32
    %c0_i32_0 = arith.constant 0 : i32
    return %arg0, %c0_i32 : i32, i32
  }
  func.func @transform_5(%arg0: i32) -> (i32, i32) {
    %c0_i32 = arith.constant 0 : i32
    %c0_i32_0 = arith.constant 0 : i32
    %c0_i32_1 = arith.constant 0 : i32
    return %c0_i32, %c0_i32_0 : i32, i32
  }
  func.func @transform_6(%arg0: i32) -> (i32, i32) {
    %c0_i32 = arith.constant 0 : i32
    %c0_i32_0 = arith.constant 0 : i32
    %c0_i32_1 = arith.constant 0 : i32
    return %c0_i32, %c0_i32_0 : i32, i32
  }
  func.func @transform_7(%arg0: i32) -> (i32, i32) {
    %c0_i32 = arith.constant 0 : i32
    %c0_i32_0 = arith.constant 0 : i32
    %c0_i32_1 = arith.constant 0 : i32
    return %c0_i32, %c0_i32_0 : i32, i32
  }
  func.func @transform_8(%arg0: i32) -> (i32, i32) {
    %c0_i32 = arith.constant 0 : i32
    %c0_i32_0 = arith.constant 0 : i32
    %c0_i32_1 = arith.constant 0 : i32
    return %c0_i32, %c0_i32_0 : i32, i32
  }
  func.func @transform_9(%arg0: i32) -> (i32, i32) {
    %c0_i32 = arith.constant 0 : i32
    %c0_i32_0 = arith.constant 0 : i32
    %c0_i32_1 = arith.constant 0 : i32
    return %c0_i32, %c0_i32_0 : i32, i32
  }
}

</mosaic_0001>

<sc_bundles>
// kernel: kernel.12.cloned.1.call-start
scs
__scs_entry_jumppad:
0x0: {  	(pc) =	sbr.rel $0x88, $3  }
0x1: {  	(tag) =	ssettag $0x0;
	lr =	simm.s32 $0x1  }
0x2: {  	[smem:$0x3F91] =	sst lr;
	_ =	strace $0xD0000000  }
0x3: {  	_ = 	snop  }
0x4: {  	_ = 	snop  }
0x5: {  	_ = 	snop  }
0x6: {  	_ = 	snop  }
0x7: {  	_ = 	snop  }
__scs_overlays_trampoline_lowered:
0x8: {  	[smem:$0x3FA0] =	sst s0  }
0x9: {  	[smem:$0x3FA1] =	sst s1  }
0xa: {  	[smem:$0x3FA2] =	sst s2  }
0xb: {  	[smem:$0x3FA3] =	sst s3  }
0xc: {  	[smem:$0x3FA4] =	sst s4  }
0xd: {  	[smem:$0x3FA5] =	sst s5  }
0xe: {  	[smem:$0x3FA6] =	sst s6  }
0xf: {  	[smem:$0x3FA7] =	sst s7  }
0x10: {  	[smem:$0x3FA8] =	sst s8  }
0x11: {  	[smem:$0x3FA9] =	sst s9;
	s0 =	simm.s32 @!p0 $0x0  }
0x12: {  	s1 =	sld [smem:$0x3F8F];
	s0 =	simm.s32 @p0 $0x1  }
0x13: {  	[smem:$0x3FAA] =	sst s0;
	s0 =	simm.s32 @!p1 $0x0  }
0x14: {  	s2 =	sld [smem:$0x3F8E];
	s0 =	simm.s32 @p1 $0x1  }
0x15: {  	[smem:$0x3FAB] =	sst s0;
	s0 =	simm.s32 @!p2 $0x0  }
0x16: {  	s3 =	sld [smem:$0x3FDB];
	s0 =	simm.s32 @p2 $0x1  }
0x17: {  	s4 =	simm.s32 $0x1BF5;
	[smem:$0x3FAD] =	sst s0  }
0x18: {  	s0 =	sld [smem:$0x3F90];
	_ =	swait.ge [sflag:s4], $0x0  }
0x19: {  	s7 =	sld [smem:$0x3F91]  }
0x1a: {  	s8 =	sadd.s32 $0xFFFFE003, lr  }
0x1b: {  	s9 =	sadd.s32 $0xFFFFFEF7, lr;
	s5 =	simm.s32 $0xFFFFFFFF;
	p2 =	slt.u32 s8, $0xFFFFF086  }
0x1c: {  	p1 =	slt.u32 s9, $0xF7A;
	s5 =	simm.s32 @!p2 $0x0  }
0x1d: {  	s5 =	simm.s32 @p1 $0x1;
	p0 =	seq.s32 s7, s2  }
0x1e: {  	s7 =	smul.u32 @!p0 $0xF7A, s2;
	p2 =	seq.s32 @!p0 s5, $0x0  }
0x1f: {  	s9 =	smul.u32 $0xF7A, s1;
	s8 =	simm.s32 @!p0 $0x1BF5;
	p2 =	por !p2, p0  }
0x20: {  	[sflag:s8] =	ssyncset.s32 @!p0 $0xFFFFF086;
	s6 =	sadd.s32 @!p0 s3, s7;
	s7 =	simm.s32 @!p0 $0x108  }
0x21: {  	s3 =	sadd.s32 s3, s9;
	s6 =	sadd.s32 @!p0 $0x88, s6;
	s7 =	simm.s32 @p2 $0x1082  }
0x22: {  	[simem:s7], [sflag:s8] =	dma.local @!p0 [hbm:s6], $0xF7A  }
0x23: {  	s9 =	sor.u32 $0xD0000000, s2;
	s6 =	simm.s32 $0x108;
	_ =	swait.ge @!p0 [sflag:s8], $0x0  }
0x24: {  	s3 =	sadd.s32 $0x88, s3;
	s6 =	simm.s32 @!p1 $0x1082;
	[sflag:s4] =	ssyncset.s32 $0xFFFFF086  }
0x25: {  	[simem:s6], [sflag:s4] =	dma.local [hbm:s3], $0xF7A  }
0x26: {  	[smem:$0x3F91] =	sst s1;
	(tag) =	ssettag s2;
	_ =	strace s9  }
0x27: {  	s1 =	sld [smem:$0x3FA1]  }
0x28: {  	s2 =	sld [smem:$0x3FA2]  }
0x29: {  	s4 =	sld [smem:$0x3FA4]  }
0x2a: {  	p0 =	seq.s32 s5, $0x0;
	s5 =	sld [smem:$0x3FA5]  }
0x2b: {  	s6 =	sld [smem:$0x3FA6]  }
0x2c: {  	s7 =	sld [smem:$0x3FA7]  }
0x2d: {  	s3 =	simm.s32 $0x108;
	s8 =	sld [smem:$0x3FA8]  }
0x2e: {  	s3 =	simm.s32 @!p0 $0x1082;
	s9 =	sld [smem:$0x3FA9]  }
0x2f: {  	lr =	sadd.s32 s0, s3;
	s0 =	sld [smem:$0x3FA0]  }
0x30: {  	s3 =	sld [smem:$0x3FA3]  }
0x31: {  	[smem:$0x3FAC] =	sst s10  }
0x32: {  	s10 =	sld [smem:$0x3FAA];
	_ =	sdelay $0x3  }
0x33: {  	p0 =	seq.s32 s10, $0x1;
	s10 =	sld [smem:$0x3FAC];
	_ =	sdelay $0x3  }
0x34: {  	[smem:$0x3FAC] =	sst s10  }
0x35: {  	s10 =	sld [smem:$0x3FAB];
	_ =	sdelay $0x3  }
0x36: {  	p1 =	seq.s32 s10, $0x1;
	s10 =	sld [smem:$0x3FAC];
	_ =	sdelay $0x3  }
0x37: {  	[smem:$0x3FAC] =	sst s10  }
0x38: {  	s10 =	sld [smem:$0x3FAD]  }
0x39: {  	_ = 	snop;
	(pc) =	sbr.ind lr, $3  }
0x3a: {  	_ = 	snop  }
0x3b: {  	_ = 	snop  }
0x3c: {  	p2 =	seq.s32 s10, $0x1;
	s10 =	sld [smem:$0x3FAC]  }
0x3d: {  	_ =	shalt  }
0x3e: {  	_ =	shalt  }
0x3f: {  	_ =	shalt  }
0x40: {  	_ =	shalt  }
0x41: {  	_ =	shalt  }
0x42: {  	_ =	shalt  }
0x43: {  	_ =	shalt  }
0x44: {  	_ =	shalt  }
0x45: {  	_ =	shalt  }
0x46: {  	_ =	shalt  }
0x47: {  	_ =	shalt  }
0x48: {  	_ =	shalt  }
0x49: {  	_ =	shalt  }
0x4a: {  	_ =	shalt  }
0x4b: {  	_ =	shalt  }
0x4c: {  	_ =	shalt  }
0x4d: {  	_ =	shalt  }
0x4e: {  	_ =	shalt  }
0x4f: {  	_ =	shalt  }
0x50: {  	_ =	shalt  }
0x51: {  	_ =	shalt  }
0x52: {  	_ =	shalt  }
0x53: {  	_ =	shalt  }
0x54: {  	_ =	shalt  }
0x55: {  	_ =	shalt  }
0x56: {  	_ =	shalt  }
0x57: {  	_ =	shalt  }
0x58: {  	_ =	shalt  }
0x59: {  	_ =	shalt  }
0x5a: {  	_ =	shalt  }
0x5b: {  	_ =	shalt  }
0x5c: {  	_ =	shalt  }
0x5d: {  	_ =	shalt  }
0x5e: {  	_ =	shalt  }
0x5f: {  	_ =	shalt  }
0x60: {  	_ =	shalt  }
0x61: {  	_ =	shalt  }
0x62: {  	_ =	shalt  }
0x63: {  	_ =	shalt  }
0x64: {  	_ =	shalt  }
0x65: {  	_ =	shalt  }
0x66: {  	_ =	shalt  }
0x67: {  	_ =	shalt  }
0x68: {  	_ =	shalt  }
0x69: {  	_ =	shalt  }
0x6a: {  	_ =	shalt  }
0x6b: {  	_ =	shalt  }
0x6c: {  	_ =	shalt  }
0x6d: {  	_ =	shalt  }
0x6e: {  	_ =	shalt  }
0x6f: {  	_ =	shalt  }
0x70: {  	_ =	shalt  }
0x71: {  	_ =	shalt  }
0x72: {  	_ =	shalt  }
0x73: {  	_ =	shalt  }
0x74: {  	_ =	shalt  }
0x75: {  	_ =	shalt  }
0x76: {  	_ =	shalt  }
0x77: {  	_ =	shalt  }
0x78: {  	_ =	shalt  }
0x79: {  	_ =	shalt  }
0x7a: {  	_ =	shalt  }
0x7b: {  	_ =	shalt  }
0x7c: {  	_ =	shalt  }
0x7d: {  	_ =	shalt  }
0x7e: {  	_ =	shalt  }
0x7f: {  	_ =	shalt  }
0x80: {  	_ =	shalt  }
0x81: {  	_ =	shalt  }
0x82: {  	_ =	shalt  }
0x83: {  	_ =	shalt  }
0x84: {  	_ =	shalt  }
0x85: {  	_ =	shalt  }
0x86: {  	_ =	shalt  }
0x87: {  	_ =	shalt  }
.Lfunc_end0:
.L_simem_size_0:
called_computation_lowered:
.L_overlay_start_0:
0x88: {  	s2 =	sld [smem:$0x3FD9]  }
0x89: {  	s3 =	sld [smem:$0x3FFE];
	_ =	sdelay $0x1  }
0x8a: {  	s1 =	srdreg.scid  }
0x8b: {  	s0 =	sand.u32 $0x1, s1  }
0x8c: {  	s16 =	sshll.u32 s0, $0xA;
	s2 =	sadd.s32 s3, s2  }
0x8d: {  	s2 =	sadd.s32 s2, s16  }
0x8e: {  	[smem:$0x3FB8] =	sst s2  }
0x8f: {  	_ = 	snop  }
0x90: {  	(tm) =	ssettm $0x1  }
0x91: {  	s17 =	sld [smem:$0x3FFB];
	_ =	sdelay $0x3  }
0x92: {  	_ =	strace s17  }
0x93: {  	s2 =	sld [smem:$0x3FFC];
	_ =	sdelay $0x3  }
0x94: {  	_ =	strace s2  }
0x95: {  	s2 =	sld [smem:$0x3FFD];
	_ =	sdelay $0x3  }
0x96: {  	_ =	strace s2  }
0x97: {  	_ =	strace $0x8FFFFFFF  }
0x98: {  	s18 =	sld [smem:$0x3FDB];
	_ =	sdelay $0x1  }
0x99: {  	s19 =	simm.s32 $_scs_section_size  }
0x9a: {  	s4 =	simm.s32 $_size__tile_overlayer_lowered;
	s5 =	simm.s32 $_tile_overlayer_lowered  }
0x9b: {  	s22 =	simm.s32 $0x1BFF;
	s21 =	sshll.u32 s5, $0x1;
	s2 =	sadd.s32 s19, s18  }
0x9c: {  	s6 =	simm.s32 $0x0;
	s20 =	sshll.u32 s4, $0x1;
	s4 =	sadd.s32 s21, s2  }
0x9d: {  	[timem:s6], [sflag:s22] =	dma.local [hbm:s4], s20  }
0x9e: {  	_ =	swait.ge [sflag:s22], s20  }
0x9f: {  	s3 =	ssub.s32 $0x0, s20;
	[sflag:s22] =	ssyncset.done $0x0  }
0xa0: {  	[sflag:s22] =	ssyncadd.s32 s3;
	_ =	sdelay $0x1  }
0xa1: {  	s23 =	simm.s32 $0x1B8B  }
0xa2: {  	_ =	swait.ge [sflag:s23], $0x1  }
0xa3: {  	[sflag:s23] =	ssyncset.done $0x0  }
0xa4: {  	s25 =	simm.s32 $0x1B8E;
	s24 =	sld [smem:$0x3FFE];
	[sflag:s23] =	ssyncadd.s32 $0xFFFFFFFF  }
0xa5: {  	s26 =	simm.s32 $execute0_lowered;
	[smem:$0x3FD2] =	sst s25  }
0xa6: {  	s4 =	sshll.u32 s26, $0x1;
	_ =	strace $0x80000046;
	[dreg:$0x1] =	wrdreg $0xFFFFFFFF  }
0xa7: {  	s28 =	simm.s32 $_size_execute0_lowered;
	s2 =	sadd.s32 s2, s4;
	[dreg:$0x0] =	wrdreg $0x0  }
0xa8: {  	s4 =	sshll.u32 s28, $0x1;
	[dreg:$0x2] =	wrdreg s2  }
0xa9: {  	[dreg:$0x3] =	wrdreg s4  }
0xaa: {  	[dreg:$0x4] =	wrdreg $0xC0  }
0xab: {  	_ =	task [dreg:s6], $0x5FFFF  }
0xac: {  	[dreg:$0x1] =	wrdreg $0xFFFFFFFF  }
0xad: {  	[dreg:$0x0] =	wrdreg $0x60  }
0xae: {  	[dreg:$0x2] =	wrdreg s24  }
0xaf: {  	[dreg:$0x3] =	wrdreg $0x29200  }
0xb0: {  	[dreg:$0x4] =	wrdreg $0x9  }
0xb1: {  	_ =	task.clear_ibuf [dreg:s6], $0x5FFFF;
	_ =	strace $0x90000046  }
0xb2: {  	s29 =	simm.s32 $0x9;
	_ =	strace $0x80000048  }
0xb3: {  	_ =	swait.ge [sflag:s29], $0x1  }
0xb4: {  	[sflag:s29] =	ssyncadd.s32 $0xFFFFFFFF  }
0xb5: {  	_ =	strace $0x90000048  }
0xb6: {  	_ =	sfence  }
0xb7: {  	s30 =	sld [smem:$0x0];
	_ =	sdelay $0x2  }
0xb8: {  	s31 =	sshll.u32 s1, $0xD;
	s1 =	sshrl.u32 s1, $0x2  }
0xb9: {  	s3 =	sand.u32 $0x4000, s31;
	s1 =	sadd.s32 s1, s30  }
0xba: {  	s0 =	sor.u32 s3, s0;
	s1 =	sshll.u32 s1, $0x11  }
0xbb: {  	s0 =	sor.u32 s1, s0  }
0xbc: {  	s0 =	sadd.s32 $0x8F2B, s0  }
0xbd: {  	[sflag:s0] =	ssyncadd.remote.s32 $0x1  }
0xbe: {  	_ =	sfence.sel $0xFFFF  }
0xbf: {  	[dreg:$0x0] =	wrdreg $0xFFFFFFFF;
	(pc) =	sbr.abs _section_cstart, $3  }
0xc0: {  	[dreg:$0x1] =	wrdreg $0xFFFFFFFF  }
0xc1: {  	_ =	task.clear_ibuf [dreg:s6], $0x2FFFF;
	_ =	strace $0x9FFFFFFF  }
0xc2: {  	(tm) =	ssettm $0x7FFFFFFF  }
0xc3: {  	_ =	shalt  }
tec
execute0_lowered:
.L_overlay_start_1:
0x0: {  	(tag) =	ssettag $0x1  }
0x1: {  	s4 =	rddreg [dreg:$0x0];
	s0 =	srdreg.scid  }
0x2: {  	s2 =	rddreg [dreg:$0x1];
	s1 =	stileid.u32  }
0x3: {  	s3 =	simm.s32 $0x0;
	s12 =	simm.s32 $0x2840;
	s13 =	simm.s32 $0x1  }
0x4: {  	s14 =	simm.s32 $0xE0;
	s15 =	simm.s32 $0x2760;
	s18 =	simm.s32 $0x0  }
0x5: {  	s5 =	sand.u32 $0x1, s0;
	s0 =	rddreg [dreg:$0x2];
	s7 =	smul.u32 $0x280, s1  }
0x6: {  	[smem:$0x7FF] =	sst s3;
	s6 =	sshll.u32 s5, $0x4;
	s8 =	smul.u32 $0x2800, s5  }
0x7: {  	s16 =	sshll.u32 s1, $0x6;
	s5 =	ssub.s32 $0x2, s5;
	s6 =	sor.u32 s1, s6  }
0x8: {  	s31 =	sshrl.u32 s5, $0x1;
	s6 =	smul.u32 $0x4EC, s6;
	s8 =	sadd.s32 s7, s8  }
0x9: {  	_ =	strace $0x80000047;
	s11 =	ssub.s32 s5, s31;
	s30 =	sshrl.u32 s8, $0x3  }
0xa: {  	s9 =	sadd.s32 s6, s4;
	s10 =	sadd.s32 s30, s4;
	s4 =	sadd.s32 s7, s2  }
0xb: {  	s16 =	sor.u32 $0x1C01, s16;
	s11 =	smax.u32 s11, $0x1;
	s5 =	sadd.s32 $0x80, s4  }
0xc: {  	s6 =	sadd.s32 $0x100, s4;
	s7 =	sadd.s32 $0x180, s4;
	s8 =	sadd.s32 $0x200, s4  }
0xd: {  	v0 =	vimm.f32 $1.000000000e+00;
	v1 =	vimm.f32 $0.0e+00;
	s9 =	sadd.s32 $0x6400, s9;
	s10 =	sadd.s32 $0x10200, s10;
	s17 =	sshrl.u32 s4, $0x3  }
.LBB2_1:
0xe: {  	[tilespmem:$0x2760] =	vst v0  }
0xf: {  	[tilespmem:$0x2840] =	vst v1  }
0x10: {  	[tilespmem:$0x2770] =	vst v0  }
0x11: {  	[tilespmem:$0x2850] =	vst v1  }
0x12: {  	[tilespmem:$0x2780] =	vst v0  }
0x13: {  	[tilespmem:$0x2860] =	vst v1  }
0x14: {  	[tilespmem:$0x2790] =	vst v0  }
0x15: {  	[tilespmem:$0x2870] =	vst v1  }
0x16: {  	[tilespmem:$0x27A0] =	vst v0  }
0x17: {  	[tilespmem:$0x2880] =	vst v1  }
0x18: {  	[tilespmem:$0x27B0] =	vst v0  }
0x19: {  	[tilespmem:$0x2890] =	vst v1  }
0x1a: {  	[tilespmem:$0x27C0] =	vst v0  }
0x1b: {  	[tilespmem:$0x28A0] =	vst v1  }
0x1c: {  	[tilespmem:$0x27D0] =	vst v0  }
0x1d: {  	[tilespmem:$0x28B0] =	vst v1  }
0x1e: {  	[tilespmem:$0x27E0] =	vst v0  }
0x1f: {  	[tilespmem:$0x28C0] =	vst v1  }
0x20: {  	[tilespmem:$0x27F0] =	vst v0  }
0x21: {  	[tilespmem:$0x28D0] =	vst v1  }
0x22: {  	[tilespmem:$0x2800] =	vst v0  }
0x23: {  	[tilespmem:$0x28E0] =	vst v1  }
0x24: {  	[tilespmem:$0x2810] =	vst v0  }
0x25: {  	[tilespmem:$0x28F0] =	vst v1  }
0x26: {  	[tilespmem:$0x2820] =	vst v0  }
0x27: {  	[tilespmem:$0x2900] =	vst v1  }
0x28: {  	[tilespmem:$0x2830] =	vst v0  }
0x29: {  	[tilespmem:$0x2910] =	vst v1  }
0x2a: {  	[spmem:s4] =	stream.linear.scatter [tilespmem:s12], [sflag:$0x1], $0x80, $0x38;
	[tilespmem:$0x2BA0] =	vst v63  }
0x2b: {  	_ =	swait.ge [sflag:s13], $0x80  }
0x2c: {  	[sflag:s13] =	ssyncset.done $0x0  }
0x2d: {  	[sflag:s13] =	ssyncadd.s32 $0xFFFFFF80  }
0x2e: {  	[spmem:s5] =	stream.linear.scatter [tilespmem:s12], [sflag:$0x1], $0x80, $0x38;
	[tilespmem:$0x2BA0] =	vst v63  }
0x2f: {  	_ =	swait.ge [sflag:s13], $0x80  }
0x30: {  	[sflag:s13] =	ssyncset.done $0x0  }
0x31: {  	[sflag:s13] =	ssyncadd.s32 $0xFFFFFF80  }
0x32: {  	[spmem:s6] =	stream.linear.scatter [tilespmem:s12], [sflag:$0x1], $0x80, $0x38;
	[tilespmem:$0x2BA0] =	vst v63  }
0x33: {  	_ =	swait.ge [sflag:s13], $0x80  }
0x34: {  	[sflag:s13] =	ssyncset.done $0x0  }
0x35: {  	[sflag:s13] =	ssyncadd.s32 $0xFFFFFF80  }
0x36: {  	[spmem:s7] =	stream.linear.scatter [tilespmem:s12], [sflag:$0x1], $0x80, $0x38;
	[tilespmem:$0x2BA0] =	vst v63  }
0x37: {  	_ =	swait.ge [sflag:s13], $0x80  }
0x38: {  	[sflag:s13] =	ssyncset.done $0x0  }
0x39: {  	[sflag:s13] =	ssyncadd.s32 $0xFFFFFF80  }
0x3a: {  	[spmem:s8] =	stream.linear.scatter [tilespmem:s12], [sflag:$0x1], $0x80, $0x38;
	[tilespmem:$0x2BA0] =	vst v63  }
0x3b: {  	_ =	swait.ge [sflag:s13], $0x80  }
0x3c: {  	[sflag:s13] =	ssyncset.done $0x0  }
0x3d: {  	[sflag:s13] =	ssyncadd.s32 $0xFFFFFF80  }
0x3e: {  	[tilespmem:s3], [sflag:$0x1] =	stream.linear.gather [hbm4b:s9+s3], $0x2760, $0x38;
	[tilespmem:$0x2BA0] =	vst v63  }
0x3f: {  	_ =	swait.ge [sflag:s13], $0x2760  }
0x40: {  	[sflag:s13] =	ssyncset.done $0x0  }
0x41: {  	[sflag:s13] =	ssyncadd.s32 $0xFFFFD8A0  }
0x42: {  	s19 =	simm.s32 $0x0;
	[bflag:$0x0] =	sbarrier.arrive $0xFFFF  }
0x43: {  	[spmem:s2] =	stream.indirect.scatter.add.f32 [tilespmem:s15], [sflag:$0x1], $0x1, s19, s14, $0xb8;
	[tilespmem:$0x2BA0] =	vst v63  }
0x44: {  	_ =	swait.ge [sflag:s13], $0xE0  }
0x45: {  	s19 =	simm.s32 $0x380;
	[sflag:s13] =	ssyncset.done $0x0  }
.LBB2_2:
0x46: {  	s20 =	sshra.s32 s19, $0x2;
	[sflag:s13] =	ssyncadd.s32 $0xFFFFFF20;
	p0 =	sne.s32 s19, $0x9A00  }
0x47: {  	[spmem:s2] =	stream.indirect.scatter.add.f32 [tilespmem:s15], [sflag:$0x1], $0x1, s20, s14, $0xb8;
	[tilespmem:$0x2BA0] =	vst v63  }
.Ltmp0:
0x48: {  	_ = 	snop;
	(pc) =	sbr.rel @p0 .LBB2_2-.Ltmp0, $4  }
0x49: {  	_ = 	snop  }
0x4a: {  	s19 =	sadd.s32 $0x380, s19  }
0x4b: {  	_ =	swait.ge [sflag:s13], $0xE0  }
0x4c: {  	[sflag:s13] =	ssyncset.done $0x0  }
0x4d: {  	s18 =	sadd.s32 $0x1, s18  }
0x4e: {  	[sflag:s13] =	ssyncadd.s32 $0xFFFFFF20;
	p0 =	sne.s32 s18, s11  }
.Ltmp1:
0x4f: {  	[bflag:$0x0] =	sbarrier.arrive $0xFFFF;
	(pc) =	sbr.rel @p0 .LBB2_1-.Ltmp1, $4  }
0x50: {  	[hbm:s10], [sflag:s16] =	dma.local [spmem:s17], $0x50  }
0x51: {  	_ =	swait.ge [sflag:s13], $0x50  }
0x52: {  	[sflag:s13] =	ssyncset.done $0x0  }
0x53: {  	[sflag:s13] =	ssyncadd.s32 $0xFFFFFFB0  }
0x54: {  	_ =	sfence.sel $0x180000  }
0x55: {  	[bflag:$0x0] =	sbarrier.arrive $0xFFFF  }
0x56: {  	p0 =	sne.s32 s1, $0x0;
	_ =	strace $0x90000047  }
0x57: {  	s0 =	sadd.s32 @!p0 $0x100000, s0;
	[bflag:$0x2] =	sbarrier.arrive $0xFFFF  }
0x58: {  	[sflag:s0] =	ssyncadd.tile.s32 @!p0 $0x1;
	_ =	shalt  }
.Lfunc_end2:
_tile_overlayer_lowered:
.L_overlay_start_2:
0x59: {  	(tag) =	ssettag $0x2  }
0x5a: {  	s0 =	rddreg [dreg:$0x0];
	s2 =	stileid.u32  }
0x5b: {  	s1 =	rddreg [dreg:$0x1];
	p0 =	sne.s32 s2, $0x0  }
0x5c: {  	s3 =	rddreg [dreg:$0x2];
	[bflag:$0x3] =	sbarrier.arrive $0xFFFF;
	s2 =	simm.s32 @!p0 $0x1C01  }
0x5d: {  	[timem:s3], [sflag:s2] =	dma.local @!p0 [hbm:s0], s1  }
0x5e: {  	s0 =	simm.s32 @!p0 $0x1  }
0x5f: {  	_ =	swait.ge @!p0 [sflag:s0], s1  }
0x60: {  	s1 =	ssub.s32 @!p0 $0x0, s1;
	[sflag:s0] =	ssyncset.done @!p0 $0x0  }
0x61: {  	[sflag:s0] =	ssyncadd.s32 @!p0 s1  }
0x62: {  	[bflag:$0x3] =	sbarrier.arrive $0xFFFF  }
0x63: {  	_ =	shalt  }

// kernel: kernel.15.cloned.1.call-start
scs
__scs_entry_jumppad:
0x0: {  	(pc) =	sbr.rel $0x88, $3  }
0x1: {  	(tag) =	ssettag $0x0;
	lr =	simm.s32 $0x1  }
0x2: {  	[smem:$0x3F91] =	sst lr;
	_ =	strace $0xD0000000  }
0x3: {  	_ = 	snop  }
0x4: {  	_ = 	snop  }
0x5: {  	_ = 	snop  }
0x6: {  	_ = 	snop  }
0x7: {  	_ = 	snop  }
__scs_overlays_trampoline_lowered:
0x8: {  	[smem:$0x3FA0] =	sst s0  }
0x9: {  	[smem:$0x3FA1] =	sst s1  }
0xa: {  	[smem:$0x3FA2] =	sst s2  }
0xb: {  	[smem:$0x3FA3] =	sst s3  }
0xc: {  	[smem:$0x3FA4] =	sst s4  }
0xd: {  	[smem:$0x3FA5] =	sst s5  }
0xe: {  	[smem:$0x3FA6] =	sst s6  }
0xf: {  	[smem:$0x3FA7] =	sst s7  }
0x10: {  	[smem:$0x3FA8] =	sst s8  }
0x11: {  	[smem:$0x3FA9] =	sst s9;
	s0 =	simm.s32 @!p0 $0x0  }
0x12: {  	s1 =	sld [smem:$0x3F8F];
	s0 =	simm.s32 @p0 $0x1  }
0x13: {  	[smem:$0x3FAA] =	sst s0;
	s0 =	simm.s32 @!p1 $0x0  }
0x14: {  	s2 =	sld [smem:$0x3F8E];
	s0 =	simm.s32 @p1 $0x1  }
0x15: {  	[smem:$0x3FAB] =	sst s0;
	s0 =	simm.s32 @!p2 $0x0  }
0x16: {  	s3 =	sld [smem:$0x3FDB];
	s0 =	simm.s32 @p2 $0x1  }
0x17: {  	s4 =	simm.s32 $0x1BF5;
	[smem:$0x3FAD] =	sst s0  }
0x18: {  	s0 =	sld [smem:$0x3F90];
	_ =	swait.ge [sflag:s4], $0x0  }
0x19: {  	s7 =	sld [smem:$0x3F91]  }
0x1a: {  	s8 =	sadd.s32 $0xFFFFE003, lr  }
0x1b: {  	s9 =	sadd.s32 $0xFFFFFEF7, lr;
	s5 =	simm.s32 $0xFFFFFFFF;
	p2 =	slt.u32 s8, $0xFFFFF086  }
0x1c: {  	p1 =	slt.u32 s9, $0xF7A;
	s5 =	simm.s32 @!p2 $0x0  }
0x1d: {  	s5 =	simm.s32 @p1 $0x1;
	p0 =	seq.s32 s7, s2  }
0x1e: {  	s7 =	smul.u32 @!p0 $0xF7A, s2;
	p2 =	seq.s32 @!p0 s5, $0x0  }
0x1f: {  	s9 =	smul.u32 $0xF7A, s1;
	s8 =	simm.s32 @!p0 $0x1BF5;
	p2 =	por !p2, p0  }
0x20: {  	[sflag:s8] =	ssyncset.s32 @!p0 $0xFFFFF086;
	s6 =	sadd.s32 @!p0 s3, s7;
	s7 =	simm.s32 @!p0 $0x108  }
0x21: {  	s3 =	sadd.s32 s3, s9;
	s6 =	sadd.s32 @!p0 $0x88, s6;
	s7 =	simm.s32 @p2 $0x1082  }
0x22: {  	[simem:s7], [sflag:s8] =	dma.local @!p0 [hbm:s6], $0xF7A  }
0x23: {  	s9 =	sor.u32 $0xD0000000, s2;
	s6 =	simm.s32 $0x108;
	_ =	swait.ge @!p0 [sflag:s8], $0x0  }
0x24: {  	s3 =	sadd.s32 $0x88, s3;
	s6 =	simm.s32 @!p1 $0x1082;
	[sflag:s4] =	ssyncset.s32 $0xFFFFF086  }
0x25: {  	[simem:s6], [sflag:s4] =	dma.local [hbm:s3], $0xF7A  }
0x26: {  	[smem:$0x3F91] =	sst s1;
	(tag) =	ssettag s2;
	_ =	strace s9  }
0x27: {  	s1 =	sld [smem:$0x3FA1]  }
0x28: {  	s2 =	sld [smem:$0x3FA2]  }
0x29: {  	s4 =	sld [smem:$0x3FA4]  }
0x2a: {  	p0 =	seq.s32 s5, $0x0;
	s5 =	sld [smem:$0x3FA5]  }
0x2b: {  	s6 =	sld [smem:$0x3FA6]  }
0x2c: {  	s7 =	sld [smem:$0x3FA7]  }
0x2d: {  	s3 =	simm.s32 $0x108;
	s8 =	sld [smem:$0x3FA8]  }
0x2e: {  	s3 =	simm.s32 @!p0 $0x1082;
	s9 =	sld [smem:$0x3FA9]  }
0x2f: {  	lr =	sadd.s32 s0, s3;
	s0 =	sld [smem:$0x3FA0]  }
0x30: {  	s3 =	sld [smem:$0x3FA3]  }
0x31: {  	[smem:$0x3FAC] =	sst s10  }
0x32: {  	s10 =	sld [smem:$0x3FAA];
	_ =	sdelay $0x3  }
0x33: {  	p0 =	seq.s32 s10, $0x1;
	s10 =	sld [smem:$0x3FAC];
	_ =	sdelay $0x3  }
0x34: {  	[smem:$0x3FAC] =	sst s10  }
0x35: {  	s10 =	sld [smem:$0x3FAB];
	_ =	sdelay $0x3  }
0x36: {  	p1 =	seq.s32 s10, $0x1;
	s10 =	sld [smem:$0x3FAC];
	_ =	sdelay $0x3  }
0x37: {  	[smem:$0x3FAC] =	sst s10  }
0x38: {  	s10 =	sld [smem:$0x3FAD]  }
0x39: {  	_ = 	snop;
	(pc) =	sbr.ind lr, $3  }
0x3a: {  	_ = 	snop  }
0x3b: {  	_ = 	snop  }
0x3c: {  	p2 =	seq.s32 s10, $0x1;
	s10 =	sld [smem:$0x3FAC]  }
0x3d: {  	_ =	shalt  }
0x3e: {  	_ =	shalt  }
0x3f: {  	_ =	shalt  }
0x40: {  	_ =	shalt  }
0x41: {  	_ =	shalt  }
0x42: {  	_ =	shalt  }
0x43: {  	_ =	shalt  }
0x44: {  	_ =	shalt  }
0x45: {  	_ =	shalt  }
0x46: {  	_ =	shalt  }
0x47: {  	_ =	shalt  }
0x48: {  	_ =	shalt  }
0x49: {  	_ =	shalt  }
0x4a: {  	_ =	shalt  }
0x4b: {  	_ =	shalt  }
0x4c: {  	_ =	shalt  }
0x4d: {  	_ =	shalt  }
0x4e: {  	_ =	shalt  }
0x4f: {  	_ =	shalt  }
0x50: {  	_ =	shalt  }
0x51: {  	_ =	shalt  }
0x52: {  	_ =	shalt  }
0x53: {  	_ =	shalt  }
0x54: {  	_ =	shalt  }
0x55: {  	_ =	shalt  }
0x56: {  	_ =	shalt  }
0x57: {  	_ =	shalt  }
0x58: {  	_ =	shalt  }
0x59: {  	_ =	shalt  }
0x5a: {  	_ =	shalt  }
0x5b: {  	_ =	shalt  }
0x5c: {  	_ =	shalt  }
0x5d: {  	_ =	shalt  }
0x5e: {  	_ =	shalt  }
0x5f: {  	_ =	shalt  }
0x60: {  	_ =	shalt  }
0x61: {  	_ =	shalt  }
0x62: {  	_ =	shalt  }
0x63: {  	_ =	shalt  }
0x64: {  	_ =	shalt  }
0x65: {  	_ =	shalt  }
0x66: {  	_ =	shalt  }
0x67: {  	_ =	shalt  }
0x68: {  	_ =	shalt  }
0x69: {  	_ =	shalt  }
0x6a: {  	_ =	shalt  }
0x6b: {  	_ =	shalt  }
0x6c: {  	_ =	shalt  }
0x6d: {  	_ =	shalt  }
0x6e: {  	_ =	shalt  }
0x6f: {  	_ =	shalt  }
0x70: {  	_ =	shalt  }
0x71: {  	_ =	shalt  }
0x72: {  	_ =	shalt  }
0x73: {  	_ =	shalt  }
0x74: {  	_ =	shalt  }
0x75: {  	_ =	shalt  }
0x76: {  	_ =	shalt  }
0x77: {  	_ =	shalt  }
0x78: {  	_ =	shalt  }
0x79: {  	_ =	shalt  }
0x7a: {  	_ =	shalt  }
0x7b: {  	_ =	shalt  }
0x7c: {  	_ =	shalt  }
0x7d: {  	_ =	shalt  }
0x7e: {  	_ =	shalt  }
0x7f: {  	_ =	shalt  }
0x80: {  	_ =	shalt  }
0x81: {  	_ =	shalt  }
0x82: {  	_ =	shalt  }
0x83: {  	_ =	shalt  }
0x84: {  	_ =	shalt  }
0x85: {  	_ =	shalt  }
0x86: {  	_ =	shalt  }
0x87: {  	_ =	shalt  }
.Lfunc_end0:
.L_simem_size_0:
called_computation.1_lowered:
.L_overlay_start_0:
0x88: {  	s2 =	sld [smem:$0x3FD9]  }
0x89: {  	s3 =	sld [smem:$0x3FFE];
	_ =	sdelay $0x1  }
0x8a: {  	s1 =	srdreg.scid  }
0x8b: {  	s0 =	sand.u32 $0x1, s1  }
0x8c: {  	s16 =	sshll.u32 s0, $0xA;
	s2 =	sadd.s32 s3, s2  }
0x8d: {  	s2 =	sadd.s32 s2, s16  }
0x8e: {  	[smem:$0x3FB8] =	sst s2  }
0x8f: {  	_ = 	snop  }
0x90: {  	(tm) =	ssettm $0x1  }
0x91: {  	s17 =	sld [smem:$0x3FFB];
	_ =	sdelay $0x3  }
0x92: {  	_ =	strace s17  }
0x93: {  	s2 =	sld [smem:$0x3FFC];
	_ =	sdelay $0x3  }
0x94: {  	_ =	strace s2  }
0x95: {  	s2 =	sld [smem:$0x3FFD];
	_ =	sdelay $0x3  }
0x96: {  	_ =	strace s2  }
0x97: {  	_ =	strace $0x8FFFFFFF  }
0x98: {  	s18 =	sld [smem:$0x3FDB];
	_ =	sdelay $0x1  }
0x99: {  	s19 =	simm.s32 $_scs_section_size  }
0x9a: {  	s4 =	simm.s32 $_size__tile_overlayer_lowered;
	s5 =	simm.s32 $_tile_overlayer_lowered  }
0x9b: {  	s22 =	simm.s32 $0x1BFF;
	s21 =	sshll.u32 s5, $0x1;
	s2 =	sadd.s32 s19, s18  }
0x9c: {  	s6 =	simm.s32 $0x0;
	s20 =	sshll.u32 s4, $0x1;
	s4 =	sadd.s32 s21, s2  }
0x9d: {  	[timem:s6], [sflag:s22] =	dma.local [hbm:s4], s20  }
0x9e: {  	_ =	swait.ge [sflag:s22], s20  }
0x9f: {  	s3 =	ssub.s32 $0x0, s20;
	[sflag:s22] =	ssyncset.done $0x0  }
0xa0: {  	[sflag:s22] =	ssyncadd.s32 s3;
	_ =	sdelay $0x1  }
0xa1: {  	s23 =	simm.s32 $0x1B8B  }
0xa2: {  	_ =	swait.ge [sflag:s23], $0x1  }
0xa3: {  	[sflag:s23] =	ssyncset.done $0x0  }
0xa4: {  	s25 =	simm.s32 $0x1B8E;
	s24 =	sld [smem:$0x3FFE];
	[sflag:s23] =	ssyncadd.s32 $0xFFFFFFFF  }
0xa5: {  	s26 =	simm.s32 $execute0_lowered;
	[smem:$0x3FD2] =	sst s25  }
0xa6: {  	s4 =	sshll.u32 s26, $0x1;
	_ =	strace $0x80000049;
	[dreg:$0x1] =	wrdreg $0xFFFFFFFF  }
0xa7: {  	s28 =	simm.s32 $_size_execute0_lowered;
	s2 =	sadd.s32 s2, s4;
	[dreg:$0x0] =	wrdreg $0x0  }
0xa8: {  	s4 =	sshll.u32 s28, $0x1;
	[dreg:$0x2] =	wrdreg s2  }
0xa9: {  	[dreg:$0x3] =	wrdreg s4  }
0xaa: {  	[dreg:$0x4] =	wrdreg $0xC0  }
0xab: {  	_ =	task [dreg:s6], $0x5FFFF  }
0xac: {  	[dreg:$0x1] =	wrdreg $0xFFFFFFFF  }
0xad: {  	[dreg:$0x0] =	wrdreg $0x60  }
0xae: {  	[dreg:$0x2] =	wrdreg s24  }
0xaf: {  	[dreg:$0x3] =	wrdreg $0x147400  }
0xb0: {  	[dreg:$0x4] =	wrdreg $0x9  }
0xb1: {  	_ =	task.clear_ibuf [dreg:s6], $0x5FFFF;
	_ =	strace $0x90000049  }
0xb2: {  	s29 =	simm.s32 $0x9;
	_ =	strace $0x8000004B  }
0xb3: {  	_ =	swait.ge [sflag:s29], $0x1  }
0xb4: {  	[sflag:s29] =	ssyncadd.s32 $0xFFFFFFFF  }
0xb5: {  	_ =	strace $0x9000004B  }
0xb6: {  	_ =	sfence  }
0xb7: {  	s30 =	sld [smem:$0x0];
	_ =	sdelay $0x2  }
0xb8: {  	s31 =	sshll.u32 s1, $0xD;
	s1 =	sshrl.u32 s1, $0x2  }
0xb9: {  	s3 =	sand.u32 $0x4000, s31;
	s1 =	sadd.s32 s1, s30  }
0xba: {  	s0 =	sor.u32 s3, s0;
	s1 =	sshll.u32 s1, $0x11  }
0xbb: {  	s0 =	sor.u32 s1, s0  }
0xbc: {  	s0 =	sadd.s32 $0x8F2B, s0  }
0xbd: {  	[sflag:s0] =	ssyncadd.remote.s32 $0x1  }
0xbe: {  	_ =	sfence.sel $0xFFFF  }
0xbf: {  	[dreg:$0x0] =	wrdreg $0xFFFFFFFF;
	(pc) =	sbr.abs _section_cstart, $3  }
0xc0: {  	[dreg:$0x1] =	wrdreg $0xFFFFFFFF  }
0xc1: {  	_ =	task.clear_ibuf [dreg:s6], $0x2FFFF;
	_ =	strace $0x9FFFFFFF  }
0xc2: {  	(tm) =	ssettm $0x7FFFFFFF  }
0xc3: {  	_ =	shalt  }
tec
execute0_lowered:
.L_overlay_start_1:
0x0: {  	(tag) =	ssettag $0x1  }
0x1: {  	s0 =	srdreg.scid  }
0x2: {  	s8 =	stileid.u32;
	s1 =	rddreg [dreg:$0x0]  }
0x3: {  	s2 =	rddreg [dreg:$0x1];
	s3 =	simm.s32 $0x0;
	s14 =	simm.s32 $0x9F40  }
0x4: {  	s15 =	simm.s32 $0x7;
	s16 =	simm.s32 $0x5080;
	s17 =	simm.s32 $0xE0  }
0x5: {  	s18 =	simm.s32 $0xD740;
	s19 =	simm.s32 $0x1;
	s21 =	simm.s32 $0x10F40  }
0x6: {  	s22 =	simm.s32 $0x2;
	s23 =	simm.s32 $0x4;
	s5 =	smul.u32 $0x4EC0, s8  }
0x7: {  	s24 =	simm.s32 $0x3;
	s30 =	simm.s32 $0x9E60;
	s25 =	smul.u32 $0x14000, s8  }
0x8: {  	s31 =	simm.s32 $0x4FA0;
	s0 =	sand.u32 $0x1, s0;
	s8 =	smul.u32 $0x28000, s8  }
0x9: {  	[smem:$0x7FF] =	sst s3;
	s4 =	smul.u32 $0x4EDC0, s0;
	s7 =	sshll.u32 s0, $0x6  }
0xa: {  	_ =	strace $0x8000004A;
	s0 =	ssub.s32 $0x2, s0;
	s26 =	sor.u32 s7, s25  }
0xb: {  	s28 =	sshrl.u32 s0, $0x1;
	s29 =	sshrl.u32 s8, $0x2;
	s25 =	simm.s32 $0x5  }
0xc: {  	s4 =	sadd.s32 s5, s4;
	s5 =	sshrl.u32 s5, $0x3;
	s0 =	ssub.s32 s0, s28  }
0xd: {  	s6 =	sshrl.u32 s4, $0x3;
	s4 =	sadd.s32 $0x2E600, s1;
	s11 =	sadd.s32 s5, s1  }
0xe: {  	s5 =	sshrl.u32 s26, $0x3;
	s13 =	smax.u32 s0, $0x1;
	s26 =	simm.s32 $0x6  }
0xf: {  	s10 =	sadd.s32 s6, s1;
	s1 =	sadd.s32 s5, s1;
	s5 =	sadd.s32 s29, s2  }
0x10: {  	s0 =	simm.s32 $0x8;
	s11 =	sadd.s32 $0x6400, s11;
	s6 =	sadd.s32 $0x2000, s5  }
0x11: {  	s7 =	sadd.s32 $0x4000, s5;
	s8 =	sadd.s32 $0x6000, s5;
	s9 =	sadd.s32 $0x8000, s5  }
0x12: {  	v0 =	vimm.f32 $0.0e+00;
	s10 =	sadd.s32 $0x1AA00, s10;
	s12 =	sadd.s32 $0x55800, s1;
	s1 =	simm.s32 $0x10  }
.LBB2_1:
0x13: {  	s28 =	simm.s32 $0x100;
	s20 =	simm.s32 $0x0  }
.LBB2_2:
0x14: {  	p0 =	sne.s32 s28, $0x7F00;
	[tilespmem:s20+$0x9F70] =	vst v0;
	s29 =	smov.u32 s28;
	s28 =	sadd.s32 $0x100, s28  }
.Ltmp0:
0x15: {  	[tilespmem:s20+$0x9F60] =	vst v0;
	(pc) =	sbr.rel @p0 .LBB2_2-.Ltmp0, $3  }
0x16: {  	[tilespmem:s20+$0x9F40] =	vst v0  }
0x17: {  	[tilespmem:s20+$0x9F50] =	vst v0;
	_ =	sdelay $0x1  }
0x18: {  	s20 =	sshra.s32 s29, $0x2  }
0x19: {  	[tilespmem:s20+$0x9F70] =	vst v0  }
0x1a: {  	[tilespmem:s20+$0x9F60] =	vst v0  }
0x1b: {  	[tilespmem:s20+$0x9F40] =	vst v0  }
0x1c: {  	[tilespmem:s20+$0x9F50] =	vst v0  }
0x1d: {  	[spmem:s5] =	stream.linear.scatter [tilespmem:s14], [sflag:$0x7], $0x2000, $0x38;
	[tilespmem:$0x1E740] =	vst v63  }
0x1e: {  	_ =	swait.ge [sflag:s15], $0x2000  }
0x1f: {  	[sflag:s15] =	ssyncset.done $0x0  }
0x20: {  	[sflag:s15] =	ssyncadd.s32 $0xFFFFE000  }
0x21: {  	[spmem:s6] =	stream.linear.scatter [tilespmem:s14], [sflag:$0x7], $0x2000, $0x38;
	[tilespmem:$0x1E740] =	vst v63  }
0x22: {  	_ =	swait.ge [sflag:s15], $0x2000  }
0x23: {  	[sflag:s15] =	ssyncset.done $0x0  }
0x24: {  	[sflag:s15] =	ssyncadd.s32 $0xFFFFE000  }
0x25: {  	[spmem:s7] =	stream.linear.scatter [tilespmem:s14], [sflag:$0x7], $0x2000, $0x38;
	[tilespmem:$0x1E740] =	vst v63  }
0x26: {  	_ =	swait.ge [sflag:s15], $0x2000  }
0x27: {  	[sflag:s15] =	ssyncset.done $0x0  }
0x28: {  	[sflag:s15] =	ssyncadd.s32 $0xFFFFE000  }
0x29: {  	[spmem:s8] =	stream.linear.scatter [tilespmem:s14], [sflag:$0x7], $0x2000, $0x38;
	[tilespmem:$0x1E740] =	vst v63  }
0x2a: {  	_ =	swait.ge [sflag:s15], $0x2000  }
0x2b: {  	[sflag:s15] =	ssyncset.done $0x0  }
0x2c: {  	[sflag:s15] =	ssyncadd.s32 $0xFFFFE000  }
0x2d: {  	[spmem:s9] =	stream.linear.scatter [tilespmem:s14], [sflag:$0x7], $0x2000, $0x38;
	[tilespmem:$0x1E740] =	vst v63  }
0x2e: {  	_ =	swait.ge [sflag:s15], $0x2000  }
0x2f: {  	[sflag:s15] =	ssyncset.done $0x0  }
0x30: {  	s29 =	simm.s32 $0x0;
	[sflag:s15] =	ssyncadd.s32 $0xFFFFE000  }
0x31: {  	[tilespmem:s29], [sflag:$0x7] =	stream.linear.gather [hbm4b:s10+s29], $0x5080, $0x38;
	[tilespmem:$0x1E740] =	vst v63  }
0x32: {  	_ =	swait.ge [sflag:s15], $0x5080  }
0x33: {  	[sflag:s15] =	ssyncset.done $0x0  }
0x34: {  	[sflag:s15] =	ssyncadd.s32 $0xFFFFAF80  }
0x35: {  	[tilespmem:s16], [sflag:$0x7] =	stream.linear.gather [hbm4b:s11+s29], $0x4EC0, $0x38;
	[tilespmem:$0x1E740] =	vst v63  }
0x36: {  	_ =	swait.ge [sflag:s15], $0x4EC0  }
0x37: {  	[sflag:s15] =	ssyncset.done $0x0  }
0x38: {  	[sflag:s15] =	ssyncadd.s32 $0xFFFFB140  }
0x39: {  	[tilespmem:s14], [sflag:$0x1] =	stream.indirect.gather [hbm4b:s4+s17], $0x40, s29, s17, $0xb8;
	[tilespmem:$0x1E740] =	vst v63  }
0x3a: {  	_ = 	snop  }
0x3b: {  	[tilespmem:s18], [sflag:$0x2] =	stream.indirect.gather [hbm4b:s4+s17], $0x40, s17, s17, $0xb8;
	[tilespmem:$0x1E740] =	vst v63  }
0x3c: {  	[bflag:$0x0] =	sbarrier.arrive $0xFFFF  }
0x3d: {  	_ =	swait.ge [sflag:s19], $0x3800  }
0x3e: {  	[sflag:s19] =	ssyncset.done $0x0  }
0x3f: {  	[sflag:s19] =	ssyncadd.s32 $0xFFFFC800  }
0x40: {  	[spmem:s2] =	stream.indirect.scatter.add.f32 [tilespmem:s14], [sflag:$0x4], $0x40, s16, s17, $0xb8;
	[tilespmem:$0x1E740] =	vst v63  }
0x41: {  	s29 =	simm.s32 $0x1C0  }
0x42: {  	[tilespmem:s21], [sflag:$0x3] =	stream.indirect.gather [hbm4b:s4+s17], $0x40, s29, s17, $0xb8;
	[tilespmem:$0x1E740] =	vst v63  }
0x43: {  	_ =	swait.ge [sflag:s22], $0x3800  }
0x44: {  	[sflag:s22] =	ssyncset.done $0x0  }
0x45: {  	s29 =	simm.s32 $0x5160;
	[sflag:s22] =	ssyncadd.s32 $0xFFFFC800  }
0x46: {  	[spmem:s2] =	stream.indirect.scatter.add.f32 [tilespmem:s18], [sflag:$0x5], $0x40, s29, s17, $0xb8;
	[tilespmem:$0x1E740] =	vst v63  }
0x47: {  	_ =	swait.ge [sflag:s23], $0x3800  }
0x48: {  	[sflag:s23] =	ssyncset.done $0x0  }
0x49: {  	s29 =	simm.s32 $0x2A0;
	[sflag:s23] =	ssyncadd.s32 $0xFFFFC800  }
0x4a: {  	[tilespmem:s14], [sflag:$0x1] =	stream.indirect.gather [hbm4b:s4+s17], $0x40, s29, s17, $0xb8;
	[tilespmem:$0x1E740] =	vst v63  }
0x4b: {  	_ =	swait.ge [sflag:s24], $0x3800  }
0x4c: {  	[sflag:s24] =	ssyncset.done $0x0  }
0x4d: {  	s29 =	simm.s32 $0x5240;
	[sflag:s24] =	ssyncadd.s32 $0xFFFFC800  }
0x4e: {  	[spmem:s2] =	stream.indirect.scatter.add.f32 [tilespmem:s21], [sflag:$0x6], $0x40, s29, s17, $0xb8;
	[tilespmem:$0x1E740] =	vst v63  }
0x4f: {  	_ =	swait.ge [sflag:s25], $0x3800  }
0x50: {  	[sflag:s25] =	ssyncset.done $0x0  }
0x51: {  	s29 =	simm.s32 $0x380;
	[sflag:s25] =	ssyncadd.s32 $0xFFFFC800  }
0x52: {  	[tilespmem:s18], [sflag:$0x2] =	stream.indirect.gather [hbm4b:s4+s17], $0x40, s29, s17, $0xb8;
	[tilespmem:$0x1E740] =	vst v63  }
0x53: {  	_ =	swait.ge [sflag:s19], $0x3800  }
0x54: {  	[sflag:s19] =	ssyncset.done $0x0  }
0x55: {  	s29 =	simm.s32 $0x5320;
	[sflag:s19] =	ssyncadd.s32 $0xFFFFC800  }
0x56: {  	[spmem:s2] =	stream.indirect.scatter.add.f32 [tilespmem:s14], [sflag:$0x4], $0x40, s29, s17, $0xb8;
	[tilespmem:$0x1E740] =	vst v63  }
0x57: {  	_ =	swait.ge [sflag:s26], $0x3800  }
0x58: {  	[sflag:s26] =	ssyncset.done $0x0  }
0x59: {  	s20 =	simm.s32 $0xA80;
	s28 =	simm.s32 $0x460;
	[sflag:s26] =	ssyncadd.s32 $0xFFFFC800  }
.LBB2_4:
0x5a: {  	[tilespmem:s21], [sflag:$0x3] =	stream.indirect.gather [hbm4b:s4+s17], $0x40, s28, s17, $0xb8;
	[tilespmem:$0x1E740] =	vst v63  }
0x5b: {  	s28 =	smov.u32 s20  }
0x5c: {  	p0 =	sne.s32 s20, $0x12600;
	s20 =	sadd.s32 $0xA80, s20;
	_ =	swait.ge [sflag:s22], $0x3800  }
0x5d: {  	s28 =	sshra.s32 s28, $0x2;
	[sflag:s22] =	ssyncset.done $0x0  }
0x5e: {  	s29 =	sadd.s32 $0x5160, s28;
	[sflag:s22] =	ssyncadd.s32 $0xFFFFC800  }
0x5f: {  	[spmem:s2] =	stream.indirect.scatter.add.f32 [tilespmem:s18], [sflag:$0x5], $0x40, s29, s17, $0xb8;
	[tilespmem:$0x1E740] =	vst v63  }
0x60: {  	_ =	swait.ge [sflag:s23], $0x3800  }
0x61: {  	[sflag:s23] =	ssyncset.done $0x0  }
0x62: {  	s29 =	sadd.s32 $0x2A0, s28;
	[sflag:s23] =	ssyncadd.s32 $0xFFFFC800  }
0x63: {  	[tilespmem:s14], [sflag:$0x1] =	stream.indirect.gather [hbm4b:s4+s17], $0x40, s29, s17, $0xb8;
	[tilespmem:$0x1E740] =	vst v63  }
0x64: {  	_ =	swait.ge [sflag:s24], $0x3800  }
0x65: {  	[sflag:s24] =	ssyncset.done $0x0  }
0x66: {  	s29 =	sadd.s32 $0x5240, s28;
	[sflag:s24] =	ssyncadd.s32 $0xFFFFC800  }
0x67: {  	[spmem:s2] =	stream.indirect.scatter.add.f32 [tilespmem:s21], [sflag:$0x6], $0x40, s29, s17, $0xb8;
	[tilespmem:$0x1E740] =	vst v63  }
0x68: {  	_ =	swait.ge [sflag:s25], $0x3800  }
0x69: {  	[sflag:s25] =	ssyncset.done $0x0  }
0x6a: {  	s29 =	sadd.s32 $0x380, s28;
	[sflag:s25] =	ssyncadd.s32 $0xFFFFC800  }
0x6b: {  	[tilespmem:s18], [sflag:$0x2] =	stream.indirect.gather [hbm4b:s4+s17], $0x40, s29, s17, $0xb8;
	[tilespmem:$0x1E740] =	vst v63  }
0x6c: {  	_ =	swait.ge [sflag:s19], $0x3800  }
0x6d: {  	[sflag:s19] =	ssyncset.done $0x0  }
.Ltmp1:
0x6e: {  	s29 =	sadd.s32 $0x5320, s28;
	[sflag:s19] =	ssyncadd.s32 $0xFFFFC800;
	(pc) =	sbr.rel @p0 .LBB2_4-.Ltmp1, $4  }
0x6f: {  	[spmem:s2] =	stream.indirect.scatter.add.f32 [tilespmem:s14], [sflag:$0x4], $0x40, s29, s17, $0xb8;
	[tilespmem:$0x1E740] =	vst v63  }
0x70: {  	_ =	swait.ge [sflag:s26], $0x3800  }
0x71: {  	[sflag:s26] =	ssyncset.done $0x0  }
0x72: {  	s28 =	sadd.s32 $0x460, s28;
	[sflag:s26] =	ssyncadd.s32 $0xFFFFC800  }
0x73: {  	[tilespmem:s21], [sflag:$0x3] =	stream.indirect.gather [hbm4b:s4+s17], $0x40, s28, s17, $0xb8;
	[tilespmem:$0x1E740] =	vst v63  }
0x74: {  	_ =	swait.ge [sflag:s22], $0x3800  }
0x75: {  	[sflag:s22] =	ssyncset.done $0x0  }
0x76: {  	s20 =	simm.s32 $0x9D80;
	[sflag:s22] =	ssyncadd.s32 $0xFFFFC800  }
0x77: {  	[spmem:s2] =	stream.indirect.scatter.add.f32 [tilespmem:s18], [sflag:$0x5], $0x40, s20, s17, $0xb8;
	[tilespmem:$0x1E740] =	vst v63  }
0x78: {  	_ =	swait.ge [sflag:s23], $0x3800  }
0x79: {  	[sflag:s23] =	ssyncset.done $0x0  }
0x7a: {  	s29 =	simm.s32 $0x4EC0;
	[sflag:s23] =	ssyncadd.s32 $0xFFFFC800  }
0x7b: {  	[tilespmem:s14], [sflag:$0x1] =	stream.indirect.gather [hbm4b:s4+s17], $0x40, s29, s17, $0xb8;
	[tilespmem:$0x1E740] =	vst v63  }
0x7c: {  	_ =	swait.ge [sflag:s24], $0x3800  }
0x7d: {  	[sflag:s24] =	ssyncset.done $0x0  }
0x7e: {  	[sflag:s24] =	ssyncadd.s32 $0xFFFFC800  }
0x7f: {  	[spmem:s2] =	stream.indirect.scatter.add.f32 [tilespmem:s21], [sflag:$0x6], $0x40, s30, s17, $0xb8;
	[tilespmem:$0x1E740] =	vst v63  }
0x80: {  	_ =	swait.ge [sflag:s25], $0x3800  }
0x81: {  	[sflag:s25] =	ssyncset.done $0x0  }
0x82: {  	[sflag:s25] =	ssyncadd.s32 $0xFFFFC800  }
0x83: {  	[tilespmem:s18], [sflag:$0x2] =	stream.indirect.gather [hbm4b:s4+s17], $0x40, s31, s17, $0xb8;
	[tilespmem:$0x1E740] =	vst v63  }
0x84: {  	_ =	swait.ge [sflag:s26], $0x3800  }
0x85: {  	[sflag:s26] =	ssyncset.done $0x0  }
0x86: {  	[sflag:s26] =	ssyncadd.s32 $0xFFFFC800  }
0x87: {  	_ =	swait.ge [sflag:s19], $0x3800  }
0x88: {  	[sflag:s19] =	ssyncset.done $0x0  }
0x89: {  	[sflag:s19] =	ssyncadd.s32 $0xFFFFC800  }
0x8a: {  	s28 =	stileid.u32;
	_ =	swait.ge [sflag:s22], $0x3800  }
0x8b: {  	s3 =	sadd.s32 $0x1, s3;
	s20 =	sshll.u32 s28, $0x6;
	[sflag:s22] =	ssyncset.done $0x0  }
0x8c: {  	p0 =	sne.s32 s3, s13;
	s20 =	sor.u32 $0x1C07, s20;
	[sflag:s22] =	ssyncadd.s32 $0xFFFFC800  }
.Ltmp2:
0x8d: {  	s29 =	sshrl.u32 s5, $0x3;
	[bflag:$0x0] =	sbarrier.arrive $0xFFFF;
	(pc) =	sbr.rel @p0 .LBB2_1-.Ltmp2, $4  }
0x8e: {  	[hbm:s12@s1], [sflag:s20] =	dma.strided [spmem:s29@s0], $0x1400, s19, $0x8   }
0x8f: {  	_ =	swait.ge [sflag:s15], $0x1400  }
0x90: {  	[sflag:s15] =	ssyncset.done $0x0  }
0x91: {  	[sflag:s15] =	ssyncadd.s32 $0xFFFFEC00  }
0x92: {  	_ =	sfence.sel $0x180000  }
0x93: {  	[bflag:$0x0] =	sbarrier.arrive $0xFFFF  }
0x94: {  	_ =	strace $0x9000004A  }
0x95: {  	s0 =	stileid.u32;
	[bflag:$0x2] =	sbarrier.arrive $0xFFFF  }
0x96: {  	p0 =	sne.s32 s0, $0x0;
	s0 =	rddreg [dreg:$0x2]  }
0x97: {  	s0 =	sadd.s32 @!p0 $0x100000, s0  }
0x98: {  	[sflag:s0] =	ssyncadd.tile.s32 @!p0 $0x1;
	_ =	shalt  }
.Lfunc_end2:
_tile_overlayer_lowered:
.L_overlay_start_2:
0x99: {  	(tag) =	ssettag $0x2  }
0x9a: {  	s0 =	rddreg [dreg:$0x0];
	s2 =	stileid.u32  }
0x9b: {  	s1 =	rddreg [dreg:$0x1];
	p0 =	sne.s32 s2, $0x0  }
0x9c: {  	s3 =	rddreg [dreg:$0x2];
	[bflag:$0x3] =	sbarrier.arrive $0xFFFF;
	s2 =	simm.s32 @!p0 $0x1C07  }
0x9d: {  	[timem:s3], [sflag:s2] =	dma.local @!p0 [hbm:s0], s1  }
0x9e: {  	s0 =	simm.s32 @!p0 $0x7  }
0x9f: {  	_ =	swait.ge @!p0 [sflag:s0], s1  }
0xa0: {  	s1 =	ssub.s32 @!p0 $0x0, s1;
	[sflag:s0] =	ssyncset.done @!p0 $0x0  }
0xa1: {  	[sflag:s0] =	ssyncadd.s32 @!p0 s1  }
0xa2: {  	[bflag:$0x3] =	sbarrier.arrive $0xFFFF  }
0xa3: {  	_ =	shalt  }

// kernel: kernel.18.cloned.1.call-start
scs
__scs_entry_jumppad:
0x0: {  	(pc) =	sbr.rel $0x88, $3  }
0x1: {  	(tag) =	ssettag $0x0;
	lr =	simm.s32 $0x1  }
0x2: {  	[smem:$0x3F91] =	sst lr;
	_ =	strace $0xD0000000  }
0x3: {  	_ = 	snop  }
0x4: {  	_ = 	snop  }
0x5: {  	_ = 	snop  }
0x6: {  	_ = 	snop  }
0x7: {  	_ = 	snop  }
__scs_overlays_trampoline_lowered:
0x8: {  	[smem:$0x3FA0] =	sst s0  }
0x9: {  	[smem:$0x3FA1] =	sst s1  }
0xa: {  	[smem:$0x3FA2] =	sst s2  }
0xb: {  	[smem:$0x3FA3] =	sst s3  }
0xc: {  	[smem:$0x3FA4] =	sst s4  }
0xd: {  	[smem:$0x3FA5] =	sst s5  }
0xe: {  	[smem:$0x3FA6] =	sst s6  }
0xf: {  	[smem:$0x3FA7] =	sst s7  }
0x10: {  	[smem:$0x3FA8] =	sst s8  }
0x11: {  	[smem:$0x3FA9] =	sst s9;
	s0 =	simm.s32 @!p0 $0x0  }
0x12: {  	s1 =	sld [smem:$0x3F8F];
	s0 =	simm.s32 @p0 $0x1  }
0x13: {  	[smem:$0x3FAA] =	sst s0;
	s0 =	simm.s32 @!p1 $0x0  }
0x14: {  	s2 =	sld [smem:$0x3F8E];
	s0 =	simm.s32 @p1 $0x1  }
0x15: {  	[smem:$0x3FAB] =	sst s0;
	s0 =	simm.s32 @!p2 $0x0  }
0x16: {  	s3 =	sld [smem:$0x3FDB];
	s0 =	simm.s32 @p2 $0x1  }
0x17: {  	s4 =	simm.s32 $0x1BF5;
	[smem:$0x3FAD] =	sst s0  }
0x18: {  	s0 =	sld [smem:$0x3F90];
	_ =	swait.ge [sflag:s4], $0x0  }
0x19: {  	s7 =	sld [smem:$0x3F91]  }
0x1a: {  	s8 =	sadd.s32 $0xFFFFE003, lr  }
0x1b: {  	s9 =	sadd.s32 $0xFFFFFEF7, lr;
	s5 =	simm.s32 $0xFFFFFFFF;
	p2 =	slt.u32 s8, $0xFFFFF086  }
0x1c: {  	p1 =	slt.u32 s9, $0xF7A;
	s5 =	simm.s32 @!p2 $0x0  }
0x1d: {  	s5 =	simm.s32 @p1 $0x1;
	p0 =	seq.s32 s7, s2  }
0x1e: {  	s7 =	smul.u32 @!p0 $0xF7A, s2;
	p2 =	seq.s32 @!p0 s5, $0x0  }
0x1f: {  	s9 =	smul.u32 $0xF7A, s1;
	s8 =	simm.s32 @!p0 $0x1BF5;
	p2 =	por !p2, p0  }
0x20: {  	[sflag:s8] =	ssyncset.s32 @!p0 $0xFFFFF086;
	s6 =	sadd.s32 @!p0 s3, s7;
	s7 =	simm.s32 @!p0 $0x108  }
0x21: {  	s3 =	sadd.s32 s3, s9;
	s6 =	sadd.s32 @!p0 $0x88, s6;
	s7 =	simm.s32 @p2 $0x1082  }
0x22: {  	[simem:s7], [sflag:s8] =	dma.local @!p0 [hbm:s6], $0xF7A  }
0x23: {  	s9 =	sor.u32 $0xD0000000, s2;
	s6 =	simm.s32 $0x108;
	_ =	swait.ge @!p0 [sflag:s8], $0x0  }
0x24: {  	s3 =	sadd.s32 $0x88, s3;
	s6 =	simm.s32 @!p1 $0x1082;
	[sflag:s4] =	ssyncset.s32 $0xFFFFF086  }
0x25: {  	[simem:s6], [sflag:s4] =	dma.local [hbm:s3], $0xF7A  }
0x26: {  	[smem:$0x3F91] =	sst s1;
	(tag) =	ssettag s2;
	_ =	strace s9  }
0x27: {  	s1 =	sld [smem:$0x3FA1]  }
0x28: {  	s2 =	sld [smem:$0x3FA2]  }
0x29: {  	s4 =	sld [smem:$0x3FA4]  }
0x2a: {  	p0 =	seq.s32 s5, $0x0;
	s5 =	sld [smem:$0x3FA5]  }
0x2b: {  	s6 =	sld [smem:$0x3FA6]  }
0x2c: {  	s7 =	sld [smem:$0x3FA7]  }
0x2d: {  	s3 =	simm.s32 $0x108;
	s8 =	sld [smem:$0x3FA8]  }
0x2e: {  	s3 =	simm.s32 @!p0 $0x1082;
	s9 =	sld [smem:$0x3FA9]  }
0x2f: {  	lr =	sadd.s32 s0, s3;
	s0 =	sld [smem:$0x3FA0]  }
0x30: {  	s3 =	sld [smem:$0x3FA3]  }
0x31: {  	[smem:$0x3FAC] =	sst s10  }
0x32: {  	s10 =	sld [smem:$0x3FAA];
	_ =	sdelay $0x3  }
0x33: {  	p0 =	seq.s32 s10, $0x1;
	s10 =	sld [smem:$0x3FAC];
	_ =	sdelay $0x3  }
0x34: {  	[smem:$0x3FAC] =	sst s10  }
0x35: {  	s10 =	sld [smem:$0x3FAB];
	_ =	sdelay $0x3  }
0x36: {  	p1 =	seq.s32 s10, $0x1;
	s10 =	sld [smem:$0x3FAC];
	_ =	sdelay $0x3  }
0x37: {  	[smem:$0x3FAC] =	sst s10  }
0x38: {  	s10 =	sld [smem:$0x3FAD]  }
0x39: {  	_ = 	snop;
	(pc) =	sbr.ind lr, $3  }
0x3a: {  	_ = 	snop  }
0x3b: {  	_ = 	snop  }
0x3c: {  	p2 =	seq.s32 s10, $0x1;
	s10 =	sld [smem:$0x3FAC]  }
0x3d: {  	_ =	shalt  }
0x3e: {  	_ =	shalt  }
0x3f: {  	_ =	shalt  }
0x40: {  	_ =	shalt  }
0x41: {  	_ =	shalt  }
0x42: {  	_ =	shalt  }
0x43: {  	_ =	shalt  }
0x44: {  	_ =	shalt  }
0x45: {  	_ =	shalt  }
0x46: {  	_ =	shalt  }
0x47: {  	_ =	shalt  }
0x48: {  	_ =	shalt  }
0x49: {  	_ =	shalt  }
0x4a: {  	_ =	shalt  }
0x4b: {  	_ =	shalt  }
0x4c: {  	_ =	shalt  }
0x4d: {  	_ =	shalt  }
0x4e: {  	_ =	shalt  }
0x4f: {  	_ =	shalt  }
0x50: {  	_ =	shalt  }
0x51: {  	_ =	shalt  }
0x52: {  	_ =	shalt  }
0x53: {  	_ =	shalt  }
0x54: {  	_ =	shalt  }
0x55: {  	_ =	shalt  }
0x56: {  	_ =	shalt  }
0x57: {  	_ =	shalt  }
0x58: {  	_ =	shalt  }
0x59: {  	_ =	shalt  }
0x5a: {  	_ =	shalt  }
0x5b: {  	_ =	shalt  }
0x5c: {  	_ =	shalt  }
0x5d: {  	_ =	shalt  }
0x5e: {  	_ =	shalt  }
0x5f: {  	_ =	shalt  }
0x60: {  	_ =	shalt  }
0x61: {  	_ =	shalt  }
0x62: {  	_ =	shalt  }
0x63: {  	_ =	shalt  }
0x64: {  	_ =	shalt  }
0x65: {  	_ =	shalt  }
0x66: {  	_ =	shalt  }
0x67: {  	_ =	shalt  }
0x68: {  	_ =	shalt  }
0x69: {  	_ =	shalt  }
0x6a: {  	_ =	shalt  }
0x6b: {  	_ =	shalt  }
0x6c: {  	_ =	shalt  }
0x6d: {  	_ =	shalt  }
0x6e: {  	_ =	shalt  }
0x6f: {  	_ =	shalt  }
0x70: {  	_ =	shalt  }
0x71: {  	_ =	shalt  }
0x72: {  	_ =	shalt  }
0x73: {  	_ =	shalt  }
0x74: {  	_ =	shalt  }
0x75: {  	_ =	shalt  }
0x76: {  	_ =	shalt  }
0x77: {  	_ =	shalt  }
0x78: {  	_ =	shalt  }
0x79: {  	_ =	shalt  }
0x7a: {  	_ =	shalt  }
0x7b: {  	_ =	shalt  }
0x7c: {  	_ =	shalt  }
0x7d: {  	_ =	shalt  }
0x7e: {  	_ =	shalt  }
0x7f: {  	_ =	shalt  }
0x80: {  	_ =	shalt  }
0x81: {  	_ =	shalt  }
0x82: {  	_ =	shalt  }
0x83: {  	_ =	shalt  }
0x84: {  	_ =	shalt  }
0x85: {  	_ =	shalt  }
0x86: {  	_ =	shalt  }
0x87: {  	_ =	shalt  }
.Lfunc_end0:
.L_simem_size_0:
called_computation.2_lowered:
.L_overlay_start_0:
0x88: {  	s2 =	sld [smem:$0x3FD9]  }
0x89: {  	s3 =	sld [smem:$0x3FFE];
	_ =	sdelay $0x1  }
0x8a: {  	s1 =	srdreg.scid  }
0x8b: {  	s0 =	sand.u32 $0x1, s1  }
0x8c: {  	s16 =	sshll.u32 s0, $0xA;
	s2 =	sadd.s32 s3, s2  }
0x8d: {  	s2 =	sadd.s32 s2, s16  }
0x8e: {  	[smem:$0x3FB8] =	sst s2  }
0x8f: {  	_ = 	snop  }
0x90: {  	(tm) =	ssettm $0x1  }
0x91: {  	s17 =	sld [smem:$0x3FFB];
	_ =	sdelay $0x3  }
0x92: {  	_ =	strace s17  }
0x93: {  	s2 =	sld [smem:$0x3FFC];
	_ =	sdelay $0x3  }
0x94: {  	_ =	strace s2  }
0x95: {  	s2 =	sld [smem:$0x3FFD];
	_ =	sdelay $0x3  }
0x96: {  	_ =	strace s2  }
0x97: {  	_ =	strace $0x8FFFFFFF  }
0x98: {  	s18 =	sld [smem:$0x3FDB];
	_ =	sdelay $0x1  }
0x99: {  	s19 =	simm.s32 $_scs_section_size  }
0x9a: {  	s4 =	simm.s32 $_size__tile_overlayer_lowered;
	s5 =	simm.s32 $_tile_overlayer_lowered  }
0x9b: {  	s22 =	simm.s32 $0x1BFF;
	s21 =	sshll.u32 s5, $0x1;
	s2 =	sadd.s32 s19, s18  }
0x9c: {  	s6 =	simm.s32 $0x0;
	s20 =	sshll.u32 s4, $0x1;
	s4 =	sadd.s32 s21, s2  }
0x9d: {  	[timem:s6], [sflag:s22] =	dma.local [hbm:s4], s20  }
0x9e: {  	_ =	swait.ge [sflag:s22], s20  }
0x9f: {  	s3 =	ssub.s32 $0x0, s20;
	[sflag:s22] =	ssyncset.done $0x0  }
0xa0: {  	[sflag:s22] =	ssyncadd.s32 s3;
	_ =	sdelay $0x1  }
0xa1: {  	s23 =	simm.s32 $0x1B8B  }
0xa2: {  	_ =	swait.ge [sflag:s23], $0x1  }
0xa3: {  	[sflag:s23] =	ssyncset.done $0x0  }
0xa4: {  	s25 =	simm.s32 $0x1B8E;
	s24 =	sld [smem:$0x3FFE];
	[sflag:s23] =	ssyncadd.s32 $0xFFFFFFFF  }
0xa5: {  	s26 =	simm.s32 $execute0_lowered;
	[smem:$0x3FD2] =	sst s25  }
0xa6: {  	s4 =	sshll.u32 s26, $0x1;
	_ =	strace $0x8000004C;
	[dreg:$0x1] =	wrdreg $0xFFFFFFFF  }
0xa7: {  	s28 =	simm.s32 $_size_execute0_lowered;
	s2 =	sadd.s32 s2, s4;
	[dreg:$0x0] =	wrdreg $0x0  }
0xa8: {  	s4 =	sshll.u32 s28, $0x1;
	[dreg:$0x2] =	wrdreg s2  }
0xa9: {  	[dreg:$0x3] =	wrdreg s4  }
0xaa: {  	[dreg:$0x4] =	wrdreg $0xC0  }
0xab: {  	_ =	task [dreg:s6], $0x5FFFF  }
0xac: {  	[dreg:$0x1] =	wrdreg $0xFFFFFFFF  }
0xad: {  	[dreg:$0x0] =	wrdreg $0x60  }
0xae: {  	[dreg:$0x2] =	wrdreg s24  }
0xaf: {  	[dreg:$0x3] =	wrdreg $0x147400  }
0xb0: {  	[dreg:$0x4] =	wrdreg $0x9  }
0xb1: {  	_ =	task.clear_ibuf [dreg:s6], $0x5FFFF;
	_ =	strace $0x9000004C  }
0xb2: {  	s29 =	simm.s32 $0x9;
	_ =	strace $0x8000004E  }
0xb3: {  	_ =	swait.ge [sflag:s29], $0x1  }
0xb4: {  	[sflag:s29] =	ssyncadd.s32 $0xFFFFFFFF  }
0xb5: {  	_ =	strace $0x9000004E  }
0xb6: {  	_ =	sfence  }
0xb7: {  	s30 =	sld [smem:$0x0];
	_ =	sdelay $0x2  }
0xb8: {  	s31 =	sshll.u32 s1, $0xD;
	s1 =	sshrl.u32 s1, $0x2  }
0xb9: {  	s3 =	sand.u32 $0x4000, s31;
	s1 =	sadd.s32 s1, s30  }
0xba: {  	s0 =	sor.u32 s3, s0;
	s1 =	sshll.u32 s1, $0x11  }
0xbb: {  	s0 =	sor.u32 s1, s0  }
0xbc: {  	s0 =	sadd.s32 $0x8F2B, s0  }
0xbd: {  	[sflag:s0] =	ssyncadd.remote.s32 $0x1  }
0xbe: {  	_ =	sfence.sel $0xFFFF  }
0xbf: {  	[dreg:$0x0] =	wrdreg $0xFFFFFFFF;
	(pc) =	sbr.abs _section_cstart, $3  }
0xc0: {  	[dreg:$0x1] =	wrdreg $0xFFFFFFFF  }
0xc1: {  	_ =	task.clear_ibuf [dreg:s6], $0x2FFFF;
	_ =	strace $0x9FFFFFFF  }
0xc2: {  	(tm) =	ssettm $0x7FFFFFFF  }
0xc3: {  	_ =	shalt  }
tec
execute0_lowered:
.L_overlay_start_1:
0x0: {  	(tag) =	ssettag $0x1  }
0x1: {  	s0 =	srdreg.scid  }
0x2: {  	s8 =	stileid.u32;
	s1 =	rddreg [dreg:$0x0]  }
0x3: {  	s2 =	rddreg [dreg:$0x1];
	s3 =	simm.s32 $0x0;
	s14 =	simm.s32 $0x9F40  }
0x4: {  	s15 =	simm.s32 $0x7;
	s16 =	simm.s32 $0x5080;
	s17 =	simm.s32 $0xE0  }
0x5: {  	s18 =	simm.s32 $0xD740;
	s19 =	simm.s32 $0x1;
	s21 =	simm.s32 $0x10F40  }
0x6: {  	s22 =	simm.s32 $0x2;
	s23 =	simm.s32 $0x4;
	s5 =	smul.u32 $0x4EC0, s8  }
0x7: {  	s24 =	simm.s32 $0x3;
	s30 =	simm.s32 $0x9E60;
	s25 =	smul.u32 $0x14000, s8  }
0x8: {  	s31 =	simm.s32 $0x4FA0;
	s0 =	sand.u32 $0x1, s0;
	s8 =	smul.u32 $0x28000, s8  }
0x9: {  	[smem:$0x7FF] =	sst s3;
	s4 =	smul.u32 $0x4EDC0, s0;
	s7 =	sshll.u32 s0, $0x6  }
0xa: {  	_ =	strace $0x8000004D;
	s0 =	ssub.s32 $0x2, s0;
	s26 =	sor.u32 s7, s25  }
0xb: {  	s28 =	sshrl.u32 s0, $0x1;
	s29 =	sshrl.u32 s8, $0x2;
	s25 =	simm.s32 $0x5  }
0xc: {  	s4 =	sadd.s32 s5, s4;
	s5 =	sshrl.u32 s5, $0x3;
	s0 =	ssub.s32 s0, s28  }
0xd: {  	s6 =	sshrl.u32 s4, $0x3;
	s4 =	sadd.s32 $0x2E600, s1;
	s11 =	sadd.s32 s5, s1  }
0xe: {  	s5 =	sshrl.u32 s26, $0x3;
	s13 =	smax.u32 s0, $0x1;
	s26 =	simm.s32 $0x6  }
0xf: {  	s10 =	sadd.s32 s6, s1;
	s1 =	sadd.s32 s5, s1;
	s5 =	sadd.s32 s29, s2  }
0x10: {  	s0 =	simm.s32 $0x8;
	s11 =	sadd.s32 $0x6400, s11;
	s6 =	sadd.s32 $0x2000, s5  }
0x11: {  	s7 =	sadd.s32 $0x4000, s5;
	s8 =	sadd.s32 $0x6000, s5;
	s9 =	sadd.s32 $0x8000, s5  }
0x12: {  	v0 =	vimm.f32 $0.0e+00;
	s10 =	sadd.s32 $0x1AA00, s10;
	s12 =	sadd.s32 $0x55800, s1;
	s1 =	simm.s32 $0x10  }
.LBB2_1:
0x13: {  	s28 =	simm.s32 $0x100;
	s20 =	simm.s32 $0x0  }
.LBB2_2:
0x14: {  	p0 =	sne.s32 s28, $0x7F00;
	[tilespmem:s20+$0x9F70] =	vst v0;
	s29 =	smov.u32 s28;
	s28 =	sadd.s32 $0x100, s28  }
.Ltmp0:
0x15: {  	[tilespmem:s20+$0x9F60] =	vst v0;
	(pc) =	sbr.rel @p0 .LBB2_2-.Ltmp0, $3  }
0x16: {  	[tilespmem:s20+$0x9F40] =	vst v0  }
0x17: {  	[tilespmem:s20+$0x9F50] =	vst v0;
	_ =	sdelay $0x1  }
0x18: {  	s20 =	sshra.s32 s29, $0x2  }
0x19: {  	[tilespmem:s20+$0x9F70] =	vst v0  }
0x1a: {  	[tilespmem:s20+$0x9F60] =	vst v0  }
0x1b: {  	[tilespmem:s20+$0x9F40] =	vst v0  }
0x1c: {  	[tilespmem:s20+$0x9F50] =	vst v0  }
0x1d: {  	[spmem:s5] =	stream.linear.scatter [tilespmem:s14], [sflag:$0x7], $0x2000, $0x38;
	[tilespmem:$0x1E740] =	vst v63  }
0x1e: {  	_ =	swait.ge [sflag:s15], $0x2000  }
0x1f: {  	[sflag:s15] =	ssyncset.done $0x0  }
0x20: {  	[sflag:s15] =	ssyncadd.s32 $0xFFFFE000  }
0x21: {  	[spmem:s6] =	stream.linear.scatter [tilespmem:s14], [sflag:$0x7], $0x2000, $0x38;
	[tilespmem:$0x1E740] =	vst v63  }
0x22: {  	_ =	swait.ge [sflag:s15], $0x2000  }
0x23: {  	[sflag:s15] =	ssyncset.done $0x0  }
0x24: {  	[sflag:s15] =	ssyncadd.s32 $0xFFFFE000  }
0x25: {  	[spmem:s7] =	stream.linear.scatter [tilespmem:s14], [sflag:$0x7], $0x2000, $0x38;
	[tilespmem:$0x1E740] =	vst v63  }
0x26: {  	_ =	swait.ge [sflag:s15], $0x2000  }
0x27: {  	[sflag:s15] =	ssyncset.done $0x0  }
0x28: {  	[sflag:s15] =	ssyncadd.s32 $0xFFFFE000  }
0x29: {  	[spmem:s8] =	stream.linear.scatter [tilespmem:s14], [sflag:$0x7], $0x2000, $0x38;
	[tilespmem:$0x1E740] =	vst v63  }
0x2a: {  	_ =	swait.ge [sflag:s15], $0x2000  }
0x2b: {  	[sflag:s15] =	ssyncset.done $0x0  }
0x2c: {  	[sflag:s15] =	ssyncadd.s32 $0xFFFFE000  }
0x2d: {  	[spmem:s9] =	stream.linear.scatter [tilespmem:s14], [sflag:$0x7], $0x2000, $0x38;
	[tilespmem:$0x1E740] =	vst v63  }
0x2e: {  	_ =	swait.ge [sflag:s15], $0x2000  }
0x2f: {  	[sflag:s15] =	ssyncset.done $0x0  }
0x30: {  	s29 =	simm.s32 $0x0;
	[sflag:s15] =	ssyncadd.s32 $0xFFFFE000  }
0x31: {  	[tilespmem:s29], [sflag:$0x7] =	stream.linear.gather [hbm4b:s10+s29], $0x5080, $0x38;
	[tilespmem:$0x1E740] =	vst v63  }
0x32: {  	_ =	swait.ge [sflag:s15], $0x5080  }
0x33: {  	[sflag:s15] =	ssyncset.done $0x0  }
0x34: {  	[sflag:s15] =	ssyncadd.s32 $0xFFFFAF80  }
0x35: {  	[tilespmem:s16], [sflag:$0x7] =	stream.linear.gather [hbm4b:s11+s29], $0x4EC0, $0x38;
	[tilespmem:$0x1E740] =	vst v63  }
0x36: {  	_ =	swait.ge [sflag:s15], $0x4EC0  }
0x37: {  	[sflag:s15] =	ssyncset.done $0x0  }
0x38: {  	[sflag:s15] =	ssyncadd.s32 $0xFFFFB140  }
0x39: {  	[tilespmem:s14], [sflag:$0x1] =	stream.indirect.gather [hbm4b:s4+s17], $0x40, s29, s17, $0xb8;
	[tilespmem:$0x1E740] =	vst v63  }
0x3a: {  	_ = 	snop  }
0x3b: {  	[tilespmem:s18], [sflag:$0x2] =	stream.indirect.gather [hbm4b:s4+s17], $0x40, s17, s17, $0xb8;
	[tilespmem:$0x1E740] =	vst v63  }
0x3c: {  	[bflag:$0x0] =	sbarrier.arrive $0xFFFF  }
0x3d: {  	_ =	swait.ge [sflag:s19], $0x3800  }
0x3e: {  	[sflag:s19] =	ssyncset.done $0x0  }
0x3f: {  	[sflag:s19] =	ssyncadd.s32 $0xFFFFC800  }
0x40: {  	[spmem:s2] =	stream.indirect.scatter.add.f32 [tilespmem:s14], [sflag:$0x4], $0x40, s16, s17, $0xb8;
	[tilespmem:$0x1E740] =	vst v63  }
0x41: {  	s29 =	simm.s32 $0x1C0  }
0x42: {  	[tilespmem:s21], [sflag:$0x3] =	stream.indirect.gather [hbm4b:s4+s17], $0x40, s29, s17, $0xb8;
	[tilespmem:$0x1E740] =	vst v63  }
0x43: {  	_ =	swait.ge [sflag:s22], $0x3800  }
0x44: {  	[sflag:s22] =	ssyncset.done $0x0  }
0x45: {  	s29 =	simm.s32 $0x5160;
	[sflag:s22] =	ssyncadd.s32 $0xFFFFC800  }
0x46: {  	[spmem:s2] =	stream.indirect.scatter.add.f32 [tilespmem:s18], [sflag:$0x5], $0x40, s29, s17, $0xb8;
	[tilespmem:$0x1E740] =	vst v63  }
0x47: {  	_ =	swait.ge [sflag:s23], $0x3800  }
0x48: {  	[sflag:s23] =	ssyncset.done $0x0  }
0x49: {  	s29 =	simm.s32 $0x2A0;
	[sflag:s23] =	ssyncadd.s32 $0xFFFFC800  }
0x4a: {  	[tilespmem:s14], [sflag:$0x1] =	stream.indirect.gather [hbm4b:s4+s17], $0x40, s29, s17, $0xb8;
	[tilespmem:$0x1E740] =	vst v63  }
0x4b: {  	_ =	swait.ge [sflag:s24], $0x3800  }
0x4c: {  	[sflag:s24] =	ssyncset.done $0x0  }
0x4d: {  	s29 =	simm.s32 $0x5240;
	[sflag:s24] =	ssyncadd.s32 $0xFFFFC800  }
0x4e: {  	[spmem:s2] =	stream.indirect.scatter.add.f32 [tilespmem:s21], [sflag:$0x6], $0x40, s29, s17, $0xb8;
	[tilespmem:$0x1E740] =	vst v63  }
0x4f: {  	_ =	swait.ge [sflag:s25], $0x3800  }
0x50: {  	[sflag:s25] =	ssyncset.done $0x0  }
0x51: {  	s29 =	simm.s32 $0x380;
	[sflag:s25] =	ssyncadd.s32 $0xFFFFC800  }
0x52: {  	[tilespmem:s18], [sflag:$0x2] =	stream.indirect.gather [hbm4b:s4+s17], $0x40, s29, s17, $0xb8;
	[tilespmem:$0x1E740] =	vst v63  }
0x53: {  	_ =	swait.ge [sflag:s19], $0x3800  }
0x54: {  	[sflag:s19] =	ssyncset.done $0x0  }
0x55: {  	s29 =	simm.s32 $0x5320;
	[sflag:s19] =	ssyncadd.s32 $0xFFFFC800  }
0x56: {  	[spmem:s2] =	stream.indirect.scatter.add.f32 [tilespmem:s14], [sflag:$0x4], $0x40, s29, s17, $0xb8;
	[tilespmem:$0x1E740] =	vst v63  }
0x57: {  	_ =	swait.ge [sflag:s26], $0x3800  }
0x58: {  	[sflag:s26] =	ssyncset.done $0x0  }
0x59: {  	s20 =	simm.s32 $0xA80;
	s28 =	simm.s32 $0x460;
	[sflag:s26] =	ssyncadd.s32 $0xFFFFC800  }
.LBB2_4:
0x5a: {  	[tilespmem:s21], [sflag:$0x3] =	stream.indirect.gather [hbm4b:s4+s17], $0x40, s28, s17, $0xb8;
	[tilespmem:$0x1E740] =	vst v63  }
0x5b: {  	s28 =	smov.u32 s20  }
0x5c: {  	p0 =	sne.s32 s20, $0x12600;
	s20 =	sadd.s32 $0xA80, s20;
	_ =	swait.ge [sflag:s22], $0x3800  }
0x5d: {  	s28 =	sshra.s32 s28, $0x2;
	[sflag:s22] =	ssyncset.done $0x0  }
0x5e: {  	s29 =	sadd.s32 $0x5160, s28;
	[sflag:s22] =	ssyncadd.s32 $0xFFFFC800  }
0x5f: {  	[spmem:s2] =	stream.indirect.scatter.add.f32 [tilespmem:s18], [sflag:$0x5], $0x40, s29, s17, $0xb8;
	[tilespmem:$0x1E740] =	vst v63  }
0x60: {  	_ =	swait.ge [sflag:s23], $0x3800  }
0x61: {  	[sflag:s23] =	ssyncset.done $0x0  }
0x62: {  	s29 =	sadd.s32 $0x2A0, s28;
	[sflag:s23] =	ssyncadd.s32 $0xFFFFC800  }
0x63: {  	[tilespmem:s14], [sflag:$0x1] =	stream.indirect.gather [hbm4b:s4+s17], $0x40, s29, s17, $0xb8;
	[tilespmem:$0x1E740] =	vst v63  }
0x64: {  	_ =	swait.ge [sflag:s24], $0x3800  }
0x65: {  	[sflag:s24] =	ssyncset.done $0x0  }
0x66: {  	s29 =	sadd.s32 $0x5240, s28;
	[sflag:s24] =	ssyncadd.s32 $0xFFFFC800  }
0x67: {  	[spmem:s2] =	stream.indirect.scatter.add.f32 [tilespmem:s21], [sflag:$0x6], $0x40, s29, s17, $0xb8;
	[tilespmem:$0x1E740] =	vst v63  }
0x68: {  	_ =	swait.ge [sflag:s25], $0x3800  }
0x69: {  	[sflag:s25] =	ssyncset.done $0x0  }
0x6a: {  	s29 =	sadd.s32 $0x380, s28;
	[sflag:s25] =	ssyncadd.s32 $0xFFFFC800  }
0x6b: {  	[tilespmem:s18], [sflag:$0x2] =	stream.indirect.gather [hbm4b:s4+s17], $0x40, s29, s17, $0xb8;
	[tilespmem:$0x1E740] =	vst v63  }
0x6c: {  	_ =	swait.ge [sflag:s19], $0x3800  }
0x6d: {  	[sflag:s19] =	ssyncset.done $0x0  }
.Ltmp1:
0x6e: {  	s29 =	sadd.s32 $0x5320, s28;
	[sflag:s19] =	ssyncadd.s32 $0xFFFFC800;
	(pc) =	sbr.rel @p0 .LBB2_4-.Ltmp1, $4  }
0x6f: {  	[spmem:s2] =	stream.indirect.scatter.add.f32 [tilespmem:s14], [sflag:$0x4], $0x40, s29, s17, $0xb8;
	[tilespmem:$0x1E740] =	vst v63  }
0x70: {  	_ =	swait.ge [sflag:s26], $0x3800  }
0x71: {  	[sflag:s26] =	ssyncset.done $0x0  }
0x72: {  	s28 =	sadd.s32 $0x460, s28;
	[sflag:s26] =	ssyncadd.s32 $0xFFFFC800  }
0x73: {  	[tilespmem:s21], [sflag:$0x3] =	stream.indirect.gather [hbm4b:s4+s17], $0x40, s28, s17, $0xb8;
	[tilespmem:$0x1E740] =	vst v63  }
0x74: {  	_ =	swait.ge [sflag:s22], $0x3800  }
0x75: {  	[sflag:s22] =	ssyncset.done $0x0  }
0x76: {  	s20 =	simm.s32 $0x9D80;
	[sflag:s22] =	ssyncadd.s32 $0xFFFFC800  }
0x77: {  	[spmem:s2] =	stream.indirect.scatter.add.f32 [tilespmem:s18], [sflag:$0x5], $0x40, s20, s17, $0xb8;
	[tilespmem:$0x1E740] =	vst v63  }
0x78: {  	_ =	swait.ge [sflag:s23], $0x3800  }
0x79: {  	[sflag:s23] =	ssyncset.done $0x0  }
0x7a: {  	s29 =	simm.s32 $0x4EC0;
	[sflag:s23] =	ssyncadd.s32 $0xFFFFC800  }
0x7b: {  	[tilespmem:s14], [sflag:$0x1] =	stream.indirect.gather [hbm4b:s4+s17], $0x40, s29, s17, $0xb8;
	[tilespmem:$0x1E740] =	vst v63  }
0x7c: {  	_ =	swait.ge [sflag:s24], $0x3800  }
0x7d: {  	[sflag:s24] =	ssyncset.done $0x0  }
0x7e: {  	[sflag:s24] =	ssyncadd.s32 $0xFFFFC800  }
0x7f: {  	[spmem:s2] =	stream.indirect.scatter.add.f32 [tilespmem:s21], [sflag:$0x6], $0x40, s30, s17, $0xb8;
	[tilespmem:$0x1E740] =	vst v63  }
0x80: {  	_ =	swait.ge [sflag:s25], $0x3800  }
0x81: {  	[sflag:s25] =	ssyncset.done $0x0  }
0x82: {  	[sflag:s25] =	ssyncadd.s32 $0xFFFFC800  }
0x83: {  	[tilespmem:s18], [sflag:$0x2] =	stream.indirect.gather [hbm4b:s4+s17], $0x40, s31, s17, $0xb8;
	[tilespmem:$0x1E740] =	vst v63  }
0x84: {  	_ =	swait.ge [sflag:s26], $0x3800  }
0x85: {  	[sflag:s26] =	ssyncset.done $0x0  }
0x86: {  	[sflag:s26] =	ssyncadd.s32 $0xFFFFC800  }
0x87: {  	_ =	swait.ge [sflag:s19], $0x3800  }
0x88: {  	[sflag:s19] =	ssyncset.done $0x0  }
0x89: {  	[sflag:s19] =	ssyncadd.s32 $0xFFFFC800  }
0x8a: {  	s28 =	stileid.u32;
	_ =	swait.ge [sflag:s22], $0x3800  }
0x8b: {  	s3 =	sadd.s32 $0x1, s3;
	s20 =	sshll.u32 s28, $0x6;
	[sflag:s22] =	ssyncset.done $0x0  }
0x8c: {  	p0 =	sne.s32 s3, s13;
	s20 =	sor.u32 $0x1C07, s20;
	[sflag:s22] =	ssyncadd.s32 $0xFFFFC800  }
.Ltmp2:
0x8d: {  	s29 =	sshrl.u32 s5, $0x3;
	[bflag:$0x0] =	sbarrier.arrive $0xFFFF;
	(pc) =	sbr.rel @p0 .LBB2_1-.Ltmp2, $4  }
0x8e: {  	[hbm:s12@s1], [sflag:s20] =	dma.strided [spmem:s29@s0], $0x1400, s19, $0x8   }
0x8f: {  	_ =	swait.ge [sflag:s15], $0x1400  }
0x90: {  	[sflag:s15] =	ssyncset.done $0x0  }
0x91: {  	[sflag:s15] =	ssyncadd.s32 $0xFFFFEC00  }
0x92: {  	_ =	sfence.sel $0x180000  }
0x93: {  	[bflag:$0x0] =	sbarrier.arrive $0xFFFF  }
0x94: {  	_ =	strace $0x9000004D  }
0x95: {  	s0 =	stileid.u32;
	[bflag:$0x2] =	sbarrier.arrive $0xFFFF  }
0x96: {  	p0 =	sne.s32 s0, $0x0;
	s0 =	rddreg [dreg:$0x2]  }
0x97: {  	s0 =	sadd.s32 @!p0 $0x100000, s0  }
0x98: {  	[sflag:s0] =	ssyncadd.tile.s32 @!p0 $0x1;
	_ =	shalt  }
.Lfunc_end2:
_tile_overlayer_lowered:
.L_overlay_start_2:
0x99: {  	(tag) =	ssettag $0x2  }
0x9a: {  	s0 =	rddreg [dreg:$0x0];
	s2 =	stileid.u32  }
0x9b: {  	s1 =	rddreg [dreg:$0x1];
	p0 =	sne.s32 s2, $0x0  }
0x9c: {  	s3 =	rddreg [dreg:$0x2];
	[bflag:$0x3] =	sbarrier.arrive $0xFFFF;
	s2 =	simm.s32 @!p0 $0x1C07  }
0x9d: {  	[timem:s3], [sflag:s2] =	dma.local @!p0 [hbm:s0], s1  }
0x9e: {  	s0 =	simm.s32 @!p0 $0x7  }
0x9f: {  	_ =	swait.ge @!p0 [sflag:s0], s1  }
0xa0: {  	s1 =	ssub.s32 @!p0 $0x0, s1;
	[sflag:s0] =	ssyncset.done @!p0 $0x0  }
0xa1: {  	[sflag:s0] =	ssyncadd.s32 @!p0 s1  }
0xa2: {  	[bflag:$0x3] =	sbarrier.arrive $0xFFFF  }
0xa3: {  	_ =	shalt  }

// kernel: kernel.21.cloned.1.call-start
scs
__scs_entry_jumppad:
0x0: {  	(pc) =	sbr.rel $0x88, $3  }
0x1: {  	(tag) =	ssettag $0x0;
	lr =	simm.s32 $0x1  }
0x2: {  	[smem:$0x3F91] =	sst lr;
	_ =	strace $0xD0000000  }
0x3: {  	_ = 	snop  }
0x4: {  	_ = 	snop  }
0x5: {  	_ = 	snop  }
0x6: {  	_ = 	snop  }
0x7: {  	_ = 	snop  }
__scs_overlays_trampoline_lowered:
0x8: {  	[smem:$0x3FA0] =	sst s0  }
0x9: {  	[smem:$0x3FA1] =	sst s1  }
0xa: {  	[smem:$0x3FA2] =	sst s2  }
0xb: {  	[smem:$0x3FA3] =	sst s3  }
0xc: {  	[smem:$0x3FA4] =	sst s4  }
0xd: {  	[smem:$0x3FA5] =	sst s5  }
0xe: {  	[smem:$0x3FA6] =	sst s6  }
0xf: {  	[smem:$0x3FA7] =	sst s7  }
0x10: {  	[smem:$0x3FA8] =	sst s8  }
0x11: {  	[smem:$0x3FA9] =	sst s9;
	s0 =	simm.s32 @!p0 $0x0  }
0x12: {  	s1 =	sld [smem:$0x3F8F];
	s0 =	simm.s32 @p0 $0x1  }
0x13: {  	[smem:$0x3FAA] =	sst s0;
	s0 =	simm.s32 @!p1 $0x0  }
0x14: {  	s2 =	sld [smem:$0x3F8E];
	s0 =	simm.s32 @p1 $0x1  }
0x15: {  	[smem:$0x3FAB] =	sst s0;
	s0 =	simm.s32 @!p2 $0x0  }
0x16: {  	s3 =	sld [smem:$0x3FDB];
	s0 =	simm.s32 @p2 $0x1  }
0x17: {  	s4 =	simm.s32 $0x1BF5;
	[smem:$0x3FAD] =	sst s0  }
0x18: {  	s0 =	sld [smem:$0x3F90];
	_ =	swait.ge [sflag:s4], $0x0  }
0x19: {  	s7 =	sld [smem:$0x3F91]  }
0x1a: {  	s8 =	sadd.s32 $0xFFFFE003, lr  }
0x1b: {  	s9 =	sadd.s32 $0xFFFFFEF7, lr;
	s5 =	simm.s32 $0xFFFFFFFF;
	p2 =	slt.u32 s8, $0xFFFFF086  }
0x1c: {  	p1 =	slt.u32 s9, $0xF7A;
	s5 =	simm.s32 @!p2 $0x0  }
0x1d: {  	s5 =	simm.s32 @p1 $0x1;
	p0 =	seq.s32 s7, s2  }
0x1e: {  	s7 =	smul.u32 @!p0 $0xF7A, s2;
	p2 =	seq.s32 @!p0 s5, $0x0  }
0x1f: {  	s9 =	smul.u32 $0xF7A, s1;
	s8 =	simm.s32 @!p0 $0x1BF5;
	p2 =	por !p2, p0  }
0x20: {  	[sflag:s8] =	ssyncset.s32 @!p0 $0xFFFFF086;
	s6 =	sadd.s32 @!p0 s3, s7;
	s7 =	simm.s32 @!p0 $0x108  }
0x21: {  	s3 =	sadd.s32 s3, s9;
	s6 =	sadd.s32 @!p0 $0x88, s6;
	s7 =	simm.s32 @p2 $0x1082  }
0x22: {  	[simem:s7], [sflag:s8] =	dma.local @!p0 [hbm:s6], $0xF7A  }
0x23: {  	s9 =	sor.u32 $0xD0000000, s2;
	s6 =	simm.s32 $0x108;
	_ =	swait.ge @!p0 [sflag:s8], $0x0  }
0x24: {  	s3 =	sadd.s32 $0x88, s3;
	s6 =	simm.s32 @!p1 $0x1082;
	[sflag:s4] =	ssyncset.s32 $0xFFFFF086  }
0x25: {  	[simem:s6], [sflag:s4] =	dma.local [hbm:s3], $0xF7A  }
0x26: {  	[smem:$0x3F91] =	sst s1;
	(tag) =	ssettag s2;
	_ =	strace s9  }
0x27: {  	s1 =	sld [smem:$0x3FA1]  }
0x28: {  	s2 =	sld [smem:$0x3FA2]  }
0x29: {  	s4 =	sld [smem:$0x3FA4]  }
0x2a: {  	p0 =	seq.s32 s5, $0x0;
	s5 =	sld [smem:$0x3FA5]  }
0x2b: {  	s6 =	sld [smem:$0x3FA6]  }
0x2c: {  	s7 =	sld [smem:$0x3FA7]  }
0x2d: {  	s3 =	simm.s32 $0x108;
	s8 =	sld [smem:$0x3FA8]  }
0x2e: {  	s3 =	simm.s32 @!p0 $0x1082;
	s9 =	sld [smem:$0x3FA9]  }
0x2f: {  	lr =	sadd.s32 s0, s3;
	s0 =	sld [smem:$0x3FA0]  }
0x30: {  	s3 =	sld [smem:$0x3FA3]  }
0x31: {  	[smem:$0x3FAC] =	sst s10  }
0x32: {  	s10 =	sld [smem:$0x3FAA];
	_ =	sdelay $0x3  }
0x33: {  	p0 =	seq.s32 s10, $0x1;
	s10 =	sld [smem:$0x3FAC];
	_ =	sdelay $0x3  }
0x34: {  	[smem:$0x3FAC] =	sst s10  }
0x35: {  	s10 =	sld [smem:$0x3FAB];
	_ =	sdelay $0x3  }
0x36: {  	p1 =	seq.s32 s10, $0x1;
	s10 =	sld [smem:$0x3FAC];
	_ =	sdelay $0x3  }
0x37: {  	[smem:$0x3FAC] =	sst s10  }
0x38: {  	s10 =	sld [smem:$0x3FAD]  }
0x39: {  	_ = 	snop;
	(pc) =	sbr.ind lr, $3  }
0x3a: {  	_ = 	snop  }
0x3b: {  	_ = 	snop  }
0x3c: {  	p2 =	seq.s32 s10, $0x1;
	s10 =	sld [smem:$0x3FAC]  }
0x3d: {  	_ =	shalt  }
0x3e: {  	_ =	shalt  }
0x3f: {  	_ =	shalt  }
0x40: {  	_ =	shalt  }
0x41: {  	_ =	shalt  }
0x42: {  	_ =	shalt  }
0x43: {  	_ =	shalt  }
0x44: {  	_ =	shalt  }
0x45: {  	_ =	shalt  }
0x46: {  	_ =	shalt  }
0x47: {  	_ =	shalt  }
0x48: {  	_ =	shalt  }
0x49: {  	_ =	shalt  }
0x4a: {  	_ =	shalt  }
0x4b: {  	_ =	shalt  }
0x4c: {  	_ =	shalt  }
0x4d: {  	_ =	shalt  }
0x4e: {  	_ =	shalt  }
0x4f: {  	_ =	shalt  }
0x50: {  	_ =	shalt  }
0x51: {  	_ =	shalt  }
0x52: {  	_ =	shalt  }
0x53: {  	_ =	shalt  }
0x54: {  	_ =	shalt  }
0x55: {  	_ =	shalt  }
0x56: {  	_ =	shalt  }
0x57: {  	_ =	shalt  }
0x58: {  	_ =	shalt  }
0x59: {  	_ =	shalt  }
0x5a: {  	_ =	shalt  }
0x5b: {  	_ =	shalt  }
0x5c: {  	_ =	shalt  }
0x5d: {  	_ =	shalt  }
0x5e: {  	_ =	shalt  }
0x5f: {  	_ =	shalt  }
0x60: {  	_ =	shalt  }
0x61: {  	_ =	shalt  }
0x62: {  	_ =	shalt  }
0x63: {  	_ =	shalt  }
0x64: {  	_ =	shalt  }
0x65: {  	_ =	shalt  }
0x66: {  	_ =	shalt  }
0x67: {  	_ =	shalt  }
0x68: {  	_ =	shalt  }
0x69: {  	_ =	shalt  }
0x6a: {  	_ =	shalt  }
0x6b: {  	_ =	shalt  }
0x6c: {  	_ =	shalt  }
0x6d: {  	_ =	shalt  }
0x6e: {  	_ =	shalt  }
0x6f: {  	_ =	shalt  }
0x70: {  	_ =	shalt  }
0x71: {  	_ =	shalt  }
0x72: {  	_ =	shalt  }
0x73: {  	_ =	shalt  }
0x74: {  	_ =	shalt  }
0x75: {  	_ =	shalt  }
0x76: {  	_ =	shalt  }
0x77: {  	_ =	shalt  }
0x78: {  	_ =	shalt  }
0x79: {  	_ =	shalt  }
0x7a: {  	_ =	shalt  }
0x7b: {  	_ =	shalt  }
0x7c: {  	_ =	shalt  }
0x7d: {  	_ =	shalt  }
0x7e: {  	_ =	shalt  }
0x7f: {  	_ =	shalt  }
0x80: {  	_ =	shalt  }
0x81: {  	_ =	shalt  }
0x82: {  	_ =	shalt  }
0x83: {  	_ =	shalt  }
0x84: {  	_ =	shalt  }
0x85: {  	_ =	shalt  }
0x86: {  	_ =	shalt  }
0x87: {  	_ =	shalt  }
.Lfunc_end0:
.L_simem_size_0:
called_computation.3_lowered:
.L_overlay_start_0:
0x88: {  	s2 =	sld [smem:$0x3FD9]  }
0x89: {  	s3 =	sld [smem:$0x3FFE];
	_ =	sdelay $0x1  }
0x8a: {  	s1 =	srdreg.scid  }
0x8b: {  	s0 =	sand.u32 $0x1, s1  }
0x8c: {  	s16 =	sshll.u32 s0, $0xA;
	s2 =	sadd.s32 s3, s2  }
0x8d: {  	s2 =	sadd.s32 s2, s16  }
0x8e: {  	[smem:$0x3FB8] =	sst s2  }
0x8f: {  	_ = 	snop  }
0x90: {  	(tm) =	ssettm $0x1  }
0x91: {  	s17 =	sld [smem:$0x3FFB];
	_ =	sdelay $0x3  }
0x92: {  	_ =	strace s17  }
0x93: {  	s2 =	sld [smem:$0x3FFC];
	_ =	sdelay $0x3  }
0x94: {  	_ =	strace s2  }
0x95: {  	s2 =	sld [smem:$0x3FFD];
	_ =	sdelay $0x3  }
0x96: {  	_ =	strace s2  }
0x97: {  	_ =	strace $0x8FFFFFFF  }
0x98: {  	s18 =	sld [smem:$0x3FDB];
	_ =	sdelay $0x1  }
0x99: {  	s19 =	simm.s32 $_scs_section_size  }
0x9a: {  	s4 =	simm.s32 $_size__tile_overlayer_lowered;
	s5 =	simm.s32 $_tile_overlayer_lowered  }
0x9b: {  	s22 =	simm.s32 $0x1BFF;
	s21 =	sshll.u32 s5, $0x1;
	s2 =	sadd.s32 s19, s18  }
0x9c: {  	s6 =	simm.s32 $0x0;
	s20 =	sshll.u32 s4, $0x1;
	s4 =	sadd.s32 s21, s2  }
0x9d: {  	[timem:s6], [sflag:s22] =	dma.local [hbm:s4], s20  }
0x9e: {  	_ =	swait.ge [sflag:s22], s20  }
0x9f: {  	s3 =	ssub.s32 $0x0, s20;
	[sflag:s22] =	ssyncset.done $0x0  }
0xa0: {  	[sflag:s22] =	ssyncadd.s32 s3;
	_ =	sdelay $0x1  }
0xa1: {  	s23 =	simm.s32 $0x1B8B  }
0xa2: {  	_ =	swait.ge [sflag:s23], $0x1  }
0xa3: {  	[sflag:s23] =	ssyncset.done $0x0  }
0xa4: {  	s25 =	simm.s32 $0x1B8E;
	s24 =	sld [smem:$0x3FFE];
	[sflag:s23] =	ssyncadd.s32 $0xFFFFFFFF  }
0xa5: {  	s26 =	simm.s32 $execute0_lowered;
	[smem:$0x3FD2] =	sst s25  }
0xa6: {  	s4 =	sshll.u32 s26, $0x1;
	_ =	strace $0x8000004F;
	[dreg:$0x1] =	wrdreg $0xFFFFFFFF  }
0xa7: {  	s28 =	simm.s32 $_size_execute0_lowered;
	s2 =	sadd.s32 s2, s4;
	[dreg:$0x0] =	wrdreg $0x0  }
0xa8: {  	s4 =	sshll.u32 s28, $0x1;
	[dreg:$0x2] =	wrdreg s2  }
0xa9: {  	[dreg:$0x3] =	wrdreg s4  }
0xaa: {  	[dreg:$0x4] =	wrdreg $0xC0  }
0xab: {  	_ =	task [dreg:s6], $0x5FFFF  }
0xac: {  	[dreg:$0x1] =	wrdreg $0xFFFFFFFF  }
0xad: {  	[dreg:$0x0] =	wrdreg $0x60  }
0xae: {  	[dreg:$0x2] =	wrdreg s24  }
0xaf: {  	[dreg:$0x3] =	wrdreg $0xF8800  }
0xb0: {  	[dreg:$0x4] =	wrdreg $0x9  }
0xb1: {  	_ =	task.clear_ibuf [dreg:s6], $0x5FFFF;
	_ =	strace $0x9000004F  }
0xb2: {  	s29 =	simm.s32 $0x9;
	_ =	strace $0x80000051  }
0xb3: {  	_ =	swait.ge [sflag:s29], $0x1  }
0xb4: {  	[sflag:s29] =	ssyncadd.s32 $0xFFFFFFFF  }
0xb5: {  	_ =	strace $0x90000051  }
0xb6: {  	_ =	sfence  }
0xb7: {  	s30 =	sld [smem:$0x0];
	_ =	sdelay $0x2  }
0xb8: {  	s31 =	sshll.u32 s1, $0xD;
	s1 =	sshrl.u32 s1, $0x2  }
0xb9: {  	s3 =	sand.u32 $0x4000, s31;
	s1 =	sadd.s32 s1, s30  }
0xba: {  	s0 =	sor.u32 s3, s0;
	s1 =	sshll.u32 s1, $0x11  }
0xbb: {  	s0 =	sor.u32 s1, s0  }
0xbc: {  	s0 =	sadd.s32 $0x8F2B, s0  }
0xbd: {  	[sflag:s0] =	ssyncadd.remote.s32 $0x1  }
0xbe: {  	_ =	sfence.sel $0xFFFF  }
0xbf: {  	[dreg:$0x0] =	wrdreg $0xFFFFFFFF;
	(pc) =	sbr.abs _section_cstart, $3  }
0xc0: {  	[dreg:$0x1] =	wrdreg $0xFFFFFFFF  }
0xc1: {  	_ =	task.clear_ibuf [dreg:s6], $0x2FFFF;
	_ =	strace $0x9FFFFFFF  }
0xc2: {  	(tm) =	ssettm $0x7FFFFFFF  }
0xc3: {  	_ =	shalt  }
tec
execute0_lowered:
.L_overlay_start_1:
0x0: {  	(tag) =	ssettag $0x1  }
0x1: {  	s1 =	rddreg [dreg:$0x0]  }
0x2: {  	s0 =	srdreg.scid;
	s2 =	rddreg [dreg:$0x1]  }
0x3: {  	s8 =	stileid.u32;
	s3 =	simm.s32 $0x0;
	s14 =	simm.s32 $0x5080  }
0x4: {  	s15 =	simm.s32 $0x7;
	s16 =	simm.s32 $0x2920;
	s17 =	simm.s32 $0xE0  }
0x5: {  	s18 =	simm.s32 $0x8880;
	s19 =	simm.s32 $0x1;
	s21 =	simm.s32 $0xC080  }
0x6: {  	s22 =	simm.s32 $0x2;
	s23 =	simm.s32 $0x4;
	s24 =	simm.s32 $0x3  }
0x7: {  	s25 =	simm.s32 $0x5;
	s30 =	simm.s32 $0x4FA0;
	s31 =	simm.s32 $0x2840  }
0x8: {  	s0 =	sand.u32 $0x1, s0;
	[smem:$0x7FF] =	sst s3;
	s6 =	smul.u32 $0x14000, s8  }
0x9: {  	s4 =	sshll.u32 s0, $0x4;
	_ =	strace $0x80000050;
	s7 =	sshll.u32 s0, $0x6  }
0xa: {  	s0 =	ssub.s32 $0x2, s0;
	s4 =	sor.u32 s8, s4;
	s8 =	smul.u32 $0x28000, s8  }
0xb: {  	s26 =	sor.u32 s7, s6;
	s28 =	sshrl.u32 s0, $0x1;
	s5 =	smul.u32 $0x4EC, s4  }
0xc: {  	s4 =	sadd.s32 $0x2E600, s1;
	s0 =	ssub.s32 s0, s28;
	s29 =	sshrl.u32 s8, $0x2  }
0xd: {  	s13 =	smax.u32 s0, $0x1;
	s11 =	sadd.s32 s5, s1;
	s5 =	sshrl.u32 s26, $0x3  }
0xe: {  	s0 =	simm.s32 $0x10;
	s26 =	simm.s32 $0x6;
	s1 =	sadd.s32 s5, s1  }
0xf: {  	s5 =	sadd.s32 s29, s2;
	s10 =	sadd.s32 $0x1AA00, s11;
	s11 =	sadd.s32 $0x6400, s11  }
0x10: {  	s6 =	sadd.s32 $0x2000, s5;
	s7 =	sadd.s32 $0x4000, s5;
	s8 =	sadd.s32 $0x6000, s5  }
0x11: {  	v0 =	vimm.f32 $0.0e+00;
	s9 =	sadd.s32 $0x8000, s5;
	s12 =	sadd.s32 $0x55800, s1;
	s1 =	simm.s32 $0x8  }
.LBB2_1:
0x12: {  	s28 =	simm.s32 $0x100;
	s20 =	simm.s32 $0x0  }
.LBB2_2:
0x13: {  	p0 =	sne.s32 s28, $0x7F00;
	[tilespmem:s20+$0x50B0] =	vst v0;
	s29 =	smov.u32 s28;
	s28 =	sadd.s32 $0x100, s28  }
.Ltmp0:
0x14: {  	[tilespmem:s20+$0x50A0] =	vst v0;
	(pc) =	sbr.rel @p0 .LBB2_2-.Ltmp0, $3  }
0x15: {  	[tilespmem:s20+$0x5080] =	vst v0  }
0x16: {  	[tilespmem:s20+$0x5090] =	vst v0;
	_ =	sdelay $0x1  }
0x17: {  	s20 =	sshra.s32 s29, $0x2  }
0x18: {  	[tilespmem:s20+$0x50B0] =	vst v0  }
0x19: {  	[tilespmem:s20+$0x50A0] =	vst v0  }
0x1a: {  	[tilespmem:s20+$0x5080] =	vst v0  }
0x1b: {  	[tilespmem:s20+$0x5090] =	vst v0  }
0x1c: {  	[spmem:s5] =	stream.linear.scatter [tilespmem:s14], [sflag:$0x7], $0x2000, $0x38;
	[tilespmem:$0x19880] =	vst v63  }
0x1d: {  	_ =	swait.ge [sflag:s15], $0x2000  }
0x1e: {  	[sflag:s15] =	ssyncset.done $0x0  }
0x1f: {  	[sflag:s15] =	ssyncadd.s32 $0xFFFFE000  }
0x20: {  	[spmem:s6] =	stream.linear.scatter [tilespmem:s14], [sflag:$0x7], $0x2000, $0x38;
	[tilespmem:$0x19880] =	vst v63  }
0x21: {  	_ =	swait.ge [sflag:s15], $0x2000  }
0x22: {  	[sflag:s15] =	ssyncset.done $0x0  }
0x23: {  	[sflag:s15] =	ssyncadd.s32 $0xFFFFE000  }
0x24: {  	[spmem:s7] =	stream.linear.scatter [tilespmem:s14], [sflag:$0x7], $0x2000, $0x38;
	[tilespmem:$0x19880] =	vst v63  }
0x25: {  	_ =	swait.ge [sflag:s15], $0x2000  }
0x26: {  	[sflag:s15] =	ssyncset.done $0x0  }
0x27: {  	[sflag:s15] =	ssyncadd.s32 $0xFFFFE000  }
0x28: {  	[spmem:s8] =	stream.linear.scatter [tilespmem:s14], [sflag:$0x7], $0x2000, $0x38;
	[tilespmem:$0x19880] =	vst v63  }
0x29: {  	_ =	swait.ge [sflag:s15], $0x2000  }
0x2a: {  	[sflag:s15] =	ssyncset.done $0x0  }
0x2b: {  	[sflag:s15] =	ssyncadd.s32 $0xFFFFE000  }
0x2c: {  	[spmem:s9] =	stream.linear.scatter [tilespmem:s14], [sflag:$0x7], $0x2000, $0x38;
	[tilespmem:$0x19880] =	vst v63  }
0x2d: {  	_ =	swait.ge [sflag:s15], $0x2000  }
0x2e: {  	[sflag:s15] =	ssyncset.done $0x0  }
0x2f: {  	s29 =	simm.s32 $0x0;
	[sflag:s15] =	ssyncadd.s32 $0xFFFFE000  }
0x30: {  	[tilespmem:s29], [sflag:$0x7] =	stream.linear.gather [hbm4b:s10+s29], $0x2920, $0x38;
	[tilespmem:$0x19880] =	vst v63  }
0x31: {  	_ =	swait.ge [sflag:s15], $0x2920  }
0x32: {  	[sflag:s15] =	ssyncset.done $0x0  }
0x33: {  	[sflag:s15] =	ssyncadd.s32 $0xFFFFD6E0  }
0x34: {  	[tilespmem:s16], [sflag:$0x7] =	stream.linear.gather [hbm4b:s11+s29], $0x2760, $0x38;
	[tilespmem:$0x19880] =	vst v63  }
0x35: {  	_ =	swait.ge [sflag:s15], $0x2760  }
0x36: {  	[sflag:s15] =	ssyncset.done $0x0  }
0x37: {  	[sflag:s15] =	ssyncadd.s32 $0xFFFFD8A0  }
0x38: {  	[tilespmem:s14], [sflag:$0x1] =	stream.indirect.gather [hbm4b:s4+s17], $0x40, s29, s17, $0xb8;
	[tilespmem:$0x19880] =	vst v63  }
0x39: {  	_ = 	snop  }
0x3a: {  	[tilespmem:s18], [sflag:$0x2] =	stream.indirect.gather [hbm4b:s4+s17], $0x40, s17, s17, $0xb8;
	[tilespmem:$0x19880] =	vst v63  }
0x3b: {  	[bflag:$0x0] =	sbarrier.arrive $0xFFFF  }
0x3c: {  	_ =	swait.ge [sflag:s19], $0x3800  }
0x3d: {  	[sflag:s19] =	ssyncset.done $0x0  }
0x3e: {  	[sflag:s19] =	ssyncadd.s32 $0xFFFFC800  }
0x3f: {  	[spmem:s2] =	stream.indirect.scatter.add.f32 [tilespmem:s14], [sflag:$0x4], $0x40, s16, s17, $0xb8;
	[tilespmem:$0x19880] =	vst v63  }
0x40: {  	s29 =	simm.s32 $0x1C0  }
0x41: {  	[tilespmem:s21], [sflag:$0x3] =	stream.indirect.gather [hbm4b:s4+s17], $0x40, s29, s17, $0xb8;
	[tilespmem:$0x19880] =	vst v63  }
0x42: {  	_ =	swait.ge [sflag:s22], $0x3800  }
0x43: {  	[sflag:s22] =	ssyncset.done $0x0  }
0x44: {  	s29 =	simm.s32 $0x2A00;
	[sflag:s22] =	ssyncadd.s32 $0xFFFFC800  }
0x45: {  	[spmem:s2] =	stream.indirect.scatter.add.f32 [tilespmem:s18], [sflag:$0x5], $0x40, s29, s17, $0xb8;
	[tilespmem:$0x19880] =	vst v63  }
0x46: {  	_ =	swait.ge [sflag:s23], $0x3800  }
0x47: {  	[sflag:s23] =	ssyncset.done $0x0  }
0x48: {  	s29 =	simm.s32 $0x2A0;
	[sflag:s23] =	ssyncadd.s32 $0xFFFFC800  }
0x49: {  	[tilespmem:s14], [sflag:$0x1] =	stream.indirect.gather [hbm4b:s4+s17], $0x40, s29, s17, $0xb8;
	[tilespmem:$0x19880] =	vst v63  }
0x4a: {  	_ =	swait.ge [sflag:s24], $0x3800  }
0x4b: {  	[sflag:s24] =	ssyncset.done $0x0  }
0x4c: {  	s29 =	simm.s32 $0x2AE0;
	[sflag:s24] =	ssyncadd.s32 $0xFFFFC800  }
0x4d: {  	[spmem:s2] =	stream.indirect.scatter.add.f32 [tilespmem:s21], [sflag:$0x6], $0x40, s29, s17, $0xb8;
	[tilespmem:$0x19880] =	vst v63  }
0x4e: {  	_ =	swait.ge [sflag:s25], $0x3800  }
0x4f: {  	[sflag:s25] =	ssyncset.done $0x0  }
0x50: {  	s29 =	simm.s32 $0x380;
	[sflag:s25] =	ssyncadd.s32 $0xFFFFC800  }
0x51: {  	[tilespmem:s18], [sflag:$0x2] =	stream.indirect.gather [hbm4b:s4+s17], $0x40, s29, s17, $0xb8;
	[tilespmem:$0x19880] =	vst v63  }
0x52: {  	_ =	swait.ge [sflag:s19], $0x3800  }
0x53: {  	[sflag:s19] =	ssyncset.done $0x0  }
0x54: {  	s29 =	simm.s32 $0x2BC0;
	[sflag:s19] =	ssyncadd.s32 $0xFFFFC800  }
0x55: {  	[spmem:s2] =	stream.indirect.scatter.add.f32 [tilespmem:s14], [sflag:$0x4], $0x40, s29, s17, $0xb8;
	[tilespmem:$0x19880] =	vst v63  }
0x56: {  	_ =	swait.ge [sflag:s26], $0x3800  }
0x57: {  	[sflag:s26] =	ssyncset.done $0x0  }
0x58: {  	s20 =	simm.s32 $0xA80;
	s28 =	simm.s32 $0x460;
	[sflag:s26] =	ssyncadd.s32 $0xFFFFC800  }
.LBB2_4:
0x59: {  	[tilespmem:s21], [sflag:$0x3] =	stream.indirect.gather [hbm4b:s4+s17], $0x40, s28, s17, $0xb8;
	[tilespmem:$0x19880] =	vst v63  }
0x5a: {  	s28 =	smov.u32 s20  }
0x5b: {  	p0 =	sne.s32 s20, $0x8880;
	s20 =	sadd.s32 $0xA80, s20;
	_ =	swait.ge [sflag:s22], $0x3800  }
0x5c: {  	s28 =	sshra.s32 s28, $0x2;
	[sflag:s22] =	ssyncset.done $0x0  }
0x5d: {  	s29 =	sadd.s32 $0x2A00, s28;
	[sflag:s22] =	ssyncadd.s32 $0xFFFFC800  }
0x5e: {  	[spmem:s2] =	stream.indirect.scatter.add.f32 [tilespmem:s18], [sflag:$0x5], $0x40, s29, s17, $0xb8;
	[tilespmem:$0x19880] =	vst v63  }
0x5f: {  	_ =	swait.ge [sflag:s23], $0x3800  }
0x60: {  	[sflag:s23] =	ssyncset.done $0x0  }
0x61: {  	s29 =	sadd.s32 $0x2A0, s28;
	[sflag:s23] =	ssyncadd.s32 $0xFFFFC800  }
0x62: {  	[tilespmem:s14], [sflag:$0x1] =	stream.indirect.gather [hbm4b:s4+s17], $0x40, s29, s17, $0xb8;
	[tilespmem:$0x19880] =	vst v63  }
0x63: {  	_ =	swait.ge [sflag:s24], $0x3800  }
0x64: {  	[sflag:s24] =	ssyncset.done $0x0  }
0x65: {  	s29 =	sadd.s32 $0x2AE0, s28;
	[sflag:s24] =	ssyncadd.s32 $0xFFFFC800  }
0x66: {  	[spmem:s2] =	stream.indirect.scatter.add.f32 [tilespmem:s21], [sflag:$0x6], $0x40, s29, s17, $0xb8;
	[tilespmem:$0x19880] =	vst v63  }
0x67: {  	_ =	swait.ge [sflag:s25], $0x3800  }
0x68: {  	[sflag:s25] =	ssyncset.done $0x0  }
0x69: {  	s29 =	sadd.s32 $0x380, s28;
	[sflag:s25] =	ssyncadd.s32 $0xFFFFC800  }
0x6a: {  	[tilespmem:s18], [sflag:$0x2] =	stream.indirect.gather [hbm4b:s4+s17], $0x40, s29, s17, $0xb8;
	[tilespmem:$0x19880] =	vst v63  }
0x6b: {  	_ =	swait.ge [sflag:s19], $0x3800  }
0x6c: {  	[sflag:s19] =	ssyncset.done $0x0  }
.Ltmp1:
0x6d: {  	s29 =	sadd.s32 $0x2BC0, s28;
	[sflag:s19] =	ssyncadd.s32 $0xFFFFC800;
	(pc) =	sbr.rel @p0 .LBB2_4-.Ltmp1, $4  }
0x6e: {  	[spmem:s2] =	stream.indirect.scatter.add.f32 [tilespmem:s14], [sflag:$0x4], $0x40, s29, s17, $0xb8;
	[tilespmem:$0x19880] =	vst v63  }
0x6f: {  	_ =	swait.ge [sflag:s26], $0x3800  }
0x70: {  	[sflag:s26] =	ssyncset.done $0x0  }
0x71: {  	s28 =	sadd.s32 $0x460, s28;
	[sflag:s26] =	ssyncadd.s32 $0xFFFFC800  }
0x72: {  	[tilespmem:s21], [sflag:$0x3] =	stream.indirect.gather [hbm4b:s4+s17], $0x40, s28, s17, $0xb8;
	[tilespmem:$0x19880] =	vst v63  }
0x73: {  	_ =	swait.ge [sflag:s22], $0x3800  }
0x74: {  	[sflag:s22] =	ssyncset.done $0x0  }
0x75: {  	s20 =	simm.s32 $0x4EC0;
	[sflag:s22] =	ssyncadd.s32 $0xFFFFC800  }
0x76: {  	[spmem:s2] =	stream.indirect.scatter.add.f32 [tilespmem:s18], [sflag:$0x5], $0x40, s20, s17, $0xb8;
	[tilespmem:$0x19880] =	vst v63  }
0x77: {  	_ =	swait.ge [sflag:s23], $0x3800  }
0x78: {  	[sflag:s23] =	ssyncset.done $0x0  }
0x79: {  	s29 =	simm.s32 $0x2760;
	[sflag:s23] =	ssyncadd.s32 $0xFFFFC800  }
0x7a: {  	[tilespmem:s14], [sflag:$0x1] =	stream.indirect.gather [hbm4b:s4+s17], $0x40, s29, s17, $0xb8;
	[tilespmem:$0x19880] =	vst v63  }
0x7b: {  	_ =	swait.ge [sflag:s24], $0x3800  }
0x7c: {  	[sflag:s24] =	ssyncset.done $0x0  }
0x7d: {  	[sflag:s24] =	ssyncadd.s32 $0xFFFFC800  }
0x7e: {  	[spmem:s2] =	stream.indirect.scatter.add.f32 [tilespmem:s21], [sflag:$0x6], $0x40, s30, s17, $0xb8;
	[tilespmem:$0x19880] =	vst v63  }
0x7f: {  	_ =	swait.ge [sflag:s25], $0x3800  }
0x80: {  	[sflag:s25] =	ssyncset.done $0x0  }
0x81: {  	[sflag:s25] =	ssyncadd.s32 $0xFFFFC800  }
0x82: {  	[tilespmem:s18], [sflag:$0x2] =	stream.indirect.gather [hbm4b:s4+s17], $0x40, s31, s17, $0xb8;
	[tilespmem:$0x19880] =	vst v63  }
0x83: {  	_ =	swait.ge [sflag:s26], $0x3800  }
0x84: {  	[sflag:s26] =	ssyncset.done $0x0  }
0x85: {  	[sflag:s26] =	ssyncadd.s32 $0xFFFFC800  }
0x86: {  	_ =	swait.ge [sflag:s19], $0x3800  }
0x87: {  	[sflag:s19] =	ssyncset.done $0x0  }
0x88: {  	[sflag:s19] =	ssyncadd.s32 $0xFFFFC800  }
0x89: {  	s28 =	stileid.u32;
	_ =	swait.ge [sflag:s22], $0x3800  }
0x8a: {  	s3 =	sadd.s32 $0x1, s3;
	s20 =	sshll.u32 s28, $0x6;
	[sflag:s22] =	ssyncset.done $0x0  }
0x8b: {  	p0 =	sne.s32 s3, s13;
	s20 =	sor.u32 $0x1C07, s20;
	[sflag:s22] =	ssyncadd.s32 $0xFFFFC800  }
.Ltmp2:
0x8c: {  	s29 =	sshrl.u32 s5, $0x3;
	[bflag:$0x0] =	sbarrier.arrive $0xFFFF;
	(pc) =	sbr.rel @p0 .LBB2_1-.Ltmp2, $4  }
0x8d: {  	[hbm:s12@s0], [sflag:s20] =	dma.strided [spmem:s29@s1], $0x1400, s19, $0x8   }
0x8e: {  	_ =	swait.ge [sflag:s15], $0x1400  }
0x8f: {  	[sflag:s15] =	ssyncset.done $0x0  }
0x90: {  	[sflag:s15] =	ssyncadd.s32 $0xFFFFEC00  }
0x91: {  	_ =	sfence.sel $0x180000  }
0x92: {  	[bflag:$0x0] =	sbarrier.arrive $0xFFFF  }
0x93: {  	_ =	strace $0x90000050  }
0x94: {  	s0 =	stileid.u32;
	[bflag:$0x2] =	sbarrier.arrive $0xFFFF  }
0x95: {  	p0 =	sne.s32 s0, $0x0;
	s0 =	rddreg [dreg:$0x2]  }
0x96: {  	s0 =	sadd.s32 @!p0 $0x100000, s0  }
0x97: {  	[sflag:s0] =	ssyncadd.tile.s32 @!p0 $0x1;
	_ =	shalt  }
.Lfunc_end2:
_tile_overlayer_lowered:
.L_overlay_start_2:
0x98: {  	(tag) =	ssettag $0x2  }
0x99: {  	s0 =	rddreg [dreg:$0x0];
	s2 =	stileid.u32  }
0x9a: {  	s1 =	rddreg [dreg:$0x1];
	p0 =	sne.s32 s2, $0x0  }
0x9b: {  	s3 =	rddreg [dreg:$0x2];
	[bflag:$0x3] =	sbarrier.arrive $0xFFFF;
	s2 =	simm.s32 @!p0 $0x1C07  }
0x9c: {  	[timem:s3], [sflag:s2] =	dma.local @!p0 [hbm:s0], s1  }
0x9d: {  	s0 =	simm.s32 @!p0 $0x7  }
0x9e: {  	_ =	swait.ge @!p0 [sflag:s0], s1  }
0x9f: {  	s1 =	ssub.s32 @!p0 $0x0, s1;
	[sflag:s0] =	ssyncset.done @!p0 $0x0  }
0xa0: {  	[sflag:s0] =	ssyncadd.s32 @!p0 s1  }
0xa1: {  	[bflag:$0x3] =	sbarrier.arrive $0xFFFF  }
0xa2: {  	_ =	shalt  }

// kernel: kernel.24.cloned.1.call-start
scs
__scs_entry_jumppad:
0x0: {  	(pc) =	sbr.rel $0x88, $3  }
0x1: {  	(tag) =	ssettag $0x0;
	lr =	simm.s32 $0x1  }
0x2: {  	[smem:$0x3F91] =	sst lr;
	_ =	strace $0xD0000000  }
0x3: {  	_ = 	snop  }
0x4: {  	_ = 	snop  }
0x5: {  	_ = 	snop  }
0x6: {  	_ = 	snop  }
0x7: {  	_ = 	snop  }
__scs_overlays_trampoline_lowered:
0x8: {  	[smem:$0x3FA0] =	sst s0  }
0x9: {  	[smem:$0x3FA1] =	sst s1  }
0xa: {  	[smem:$0x3FA2] =	sst s2  }
0xb: {  	[smem:$0x3FA3] =	sst s3  }
0xc: {  	[smem:$0x3FA4] =	sst s4  }
0xd: {  	[smem:$0x3FA5] =	sst s5  }
0xe: {  	[smem:$0x3FA6] =	sst s6  }
0xf: {  	[smem:$0x3FA7] =	sst s7  }
0x10: {  	[smem:$0x3FA8] =	sst s8  }
0x11: {  	[smem:$0x3FA9] =	sst s9;
	s0 =	simm.s32 @!p0 $0x0  }
0x12: {  	s1 =	sld [smem:$0x3F8F];
	s0 =	simm.s32 @p0 $0x1  }
0x13: {  	[smem:$0x3FAA] =	sst s0;
	s0 =	simm.s32 @!p1 $0x0  }
0x14: {  	s2 =	sld [smem:$0x3F8E];
	s0 =	simm.s32 @p1 $0x1  }
0x15: {  	[smem:$0x3FAB] =	sst s0;
	s0 =	simm.s32 @!p2 $0x0  }
0x16: {  	s3 =	sld [smem:$0x3FDB];
	s0 =	simm.s32 @p2 $0x1  }
0x17: {  	s4 =	simm.s32 $0x1BF5;
	[smem:$0x3FAD] =	sst s0  }
0x18: {  	s0 =	sld [smem:$0x3F90];
	_ =	swait.ge [sflag:s4], $0x0  }
0x19: {  	s7 =	sld [smem:$0x3F91]  }
0x1a: {  	s8 =	sadd.s32 $0xFFFFE003, lr  }
0x1b: {  	s9 =	sadd.s32 $0xFFFFFEF7, lr;
	s5 =	simm.s32 $0xFFFFFFFF;
	p2 =	slt.u32 s8, $0xFFFFF086  }
0x1c: {  	p1 =	slt.u32 s9, $0xF7A;
	s5 =	simm.s32 @!p2 $0x0  }
0x1d: {  	s5 =	simm.s32 @p1 $0x1;
	p0 =	seq.s32 s7, s2  }
0x1e: {  	s7 =	smul.u32 @!p0 $0xF7A, s2;
	p2 =	seq.s32 @!p0 s5, $0x0  }
0x1f: {  	s9 =	smul.u32 $0xF7A, s1;
	s8 =	simm.s32 @!p0 $0x1BF5;
	p2 =	por !p2, p0  }
0x20: {  	[sflag:s8] =	ssyncset.s32 @!p0 $0xFFFFF086;
	s6 =	sadd.s32 @!p0 s3, s7;
	s7 =	simm.s32 @!p0 $0x108  }
0x21: {  	s3 =	sadd.s32 s3, s9;
	s6 =	sadd.s32 @!p0 $0x88, s6;
	s7 =	simm.s32 @p2 $0x1082  }
0x22: {  	[simem:s7], [sflag:s8] =	dma.local @!p0 [hbm:s6], $0xF7A  }
0x23: {  	s9 =	sor.u32 $0xD0000000, s2;
	s6 =	simm.s32 $0x108;
	_ =	swait.ge @!p0 [sflag:s8], $0x0  }
0x24: {  	s3 =	sadd.s32 $0x88, s3;
	s6 =	simm.s32 @!p1 $0x1082;
	[sflag:s4] =	ssyncset.s32 $0xFFFFF086  }
0x25: {  	[simem:s6], [sflag:s4] =	dma.local [hbm:s3], $0xF7A  }
0x26: {  	[smem:$0x3F91] =	sst s1;
	(tag) =	ssettag s2;
	_ =	strace s9  }
0x27: {  	s1 =	sld [smem:$0x3FA1]  }
0x28: {  	s2 =	sld [smem:$0x3FA2]  }
0x29: {  	s4 =	sld [smem:$0x3FA4]  }
0x2a: {  	p0 =	seq.s32 s5, $0x0;
	s5 =	sld [smem:$0x3FA5]  }
0x2b: {  	s6 =	sld [smem:$0x3FA6]  }
0x2c: {  	s7 =	sld [smem:$0x3FA7]  }
0x2d: {  	s3 =	simm.s32 $0x108;
	s8 =	sld [smem:$0x3FA8]  }
0x2e: {  	s3 =	simm.s32 @!p0 $0x1082;
	s9 =	sld [smem:$0x3FA9]  }
0x2f: {  	lr =	sadd.s32 s0, s3;
	s0 =	sld [smem:$0x3FA0]  }
0x30: {  	s3 =	sld [smem:$0x3FA3]  }
0x31: {  	[smem:$0x3FAC] =	sst s10  }
0x32: {  	s10 =	sld [smem:$0x3FAA];
	_ =	sdelay $0x3  }
0x33: {  	p0 =	seq.s32 s10, $0x1;
	s10 =	sld [smem:$0x3FAC];
	_ =	sdelay $0x3  }
0x34: {  	[smem:$0x3FAC] =	sst s10  }
0x35: {  	s10 =	sld [smem:$0x3FAB];
	_ =	sdelay $0x3  }
0x36: {  	p1 =	seq.s32 s10, $0x1;
	s10 =	sld [smem:$0x3FAC];
	_ =	sdelay $0x3  }
0x37: {  	[smem:$0x3FAC] =	sst s10  }
0x38: {  	s10 =	sld [smem:$0x3FAD]  }
0x39: {  	_ = 	snop;
	(pc) =	sbr.ind lr, $3  }
0x3a: {  	_ = 	snop  }
0x3b: {  	_ = 	snop  }
0x3c: {  	p2 =	seq.s32 s10, $0x1;
	s10 =	sld [smem:$0x3FAC]  }
0x3d: {  	_ =	shalt  }
0x3e: {  	_ =	shalt  }
0x3f: {  	_ =	shalt  }
0x40: {  	_ =	shalt  }
0x41: {  	_ =	shalt  }
0x42: {  	_ =	shalt  }
0x43: {  	_ =	shalt  }
0x44: {  	_ =	shalt  }
0x45: {  	_ =	shalt  }
0x46: {  	_ =	shalt  }
0x47: {  	_ =	shalt  }
0x48: {  	_ =	shalt  }
0x49: {  	_ =	shalt  }
0x4a: {  	_ =	shalt  }
0x4b: {  	_ =	shalt  }
0x4c: {  	_ =	shalt  }
0x4d: {  	_ =	shalt  }
0x4e: {  	_ =	shalt  }
0x4f: {  	_ =	shalt  }
0x50: {  	_ =	shalt  }
0x51: {  	_ =	shalt  }
0x52: {  	_ =	shalt  }
0x53: {  	_ =	shalt  }
0x54: {  	_ =	shalt  }
0x55: {  	_ =	shalt  }
0x56: {  	_ =	shalt  }
0x57: {  	_ =	shalt  }
0x58: {  	_ =	shalt  }
0x59: {  	_ =	shalt  }
0x5a: {  	_ =	shalt  }
0x5b: {  	_ =	shalt  }
0x5c: {  	_ =	shalt  }
0x5d: {  	_ =	shalt  }
0x5e: {  	_ =	shalt  }
0x5f: {  	_ =	shalt  }
0x60: {  	_ =	shalt  }
0x61: {  	_ =	shalt  }
0x62: {  	_ =	shalt  }
0x63: {  	_ =	shalt  }
0x64: {  	_ =	shalt  }
0x65: {  	_ =	shalt  }
0x66: {  	_ =	shalt  }
0x67: {  	_ =	shalt  }
0x68: {  	_ =	shalt  }
0x69: {  	_ =	shalt  }
0x6a: {  	_ =	shalt  }
0x6b: {  	_ =	shalt  }
0x6c: {  	_ =	shalt  }
0x6d: {  	_ =	shalt  }
0x6e: {  	_ =	shalt  }
0x6f: {  	_ =	shalt  }
0x70: {  	_ =	shalt  }
0x71: {  	_ =	shalt  }
0x72: {  	_ =	shalt  }
0x73: {  	_ =	shalt  }
0x74: {  	_ =	shalt  }
0x75: {  	_ =	shalt  }
0x76: {  	_ =	shalt  }
0x77: {  	_ =	shalt  }
0x78: {  	_ =	shalt  }
0x79: {  	_ =	shalt  }
0x7a: {  	_ =	shalt  }
0x7b: {  	_ =	shalt  }
0x7c: {  	_ =	shalt  }
0x7d: {  	_ =	shalt  }
0x7e: {  	_ =	shalt  }
0x7f: {  	_ =	shalt  }
0x80: {  	_ =	shalt  }
0x81: {  	_ =	shalt  }
0x82: {  	_ =	shalt  }
0x83: {  	_ =	shalt  }
0x84: {  	_ =	shalt  }
0x85: {  	_ =	shalt  }
0x86: {  	_ =	shalt  }
0x87: {  	_ =	shalt  }
.Lfunc_end0:
.L_simem_size_0:
called_computation.4_lowered:
.L_overlay_start_0:
0x88: {  	s2 =	sld [smem:$0x3FD9]  }
0x89: {  	s3 =	sld [smem:$0x3FFE];
	_ =	sdelay $0x1  }
0x8a: {  	s1 =	srdreg.scid  }
0x8b: {  	s0 =	sand.u32 $0x1, s1  }
0x8c: {  	s16 =	sshll.u32 s0, $0xA;
	s2 =	sadd.s32 s3, s2  }
0x8d: {  	s2 =	sadd.s32 s2, s16  }
0x8e: {  	[smem:$0x3FB8] =	sst s2  }
0x8f: {  	_ = 	snop  }
0x90: {  	(tm) =	ssettm $0x1  }
0x91: {  	s17 =	sld [smem:$0x3FFB];
	_ =	sdelay $0x3  }
0x92: {  	_ =	strace s17  }
0x93: {  	s2 =	sld [smem:$0x3FFC];
	_ =	sdelay $0x3  }
0x94: {  	_ =	strace s2  }
0x95: {  	s2 =	sld [smem:$0x3FFD];
	_ =	sdelay $0x3  }
0x96: {  	_ =	strace s2  }
0x97: {  	_ =	strace $0x8FFFFFFF  }
0x98: {  	s18 =	sld [smem:$0x3FDB];
	_ =	sdelay $0x1  }
0x99: {  	s19 =	simm.s32 $_scs_section_size  }
0x9a: {  	s4 =	simm.s32 $_size__tile_overlayer_lowered;
	s5 =	simm.s32 $_tile_overlayer_lowered  }
0x9b: {  	s22 =	simm.s32 $0x1BFF;
	s21 =	sshll.u32 s5, $0x1;
	s2 =	sadd.s32 s19, s18  }
0x9c: {  	s6 =	simm.s32 $0x0;
	s20 =	sshll.u32 s4, $0x1;
	s4 =	sadd.s32 s21, s2  }
0x9d: {  	[timem:s6], [sflag:s22] =	dma.local [hbm:s4], s20  }
0x9e: {  	_ =	swait.ge [sflag:s22], s20  }
0x9f: {  	s3 =	ssub.s32 $0x0, s20;
	[sflag:s22] =	ssyncset.done $0x0  }
0xa0: {  	[sflag:s22] =	ssyncadd.s32 s3;
	_ =	sdelay $0x1  }
0xa1: {  	s23 =	simm.s32 $0x1B8B  }
0xa2: {  	_ =	swait.ge [sflag:s23], $0x1  }
0xa3: {  	[sflag:s23] =	ssyncset.done $0x0  }
0xa4: {  	s25 =	simm.s32 $0x1B8E;
	s24 =	sld [smem:$0x3FFE];
	[sflag:s23] =	ssyncadd.s32 $0xFFFFFFFF  }
0xa5: {  	s26 =	simm.s32 $execute0_lowered;
	[smem:$0x3FD2] =	sst s25  }
0xa6: {  	s4 =	sshll.u32 s26, $0x1;
	_ =	strace $0x80000052;
	[dreg:$0x1] =	wrdreg $0xFFFFFFFF  }
0xa7: {  	s28 =	simm.s32 $_size_execute0_lowered;
	s2 =	sadd.s32 s2, s4;
	[dreg:$0x0] =	wrdreg $0x0  }
0xa8: {  	s4 =	sshll.u32 s28, $0x1;
	[dreg:$0x2] =	wrdreg s2  }
0xa9: {  	[dreg:$0x3] =	wrdreg s4  }
0xaa: {  	[dreg:$0x4] =	wrdreg $0xC0  }
0xab: {  	_ =	task [dreg:s6], $0x5FFFF  }
0xac: {  	[dreg:$0x1] =	wrdreg $0xFFFFFFFF  }
0xad: {  	[dreg:$0x0] =	wrdreg $0x60  }
0xae: {  	[dreg:$0x2] =	wrdreg s24  }
0xaf: {  	[dreg:$0x3] =	wrdreg $0xA4800  }
0xb0: {  	[dreg:$0x4] =	wrdreg $0x9  }
0xb1: {  	_ =	task.clear_ibuf [dreg:s6], $0x5FFFF;
	_ =	strace $0x90000052  }
0xb2: {  	s29 =	simm.s32 $0x9;
	_ =	strace $0x80000054  }
0xb3: {  	_ =	swait.ge [sflag:s29], $0x1  }
0xb4: {  	[sflag:s29] =	ssyncadd.s32 $0xFFFFFFFF  }
0xb5: {  	_ =	strace $0x90000054  }
0xb6: {  	_ =	sfence  }
0xb7: {  	s30 =	sld [smem:$0x0];
	_ =	sdelay $0x2  }
0xb8: {  	s31 =	sshll.u32 s1, $0xD;
	s1 =	sshrl.u32 s1, $0x2  }
0xb9: {  	s3 =	sand.u32 $0x4000, s31;
	s1 =	sadd.s32 s1, s30  }
0xba: {  	s0 =	sor.u32 s3, s0;
	s1 =	sshll.u32 s1, $0x11  }
0xbb: {  	s0 =	sor.u32 s1, s0  }
0xbc: {  	s0 =	sadd.s32 $0x8F2B, s0  }
0xbd: {  	[sflag:s0] =	ssyncadd.remote.s32 $0x1  }
0xbe: {  	_ =	sfence.sel $0xFFFF  }
0xbf: {  	[dreg:$0x0] =	wrdreg $0xFFFFFFFF;
	(pc) =	sbr.abs _section_cstart, $3  }
0xc0: {  	[dreg:$0x1] =	wrdreg $0xFFFFFFFF  }
0xc1: {  	_ =	task.clear_ibuf [dreg:s6], $0x2FFFF;
	_ =	strace $0x9FFFFFFF  }
0xc2: {  	(tm) =	ssettm $0x7FFFFFFF  }
0xc3: {  	_ =	shalt  }
tec
execute0_lowered:
.L_overlay_start_1:
0x0: {  	(tag) =	ssettag $0x1  }
0x1: {  	s0 =	srdreg.scid;
	s1 =	rddreg [dreg:$0x0]  }
0x2: {  	s6 =	stileid.u32;
	s2 =	rddreg [dreg:$0x1];
	s14 =	simm.s32 $0x5080  }
0x3: {  	s15 =	simm.s32 $0x7;
	s16 =	simm.s32 $0x2920;
	s17 =	simm.s32 $0xE0  }
0x4: {  	s18 =	simm.s32 $0x6C80;
	s19 =	simm.s32 $0x1;
	s21 =	simm.s32 $0x8880  }
0x5: {  	s22 =	simm.s32 $0x2;
	s23 =	simm.s32 $0x4;
	s24 =	simm.s32 $0x3  }
0x6: {  	s25 =	simm.s32 $0x5;
	s29 =	simm.s32 $0x2760;
	s0 =	sand.u32 $0x1, s0  }
0x7: {  	s30 =	simm.s32 $0x4FA0;
	s31 =	simm.s32 $0x2840;
	s3 =	sshll.u32 s0, $0x4  }
0x8: {  	s7 =	sshll.u32 s0, $0x6;
	s0 =	ssub.s32 $0x2, s0;
	s4 =	sor.u32 s6, s3  }
0x9: {  	s3 =	simm.s32 $0x0;
	s6 =	smul.u32 $0x14000, s6;
	s28 =	sshrl.u32 s0, $0x1  }
0xa: {  	s5 =	smul.u32 $0x4EC, s4;
	[smem:$0x7FF] =	sst s3;
	s4 =	sadd.s32 $0x1AA00, s1  }
0xb: {  	s0 =	ssub.s32 s0, s28;
	_ =	strace $0x80000053;
	s26 =	sor.u32 s7, s6  }
0xc: {  	s6 =	sshrl.u32 s6, $0x2;
	s11 =	sadd.s32 s5, s1;
	s5 =	sshrl.u32 s26, $0x3  }
0xd: {  	s13 =	smax.u32 s0, $0x1;
	s26 =	simm.s32 $0x6;
	s1 =	sadd.s32 s5, s1  }
0xe: {  	s5 =	sadd.s32 s6, s2;
	s10 =	sadd.s32 $0x10C00, s11;
	s11 =	sadd.s32 $0x6400, s11  }
0xf: {  	s6 =	sadd.s32 $0x1000, s5;
	s7 =	sadd.s32 $0x2000, s5;
	s8 =	sadd.s32 $0x3000, s5  }
0x10: {  	v0 =	vimm.f32 $0.0e+00;
	s9 =	sadd.s32 $0x4000, s5;
	s12 =	sadd.s32 $0x41C00, s1;
	s1 =	simm.s32 $0x10  }
.LBB2_1:
0x11: {  	s0 =	simm.s32 $0x80;
	s20 =	simm.s32 $0x0  }
.LBB2_2:
0x12: {  	p0 =	sne.s32 s0, $0x3F80;
	[tilespmem:s20+$0x5080] =	vst v0;
	s28 =	smov.u32 s0;
	s0 =	sadd.s32 $0x80, s0  }
.Ltmp0:
0x13: {  	[tilespmem:s20+$0x5090] =	vst v0;
	(pc) =	sbr.rel @p0 .LBB2_2-.Ltmp0, $2  }
0x14: {  	_ =	sdelay $0x2  }
0x15: {  	s20 =	sshra.s32 s28, $0x2  }
0x16: {  	[tilespmem:s20+$0x5080] =	vst v0  }
0x17: {  	[tilespmem:s20+$0x5090] =	vst v0  }
0x18: {  	[spmem:s5] =	stream.linear.scatter [tilespmem:s14], [sflag:$0x7], $0x1000, $0x38;
	[tilespmem:$0xF480] =	vst v63  }
0x19: {  	_ =	swait.ge [sflag:s15], $0x1000  }
0x1a: {  	[sflag:s15] =	ssyncset.done $0x0  }
0x1b: {  	[sflag:s15] =	ssyncadd.s32 $0xFFFFF000  }
0x1c: {  	[spmem:s6] =	stream.linear.scatter [tilespmem:s14], [sflag:$0x7], $0x1000, $0x38;
	[tilespmem:$0xF480] =	vst v63  }
0x1d: {  	_ =	swait.ge [sflag:s15], $0x1000  }
0x1e: {  	[sflag:s15] =	ssyncset.done $0x0  }
0x1f: {  	[sflag:s15] =	ssyncadd.s32 $0xFFFFF000  }
0x20: {  	[spmem:s7] =	stream.linear.scatter [tilespmem:s14], [sflag:$0x7], $0x1000, $0x38;
	[tilespmem:$0xF480] =	vst v63  }
0x21: {  	_ =	swait.ge [sflag:s15], $0x1000  }
0x22: {  	[sflag:s15] =	ssyncset.done $0x0  }
0x23: {  	[sflag:s15] =	ssyncadd.s32 $0xFFFFF000  }
0x24: {  	[spmem:s8] =	stream.linear.scatter [tilespmem:s14], [sflag:$0x7], $0x1000, $0x38;
	[tilespmem:$0xF480] =	vst v63  }
0x25: {  	_ =	swait.ge [sflag:s15], $0x1000  }
0x26: {  	[sflag:s15] =	ssyncset.done $0x0  }
0x27: {  	[sflag:s15] =	ssyncadd.s32 $0xFFFFF000  }
0x28: {  	[spmem:s9] =	stream.linear.scatter [tilespmem:s14], [sflag:$0x7], $0x1000, $0x38;
	[tilespmem:$0xF480] =	vst v63  }
0x29: {  	_ =	swait.ge [sflag:s15], $0x1000  }
0x2a: {  	[sflag:s15] =	ssyncset.done $0x0  }
0x2b: {  	s0 =	simm.s32 $0x0;
	[sflag:s15] =	ssyncadd.s32 $0xFFFFF000  }
0x2c: {  	[tilespmem:s0], [sflag:$0x7] =	stream.linear.gather [hbm4b:s10+s0], $0x2920, $0x38;
	[tilespmem:$0xF480] =	vst v63  }
0x2d: {  	_ =	swait.ge [sflag:s15], $0x2920  }
0x2e: {  	[sflag:s15] =	ssyncset.done $0x0  }
0x2f: {  	[sflag:s15] =	ssyncadd.s32 $0xFFFFD6E0  }
0x30: {  	[tilespmem:s16], [sflag:$0x7] =	stream.linear.gather [hbm4b:s11+s0], $0x2760, $0x38;
	[tilespmem:$0xF480] =	vst v63  }
0x31: {  	_ =	swait.ge [sflag:s15], $0x2760  }
0x32: {  	[sflag:s15] =	ssyncset.done $0x0  }
0x33: {  	[sflag:s15] =	ssyncadd.s32 $0xFFFFD8A0  }
0x34: {  	[tilespmem:s14], [sflag:$0x1] =	stream.indirect.gather [hbm4b:s4+s17], $0x20, s0, s17, $0xb8;
	[tilespmem:$0xF480] =	vst v63  }
0x35: {  	_ = 	snop  }
0x36: {  	[tilespmem:s18], [sflag:$0x2] =	stream.indirect.gather [hbm4b:s4+s17], $0x20, s17, s17, $0xb8;
	[tilespmem:$0xF480] =	vst v63  }
0x37: {  	[bflag:$0x0] =	sbarrier.arrive $0xFFFF  }
0x38: {  	_ =	swait.ge [sflag:s19], $0x1C00  }
0x39: {  	[sflag:s19] =	ssyncset.done $0x0  }
0x3a: {  	[sflag:s19] =	ssyncadd.s32 $0xFFFFE400  }
0x3b: {  	[spmem:s2] =	stream.indirect.scatter.add.f32 [tilespmem:s14], [sflag:$0x4], $0x20, s16, s17, $0xb8;
	[tilespmem:$0xF480] =	vst v63  }
0x3c: {  	s20 =	simm.s32 $0x1C0  }
0x3d: {  	[tilespmem:s21], [sflag:$0x3] =	stream.indirect.gather [hbm4b:s4+s17], $0x20, s20, s17, $0xb8;
	[tilespmem:$0xF480] =	vst v63  }
0x3e: {  	_ =	swait.ge [sflag:s22], $0x1C00  }
0x3f: {  	[sflag:s22] =	ssyncset.done $0x0  }
0x40: {  	s28 =	simm.s32 $0x2A00;
	[sflag:s22] =	ssyncadd.s32 $0xFFFFE400  }
0x41: {  	[spmem:s2] =	stream.indirect.scatter.add.f32 [tilespmem:s18], [sflag:$0x5], $0x20, s28, s17, $0xb8;
	[tilespmem:$0xF480] =	vst v63  }
0x42: {  	_ =	swait.ge [sflag:s23], $0x1C00  }
0x43: {  	[sflag:s23] =	ssyncset.done $0x0  }
0x44: {  	s20 =	simm.s32 $0x2A0;
	[sflag:s23] =	ssyncadd.s32 $0xFFFFE400  }
0x45: {  	[tilespmem:s14], [sflag:$0x1] =	stream.indirect.gather [hbm4b:s4+s17], $0x20, s20, s17, $0xb8;
	[tilespmem:$0xF480] =	vst v63  }
0x46: {  	_ =	swait.ge [sflag:s24], $0x1C00  }
0x47: {  	[sflag:s24] =	ssyncset.done $0x0  }
0x48: {  	s28 =	simm.s32 $0x2AE0;
	[sflag:s24] =	ssyncadd.s32 $0xFFFFE400  }
0x49: {  	[spmem:s2] =	stream.indirect.scatter.add.f32 [tilespmem:s21], [sflag:$0x6], $0x20, s28, s17, $0xb8;
	[tilespmem:$0xF480] =	vst v63  }
0x4a: {  	_ =	swait.ge [sflag:s25], $0x1C00  }
0x4b: {  	[sflag:s25] =	ssyncset.done $0x0  }
0x4c: {  	s20 =	simm.s32 $0x380;
	[sflag:s25] =	ssyncadd.s32 $0xFFFFE400  }
0x4d: {  	[tilespmem:s18], [sflag:$0x2] =	stream.indirect.gather [hbm4b:s4+s17], $0x20, s20, s17, $0xb8;
	[tilespmem:$0xF480] =	vst v63  }
0x4e: {  	_ =	swait.ge [sflag:s19], $0x1C00  }
0x4f: {  	[sflag:s19] =	ssyncset.done $0x0  }
0x50: {  	s28 =	simm.s32 $0x2BC0;
	[sflag:s19] =	ssyncadd.s32 $0xFFFFE400  }
0x51: {  	[spmem:s2] =	stream.indirect.scatter.add.f32 [tilespmem:s14], [sflag:$0x4], $0x20, s28, s17, $0xb8;
	[tilespmem:$0xF480] =	vst v63  }
0x52: {  	_ =	swait.ge [sflag:s26], $0x1C00  }
0x53: {  	[sflag:s26] =	ssyncset.done $0x0  }
0x54: {  	s0 =	simm.s32 $0xA80;
	s20 =	simm.s32 $0x460;
	[sflag:s26] =	ssyncadd.s32 $0xFFFFE400  }
.LBB2_4:
0x55: {  	[tilespmem:s21], [sflag:$0x3] =	stream.indirect.gather [hbm4b:s4+s17], $0x20, s20, s17, $0xb8;
	[tilespmem:$0xF480] =	vst v63  }
0x56: {  	s20 =	smov.u32 s0  }
0x57: {  	p0 =	sne.s32 s0, $0x8880;
	s0 =	sadd.s32 $0xA80, s0;
	_ =	swait.ge [sflag:s22], $0x1C00  }
0x58: {  	s20 =	sshra.s32 s20, $0x2;
	[sflag:s22] =	ssyncset.done $0x0  }
0x59: {  	s28 =	sadd.s32 $0x2A00, s20;
	[sflag:s22] =	ssyncadd.s32 $0xFFFFE400  }
0x5a: {  	[spmem:s2] =	stream.indirect.scatter.add.f32 [tilespmem:s18], [sflag:$0x5], $0x20, s28, s17, $0xb8;
	[tilespmem:$0xF480] =	vst v63  }
0x5b: {  	_ =	swait.ge [sflag:s23], $0x1C00  }
0x5c: {  	[sflag:s23] =	ssyncset.done $0x0  }
0x5d: {  	s28 =	sadd.s32 $0x2A0, s20;
	[sflag:s23] =	ssyncadd.s32 $0xFFFFE400  }
0x5e: {  	[tilespmem:s14], [sflag:$0x1] =	stream.indirect.gather [hbm4b:s4+s17], $0x20, s28, s17, $0xb8;
	[tilespmem:$0xF480] =	vst v63  }
0x5f: {  	_ =	swait.ge [sflag:s24], $0x1C00  }
0x60: {  	[sflag:s24] =	ssyncset.done $0x0  }
0x61: {  	s28 =	sadd.s32 $0x2AE0, s20;
	[sflag:s24] =	ssyncadd.s32 $0xFFFFE400  }
0x62: {  	[spmem:s2] =	stream.indirect.scatter.add.f32 [tilespmem:s21], [sflag:$0x6], $0x20, s28, s17, $0xb8;
	[tilespmem:$0xF480] =	vst v63  }
0x63: {  	_ =	swait.ge [sflag:s25], $0x1C00  }
0x64: {  	[sflag:s25] =	ssyncset.done $0x0  }
0x65: {  	s28 =	sadd.s32 $0x380, s20;
	[sflag:s25] =	ssyncadd.s32 $0xFFFFE400  }
0x66: {  	[tilespmem:s18], [sflag:$0x2] =	stream.indirect.gather [hbm4b:s4+s17], $0x20, s28, s17, $0xb8;
	[tilespmem:$0xF480] =	vst v63  }
0x67: {  	_ =	swait.ge [sflag:s19], $0x1C00  }
0x68: {  	[sflag:s19] =	ssyncset.done $0x0  }
.Ltmp1:
0x69: {  	s28 =	sadd.s32 $0x2BC0, s20;
	[sflag:s19] =	ssyncadd.s32 $0xFFFFE400;
	(pc) =	sbr.rel @p0 .LBB2_4-.Ltmp1, $4  }
0x6a: {  	[spmem:s2] =	stream.indirect.scatter.add.f32 [tilespmem:s14], [sflag:$0x4], $0x20, s28, s17, $0xb8;
	[tilespmem:$0xF480] =	vst v63  }
0x6b: {  	_ =	swait.ge [sflag:s26], $0x1C00  }
0x6c: {  	[sflag:s26] =	ssyncset.done $0x0  }
0x6d: {  	s20 =	sadd.s32 $0x460, s20;
	[sflag:s26] =	ssyncadd.s32 $0xFFFFE400  }
0x6e: {  	[tilespmem:s21], [sflag:$0x3] =	stream.indirect.gather [hbm4b:s4+s17], $0x20, s20, s17, $0xb8;
	[tilespmem:$0xF480] =	vst v63  }
0x6f: {  	_ =	swait.ge [sflag:s22], $0x1C00  }
0x70: {  	[sflag:s22] =	ssyncset.done $0x0  }
0x71: {  	s0 =	simm.s32 $0x4EC0;
	[sflag:s22] =	ssyncadd.s32 $0xFFFFE400  }
0x72: {  	[spmem:s2] =	stream.indirect.scatter.add.f32 [tilespmem:s18], [sflag:$0x5], $0x20, s0, s17, $0xb8;
	[tilespmem:$0xF480] =	vst v63  }
0x73: {  	_ =	swait.ge [sflag:s23], $0x1C00  }
0x74: {  	[sflag:s23] =	ssyncset.done $0x0  }
0x75: {  	[sflag:s23] =	ssyncadd.s32 $0xFFFFE400  }
0x76: {  	[tilespmem:s14], [sflag:$0x1] =	stream.indirect.gather [hbm4b:s4+s17], $0x20, s29, s17, $0xb8;
	[tilespmem:$0xF480] =	vst v63  }
0x77: {  	_ =	swait.ge [sflag:s24], $0x1C00  }
0x78: {  	[sflag:s24] =	ssyncset.done $0x0  }
0x79: {  	[sflag:s24] =	ssyncadd.s32 $0xFFFFE400  }
0x7a: {  	[spmem:s2] =	stream.indirect.scatter.add.f32 [tilespmem:s21], [sflag:$0x6], $0x20, s30, s17, $0xb8;
	[tilespmem:$0xF480] =	vst v63  }
0x7b: {  	_ =	swait.ge [sflag:s25], $0x1C00  }
0x7c: {  	[sflag:s25] =	ssyncset.done $0x0  }
0x7d: {  	[sflag:s25] =	ssyncadd.s32 $0xFFFFE400  }
0x7e: {  	[tilespmem:s18], [sflag:$0x2] =	stream.indirect.gather [hbm4b:s4+s17], $0x20, s31, s17, $0xb8;
	[tilespmem:$0xF480] =	vst v63  }
0x7f: {  	_ =	swait.ge [sflag:s26], $0x1C00  }
0x80: {  	[sflag:s26] =	ssyncset.done $0x0  }
0x81: {  	[sflag:s26] =	ssyncadd.s32 $0xFFFFE400  }
0x82: {  	_ =	swait.ge [sflag:s19], $0x1C00  }
0x83: {  	[sflag:s19] =	ssyncset.done $0x0  }
0x84: {  	[sflag:s19] =	ssyncadd.s32 $0xFFFFE400  }
0x85: {  	s20 =	stileid.u32;
	_ =	swait.ge [sflag:s22], $0x1C00  }
0x86: {  	s28 =	sshrl.u32 s5, $0x3;
	s3 =	sadd.s32 $0x1, s3;
	[sflag:s22] =	ssyncset.done $0x0  }
0x87: {  	p0 =	sne.s32 s3, s13;
	s0 =	sshll.u32 s20, $0x6;
	[sflag:s22] =	ssyncadd.s32 $0xFFFFE400  }
.Ltmp2:
0x88: {  	s0 =	sor.u32 $0x1C07, s0;
	[bflag:$0x0] =	sbarrier.arrive $0xFFFF;
	(pc) =	sbr.rel @p0 .LBB2_1-.Ltmp2, $4  }
0x89: {  	[hbm:s12@s1], [sflag:s0] =	dma.strided [spmem:s28@s23], $0xA00, s19, $0x4   }
0x8a: {  	_ =	swait.ge [sflag:s15], $0xA00  }
0x8b: {  	[sflag:s15] =	ssyncset.done $0x0  }
0x8c: {  	[sflag:s15] =	ssyncadd.s32 $0xFFFFF600  }
0x8d: {  	_ =	sfence.sel $0x180000  }
0x8e: {  	[bflag:$0x0] =	sbarrier.arrive $0xFFFF  }
0x8f: {  	_ =	strace $0x90000053  }
0x90: {  	s0 =	stileid.u32;
	[bflag:$0x2] =	sbarrier.arrive $0xFFFF  }
0x91: {  	p0 =	sne.s32 s0, $0x0;
	s0 =	rddreg [dreg:$0x2]  }
0x92: {  	s0 =	sadd.s32 @!p0 $0x100000, s0  }
0x93: {  	[sflag:s0] =	ssyncadd.tile.s32 @!p0 $0x1;
	_ =	shalt  }
.Lfunc_end2:
_tile_overlayer_lowered:
.L_overlay_start_2:
0x94: {  	(tag) =	ssettag $0x2  }
0x95: {  	s0 =	rddreg [dreg:$0x0];
	s2 =	stileid.u32  }
0x96: {  	s1 =	rddreg [dreg:$0x1];
	p0 =	sne.s32 s2, $0x0  }
0x97: {  	s3 =	rddreg [dreg:$0x2];
	[bflag:$0x3] =	sbarrier.arrive $0xFFFF;
	s2 =	simm.s32 @!p0 $0x1C07  }
0x98: {  	[timem:s3], [sflag:s2] =	dma.local @!p0 [hbm:s0], s1  }
0x99: {  	s0 =	simm.s32 @!p0 $0x7  }
0x9a: {  	_ =	swait.ge @!p0 [sflag:s0], s1  }
0x9b: {  	s1 =	ssub.s32 @!p0 $0x0, s1;
	[sflag:s0] =	ssyncset.done @!p0 $0x0  }
0x9c: {  	[sflag:s0] =	ssyncadd.s32 @!p0 s1  }
0x9d: {  	[bflag:$0x3] =	sbarrier.arrive $0xFFFF  }
0x9e: {  	_ =	shalt  }

</sc_bundles>
